<compile_context>
chip_gen: v7x
topology: tpu7x:2x2x1
jax: 0.10.2.dev20260603
libtpu: 0.0.44.dev20260713+nightly
codegen_flags: <defaults>
</compile_context>

<pallas_src>
import functools

import jax
import jax.numpy as jnp
from jax import lax
from jax.experimental import pallas as pl
from jax.experimental.pallas import tpu as pltpu
from jax.experimental.pallas import tpu_sc as plsc

N = 10000
E = 320000
D = 128
H = 128
EH = 64
EPS = 1e-5

NC = 2
NS = 16
CHUNK = 80
EPW = E // (NC * NS)
CPW = EPW // CHUNK
NP = 10240
RPS = NP // NS

_mesh = plsc.VectorSubcoreMesh(core_axis_name="c", subcore_axis_name="s")
_f32 = jnp.float32


def _i32(v):
    return jnp.int32(v)



NPAIR = (CPW + 1) // 2


@functools.partial(
    pl.kernel, mesh=_mesh,
    out_type=jax.ShapeDtypeStruct((NC * NP, D), _f32),
    scratch_types=[pltpu.VMEM((EPW,), jnp.int32),
                   pltpu.VMEM((EPW,), jnp.int32),
                   pltpu.VMEM((CHUNK,), jnp.int32),
                   pltpu.VMEM((CHUNK,), jnp.int32),
                   pltpu.VMEM((CHUNK, D), _f32),
                   pltpu.VMEM((CHUNK, D), _f32),
                   pltpu.VMEM_SHARED((NP, D), _f32)])
def _cnt_kernel(src_hbm, dst_hbm, zeros_hbm, out_hbm,
                sidx_all, didx_all, dc0, dc1, ones_s, ones_d, acc):
    cid = lax.convert_element_type(lax.axis_index("c"), jnp.int32)
    sid = lax.convert_element_type(lax.axis_index("s"), jnp.int32)
    wid = cid * _i32(NS) + sid
    r0 = sid * _i32(RPS)
    e0 = wid * _i32(EPW)
    pltpu.sync_copy(zeros_hbm.at[pl.ds(r0, RPS)], acc.at[pl.ds(r0, RPS)])
    pltpu.sync_copy(src_hbm.at[pl.ds(e0, EPW)], sidx_all)
    pltpu.sync_copy(dst_hbm.at[pl.ds(e0, EPW)], didx_all)

    def _ones(r, fc):
        for j in range(D // 16):
            ones_s[r, pl.ds(j * 16, 16)] = jnp.full((16,), 1.0 if j == 0 else 0.0, _f32)
            ones_d[r, pl.ds(j * 16, 16)] = jnp.full((16,), 1.0 if j == 4 else 0.0, _f32)
        return fc

    lax.fori_loop(_i32(0), _i32(CHUNK), _ones, _i32(0))
    plsc.subcore_barrier()

    def _chunk(i, carry):
        b = i * _i32(CHUNK)
        for k in range(CHUNK // 16):
            dc0[pl.ds(k * 16, 16)] = sidx_all[pl.ds(b + k * 16, 16)]
            dc1[pl.ds(k * 16, 16)] = didx_all[pl.ds(b + k * 16, 16)]
        pltpu.sync_copy(ones_s, acc.at[dc0], add=True)
        pltpu.sync_copy(ones_d, acc.at[dc1], add=True)
        return carry

    lax.fori_loop(_i32(0), _i32(CPW), _chunk, _i32(0))
    plsc.subcore_barrier()
    ro = cid * _i32(NP) + r0
    pltpu.sync_copy(acc.at[pl.ds(r0, RPS)], out_hbm.at[pl.ds(ro, RPS)])


@functools.partial(
    pl.kernel, mesh=_mesh,
    out_type=jax.ShapeDtypeStruct((NC * NP, D), _f32),
    scratch_types=[pltpu.VMEM((EPW,), jnp.int32),
                   pltpu.VMEM((EPW,), jnp.int32),
                   pltpu.VMEM((CHUNK,), jnp.int32),
                   pltpu.VMEM((CHUNK,), jnp.int32),
                   pltpu.VMEM((CHUNK, D), _f32),
                   pltpu.VMEM((CHUNK, D), _f32),
                   pltpu.VMEM_SHARED((NP, D), _f32),
                   pltpu.SemaphoreType.DMA,
                   pltpu.SemaphoreType.DMA])
def _agg_kernel(table_hbm, src_hbm, dst_hbm, zeros_hbm, out_hbm,
                sidx_all, didx_all, dc0, dc1, rows0, rows1, acc, g0, g1):
    cid = lax.convert_element_type(lax.axis_index("c"), jnp.int32)
    sid = lax.convert_element_type(lax.axis_index("s"), jnp.int32)
    wid = cid * _i32(NS) + sid
    r0 = sid * _i32(RPS)
    e0 = wid * _i32(EPW)
    pltpu.sync_copy(zeros_hbm.at[pl.ds(r0, RPS)], acc.at[pl.ds(r0, RPS)])
    pltpu.sync_copy(src_hbm.at[pl.ds(e0, EPW)], sidx_all)
    pltpu.sync_copy(dst_hbm.at[pl.ds(e0, EPW)], didx_all)
    plsc.subcore_barrier()

    def _fill(dref, ch):
        b = ch * _i32(CHUNK)
        for k in range(CHUNK // 16):
            dref[pl.ds(k * 16, 16)] = didx_all[pl.ds(b + k * 16, 16)]

    def _gath(ch, rbuf, sem):
        b = ch * _i32(CHUNK)
        return pltpu.make_async_copy(
            table_hbm.at[sidx_all.at[pl.ds(b, CHUNK)]], rbuf, sem)

    _fill(dc0, _i32(0))
    _gath(_i32(0), rows0, g0).start()

    def _pair(j, carry):
        a = j * _i32(2)
        b = a + _i32(1)

        @pl.when(b < _i32(CPW))
        def _():
            _fill(dc1, b)
            _gath(b, rows1, g1).start()

        _gath(a, rows0, g0).wait()
        pltpu.sync_copy(rows0, acc.at[dc0], add=True)

        @pl.when(b + _i32(1) < _i32(CPW))
        def _():
            _fill(dc0, b + _i32(1))
            _gath(b + _i32(1), rows0, g0).start()

        @pl.when(b < _i32(CPW))
        def _():
            _gath(b, rows1, g1).wait()
            pltpu.sync_copy(rows1, acc.at[dc1], add=True)

        return carry

    lax.fori_loop(_i32(0), _i32(NPAIR), _pair, _i32(0))
    plsc.subcore_barrier()
    ro = cid * _i32(NP) + r0
    pltpu.sync_copy(acc.at[pl.ds(r0, RPS)], out_hbm.at[pl.ds(ro, RPS)])


@functools.partial(
    pl.kernel, mesh=_mesh,
    out_type=jax.ShapeDtypeStruct((E, EH), _f32),
    scratch_types=[pltpu.VMEM((EPW,), jnp.int32),
                   pltpu.VMEM((EPW,), jnp.int32),
                   pltpu.VMEM((CHUNK, D), _f32),
                   pltpu.VMEM((CHUNK, D), _f32),
                   pltpu.VMEM((CHUNK, D), _f32),
                   pltpu.VMEM((CHUNK, D), _f32),
                   pltpu.VMEM((CHUNK, EH), _f32),
                   pltpu.VMEM((CHUNK, EH), _f32),
                   pltpu.SemaphoreType.DMA,
                   pltpu.SemaphoreType.DMA,
                   pltpu.SemaphoreType.DMA,
                   pltpu.SemaphoreType.DMA,
                   pltpu.SemaphoreType.DMA,
                   pltpu.SemaphoreType.DMA])
def _edge_kernel(t_hbm, src_hbm, dst_hbm, out_hbm,
                 sidx_all, didx_all, p0, p1, q0, q1, o0, o1,
                 sp0, sp1, sq0, sq1, so0, so1):
    cid = lax.convert_element_type(lax.axis_index("c"), jnp.int32)
    sid = lax.convert_element_type(lax.axis_index("s"), jnp.int32)
    wid = cid * _i32(NS) + sid
    e0 = wid * _i32(EPW)
    pltpu.sync_copy(src_hbm.at[pl.ds(e0, EPW)], sidx_all)
    pltpu.sync_copy(dst_hbm.at[pl.ds(e0, EPW)], didx_all)

    def _gp(ch, buf, sem):
        b = ch * _i32(CHUNK)
        return pltpu.make_async_copy(
            t_hbm.at[sidx_all.at[pl.ds(b, CHUNK)]], buf, sem)

    def _gq(ch, buf, sem):
        b = ch * _i32(CHUNK)
        return pltpu.make_async_copy(
            t_hbm.at[didx_all.at[pl.ds(b, CHUNK)]], buf, sem)

    def _wr(ch, obuf, sem):
        b = e0 + ch * _i32(CHUNK)
        return pltpu.make_async_copy(obuf, out_hbm.at[pl.ds(b, CHUNK)], sem)

    def _compute(pb, qb, ob):
        def _row(r, rc):
            for jj in range(EH // 16):
                u = pb[r, pl.ds(jj * 16, 16)] + qb[r, pl.ds(EH + jj * 16, 16)]
                ob[r, pl.ds(jj * 16, 16)] = jnp.maximum(u, 0.0)
            return rc

        lax.fori_loop(_i32(0), _i32(CHUNK), _row, _i32(0))

    _gp(_i32(0), p0, sp0).start()
    _gq(_i32(0), q0, sq0).start()

    def _pair(j, carry):
        a = j * _i32(2)
        b = a + _i32(1)

        @pl.when(b < _i32(CPW))
        def _():
            _gp(b, p1, sp1).start()
            _gq(b, q1, sq1).start()

        _gp(a, p0, sp0).wait()
        _gq(a, q0, sq0).wait()

        @pl.when(a >= _i32(2))
        def _():
            _wr(a - _i32(2), o0, so0).wait()

        _compute(p0, q0, o0)
        _wr(a, o0, so0).start()

        @pl.when(b + _i32(1) < _i32(CPW))
        def _():
            _gp(b + _i32(1), p0, sp0).start()
            _gq(b + _i32(1), q0, sq0).start()

        @pl.when(b < _i32(CPW))
        def _():
            _gp(b, p1, sp1).wait()
            _gq(b, q1, sq1).wait()

            @pl.when(b >= _i32(2))
            def _():
                _wr(b - _i32(2), o1, so1).wait()

            _compute(p1, q1, o1)
            _wr(b, o1, so1).start()

        return carry

    lax.fori_loop(_i32(0), _i32(NPAIR), _pair, _i32(0))
    _wr(_i32(CPW - 1), o0, so0).wait()
    _wr(_i32(CPW - 2), o1, so1).wait()



def _prep1_body(x_ref, ts_ref, g_ref, b_ref, W_ref, hw_ref):
    cs = ts_ref[0, :N, 0:1] + ts_ref[1, :N, 0:1]
    so = lax.rsqrt(jnp.maximum(cs, 1.0))
    x = x_ref[...]
    m = jnp.mean(x, axis=0, keepdims=True)
    xc = x - m
    v = jnp.mean(xc * xc, axis=0, keepdims=True)
    h = xc * lax.rsqrt(v + EPS) * g_ref[...] + b_ref[...]
    hw_ref[...] = jnp.dot(h * so, W_ref[...],
                          preferred_element_type=_f32,
                          precision=lax.Precision.HIGHEST)


def _prep2_body(ag_ref, ts_ref, b1_ref, g_ref, b_ref, W_ref, hw_ref):
    so = lax.rsqrt(jnp.maximum(ts_ref[0, :N, 0:1] + ts_ref[1, :N, 0:1], 1.0))
    si = lax.rsqrt(jnp.maximum(ts_ref[0, :N, 64:65] + ts_ref[1, :N, 64:65], 1.0))
    agg = ag_ref[0, :N, :] + ag_ref[1, :N, :]
    h1 = jnp.maximum(agg * si + b1_ref[...], 0.0)
    m = jnp.mean(h1, axis=0, keepdims=True)
    hc = h1 - m
    v = jnp.mean(hc * hc, axis=0, keepdims=True)
    hn = hc * lax.rsqrt(v + EPS) * g_ref[...] + b_ref[...]
    hw_ref[...] = jnp.dot(hn * so, W_ref[...],
                          preferred_element_type=_f32,
                          precision=lax.Precision.HIGHEST)


def _stats3_body(ag_ref, ts_ref, b2_ref,
                 su_ref, ssu_ref, sv_ref, ssv_ref):
    cs = ts_ref[0, :N, 0:1] + ts_ref[1, :N, 0:1]
    cd = ts_ref[0, :N, 64:65] + ts_ref[1, :N, 64:65]
    si = lax.rsqrt(jnp.maximum(cd, 1.0))
    agg = ag_ref[0, :N, :] + ag_ref[1, :N, :]
    h = jnp.maximum(agg * si + b2_ref[...], 0.0)
    inv_e = 1.0 / E
    su_ref[...] = jnp.sum(cs * h, axis=0, keepdims=True) * inv_e
    ssu_ref[...] = jnp.sum(cs * h * h, axis=0, keepdims=True) * inv_e
    sv_ref[...] = jnp.sum(cd * h, axis=0, keepdims=True) * inv_e
    ssv_ref[...] = jnp.sum(cd * h * h, axis=0, keepdims=True) * inv_e


def _mm3_body(ag_ref, ts_ref, b2_ref, su_ref, ssu_ref, sv_ref, ssv_ref,
              eg_ref, eb_ref, eW1_ref, eb1_ref, t_ref):
    cd = ts_ref[0, :N, 64:65] + ts_ref[1, :N, 64:65]
    si = lax.rsqrt(jnp.maximum(cd, 1.0))
    agg = ag_ref[0, :N, :] + ag_ref[1, :N, :]
    h = jnp.maximum(agg * si + b2_ref[...], 0.0)
    su = su_ref[...]
    sv = sv_ref[...]
    vu = jnp.maximum(ssu_ref[...] - su * su, 0.0)
    vv = jnp.maximum(ssv_ref[...] - sv * sv, 0.0)
    eg = eg_ref[...]
    eb = eb_ref[...]
    eW1 = eW1_ref[...]
    scu = eg[:, :D] * lax.rsqrt(vu + EPS)
    scv = eg[:, D:] * lax.rsqrt(vv + EPS)
    c = (jnp.dot(eb[:, :D] - su * scu, eW1[:D],
                 preferred_element_type=_f32, precision=lax.Precision.HIGHEST)
         + jnp.dot(eb[:, D:] - sv * scv, eW1[D:],
                   preferred_element_type=_f32, precision=lax.Precision.HIGHEST)
         + eb1_ref[...])
    p = jnp.dot(h * scu, eW1[:D],
                preferred_element_type=_f32, precision=lax.Precision.HIGHEST)
    q = jnp.dot(h * scv, eW1[D:],
                preferred_element_type=_f32, precision=lax.Precision.HIGHEST)
    t_ref[...] = jnp.concatenate([p, q + c], axis=1)


_TC_PARAMS = pltpu.CompilerParams(vmem_limit_bytes=60 * 1024 * 1024)

_PK = 8
_PW = EH * _PK
_PN = E // _PK
_TBLK = 4000


def _final_body(he_ref, g_ref, b_ref, w_ref, e2_ref, out_ref, acc_ref):
    ph = pl.program_id(0)
    i = pl.program_id(1)

    @pl.when((ph == 0) & (i == 0))
    def _():
        acc_ref[...] = jnp.zeros_like(acc_ref)

    @pl.when(ph == 0)
    def _():
        blk = he_ref[...]
        acc_ref[0:1, :] += jnp.sum(blk, axis=0, keepdims=True)
        acc_ref[1:2, :] += jnp.sum(blk * blk, axis=0, keepdims=True)
        out_ref[...] = jnp.zeros_like(out_ref)

    @pl.when(ph == 1)
    def _():
        inv_e = 1.0 / E
        s = acc_ref[0:1, :]
        ss = acc_ref[1:2, :]
        s64 = sum(s[:, k * EH:(k + 1) * EH] for k in range(_PK))
        ss64 = sum(ss[:, k * EH:(k + 1) * EH] for k in range(_PK))
        m4 = s64 * inv_e
        v4 = jnp.maximum(ss64 * inv_e - m4 * m4, 0.0)
        sc4 = g_ref[...] * lax.rsqrt(v4 + EPS)
        off = b_ref[...] - m4 * sc4
        sc512 = jnp.concatenate([sc4] * _PK, axis=1)
        off512 = jnp.concatenate([off] * _PK, axis=1)
        w512 = jnp.concatenate([w_ref[...]] * _PK, axis=0)
        gi = lax.broadcasted_iota(jnp.int32, (_PW, _PK), 0) // EH
        ci = lax.broadcasted_iota(jnp.int32, (_PW, _PK), 1)
        Wb = jnp.where(gi == ci, w512, 0.0)
        nblk = he_ref[...] * sc512 + off512
        out_ref[...] = jnp.dot(nblk, Wb,
                               preferred_element_type=_f32,
                               precision=lax.Precision.HIGHEST) + e2_ref[...]



def kernel(x, edge_index, bn_g1, bn_b1, W1, b1, bn_g2, bn_b2, W2, b2,
           e_bn_g1, e_bn_b1, eW1, eb1, e_bn_g2, e_bn_b2, eW2, eb2):
    src = edge_index[0].astype(jnp.int32)
    dst = edge_index[1].astype(jnp.int32)
    zeros_nd = jnp.zeros((NP, D), _f32)

    ts = _cnt_kernel(src, dst, zeros_nd).reshape(NC, NP, D)

    hw1 = pl.pallas_call(
        _prep1_body,
        out_shape=jax.ShapeDtypeStruct((N, D), _f32),
        compiler_params=_TC_PARAMS,
    )(x.astype(_f32), ts, bn_g1.reshape(1, D), bn_b1.reshape(1, D), W1)

    ag1 = _agg_kernel(hw1, src, dst, zeros_nd).reshape(NC, NP, D)

    hw2 = pl.pallas_call(
        _prep2_body,
        out_shape=jax.ShapeDtypeStruct((N, H), _f32),
        compiler_params=_TC_PARAMS,
    )(ag1, ts, b1.reshape(1, H), bn_g2.reshape(1, H),
      bn_b2.reshape(1, H), W2)

    ag2 = _agg_kernel(hw2, src, dst, zeros_nd).reshape(NC, NP, D)

    su, ssu, sv, ssv = pl.pallas_call(
        _stats3_body,
        out_shape=[jax.ShapeDtypeStruct((1, D), _f32)] * 4,
        compiler_params=_TC_PARAMS,
    )(ag2, ts, b2.reshape(1, H))

    t = pl.pallas_call(
        _mm3_body,
        out_shape=jax.ShapeDtypeStruct((N, D), _f32),
        compiler_params=_TC_PARAMS,
    )(ag2, ts, b2.reshape(1, H), su, ssu, sv, ssv,
      e_bn_g1.reshape(1, 2 * H), e_bn_b1.reshape(1, 2 * H),
      eW1, eb1.reshape(1, EH))

    he1 = _edge_kernel(t, src, dst)

    he_r = he1.reshape(_PN, _PW)
    outp = pl.pallas_call(
        _final_body,
        grid=(2, _PN // _TBLK),
        in_specs=[pl.BlockSpec((_TBLK, _PW), lambda ph, i: (i, _i32(0))),
                  pl.BlockSpec((1, EH), lambda ph, i: (_i32(0), _i32(0))),
                  pl.BlockSpec((1, EH), lambda ph, i: (_i32(0), _i32(0))),
                  pl.BlockSpec((EH, 1), lambda ph, i: (_i32(0), _i32(0))),
                  pl.BlockSpec((1, 1), lambda ph, i: (_i32(0), _i32(0)))],
        out_specs=pl.BlockSpec((_TBLK, _PK), lambda ph, i: (i, _i32(0))),
        scratch_shapes=[pltpu.VMEM((2, _PW), _f32)],
        out_shape=jax.ShapeDtypeStruct((_PN, _PK), _f32),
        compiler_params=_TC_PARAMS,
    )(he_r, e_bn_g2.reshape(1, EH), e_bn_b2.reshape(1, EH),
      eW2, eb2.reshape(1, 1))
    out = outp.reshape(E, 1)

    return out

# --- scband reference (transcript-rebuilt; emitter-appended) ---
"""Pipeline reference for scband-edge-pred-model-74131135529472 (READ-ONLY COPY).

The authoritative reference and input builder live on the scoring server;
editing this copy changes nothing except your own understanding.
"""

import jax, jax.numpy as jnp
import numpy as np

jax.config.update("jax_enable_x64", True)

N = 10000
E = 320000
D = 128
H = 128
EH = 64


def _bn(h, gamma, beta, eps=1e-5):
    mean = jnp.mean(h, axis=0, keepdims=True)
    var = jnp.var(h, axis=0, keepdims=True)
    return (h - mean) / jnp.sqrt(var + eps) * gamma + beta


def _graph_conv(h, src, dst, W, b, n_nodes):
    # DGL GraphConv with norm='both', activation=relu
    ones = jnp.ones((src.shape[0],), dtype=h.dtype)
    out_deg = jnp.clip(jax.ops.segment_sum(ones, src, num_segments=n_nodes), 1.0, None)
    in_deg = jnp.clip(jax.ops.segment_sum(ones, dst, num_segments=n_nodes), 1.0, None)
    h = h * (out_deg ** -0.5)[:, None]
    h = h @ W
    msgs = jnp.take(h, src, axis=0)
    agg = jax.ops.segment_sum(msgs, dst, num_segments=n_nodes)
    agg = agg * (in_deg ** -0.5)[:, None]
    agg = agg + b
    return jax.nn.relu(agg)


def setup_inputs(seed: int = 0):
    key = jax.random.key(seed)
    ks = jax.random.split(key, 8)
    x = jax.random.normal(ks[0], (N, D), dtype=jnp.float32)
    edge_index = jax.random.randint(ks[1], (2, E), 0, N, dtype=jnp.int64)
    W1 = jax.random.normal(ks[2], (D, H), dtype=jnp.float32) * 0.05
    b1 = jnp.zeros((H,), dtype=jnp.float32)
    W2 = jax.random.normal(ks[3], (H, H), dtype=jnp.float32) * 0.05
    b2 = jnp.zeros((H,), dtype=jnp.float32)
    bn_g1 = jnp.ones((D,), jnp.float32)
    bn_b1 = jnp.zeros((D,), jnp.float32)
    bn_g2 = jnp.ones((H,), jnp.float32)
    bn_b2 = jnp.zeros((H,), jnp.float32)
    eW1 = jax.random.normal(ks[4], (2 * H, EH), dtype=jnp.float32) * 0.05
    eb1 = jnp.zeros((EH,), jnp.float32)
    eW2 = jax.random.normal(ks[5], (EH, 1), dtype=jnp.float32) * 0.05
    eb2 = jnp.zeros((1,), jnp.float32)
    e_bn_g1 = jnp.ones((2 * H,), jnp.float32)
    e_bn_b1 = jnp.zeros((2 * H,), jnp.float32)
    e_bn_g2 = jnp.ones((EH,), jnp.float32)
    e_bn_b2 = jnp.zeros((EH,), jnp.float32)
    return dict(x=x, edge_index=edge_index,
                bn_g1=bn_g1, bn_b1=bn_b1, W1=W1, b1=b1,
                bn_g2=bn_g2, bn_b2=bn_b2, W2=W2, b2=b2,
                e_bn_g1=e_bn_g1, e_bn_b1=e_bn_b1, eW1=eW1, eb1=eb1,
                e_bn_g2=e_bn_g2, e_bn_b2=e_bn_b2, eW2=eW2, eb2=eb2)


def reference(x, edge_index, bn_g1, bn_b1, W1, b1, bn_g2, bn_b2, W2, b2,
              e_bn_g1, e_bn_b1, eW1, eb1, e_bn_g2, e_bn_b2, eW2, eb2):
    src = edge_index[0]
    dst = edge_index[1]
    n_nodes = x.shape[0]
    # GCNConv: BN -> GraphConv(relu), twice
    h = _bn(x, bn_g1, bn_b1)
    h = _graph_conv(h, src, dst, W1, b1, n_nodes)
    h = _bn(h, bn_g2, bn_b2)
    h = _graph_conv(h, src, dst, W2, b2, n_nodes)
    # EdgeMLP_alt: gather src/dst node features per edge, concat, MLP
    h_u = jnp.take(h, src, axis=0)
    h_v = jnp.take(h, dst, axis=0)
    he = jnp.concatenate([h_u, h_v], axis=1)
    he = _bn(he, e_bn_g1, e_bn_b1) @ eW1 + eb1
    he = jax.nn.relu(he)
    he = _bn(he, e_bn_g2, e_bn_b2) @ eW2 + eb2
    return he

if __name__ == "__main__":
    import jax
    _d = setup_inputs()
    print(jax.jit(kernel)(*tuple(_d.values())))

</pallas_src>

<mosaic_0001>
#map = affine_map<(d0, d1) -> (0)>
#map1 = affine_map<(d0, d1) -> (0, 0)>
module attributes {stable_mosaic.version = 14 : i64} {
  func.func @_cnt_kernel(%arg0: i32, %arg1: i32, %arg2: memref<320000xi32, #tpu.memory_space<hbm>>, %arg3: memref<320000xi32, #tpu.memory_space<hbm>>, %arg4: memref<10240x128xf32, #tpu.memory_space<hbm>>, %arg5: memref<20480x128xf32, #tpu.memory_space<hbm>>, %arg6: memref<10000xi32, #tpu.memory_space<vmem>>, %arg7: memref<10000xi32, #tpu.memory_space<vmem>>, %arg8: memref<80xi32, #tpu.memory_space<vmem>>, %arg9: memref<80xi32, #tpu.memory_space<vmem>>, %arg10: memref<80x128xf32, #tpu.memory_space<vmem>>, %arg11: memref<80x128xf32, #tpu.memory_space<vmem>>, %arg12: memref<10240x128xf32, #tpu.memory_space<vmem_shared>>) attributes {dimension_semantics = [#tpu.dimension_semantics<core_parallel>, #tpu.dimension_semantics<subcore_parallel>], iteration_bounds = array<i64: 2, 16>, scalar_prefetch = 0 : i64, scratch_operands = 7 : i64, tpu.core_type = #tpu.core_type<sc_vector_subcore>, window_params = [{transform_indices = #map}, {transform_indices = #map}, {transform_indices = #map1}, {transform_indices = #map1}]} {
    %mul3A = arith.constant 16 : i32
    %mul3A_0 = arith.muli %arg0, %mul3A : i32
    %add3A = arith.addi %mul3A_0, %arg1 : i32
    %mul3A_1 = arith.constant 640 : i32
    %mul3A_2 = arith.muli %arg1, %mul3A_1 : i32
    %mul3A_3 = arith.constant 10000 : i32
    %mul3A_4 = arith.muli %add3A, %mul3A_3 : i32
    "tpu.region"() ({
      %run_scoped3A = tpu.sem_alloc : memref<!tpu.dma_semaphore, #tpu.memory_space<semaphore_mem>>
      %dma_start3A = arith.constant 0 : i32
      %dma_start3A_30 = tpu.memref_slice %arg12[%mul3A_2, %dma_start3A] : memref<10240x128xf32, #tpu.memory_space<vmem_shared>> -> memref<640x128xf32, #tpu.memory_space<vmem_shared>>
      %dma_start3A_31 = arith.constant 0 : i32
      %dma_start3A_32 = tpu.memref_slice %arg4[%mul3A_2, %dma_start3A_31] : memref<10240x128xf32, #tpu.memory_space<hbm>> -> memref<640x128xf32, #tpu.memory_space<hbm>>
      tpu.enqueue_dma source(%dma_start3A_32 : memref<640x128xf32, #tpu.memory_space<hbm>>) target(%dma_start3A_30 : memref<640x128xf32, #tpu.memory_space<vmem_shared>>) target_semaphore(%run_scoped3A : memref<!tpu.dma_semaphore, #tpu.memory_space<semaphore_mem>>)
      %dma_wait3A = arith.constant 0 : i32
      %dma_wait3A_33 = tpu.memref_slice %arg12[%mul3A_2, %dma_wait3A] : memref<10240x128xf32, #tpu.memory_space<vmem_shared>> -> memref<640x128xf32, #tpu.memory_space<vmem_shared>>
      %dma_wait3A_34 = arith.constant 0 : i32
      %dma_wait3A_35 = tpu.memref_slice %arg4[%mul3A_2, %dma_wait3A_34] : memref<10240x128xf32, #tpu.memory_space<hbm>> -> memref<640x128xf32, #tpu.memory_space<hbm>>
      tpu.wait_dma2 semaphore(%run_scoped3A : memref<!tpu.dma_semaphore, #tpu.memory_space<semaphore_mem>>) src(%dma_wait3A_35 : memref<640x128xf32, #tpu.memory_space<hbm>>) dst(%dma_wait3A_33 : memref<640x128xf32, #tpu.memory_space<vmem_shared>>)
      tpu.yield
    }) : () -> ()
    "tpu.region"() ({
      %run_scoped3A = tpu.sem_alloc : memref<!tpu.dma_semaphore, #tpu.memory_space<semaphore_mem>>
      %dma_start3A = tpu.memref_slice %arg2[%mul3A_4] : memref<320000xi32, #tpu.memory_space<hbm>> -> memref<10000xi32, #tpu.memory_space<hbm>>
      %dma_start3A_30 = tpu.memref_slice %arg2[%mul3A_4] : memref<320000xi32, #tpu.memory_space<hbm>> -> memref<10000xi32, #tpu.memory_space<hbm>>
      tpu.enqueue_dma source(%dma_start3A_30 : memref<10000xi32, #tpu.memory_space<hbm>>) target(%arg6 : memref<10000xi32, #tpu.memory_space<vmem>>) target_semaphore(%run_scoped3A : memref<!tpu.dma_semaphore, #tpu.memory_space<semaphore_mem>>)
      %dma_wait3A = tpu.memref_slice %arg2[%mul3A_4] : memref<320000xi32, #tpu.memory_space<hbm>> -> memref<10000xi32, #tpu.memory_space<hbm>>
      %dma_wait3A_31 = tpu.memref_slice %arg2[%mul3A_4] : memref<320000xi32, #tpu.memory_space<hbm>> -> memref<10000xi32, #tpu.memory_space<hbm>>
      tpu.wait_dma2 semaphore(%run_scoped3A : memref<!tpu.dma_semaphore, #tpu.memory_space<semaphore_mem>>) src(%dma_wait3A_31 : memref<10000xi32, #tpu.memory_space<hbm>>) dst(%arg6 : memref<10000xi32, #tpu.memory_space<vmem>>)
      tpu.yield
    }) : () -> ()
    "tpu.region"() ({
      %run_scoped3A = tpu.sem_alloc : memref<!tpu.dma_semaphore, #tpu.memory_space<semaphore_mem>>
      %dma_start3A = tpu.memref_slice %arg3[%mul3A_4] : memref<320000xi32, #tpu.memory_space<hbm>> -> memref<10000xi32, #tpu.memory_space<hbm>>
      %dma_start3A_30 = tpu.memref_slice %arg3[%mul3A_4] : memref<320000xi32, #tpu.memory_space<hbm>> -> memref<10000xi32, #tpu.memory_space<hbm>>
      tpu.enqueue_dma source(%dma_start3A_30 : memref<10000xi32, #tpu.memory_space<hbm>>) target(%arg7 : memref<10000xi32, #tpu.memory_space<vmem>>) target_semaphore(%run_scoped3A : memref<!tpu.dma_semaphore, #tpu.memory_space<semaphore_mem>>)
      %dma_wait3A = tpu.memref_slice %arg3[%mul3A_4] : memref<320000xi32, #tpu.memory_space<hbm>> -> memref<10000xi32, #tpu.memory_space<hbm>>
      %dma_wait3A_31 = tpu.memref_slice %arg3[%mul3A_4] : memref<320000xi32, #tpu.memory_space<hbm>> -> memref<10000xi32, #tpu.memory_space<hbm>>
      tpu.wait_dma2 semaphore(%run_scoped3A : memref<!tpu.dma_semaphore, #tpu.memory_space<semaphore_mem>>) src(%dma_wait3A_31 : memref<10000xi32, #tpu.memory_space<hbm>>) dst(%arg7 : memref<10000xi32, #tpu.memory_space<vmem>>)
      tpu.yield
    }) : () -> ()
    %while3A = arith.constant 0 : i32
    %while3A_5 = arith.constant 0 : i32
    %while3A_6 = arith.constant 80 : i32
    %while3A_7 = arith.subi %while3A_6, %while3A_5 : i32
    %while3A_8 = arith.addi %while3A_5, %while3A_7 : i32
    %while3A_9 = arith.constant 1 : i32
    %while3A_10 = arith.divsi %while3A_7, %while3A_9 : i32
    %while3A_11 = arith.muli %while3A_10, %while3A_9 : i32
    %while3A_12 = arith.addi %while3A_5, %while3A_11 : i32
    %while3A_13 = arith.constant 1 : i32
    scf.for %while3A_30 = %while3A_5 to %while3A_12 step %while3A_13  : i32 {
      %broadcast_in_dim3A = arith.constant 1.000000e+00 : f32
      %broadcast_in_dim3A_31 = vector.broadcast %broadcast_in_dim3A : f32 to vector<16xf32>
      %swap3A = arith.index_cast %while3A_30 : i32 to index
      %swap3A_32 = arith.constant 0 : index
      %swap3A_33 = tpu.vector_load %arg10[%swap3A, %swap3A_32] {strides = array<i32>} : memref<80x128xf32, #tpu.memory_space<vmem>>, vector<1x16xf32>,
      %swap3A_34 = vector.shape_cast %swap3A_33 : vector<1x16xf32> to vector<16xf32>
      %swap3A_35 = vector.shape_cast %broadcast_in_dim3A_31 : vector<16xf32> to vector<1x16xf32>
      tpu.vector_store %arg10[%swap3A, %swap3A_32], %swap3A_35 {strides = array<i32>} : memref<80x128xf32, #tpu.memory_space<vmem>>, vector<1x16xf32>,
      %broadcast_in_dim3A_36 = arith.constant 0.000000e+00 : f32
      %broadcast_in_dim3A_37 = vector.broadcast %broadcast_in_dim3A_36 : f32 to vector<16xf32>
      %swap3A_38 = arith.index_cast %while3A_30 : i32 to index
      %swap3A_39 = arith.constant 0 : index
      %swap3A_40 = tpu.vector_load %arg11[%swap3A_38, %swap3A_39] {strides = array<i32>} : memref<80x128xf32, #tpu.memory_space<vmem>>, vector<1x16xf32>,
      %swap3A_41 = vector.shape_cast %swap3A_40 : vector<1x16xf32> to vector<16xf32>
      %swap3A_42 = vector.shape_cast %broadcast_in_dim3A_37 : vector<16xf32> to vector<1x16xf32>
      tpu.vector_store %arg11[%swap3A_38, %swap3A_39], %swap3A_42 {strides = array<i32>} : memref<80x128xf32, #tpu.memory_space<vmem>>, vector<1x16xf32>,
      %broadcast_in_dim3A_43 = arith.constant 0.000000e+00 : f32
      %broadcast_in_dim3A_44 = vector.broadcast %broadcast_in_dim3A_43 : f32 to vector<16xf32>
      %swap3A_45 = arith.index_cast %while3A_30 : i32 to index
      %swap3A_46 = arith.constant 16 : index
      %swap3A_47 = tpu.vector_load %arg10[%swap3A_45, %swap3A_46] {strides = array<i32>} : memref<80x128xf32, #tpu.memory_space<vmem>>, vector<1x16xf32>,
      %swap3A_48 = vector.shape_cast %swap3A_47 : vector<1x16xf32> to vector<16xf32>
      %swap3A_49 = vector.shape_cast %broadcast_in_dim3A_44 : vector<16xf32> to vector<1x16xf32>
      tpu.vector_store %arg10[%swap3A_45, %swap3A_46], %swap3A_49 {strides = array<i32>} : memref<80x128xf32, #tpu.memory_space<vmem>>, vector<1x16xf32>,
      %broadcast_in_dim3A_50 = arith.constant 0.000000e+00 : f32
      %broadcast_in_dim3A_51 = vector.broadcast %broadcast_in_dim3A_50 : f32 to vector<16xf32>
      %swap3A_52 = arith.index_cast %while3A_30 : i32 to index
      %swap3A_53 = arith.constant 16 : index
      %swap3A_54 = tpu.vector_load %arg11[%swap3A_52, %swap3A_53] {strides = array<i32>} : memref<80x128xf32, #tpu.memory_space<vmem>>, vector<1x16xf32>,
      %swap3A_55 = vector.shape_cast %swap3A_54 : vector<1x16xf32> to vector<16xf32>
      %swap3A_56 = vector.shape_cast %broadcast_in_dim3A_51 : vector<16xf32> to vector<1x16xf32>
      tpu.vector_store %arg11[%swap3A_52, %swap3A_53], %swap3A_56 {strides = array<i32>} : memref<80x128xf32, #tpu.memory_space<vmem>>, vector<1x16xf32>,
      %broadcast_in_dim3A_57 = arith.constant 0.000000e+00 : f32
      %broadcast_in_dim3A_58 = vector.broadcast %broadcast_in_dim3A_57 : f32 to vector<16xf32>
      %swap3A_59 = arith.index_cast %while3A_30 : i32 to index
      %swap3A_60 = arith.constant 32 : index
      %swap3A_61 = tpu.vector_load %arg10[%swap3A_59, %swap3A_60] {strides = array<i32>} : memref<80x128xf32, #tpu.memory_space<vmem>>, vector<1x16xf32>,
      %swap3A_62 = vector.shape_cast %swap3A_61 : vector<1x16xf32> to vector<16xf32>
      %swap3A_63 = vector.shape_cast %broadcast_in_dim3A_58 : vector<16xf32> to vector<1x16xf32>
      tpu.vector_store %arg10[%swap3A_59, %swap3A_60], %swap3A_63 {strides = array<i32>} : memref<80x128xf32, #tpu.memory_space<vmem>>, vector<1x16xf32>,
      %broadcast_in_dim3A_64 = arith.constant 0.000000e+00 : f32
      %broadcast_in_dim3A_65 = vector.broadcast %broadcast_in_dim3A_64 : f32 to vector<16xf32>
      %swap3A_66 = arith.index_cast %while3A_30 : i32 to index
      %swap3A_67 = arith.constant 32 : index
      %swap3A_68 = tpu.vector_load %arg11[%swap3A_66, %swap3A_67] {strides = array<i32>} : memref<80x128xf32, #tpu.memory_space<vmem>>, vector<1x16xf32>,
      %swap3A_69 = vector.shape_cast %swap3A_68 : vector<1x16xf32> to vector<16xf32>
      %swap3A_70 = vector.shape_cast %broadcast_in_dim3A_65 : vector<16xf32> to vector<1x16xf32>
      tpu.vector_store %arg11[%swap3A_66, %swap3A_67], %swap3A_70 {strides = array<i32>} : memref<80x128xf32, #tpu.memory_space<vmem>>, vector<1x16xf32>,
      %broadcast_in_dim3A_71 = arith.constant 0.000000e+00 : f32
      %broadcast_in_dim3A_72 = vector.broadcast %broadcast_in_dim3A_71 : f32 to vector<16xf32>
      %swap3A_73 = arith.index_cast %while3A_30 : i32 to index
      %swap3A_74 = arith.constant 48 : index
      %swap3A_75 = tpu.vector_load %arg10[%swap3A_73, %swap3A_74] {strides = array<i32>} : memref<80x128xf32, #tpu.memory_space<vmem>>, vector<1x16xf32>,
      %swap3A_76 = vector.shape_cast %swap3A_75 : vector<1x16xf32> to vector<16xf32>
      %swap3A_77 = vector.shape_cast %broadcast_in_dim3A_72 : vector<16xf32> to vector<1x16xf32>
      tpu.vector_store %arg10[%swap3A_73, %swap3A_74], %swap3A_77 {strides = array<i32>} : memref<80x128xf32, #tpu.memory_space<vmem>>, vector<1x16xf32>,
      %broadcast_in_dim3A_78 = arith.constant 0.000000e+00 : f32
      %broadcast_in_dim3A_79 = vector.broadcast %broadcast_in_dim3A_78 : f32 to vector<16xf32>
      %swap3A_80 = arith.index_cast %while3A_30 : i32 to index
      %swap3A_81 = arith.constant 48 : index
      %swap3A_82 = tpu.vector_load %arg11[%swap3A_80, %swap3A_81] {strides = array<i32>} : memref<80x128xf32, #tpu.memory_space<vmem>>, vector<1x16xf32>,
      %swap3A_83 = vector.shape_cast %swap3A_82 : vector<1x16xf32> to vector<16xf32>
      %swap3A_84 = vector.shape_cast %broadcast_in_dim3A_79 : vector<16xf32> to vector<1x16xf32>
      tpu.vector_store %arg11[%swap3A_80, %swap3A_81], %swap3A_84 {strides = array<i32>} : memref<80x128xf32, #tpu.memory_space<vmem>>, vector<1x16xf32>,
      %broadcast_in_dim3A_85 = arith.constant 0.000000e+00 : f32
      %broadcast_in_dim3A_86 = vector.broadcast %broadcast_in_dim3A_85 : f32 to vector<16xf32>
      %swap3A_87 = arith.index_cast %while3A_30 : i32 to index
      %swap3A_88 = arith.constant 64 : index
      %swap3A_89 = tpu.vector_load %arg10[%swap3A_87, %swap3A_88] {strides = array<i32>} : memref<80x128xf32, #tpu.memory_space<vmem>>, vector<1x16xf32>,
      %swap3A_90 = vector.shape_cast %swap3A_89 : vector<1x16xf32> to vector<16xf32>
      %swap3A_91 = vector.shape_cast %broadcast_in_dim3A_86 : vector<16xf32> to vector<1x16xf32>
      tpu.vector_store %arg10[%swap3A_87, %swap3A_88], %swap3A_91 {strides = array<i32>} : memref<80x128xf32, #tpu.memory_space<vmem>>, vector<1x16xf32>,
      %broadcast_in_dim3A_92 = arith.constant 1.000000e+00 : f32
      %broadcast_in_dim3A_93 = vector.broadcast %broadcast_in_dim3A_92 : f32 to vector<16xf32>
      %swap3A_94 = arith.index_cast %while3A_30 : i32 to index
      %swap3A_95 = arith.constant 64 : index
      %swap3A_96 = tpu.vector_load %arg11[%swap3A_94, %swap3A_95] {strides = array<i32>} : memref<80x128xf32, #tpu.memory_space<vmem>>, vector<1x16xf32>,
      %swap3A_97 = vector.shape_cast %swap3A_96 : vector<1x16xf32> to vector<16xf32>
      %swap3A_98 = vector.shape_cast %broadcast_in_dim3A_93 : vector<16xf32> to vector<1x16xf32>
      tpu.vector_store %arg11[%swap3A_94, %swap3A_95], %swap3A_98 {strides = array<i32>} : memref<80x128xf32, #tpu.memory_space<vmem>>, vector<1x16xf32>,
      %broadcast_in_dim3A_99 = arith.constant 0.000000e+00 : f32
      %broadcast_in_dim3A_100 = vector.broadcast %broadcast_in_dim3A_99 : f32 to vector<16xf32>
      %swap3A_101 = arith.index_cast %while3A_30 : i32 to index
      %swap3A_102 = arith.constant 80 : index
      %swap3A_103 = tpu.vector_load %arg10[%swap3A_101, %swap3A_102] {strides = array<i32>} : memref<80x128xf32, #tpu.memory_space<vmem>>, vector<1x16xf32>,
      %swap3A_104 = vector.shape_cast %swap3A_103 : vector<1x16xf32> to vector<16xf32>
      %swap3A_105 = vector.shape_cast %broadcast_in_dim3A_100 : vector<16xf32> to vector<1x16xf32>
      tpu.vector_store %arg10[%swap3A_101, %swap3A_102], %swap3A_105 {strides = array<i32>} : memref<80x128xf32, #tpu.memory_space<vmem>>, vector<1x16xf32>,
      %broadcast_in_dim3A_106 = arith.constant 0.000000e+00 : f32
      %broadcast_in_dim3A_107 = vector.broadcast %broadcast_in_dim3A_106 : f32 to vector<16xf32>
      %swap3A_108 = arith.index_cast %while3A_30 : i32 to index
      %swap3A_109 = arith.constant 80 : index
      %swap3A_110 = tpu.vector_load %arg11[%swap3A_108, %swap3A_109] {strides = array<i32>} : memref<80x128xf32, #tpu.memory_space<vmem>>, vector<1x16xf32>,
      %swap3A_111 = vector.shape_cast %swap3A_110 : vector<1x16xf32> to vector<16xf32>
      %swap3A_112 = vector.shape_cast %broadcast_in_dim3A_107 : vector<16xf32> to vector<1x16xf32>
      tpu.vector_store %arg11[%swap3A_108, %swap3A_109], %swap3A_112 {strides = array<i32>} : memref<80x128xf32, #tpu.memory_space<vmem>>, vector<1x16xf32>,
      %broadcast_in_dim3A_113 = arith.constant 0.000000e+00 : f32
      %broadcast_in_dim3A_114 = vector.broadcast %broadcast_in_dim3A_113 : f32 to vector<16xf32>
      %swap3A_115 = arith.index_cast %while3A_30 : i32 to index
      %swap3A_116 = arith.constant 96 : index
      %swap3A_117 = tpu.vector_load %arg10[%swap3A_115, %swap3A_116] {strides = array<i32>} : memref<80x128xf32, #tpu.memory_space<vmem>>, vector<1x16xf32>,
      %swap3A_118 = vector.shape_cast %swap3A_117 : vector<1x16xf32> to vector<16xf32>
      %swap3A_119 = vector.shape_cast %broadcast_in_dim3A_114 : vector<16xf32> to vector<1x16xf32>
      tpu.vector_store %arg10[%swap3A_115, %swap3A_116], %swap3A_119 {strides = array<i32>} : memref<80x128xf32, #tpu.memory_space<vmem>>, vector<1x16xf32>,
      %broadcast_in_dim3A_120 = arith.constant 0.000000e+00 : f32
      %broadcast_in_dim3A_121 = vector.broadcast %broadcast_in_dim3A_120 : f32 to vector<16xf32>
      %swap3A_122 = arith.index_cast %while3A_30 : i32 to index
      %swap3A_123 = arith.constant 96 : index
      %swap3A_124 = tpu.vector_load %arg11[%swap3A_122, %swap3A_123] {strides = array<i32>} : memref<80x128xf32, #tpu.memory_space<vmem>>, vector<1x16xf32>,
      %swap3A_125 = vector.shape_cast %swap3A_124 : vector<1x16xf32> to vector<16xf32>
      %swap3A_126 = vector.shape_cast %broadcast_in_dim3A_121 : vector<16xf32> to vector<1x16xf32>
      tpu.vector_store %arg11[%swap3A_122, %swap3A_123], %swap3A_126 {strides = array<i32>} : memref<80x128xf32, #tpu.memory_space<vmem>>, vector<1x16xf32>,
      %broadcast_in_dim3A_127 = arith.constant 0.000000e+00 : f32
      %broadcast_in_dim3A_128 = vector.broadcast %broadcast_in_dim3A_127 : f32 to vector<16xf32>
      %swap3A_129 = arith.index_cast %while3A_30 : i32 to index
      %swap3A_130 = arith.constant 112 : index
      %swap3A_131 = tpu.vector_load %arg10[%swap3A_129, %swap3A_130] {strides = array<i32>} : memref<80x128xf32, #tpu.memory_space<vmem>>, vector<1x16xf32>,
      %swap3A_132 = vector.shape_cast %swap3A_131 : vector<1x16xf32> to vector<16xf32>
      %swap3A_133 = vector.shape_cast %broadcast_in_dim3A_128 : vector<16xf32> to vector<1x16xf32>
      tpu.vector_store %arg10[%swap3A_129, %swap3A_130], %swap3A_133 {strides = array<i32>} : memref<80x128xf32, #tpu.memory_space<vmem>>, vector<1x16xf32>,
      %broadcast_in_dim3A_134 = arith.constant 0.000000e+00 : f32
      %broadcast_in_dim3A_135 = vector.broadcast %broadcast_in_dim3A_134 : f32 to vector<16xf32>
      %swap3A_136 = arith.index_cast %while3A_30 : i32 to index
      %swap3A_137 = arith.constant 112 : index
      %swap3A_138 = tpu.vector_load %arg11[%swap3A_136, %swap3A_137] {strides = array<i32>} : memref<80x128xf32, #tpu.memory_space<vmem>>, vector<1x16xf32>,
      %swap3A_139 = vector.shape_cast %swap3A_138 : vector<1x16xf32> to vector<16xf32>
      %swap3A_140 = vector.shape_cast %broadcast_in_dim3A_135 : vector<16xf32> to vector<1x16xf32>
      tpu.vector_store %arg11[%swap3A_136, %swap3A_137], %swap3A_140 {strides = array<i32>} : memref<80x128xf32, #tpu.memory_space<vmem>>, vector<1x16xf32>,
    }
    %while3A_14 = arith.constant 1 : i32
    scf.for %while3A_30 = %while3A_12 to %while3A_8 step %while3A_14  : i32 {
      %broadcast_in_dim3A = arith.constant 1.000000e+00 : f32
      %broadcast_in_dim3A_31 = vector.broadcast %broadcast_in_dim3A : f32 to vector<16xf32>
      %swap3A = arith.index_cast %while3A_30 : i32 to index
      %swap3A_32 = arith.constant 0 : index
      %swap3A_33 = tpu.vector_load %arg10[%swap3A, %swap3A_32] {strides = array<i32>} : memref<80x128xf32, #tpu.memory_space<vmem>>, vector<1x16xf32>,
      %swap3A_34 = vector.shape_cast %swap3A_33 : vector<1x16xf32> to vector<16xf32>
      %swap3A_35 = vector.shape_cast %broadcast_in_dim3A_31 : vector<16xf32> to vector<1x16xf32>
      tpu.vector_store %arg10[%swap3A, %swap3A_32], %swap3A_35 {strides = array<i32>} : memref<80x128xf32, #tpu.memory_space<vmem>>, vector<1x16xf32>,
      %broadcast_in_dim3A_36 = arith.constant 0.000000e+00 : f32
      %broadcast_in_dim3A_37 = vector.broadcast %broadcast_in_dim3A_36 : f32 to vector<16xf32>
      %swap3A_38 = arith.index_cast %while3A_30 : i32 to index
      %swap3A_39 = arith.constant 0 : index
      %swap3A_40 = tpu.vector_load %arg11[%swap3A_38, %swap3A_39] {strides = array<i32>} : memref<80x128xf32, #tpu.memory_space<vmem>>, vector<1x16xf32>,
      %swap3A_41 = vector.shape_cast %swap3A_40 : vector<1x16xf32> to vector<16xf32>
      %swap3A_42 = vector.shape_cast %broadcast_in_dim3A_37 : vector<16xf32> to vector<1x16xf32>
      tpu.vector_store %arg11[%swap3A_38, %swap3A_39], %swap3A_42 {strides = array<i32>} : memref<80x128xf32, #tpu.memory_space<vmem>>, vector<1x16xf32>,
      %broadcast_in_dim3A_43 = arith.constant 0.000000e+00 : f32
      %broadcast_in_dim3A_44 = vector.broadcast %broadcast_in_dim3A_43 : f32 to vector<16xf32>
      %swap3A_45 = arith.index_cast %while3A_30 : i32 to index
      %swap3A_46 = arith.constant 16 : index
      %swap3A_47 = tpu.vector_load %arg10[%swap3A_45, %swap3A_46] {strides = array<i32>} : memref<80x128xf32, #tpu.memory_space<vmem>>, vector<1x16xf32>,
      %swap3A_48 = vector.shape_cast %swap3A_47 : vector<1x16xf32> to vector<16xf32>
      %swap3A_49 = vector.shape_cast %broadcast_in_dim3A_44 : vector<16xf32> to vector<1x16xf32>
      tpu.vector_store %arg10[%swap3A_45, %swap3A_46], %swap3A_49 {strides = array<i32>} : memref<80x128xf32, #tpu.memory_space<vmem>>, vector<1x16xf32>,
      %broadcast_in_dim3A_50 = arith.constant 0.000000e+00 : f32
      %broadcast_in_dim3A_51 = vector.broadcast %broadcast_in_dim3A_50 : f32 to vector<16xf32>
      %swap3A_52 = arith.index_cast %while3A_30 : i32 to index
      %swap3A_53 = arith.constant 16 : index
      %swap3A_54 = tpu.vector_load %arg11[%swap3A_52, %swap3A_53] {strides = array<i32>} : memref<80x128xf32, #tpu.memory_space<vmem>>, vector<1x16xf32>,
      %swap3A_55 = vector.shape_cast %swap3A_54 : vector<1x16xf32> to vector<16xf32>
      %swap3A_56 = vector.shape_cast %broadcast_in_dim3A_51 : vector<16xf32> to vector<1x16xf32>
      tpu.vector_store %arg11[%swap3A_52, %swap3A_53], %swap3A_56 {strides = array<i32>} : memref<80x128xf32, #tpu.memory_space<vmem>>, vector<1x16xf32>,
      %broadcast_in_dim3A_57 = arith.constant 0.000000e+00 : f32
      %broadcast_in_dim3A_58 = vector.broadcast %broadcast_in_dim3A_57 : f32 to vector<16xf32>
      %swap3A_59 = arith.index_cast %while3A_30 : i32 to index
      %swap3A_60 = arith.constant 32 : index
      %swap3A_61 = tpu.vector_load %arg10[%swap3A_59, %swap3A_60] {strides = array<i32>} : memref<80x128xf32, #tpu.memory_space<vmem>>, vector<1x16xf32>,
      %swap3A_62 = vector.shape_cast %swap3A_61 : vector<1x16xf32> to vector<16xf32>
      %swap3A_63 = vector.shape_cast %broadcast_in_dim3A_58 : vector<16xf32> to vector<1x16xf32>
      tpu.vector_store %arg10[%swap3A_59, %swap3A_60], %swap3A_63 {strides = array<i32>} : memref<80x128xf32, #tpu.memory_space<vmem>>, vector<1x16xf32>,
      %broadcast_in_dim3A_64 = arith.constant 0.000000e+00 : f32
      %broadcast_in_dim3A_65 = vector.broadcast %broadcast_in_dim3A_64 : f32 to vector<16xf32>
      %swap3A_66 = arith.index_cast %while3A_30 : i32 to index
      %swap3A_67 = arith.constant 32 : index
      %swap3A_68 = tpu.vector_load %arg11[%swap3A_66, %swap3A_67] {strides = array<i32>} : memref<80x128xf32, #tpu.memory_space<vmem>>, vector<1x16xf32>,
      %swap3A_69 = vector.shape_cast %swap3A_68 : vector<1x16xf32> to vector<16xf32>
      %swap3A_70 = vector.shape_cast %broadcast_in_dim3A_65 : vector<16xf32> to vector<1x16xf32>
      tpu.vector_store %arg11[%swap3A_66, %swap3A_67], %swap3A_70 {strides = array<i32>} : memref<80x128xf32, #tpu.memory_space<vmem>>, vector<1x16xf32>,
      %broadcast_in_dim3A_71 = arith.constant 0.000000e+00 : f32
      %broadcast_in_dim3A_72 = vector.broadcast %broadcast_in_dim3A_71 : f32 to vector<16xf32>
      %swap3A_73 = arith.index_cast %while3A_30 : i32 to index
      %swap3A_74 = arith.constant 48 : index
      %swap3A_75 = tpu.vector_load %arg10[%swap3A_73, %swap3A_74] {strides = array<i32>} : memref<80x128xf32, #tpu.memory_space<vmem>>, vector<1x16xf32>,
      %swap3A_76 = vector.shape_cast %swap3A_75 : vector<1x16xf32> to vector<16xf32>
      %swap3A_77 = vector.shape_cast %broadcast_in_dim3A_72 : vector<16xf32> to vector<1x16xf32>
      tpu.vector_store %arg10[%swap3A_73, %swap3A_74], %swap3A_77 {strides = array<i32>} : memref<80x128xf32, #tpu.memory_space<vmem>>, vector<1x16xf32>,
      %broadcast_in_dim3A_78 = arith.constant 0.000000e+00 : f32
      %broadcast_in_dim3A_79 = vector.broadcast %broadcast_in_dim3A_78 : f32 to vector<16xf32>
      %swap3A_80 = arith.index_cast %while3A_30 : i32 to index
      %swap3A_81 = arith.constant 48 : index
      %swap3A_82 = tpu.vector_load %arg11[%swap3A_80, %swap3A_81] {strides = array<i32>} : memref<80x128xf32, #tpu.memory_space<vmem>>, vector<1x16xf32>,
      %swap3A_83 = vector.shape_cast %swap3A_82 : vector<1x16xf32> to vector<16xf32>
      %swap3A_84 = vector.shape_cast %broadcast_in_dim3A_79 : vector<16xf32> to vector<1x16xf32>
      tpu.vector_store %arg11[%swap3A_80, %swap3A_81], %swap3A_84 {strides = array<i32>} : memref<80x128xf32, #tpu.memory_space<vmem>>, vector<1x16xf32>,
      %broadcast_in_dim3A_85 = arith.constant 0.000000e+00 : f32
      %broadcast_in_dim3A_86 = vector.broadcast %broadcast_in_dim3A_85 : f32 to vector<16xf32>
      %swap3A_87 = arith.index_cast %while3A_30 : i32 to index
      %swap3A_88 = arith.constant 64 : index
      %swap3A_89 = tpu.vector_load %arg10[%swap3A_87, %swap3A_88] {strides = array<i32>} : memref<80x128xf32, #tpu.memory_space<vmem>>, vector<1x16xf32>,
      %swap3A_90 = vector.shape_cast %swap3A_89 : vector<1x16xf32> to vector<16xf32>
      %swap3A_91 = vector.shape_cast %broadcast_in_dim3A_86 : vector<16xf32> to vector<1x16xf32>
      tpu.vector_store %arg10[%swap3A_87, %swap3A_88], %swap3A_91 {strides = array<i32>} : memref<80x128xf32, #tpu.memory_space<vmem>>, vector<1x16xf32>,
      %broadcast_in_dim3A_92 = arith.constant 1.000000e+00 : f32
      %broadcast_in_dim3A_93 = vector.broadcast %broadcast_in_dim3A_92 : f32 to vector<16xf32>
      %swap3A_94 = arith.index_cast %while3A_30 : i32 to index
      %swap3A_95 = arith.constant 64 : index
      %swap3A_96 = tpu.vector_load %arg11[%swap3A_94, %swap3A_95] {strides = array<i32>} : memref<80x128xf32, #tpu.memory_space<vmem>>, vector<1x16xf32>,
      %swap3A_97 = vector.shape_cast %swap3A_96 : vector<1x16xf32> to vector<16xf32>
      %swap3A_98 = vector.shape_cast %broadcast_in_dim3A_93 : vector<16xf32> to vector<1x16xf32>
      tpu.vector_store %arg11[%swap3A_94, %swap3A_95], %swap3A_98 {strides = array<i32>} : memref<80x128xf32, #tpu.memory_space<vmem>>, vector<1x16xf32>,
      %broadcast_in_dim3A_99 = arith.constant 0.000000e+00 : f32
      %broadcast_in_dim3A_100 = vector.broadcast %broadcast_in_dim3A_99 : f32 to vector<16xf32>
      %swap3A_101 = arith.index_cast %while3A_30 : i32 to index
      %swap3A_102 = arith.constant 80 : index
      %swap3A_103 = tpu.vector_load %arg10[%swap3A_101, %swap3A_102] {strides = array<i32>} : memref<80x128xf32, #tpu.memory_space<vmem>>, vector<1x16xf32>,
      %swap3A_104 = vector.shape_cast %swap3A_103 : vector<1x16xf32> to vector<16xf32>
      %swap3A_105 = vector.shape_cast %broadcast_in_dim3A_100 : vector<16xf32> to vector<1x16xf32>
      tpu.vector_store %arg10[%swap3A_101, %swap3A_102], %swap3A_105 {strides = array<i32>} : memref<80x128xf32, #tpu.memory_space<vmem>>, vector<1x16xf32>,
      %broadcast_in_dim3A_106 = arith.constant 0.000000e+00 : f32
      %broadcast_in_dim3A_107 = vector.broadcast %broadcast_in_dim3A_106 : f32 to vector<16xf32>
      %swap3A_108 = arith.index_cast %while3A_30 : i32 to index
      %swap3A_109 = arith.constant 80 : index
      %swap3A_110 = tpu.vector_load %arg11[%swap3A_108, %swap3A_109] {strides = array<i32>} : memref<80x128xf32, #tpu.memory_space<vmem>>, vector<1x16xf32>,
      %swap3A_111 = vector.shape_cast %swap3A_110 : vector<1x16xf32> to vector<16xf32>
      %swap3A_112 = vector.shape_cast %broadcast_in_dim3A_107 : vector<16xf32> to vector<1x16xf32>
      tpu.vector_store %arg11[%swap3A_108, %swap3A_109], %swap3A_112 {strides = array<i32>} : memref<80x128xf32, #tpu.memory_space<vmem>>, vector<1x16xf32>,
      %broadcast_in_dim3A_113 = arith.constant 0.000000e+00 : f32
      %broadcast_in_dim3A_114 = vector.broadcast %broadcast_in_dim3A_113 : f32 to vector<16xf32>
      %swap3A_115 = arith.index_cast %while3A_30 : i32 to index
      %swap3A_116 = arith.constant 96 : index
      %swap3A_117 = tpu.vector_load %arg10[%swap3A_115, %swap3A_116] {strides = array<i32>} : memref<80x128xf32, #tpu.memory_space<vmem>>, vector<1x16xf32>,
      %swap3A_118 = vector.shape_cast %swap3A_117 : vector<1x16xf32> to vector<16xf32>
      %swap3A_119 = vector.shape_cast %broadcast_in_dim3A_114 : vector<16xf32> to vector<1x16xf32>
      tpu.vector_store %arg10[%swap3A_115, %swap3A_116], %swap3A_119 {strides = array<i32>} : memref<80x128xf32, #tpu.memory_space<vmem>>, vector<1x16xf32>,
      %broadcast_in_dim3A_120 = arith.constant 0.000000e+00 : f32
      %broadcast_in_dim3A_121 = vector.broadcast %broadcast_in_dim3A_120 : f32 to vector<16xf32>
      %swap3A_122 = arith.index_cast %while3A_30 : i32 to index
      %swap3A_123 = arith.constant 96 : index
      %swap3A_124 = tpu.vector_load %arg11[%swap3A_122, %swap3A_123] {strides = array<i32>} : memref<80x128xf32, #tpu.memory_space<vmem>>, vector<1x16xf32>,
      %swap3A_125 = vector.shape_cast %swap3A_124 : vector<1x16xf32> to vector<16xf32>
      %swap3A_126 = vector.shape_cast %broadcast_in_dim3A_121 : vector<16xf32> to vector<1x16xf32>
      tpu.vector_store %arg11[%swap3A_122, %swap3A_123], %swap3A_126 {strides = array<i32>} : memref<80x128xf32, #tpu.memory_space<vmem>>, vector<1x16xf32>,
      %broadcast_in_dim3A_127 = arith.constant 0.000000e+00 : f32
      %broadcast_in_dim3A_128 = vector.broadcast %broadcast_in_dim3A_127 : f32 to vector<16xf32>
      %swap3A_129 = arith.index_cast %while3A_30 : i32 to index
      %swap3A_130 = arith.constant 112 : index
      %swap3A_131 = tpu.vector_load %arg10[%swap3A_129, %swap3A_130] {strides = array<i32>} : memref<80x128xf32, #tpu.memory_space<vmem>>, vector<1x16xf32>,
      %swap3A_132 = vector.shape_cast %swap3A_131 : vector<1x16xf32> to vector<16xf32>
      %swap3A_133 = vector.shape_cast %broadcast_in_dim3A_128 : vector<16xf32> to vector<1x16xf32>
      tpu.vector_store %arg10[%swap3A_129, %swap3A_130], %swap3A_133 {strides = array<i32>} : memref<80x128xf32, #tpu.memory_space<vmem>>, vector<1x16xf32>,
      %broadcast_in_dim3A_134 = arith.constant 0.000000e+00 : f32
      %broadcast_in_dim3A_135 = vector.broadcast %broadcast_in_dim3A_134 : f32 to vector<16xf32>
      %swap3A_136 = arith.index_cast %while3A_30 : i32 to index
      %swap3A_137 = arith.constant 112 : index
      %swap3A_138 = tpu.vector_load %arg11[%swap3A_136, %swap3A_137] {strides = array<i32>} : memref<80x128xf32, #tpu.memory_space<vmem>>, vector<1x16xf32>,
      %swap3A_139 = vector.shape_cast %swap3A_138 : vector<1x16xf32> to vector<16xf32>
      %swap3A_140 = vector.shape_cast %broadcast_in_dim3A_135 : vector<16xf32> to vector<1x16xf32>
      tpu.vector_store %arg11[%swap3A_136, %swap3A_137], %swap3A_140 {strides = array<i32>} : memref<80x128xf32, #tpu.memory_space<vmem>>, vector<1x16xf32>,
    }
    %barrier3A = arith.constant 0 : index
    tpu.barrier barrier_id(%barrier3A)
    %while3A_15 = arith.constant 0 : i32
    %while3A_16 = arith.constant 0 : i32
    %while3A_17 = arith.constant 125 : i32
    %while3A_18 = arith.subi %while3A_17, %while3A_16 : i32
    %while3A_19 = arith.addi %while3A_16, %while3A_18 : i32
    %while3A_20 = arith.constant 1 : i32
    %while3A_21 = arith.divsi %while3A_18, %while3A_20 : i32
    %while3A_22 = arith.muli %while3A_21, %while3A_20 : i32
    %while3A_23 = arith.addi %while3A_16, %while3A_22 : i32
    %while3A_24 = arith.constant 1 : i32
    scf.for %while3A_30 = %while3A_16 to %while3A_23 step %while3A_24  : i32 {
      %mul3A_31 = arith.constant 80 : i32
      %mul3A_32 = arith.muli %while3A_30, %mul3A_31 : i32
      %add3A_33 = arith.constant 0 : i32
      %add3A_34 = arith.addi %mul3A_32, %add3A_33 : i32
      %get3A = arith.index_cast %add3A_34 : i32 to index
      %get3A_35 = tpu.vector_load %arg6[%get3A] {strides = array<i32>} : memref<10000xi32, #tpu.memory_space<vmem>>, vector<16xi32>,
      %get3A_36 = vector.shape_cast %get3A_35 : vector<16xi32> to vector<16xi32>
      %swap3A = arith.constant 0 : index
      %swap3A_37 = tpu.vector_load %arg8[%swap3A] {strides = array<i32>} : memref<80xi32, #tpu.memory_space<vmem>>, vector<16xi32>,
      %swap3A_38 = vector.shape_cast %swap3A_37 : vector<16xi32> to vector<16xi32>
      %swap3A_39 = vector.shape_cast %get3A_36 : vector<16xi32> to vector<16xi32>
      tpu.vector_store %arg8[%swap3A], %swap3A_39 {strides = array<i32>} : memref<80xi32, #tpu.memory_space<vmem>>, vector<16xi32>,
      %add3A_40 = arith.constant 0 : i32
      %add3A_41 = arith.addi %mul3A_32, %add3A_40 : i32
      %get3A_42 = arith.index_cast %add3A_41 : i32 to index
      %get3A_43 = tpu.vector_load %arg7[%get3A_42] {strides = array<i32>} : memref<10000xi32, #tpu.memory_space<vmem>>, vector<16xi32>,
      %get3A_44 = vector.shape_cast %get3A_43 : vector<16xi32> to vector<16xi32>
      %swap3A_45 = arith.constant 0 : index
      %swap3A_46 = tpu.vector_load %arg9[%swap3A_45] {strides = array<i32>} : memref<80xi32, #tpu.memory_space<vmem>>, vector<16xi32>,
      %swap3A_47 = vector.shape_cast %swap3A_46 : vector<16xi32> to vector<16xi32>
      %swap3A_48 = vector.shape_cast %get3A_44 : vector<16xi32> to vector<16xi32>
      tpu.vector_store %arg9[%swap3A_45], %swap3A_48 {strides = array<i32>} : memref<80xi32, #tpu.memory_space<vmem>>, vector<16xi32>,
      %add3A_49 = arith.constant 16 : i32
      %add3A_50 = arith.addi %mul3A_32, %add3A_49 : i32
      %get3A_51 = arith.index_cast %add3A_50 : i32 to index
      %get3A_52 = tpu.vector_load %arg6[%get3A_51] {strides = array<i32>} : memref<10000xi32, #tpu.memory_space<vmem>>, vector<16xi32>,
      %get3A_53 = vector.shape_cast %get3A_52 : vector<16xi32> to vector<16xi32>
      %swap3A_54 = arith.constant 16 : index
      %swap3A_55 = tpu.vector_load %arg8[%swap3A_54] {strides = array<i32>} : memref<80xi32, #tpu.memory_space<vmem>>, vector<16xi32>,
      %swap3A_56 = vector.shape_cast %swap3A_55 : vector<16xi32> to vector<16xi32>
      %swap3A_57 = vector.shape_cast %get3A_53 : vector<16xi32> to vector<16xi32>
      tpu.vector_store %arg8[%swap3A_54], %swap3A_57 {strides = array<i32>} : memref<80xi32, #tpu.memory_space<vmem>>, vector<16xi32>,
      %add3A_58 = arith.constant 16 : i32
      %add3A_59 = arith.addi %mul3A_32, %add3A_58 : i32
      %get3A_60 = arith.index_cast %add3A_59 : i32 to index
      %get3A_61 = tpu.vector_load %arg7[%get3A_60] {strides = array<i32>} : memref<10000xi32, #tpu.memory_space<vmem>>, vector<16xi32>,
      %get3A_62 = vector.shape_cast %get3A_61 : vector<16xi32> to vector<16xi32>
      %swap3A_63 = arith.constant 16 : index
      %swap3A_64 = tpu.vector_load %arg9[%swap3A_63] {strides = array<i32>} : memref<80xi32, #tpu.memory_space<vmem>>, vector<16xi32>,
      %swap3A_65 = vector.shape_cast %swap3A_64 : vector<16xi32> to vector<16xi32>
      %swap3A_66 = vector.shape_cast %get3A_62 : vector<16xi32> to vector<16xi32>
      tpu.vector_store %arg9[%swap3A_63], %swap3A_66 {strides = array<i32>} : memref<80xi32, #tpu.memory_space<vmem>>, vector<16xi32>,
      %add3A_67 = arith.constant 32 : i32
      %add3A_68 = arith.addi %mul3A_32, %add3A_67 : i32
      %get3A_69 = arith.index_cast %add3A_68 : i32 to index
      %get3A_70 = tpu.vector_load %arg6[%get3A_69] {strides = array<i32>} : memref<10000xi32, #tpu.memory_space<vmem>>, vector<16xi32>,
      %get3A_71 = vector.shape_cast %get3A_70 : vector<16xi32> to vector<16xi32>
      %swap3A_72 = arith.constant 32 : index
      %swap3A_73 = tpu.vector_load %arg8[%swap3A_72] {strides = array<i32>} : memref<80xi32, #tpu.memory_space<vmem>>, vector<16xi32>,
      %swap3A_74 = vector.shape_cast %swap3A_73 : vector<16xi32> to vector<16xi32>
      %swap3A_75 = vector.shape_cast %get3A_71 : vector<16xi32> to vector<16xi32>
      tpu.vector_store %arg8[%swap3A_72], %swap3A_75 {strides = array<i32>} : memref<80xi32, #tpu.memory_space<vmem>>, vector<16xi32>,
      %add3A_76 = arith.constant 32 : i32
      %add3A_77 = arith.addi %mul3A_32, %add3A_76 : i32
      %get3A_78 = arith.index_cast %add3A_77 : i32 to index
      %get3A_79 = tpu.vector_load %arg7[%get3A_78] {strides = array<i32>} : memref<10000xi32, #tpu.memory_space<vmem>>, vector<16xi32>,
      %get3A_80 = vector.shape_cast %get3A_79 : vector<16xi32> to vector<16xi32>
      %swap3A_81 = arith.constant 32 : index
      %swap3A_82 = tpu.vector_load %arg9[%swap3A_81] {strides = array<i32>} : memref<80xi32, #tpu.memory_space<vmem>>, vector<16xi32>,
      %swap3A_83 = vector.shape_cast %swap3A_82 : vector<16xi32> to vector<16xi32>
      %swap3A_84 = vector.shape_cast %get3A_80 : vector<16xi32> to vector<16xi32>
      tpu.vector_store %arg9[%swap3A_81], %swap3A_84 {strides = array<i32>} : memref<80xi32, #tpu.memory_space<vmem>>, vector<16xi32>,
      %add3A_85 = arith.constant 48 : i32
      %add3A_86 = arith.addi %mul3A_32, %add3A_85 : i32
      %get3A_87 = arith.index_cast %add3A_86 : i32 to index
      %get3A_88 = tpu.vector_load %arg6[%get3A_87] {strides = array<i32>} : memref<10000xi32, #tpu.memory_space<vmem>>, vector<16xi32>,
      %get3A_89 = vector.shape_cast %get3A_88 : vector<16xi32> to vector<16xi32>
      %swap3A_90 = arith.constant 48 : index
      %swap3A_91 = tpu.vector_load %arg8[%swap3A_90] {strides = array<i32>} : memref<80xi32, #tpu.memory_space<vmem>>, vector<16xi32>,
      %swap3A_92 = vector.shape_cast %swap3A_91 : vector<16xi32> to vector<16xi32>
      %swap3A_93 = vector.shape_cast %get3A_89 : vector<16xi32> to vector<16xi32>
      tpu.vector_store %arg8[%swap3A_90], %swap3A_93 {strides = array<i32>} : memref<80xi32, #tpu.memory_space<vmem>>, vector<16xi32>,
      %add3A_94 = arith.constant 48 : i32
      %add3A_95 = arith.addi %mul3A_32, %add3A_94 : i32
      %get3A_96 = arith.index_cast %add3A_95 : i32 to index
      %get3A_97 = tpu.vector_load %arg7[%get3A_96] {strides = array<i32>} : memref<10000xi32, #tpu.memory_space<vmem>>, vector<16xi32>,
      %get3A_98 = vector.shape_cast %get3A_97 : vector<16xi32> to vector<16xi32>
      %swap3A_99 = arith.constant 48 : index
      %swap3A_100 = tpu.vector_load %arg9[%swap3A_99] {strides = array<i32>} : memref<80xi32, #tpu.memory_space<vmem>>, vector<16xi32>,
      %swap3A_101 = vector.shape_cast %swap3A_100 : vector<16xi32> to vector<16xi32>
      %swap3A_102 = vector.shape_cast %get3A_98 : vector<16xi32> to vector<16xi32>
      tpu.vector_store %arg9[%swap3A_99], %swap3A_102 {strides = array<i32>} : memref<80xi32, #tpu.memory_space<vmem>>, vector<16xi32>,
      %add3A_103 = arith.constant 64 : i32
      %add3A_104 = arith.addi %mul3A_32, %add3A_103 : i32
      %get3A_105 = arith.index_cast %add3A_104 : i32 to index
      %get3A_106 = tpu.vector_load %arg6[%get3A_105] {strides = array<i32>} : memref<10000xi32, #tpu.memory_space<vmem>>, vector<16xi32>,
      %get3A_107 = vector.shape_cast %get3A_106 : vector<16xi32> to vector<16xi32>
      %swap3A_108 = arith.constant 64 : index
      %swap3A_109 = tpu.vector_load %arg8[%swap3A_108] {strides = array<i32>} : memref<80xi32, #tpu.memory_space<vmem>>, vector<16xi32>,
      %swap3A_110 = vector.shape_cast %swap3A_109 : vector<16xi32> to vector<16xi32>
      %swap3A_111 = vector.shape_cast %get3A_107 : vector<16xi32> to vector<16xi32>
      tpu.vector_store %arg8[%swap3A_108], %swap3A_111 {strides = array<i32>} : memref<80xi32, #tpu.memory_space<vmem>>, vector<16xi32>,
      %add3A_112 = arith.constant 64 : i32
      %add3A_113 = arith.addi %mul3A_32, %add3A_112 : i32
      %get3A_114 = arith.index_cast %add3A_113 : i32 to index
      %get3A_115 = tpu.vector_load %arg7[%get3A_114] {strides = array<i32>} : memref<10000xi32, #tpu.memory_space<vmem>>, vector<16xi32>,
      %get3A_116 = vector.shape_cast %get3A_115 : vector<16xi32> to vector<16xi32>
      %swap3A_117 = arith.constant 64 : index
      %swap3A_118 = tpu.vector_load %arg9[%swap3A_117] {strides = array<i32>} : memref<80xi32, #tpu.memory_space<vmem>>, vector<16xi32>,
      %swap3A_119 = vector.shape_cast %swap3A_118 : vector<16xi32> to vector<16xi32>
      %swap3A_120 = vector.shape_cast %get3A_116 : vector<16xi32> to vector<16xi32>
      tpu.vector_store %arg9[%swap3A_117], %swap3A_120 {strides = array<i32>} : memref<80xi32, #tpu.memory_space<vmem>>, vector<16xi32>,
      "tpu.region"() ({
        %run_scoped3A = tpu.sem_alloc : memref<!tpu.dma_semaphore, #tpu.memory_space<semaphore_mem>>
        %dma_start3A = arith.constant 0 : i32
        %dma_start3A_121 = arith.constant 0 : i32
        %dma_start3A_122 = tpu.memref_slice %arg12[%dma_start3A, %dma_start3A_121] : memref<10240x128xf32, #tpu.memory_space<vmem_shared>> -> memref<10240x128xf32, #tpu.memory_space<vmem_shared>>
        tpu.enqueue_indirect_dma source(%arg10 : memref<80x128xf32, #tpu.memory_space<vmem>>) target(%dma_start3A_122 : memref<10240x128xf32, #tpu.memory_space<vmem_shared>>) offsets(%arg8 : memref<80xi32, #tpu.memory_space<vmem>>) semaphore(%run_scoped3A : memref<!tpu.dma_semaphore, #tpu.memory_space<semaphore_mem>>) {add = true}
        %dma_wait3A = arith.constant 0 : i32
        %dma_wait3A_123 = arith.constant 0 : i32
        %dma_wait3A_124 = tpu.memref_slice %arg12[%dma_wait3A, %dma_wait3A_123] : memref<10240x128xf32, #tpu.memory_space<vmem_shared>> -> memref<10240x128xf32, #tpu.memory_space<vmem_shared>>
        tpu.wait_indirect_dma semaphore(%run_scoped3A : memref<!tpu.dma_semaphore, #tpu.memory_space<semaphore_mem>>) src(%arg10 : memref<80x128xf32, #tpu.memory_space<vmem>>) dst(%dma_wait3A_124 : memref<10240x128xf32, #tpu.memory_space<vmem_shared>>)
        tpu.yield
      }) : () -> ()
      "tpu.region"() ({
        %run_scoped3A = tpu.sem_alloc : memref<!tpu.dma_semaphore, #tpu.memory_space<semaphore_mem>>
        %dma_start3A = arith.constant 0 : i32
        %dma_start3A_121 = arith.constant 0 : i32
        %dma_start3A_122 = tpu.memref_slice %arg12[%dma_start3A, %dma_start3A_121] : memref<10240x128xf32, #tpu.memory_space<vmem_shared>> -> memref<10240x128xf32, #tpu.memory_space<vmem_shared>>
        tpu.enqueue_indirect_dma source(%arg11 : memref<80x128xf32, #tpu.memory_space<vmem>>) target(%dma_start3A_122 : memref<10240x128xf32, #tpu.memory_space<vmem_shared>>) offsets(%arg9 : memref<80xi32, #tpu.memory_space<vmem>>) semaphore(%run_scoped3A : memref<!tpu.dma_semaphore, #tpu.memory_space<semaphore_mem>>) {add = true}
        %dma_wait3A = arith.constant 0 : i32
        %dma_wait3A_123 = arith.constant 0 : i32
        %dma_wait3A_124 = tpu.memref_slice %arg12[%dma_wait3A, %dma_wait3A_123] : memref<10240x128xf32, #tpu.memory_space<vmem_shared>> -> memref<10240x128xf32, #tpu.memory_space<vmem_shared>>
        tpu.wait_indirect_dma semaphore(%run_scoped3A : memref<!tpu.dma_semaphore, #tpu.memory_space<semaphore_mem>>) src(%arg11 : memref<80x128xf32, #tpu.memory_space<vmem>>) dst(%dma_wait3A_124 : memref<10240x128xf32, #tpu.memory_space<vmem_shared>>)
        tpu.yield
      }) : () -> ()
    }
    %while3A_25 = arith.constant 1 : i32
    scf.for %while3A_30 = %while3A_23 to %while3A_19 step %while3A_25  : i32 {
      %mul3A_31 = arith.constant 80 : i32
      %mul3A_32 = arith.muli %while3A_30, %mul3A_31 : i32
      %add3A_33 = arith.constant 0 : i32
      %add3A_34 = arith.addi %mul3A_32, %add3A_33 : i32
      %get3A = arith.index_cast %add3A_34 : i32 to index
      %get3A_35 = tpu.vector_load %arg6[%get3A] {strides = array<i32>} : memref<10000xi32, #tpu.memory_space<vmem>>, vector<16xi32>,
      %get3A_36 = vector.shape_cast %get3A_35 : vector<16xi32> to vector<16xi32>
      %swap3A = arith.constant 0 : index
      %swap3A_37 = tpu.vector_load %arg8[%swap3A] {strides = array<i32>} : memref<80xi32, #tpu.memory_space<vmem>>, vector<16xi32>,
      %swap3A_38 = vector.shape_cast %swap3A_37 : vector<16xi32> to vector<16xi32>
      %swap3A_39 = vector.shape_cast %get3A_36 : vector<16xi32> to vector<16xi32>
      tpu.vector_store %arg8[%swap3A], %swap3A_39 {strides = array<i32>} : memref<80xi32, #tpu.memory_space<vmem>>, vector<16xi32>,
      %add3A_40 = arith.constant 0 : i32
      %add3A_41 = arith.addi %mul3A_32, %add3A_40 : i32
      %get3A_42 = arith.index_cast %add3A_41 : i32 to index
      %get3A_43 = tpu.vector_load %arg7[%get3A_42] {strides = array<i32>} : memref<10000xi32, #tpu.memory_space<vmem>>, vector<16xi32>,
      %get3A_44 = vector.shape_cast %get3A_43 : vector<16xi32> to vector<16xi32>
      %swap3A_45 = arith.constant 0 : index
      %swap3A_46 = tpu.vector_load %arg9[%swap3A_45] {strides = array<i32>} : memref<80xi32, #tpu.memory_space<vmem>>, vector<16xi32>,
      %swap3A_47 = vector.shape_cast %swap3A_46 : vector<16xi32> to vector<16xi32>
      %swap3A_48 = vector.shape_cast %get3A_44 : vector<16xi32> to vector<16xi32>
      tpu.vector_store %arg9[%swap3A_45], %swap3A_48 {strides = array<i32>} : memref<80xi32, #tpu.memory_space<vmem>>, vector<16xi32>,
      %add3A_49 = arith.constant 16 : i32
      %add3A_50 = arith.addi %mul3A_32, %add3A_49 : i32
      %get3A_51 = arith.index_cast %add3A_50 : i32 to index
      %get3A_52 = tpu.vector_load %arg6[%get3A_51] {strides = array<i32>} : memref<10000xi32, #tpu.memory_space<vmem>>, vector<16xi32>,
      %get3A_53 = vector.shape_cast %get3A_52 : vector<16xi32> to vector<16xi32>
      %swap3A_54 = arith.constant 16 : index
      %swap3A_55 = tpu.vector_load %arg8[%swap3A_54] {strides = array<i32>} : memref<80xi32, #tpu.memory_space<vmem>>, vector<16xi32>,
      %swap3A_56 = vector.shape_cast %swap3A_55 : vector<16xi32> to vector<16xi32>
      %swap3A_57 = vector.shape_cast %get3A_53 : vector<16xi32> to vector<16xi32>
      tpu.vector_store %arg8[%swap3A_54], %swap3A_57 {strides = array<i32>} : memref<80xi32, #tpu.memory_space<vmem>>, vector<16xi32>,
      %add3A_58 = arith.constant 16 : i32
      %add3A_59 = arith.addi %mul3A_32, %add3A_58 : i32
      %get3A_60 = arith.index_cast %add3A_59 : i32 to index
      %get3A_61 = tpu.vector_load %arg7[%get3A_60] {strides = array<i32>} : memref<10000xi32, #tpu.memory_space<vmem>>, vector<16xi32>,
      %get3A_62 = vector.shape_cast %get3A_61 : vector<16xi32> to vector<16xi32>
      %swap3A_63 = arith.constant 16 : index
      %swap3A_64 = tpu.vector_load %arg9[%swap3A_63] {strides = array<i32>} : memref<80xi32, #tpu.memory_space<vmem>>, vector<16xi32>,
      %swap3A_65 = vector.shape_cast %swap3A_64 : vector<16xi32> to vector<16xi32>
      %swap3A_66 = vector.shape_cast %get3A_62 : vector<16xi32> to vector<16xi32>
      tpu.vector_store %arg9[%swap3A_63], %swap3A_66 {strides = array<i32>} : memref<80xi32, #tpu.memory_space<vmem>>, vector<16xi32>,
      %add3A_67 = arith.constant 32 : i32
      %add3A_68 = arith.addi %mul3A_32, %add3A_67 : i32
      %get3A_69 = arith.index_cast %add3A_68 : i32 to index
      %get3A_70 = tpu.vector_load %arg6[%get3A_69] {strides = array<i32>} : memref<10000xi32, #tpu.memory_space<vmem>>, vector<16xi32>,
      %get3A_71 = vector.shape_cast %get3A_70 : vector<16xi32> to vector<16xi32>
      %swap3A_72 = arith.constant 32 : index
      %swap3A_73 = tpu.vector_load %arg8[%swap3A_72] {strides = array<i32>} : memref<80xi32, #tpu.memory_space<vmem>>, vector<16xi32>,
      %swap3A_74 = vector.shape_cast %swap3A_73 : vector<16xi32> to vector<16xi32>
      %swap3A_75 = vector.shape_cast %get3A_71 : vector<16xi32> to vector<16xi32>
      tpu.vector_store %arg8[%swap3A_72], %swap3A_75 {strides = array<i32>} : memref<80xi32, #tpu.memory_space<vmem>>, vector<16xi32>,
      %add3A_76 = arith.constant 32 : i32
      %add3A_77 = arith.addi %mul3A_32, %add3A_76 : i32
      %get3A_78 = arith.index_cast %add3A_77 : i32 to index
      %get3A_79 = tpu.vector_load %arg7[%get3A_78] {strides = array<i32>} : memref<10000xi32, #tpu.memory_space<vmem>>, vector<16xi32>,
      %get3A_80 = vector.shape_cast %get3A_79 : vector<16xi32> to vector<16xi32>
      %swap3A_81 = arith.constant 32 : index
      %swap3A_82 = tpu.vector_load %arg9[%swap3A_81] {strides = array<i32>} : memref<80xi32, #tpu.memory_space<vmem>>, vector<16xi32>,
      %swap3A_83 = vector.shape_cast %swap3A_82 : vector<16xi32> to vector<16xi32>
      %swap3A_84 = vector.shape_cast %get3A_80 : vector<16xi32> to vector<16xi32>
      tpu.vector_store %arg9[%swap3A_81], %swap3A_84 {strides = array<i32>} : memref<80xi32, #tpu.memory_space<vmem>>, vector<16xi32>,
      %add3A_85 = arith.constant 48 : i32
      %add3A_86 = arith.addi %mul3A_32, %add3A_85 : i32
      %get3A_87 = arith.index_cast %add3A_86 : i32 to index
      %get3A_88 = tpu.vector_load %arg6[%get3A_87] {strides = array<i32>} : memref<10000xi32, #tpu.memory_space<vmem>>, vector<16xi32>,
      %get3A_89 = vector.shape_cast %get3A_88 : vector<16xi32> to vector<16xi32>
      %swap3A_90 = arith.constant 48 : index
      %swap3A_91 = tpu.vector_load %arg8[%swap3A_90] {strides = array<i32>} : memref<80xi32, #tpu.memory_space<vmem>>, vector<16xi32>,
      %swap3A_92 = vector.shape_cast %swap3A_91 : vector<16xi32> to vector<16xi32>
      %swap3A_93 = vector.shape_cast %get3A_89 : vector<16xi32> to vector<16xi32>
      tpu.vector_store %arg8[%swap3A_90], %swap3A_93 {strides = array<i32>} : memref<80xi32, #tpu.memory_space<vmem>>, vector<16xi32>,
      %add3A_94 = arith.constant 48 : i32
      %add3A_95 = arith.addi %mul3A_32, %add3A_94 : i32
      %get3A_96 = arith.index_cast %add3A_95 : i32 to index
      %get3A_97 = tpu.vector_load %arg7[%get3A_96] {strides = array<i32>} : memref<10000xi32, #tpu.memory_space<vmem>>, vector<16xi32>,
      %get3A_98 = vector.shape_cast %get3A_97 : vector<16xi32> to vector<16xi32>
      %swap3A_99 = arith.constant 48 : index
      %swap3A_100 = tpu.vector_load %arg9[%swap3A_99] {strides = array<i32>} : memref<80xi32, #tpu.memory_space<vmem>>, vector<16xi32>,
      %swap3A_101 = vector.shape_cast %swap3A_100 : vector<16xi32> to vector<16xi32>
      %swap3A_102 = vector.shape_cast %get3A_98 : vector<16xi32> to vector<16xi32>
      tpu.vector_store %arg9[%swap3A_99], %swap3A_102 {strides = array<i32>} : memref<80xi32, #tpu.memory_space<vmem>>, vector<16xi32>,
      %add3A_103 = arith.constant 64 : i32
      %add3A_104 = arith.addi %mul3A_32, %add3A_103 : i32
      %get3A_105 = arith.index_cast %add3A_104 : i32 to index
      %get3A_106 = tpu.vector_load %arg6[%get3A_105] {strides = array<i32>} : memref<10000xi32, #tpu.memory_space<vmem>>, vector<16xi32>,
      %get3A_107 = vector.shape_cast %get3A_106 : vector<16xi32> to vector<16xi32>
      %swap3A_108 = arith.constant 64 : index
      %swap3A_109 = tpu.vector_load %arg8[%swap3A_108] {strides = array<i32>} : memref<80xi32, #tpu.memory_space<vmem>>, vector<16xi32>,
      %swap3A_110 = vector.shape_cast %swap3A_109 : vector<16xi32> to vector<16xi32>
      %swap3A_111 = vector.shape_cast %get3A_107 : vector<16xi32> to vector<16xi32>
      tpu.vector_store %arg8[%swap3A_108], %swap3A_111 {strides = array<i32>} : memref<80xi32, #tpu.memory_space<vmem>>, vector<16xi32>,
      %add3A_112 = arith.constant 64 : i32
      %add3A_113 = arith.addi %mul3A_32, %add3A_112 : i32
      %get3A_114 = arith.index_cast %add3A_113 : i32 to index
      %get3A_115 = tpu.vector_load %arg7[%get3A_114] {strides = array<i32>} : memref<10000xi32, #tpu.memory_space<vmem>>, vector<16xi32>,
      %get3A_116 = vector.shape_cast %get3A_115 : vector<16xi32> to vector<16xi32>
      %swap3A_117 = arith.constant 64 : index
      %swap3A_118 = tpu.vector_load %arg9[%swap3A_117] {strides = array<i32>} : memref<80xi32, #tpu.memory_space<vmem>>, vector<16xi32>,
      %swap3A_119 = vector.shape_cast %swap3A_118 : vector<16xi32> to vector<16xi32>
      %swap3A_120 = vector.shape_cast %get3A_116 : vector<16xi32> to vector<16xi32>
      tpu.vector_store %arg9[%swap3A_117], %swap3A_120 {strides = array<i32>} : memref<80xi32, #tpu.memory_space<vmem>>, vector<16xi32>,
      "tpu.region"() ({
        %run_scoped3A = tpu.sem_alloc : memref<!tpu.dma_semaphore, #tpu.memory_space<semaphore_mem>>
        %dma_start3A = arith.constant 0 : i32
        %dma_start3A_121 = arith.constant 0 : i32
        %dma_start3A_122 = tpu.memref_slice %arg12[%dma_start3A, %dma_start3A_121] : memref<10240x128xf32, #tpu.memory_space<vmem_shared>> -> memref<10240x128xf32, #tpu.memory_space<vmem_shared>>
        tpu.enqueue_indirect_dma source(%arg10 : memref<80x128xf32, #tpu.memory_space<vmem>>) target(%dma_start3A_122 : memref<10240x128xf32, #tpu.memory_space<vmem_shared>>) offsets(%arg8 : memref<80xi32, #tpu.memory_space<vmem>>) semaphore(%run_scoped3A : memref<!tpu.dma_semaphore, #tpu.memory_space<semaphore_mem>>) {add = true}
        %dma_wait3A = arith.constant 0 : i32
        %dma_wait3A_123 = arith.constant 0 : i32
        %dma_wait3A_124 = tpu.memref_slice %arg12[%dma_wait3A, %dma_wait3A_123] : memref<10240x128xf32, #tpu.memory_space<vmem_shared>> -> memref<10240x128xf32, #tpu.memory_space<vmem_shared>>
        tpu.wait_indirect_dma semaphore(%run_scoped3A : memref<!tpu.dma_semaphore, #tpu.memory_space<semaphore_mem>>) src(%arg10 : memref<80x128xf32, #tpu.memory_space<vmem>>) dst(%dma_wait3A_124 : memref<10240x128xf32, #tpu.memory_space<vmem_shared>>)
        tpu.yield
      }) : () -> ()
      "tpu.region"() ({
        %run_scoped3A = tpu.sem_alloc : memref<!tpu.dma_semaphore, #tpu.memory_space<semaphore_mem>>
        %dma_start3A = arith.constant 0 : i32
        %dma_start3A_121 = arith.constant 0 : i32
        %dma_start3A_122 = tpu.memref_slice %arg12[%dma_start3A, %dma_start3A_121] : memref<10240x128xf32, #tpu.memory_space<vmem_shared>> -> memref<10240x128xf32, #tpu.memory_space<vmem_shared>>
        tpu.enqueue_indirect_dma source(%arg11 : memref<80x128xf32, #tpu.memory_space<vmem>>) target(%dma_start3A_122 : memref<10240x128xf32, #tpu.memory_space<vmem_shared>>) offsets(%arg9 : memref<80xi32, #tpu.memory_space<vmem>>) semaphore(%run_scoped3A : memref<!tpu.dma_semaphore, #tpu.memory_space<semaphore_mem>>) {add = true}
        %dma_wait3A = arith.constant 0 : i32
        %dma_wait3A_123 = arith.constant 0 : i32
        %dma_wait3A_124 = tpu.memref_slice %arg12[%dma_wait3A, %dma_wait3A_123] : memref<10240x128xf32, #tpu.memory_space<vmem_shared>> -> memref<10240x128xf32, #tpu.memory_space<vmem_shared>>
        tpu.wait_indirect_dma semaphore(%run_scoped3A : memref<!tpu.dma_semaphore, #tpu.memory_space<semaphore_mem>>) src(%arg11 : memref<80x128xf32, #tpu.memory_space<vmem>>) dst(%dma_wait3A_124 : memref<10240x128xf32, #tpu.memory_space<vmem_shared>>)
        tpu.yield
      }) : () -> ()
    }
    %barrier3A_26 = arith.constant 0 : index
    tpu.barrier barrier_id(%barrier3A_26)
    %mul3A_27 = arith.constant 10240 : i32
    %mul3A_28 = arith.muli %arg0, %mul3A_27 : i32
    %add3A_29 = arith.addi %mul3A_28, %mul3A_2 : i32
    "tpu.region"() ({
      %run_scoped3A = tpu.sem_alloc : memref<!tpu.dma_semaphore, #tpu.memory_space<semaphore_mem>>
      %dma_start3A = arith.constant 0 : i32
      %dma_start3A_30 = tpu.memref_slice %arg5[%add3A_29, %dma_start3A] : memref<20480x128xf32, #tpu.memory_space<hbm>> -> memref<640x128xf32, #tpu.memory_space<hbm>>
      %dma_start3A_31 = arith.constant 0 : i32
      %dma_start3A_32 = tpu.memref_slice %arg12[%mul3A_2, %dma_start3A_31] : memref<10240x128xf32, #tpu.memory_space<vmem_shared>> -> memref<640x128xf32, #tpu.memory_space<vmem_shared>>
      tpu.enqueue_dma source(%dma_start3A_32 : memref<640x128xf32, #tpu.memory_space<vmem_shared>>) target(%dma_start3A_30 : memref<640x128xf32, #tpu.memory_space<hbm>>) target_semaphore(%run_scoped3A : memref<!tpu.dma_semaphore, #tpu.memory_space<semaphore_mem>>)
      %dma_wait3A = arith.constant 0 : i32
      %dma_wait3A_33 = tpu.memref_slice %arg5[%add3A_29, %dma_wait3A] : memref<20480x128xf32, #tpu.memory_space<hbm>> -> memref<640x128xf32, #tpu.memory_space<hbm>>
      %dma_wait3A_34 = arith.constant 0 : i32
      %dma_wait3A_35 = tpu.memref_slice %arg12[%mul3A_2, %dma_wait3A_34] : memref<10240x128xf32, #tpu.memory_space<vmem_shared>> -> memref<640x128xf32, #tpu.memory_space<vmem_shared>>
      tpu.wait_dma2 semaphore(%run_scoped3A : memref<!tpu.dma_semaphore, #tpu.memory_space<semaphore_mem>>) src(%dma_wait3A_35 : memref<640x128xf32, #tpu.memory_space<vmem_shared>>) dst(%dma_wait3A_33 : memref<640x128xf32, #tpu.memory_space<hbm>>)
      tpu.yield
    }) : () -> ()
    return
  }
}

#map = affine_map<(d0, d1) -> (0, 0)>
#map1 = affine_map<(d0, d1) -> (0)>
module attributes {stable_mosaic.version = 14 : i64} {
  func.func @_agg_kernel(%arg0: i32, %arg1: i32, %arg2: memref<10000x128xf32, #tpu.memory_space<hbm>>, %arg3: memref<320000xi32, #tpu.memory_space<hbm>>, %arg4: memref<320000xi32, #tpu.memory_space<hbm>>, %arg5: memref<10240x128xf32, #tpu.memory_space<hbm>>, %arg6: memref<20480x128xf32, #tpu.memory_space<hbm>>, %arg7: memref<10000xi32, #tpu.memory_space<vmem>>, %arg8: memref<10000xi32, #tpu.memory_space<vmem>>, %arg9: memref<80xi32, #tpu.memory_space<vmem>>, %arg10: memref<80xi32, #tpu.memory_space<vmem>>, %arg11: memref<80x128xf32, #tpu.memory_space<vmem>>, %arg12: memref<80x128xf32, #tpu.memory_space<vmem>>, %arg13: memref<10240x128xf32, #tpu.memory_space<vmem_shared>>, %arg14: memref<!tpu.dma_semaphore, #tpu.memory_space<semaphore_mem>>, %arg15: memref<!tpu.dma_semaphore, #tpu.memory_space<semaphore_mem>>) attributes {dimension_semantics = [#tpu.dimension_semantics<core_parallel>, #tpu.dimension_semantics<subcore_parallel>], iteration_bounds = array<i64: 2, 16>, scalar_prefetch = 0 : i64, scratch_operands = 9 : i64, tpu.core_type = #tpu.core_type<sc_vector_subcore>, window_params = [{transform_indices = #map}, {transform_indices = #map1}, {transform_indices = #map1}, {transform_indices = #map}, {transform_indices = #map}]} {
    %mul3A = arith.constant 16 : i32
    %mul3A_0 = arith.muli %arg0, %mul3A : i32
    %add3A = arith.addi %mul3A_0, %arg1 : i32
    %mul3A_1 = arith.constant 640 : i32
    %mul3A_2 = arith.muli %arg1, %mul3A_1 : i32
    %mul3A_3 = arith.constant 10000 : i32
    %mul3A_4 = arith.muli %add3A, %mul3A_3 : i32
    "tpu.region"() ({
      %run_scoped3A = tpu.sem_alloc : memref<!tpu.dma_semaphore, #tpu.memory_space<semaphore_mem>>
      %dma_start3A_71 = arith.constant 0 : i32
      %dma_start3A_72 = tpu.memref_slice %arg13[%mul3A_2, %dma_start3A_71] : memref<10240x128xf32, #tpu.memory_space<vmem_shared>> -> memref<640x128xf32, #tpu.memory_space<vmem_shared>>
      %dma_start3A_73 = arith.constant 0 : i32
      %dma_start3A_74 = tpu.memref_slice %arg5[%mul3A_2, %dma_start3A_73] : memref<10240x128xf32, #tpu.memory_space<hbm>> -> memref<640x128xf32, #tpu.memory_space<hbm>>
      tpu.enqueue_dma source(%dma_start3A_74 : memref<640x128xf32, #tpu.memory_space<hbm>>) target(%dma_start3A_72 : memref<640x128xf32, #tpu.memory_space<vmem_shared>>) target_semaphore(%run_scoped3A : memref<!tpu.dma_semaphore, #tpu.memory_space<semaphore_mem>>)
      %dma_wait3A = arith.constant 0 : i32
      %dma_wait3A_75 = tpu.memref_slice %arg13[%mul3A_2, %dma_wait3A] : memref<10240x128xf32, #tpu.memory_space<vmem_shared>> -> memref<640x128xf32, #tpu.memory_space<vmem_shared>>
      %dma_wait3A_76 = arith.constant 0 : i32
      %dma_wait3A_77 = tpu.memref_slice %arg5[%mul3A_2, %dma_wait3A_76] : memref<10240x128xf32, #tpu.memory_space<hbm>> -> memref<640x128xf32, #tpu.memory_space<hbm>>
      tpu.wait_dma2 semaphore(%run_scoped3A : memref<!tpu.dma_semaphore, #tpu.memory_space<semaphore_mem>>) src(%dma_wait3A_77 : memref<640x128xf32, #tpu.memory_space<hbm>>) dst(%dma_wait3A_75 : memref<640x128xf32, #tpu.memory_space<vmem_shared>>)
      tpu.yield
    }) : () -> ()
    "tpu.region"() ({
      %run_scoped3A = tpu.sem_alloc : memref<!tpu.dma_semaphore, #tpu.memory_space<semaphore_mem>>
      %dma_start3A_71 = tpu.memref_slice %arg3[%mul3A_4] : memref<320000xi32, #tpu.memory_space<hbm>> -> memref<10000xi32, #tpu.memory_space<hbm>>
      %dma_start3A_72 = tpu.memref_slice %arg3[%mul3A_4] : memref<320000xi32, #tpu.memory_space<hbm>> -> memref<10000xi32, #tpu.memory_space<hbm>>
      tpu.enqueue_dma source(%dma_start3A_72 : memref<10000xi32, #tpu.memory_space<hbm>>) target(%arg7 : memref<10000xi32, #tpu.memory_space<vmem>>) target_semaphore(%run_scoped3A : memref<!tpu.dma_semaphore, #tpu.memory_space<semaphore_mem>>)
      %dma_wait3A = tpu.memref_slice %arg3[%mul3A_4] : memref<320000xi32, #tpu.memory_space<hbm>> -> memref<10000xi32, #tpu.memory_space<hbm>>
      %dma_wait3A_73 = tpu.memref_slice %arg3[%mul3A_4] : memref<320000xi32, #tpu.memory_space<hbm>> -> memref<10000xi32, #tpu.memory_space<hbm>>
      tpu.wait_dma2 semaphore(%run_scoped3A : memref<!tpu.dma_semaphore, #tpu.memory_space<semaphore_mem>>) src(%dma_wait3A_73 : memref<10000xi32, #tpu.memory_space<hbm>>) dst(%arg7 : memref<10000xi32, #tpu.memory_space<vmem>>)
      tpu.yield
    }) : () -> ()
    "tpu.region"() ({
      %run_scoped3A = tpu.sem_alloc : memref<!tpu.dma_semaphore, #tpu.memory_space<semaphore_mem>>
      %dma_start3A_71 = tpu.memref_slice %arg4[%mul3A_4] : memref<320000xi32, #tpu.memory_space<hbm>> -> memref<10000xi32, #tpu.memory_space<hbm>>
      %dma_start3A_72 = tpu.memref_slice %arg4[%mul3A_4] : memref<320000xi32, #tpu.memory_space<hbm>> -> memref<10000xi32, #tpu.memory_space<hbm>>
      tpu.enqueue_dma source(%dma_start3A_72 : memref<10000xi32, #tpu.memory_space<hbm>>) target(%arg8 : memref<10000xi32, #tpu.memory_space<vmem>>) target_semaphore(%run_scoped3A : memref<!tpu.dma_semaphore, #tpu.memory_space<semaphore_mem>>)
      %dma_wait3A = tpu.memref_slice %arg4[%mul3A_4] : memref<320000xi32, #tpu.memory_space<hbm>> -> memref<10000xi32, #tpu.memory_space<hbm>>
      %dma_wait3A_73 = tpu.memref_slice %arg4[%mul3A_4] : memref<320000xi32, #tpu.memory_space<hbm>> -> memref<10000xi32, #tpu.memory_space<hbm>>
      tpu.wait_dma2 semaphore(%run_scoped3A : memref<!tpu.dma_semaphore, #tpu.memory_space<semaphore_mem>>) src(%dma_wait3A_73 : memref<10000xi32, #tpu.memory_space<hbm>>) dst(%arg8 : memref<10000xi32, #tpu.memory_space<vmem>>)
      tpu.yield
    }) : () -> ()
    %barrier3A = arith.constant 0 : index
    tpu.barrier barrier_id(%barrier3A)
    %mul3A_5 = arith.constant 0 : i32
    %mul3A_6 = arith.constant 80 : i32
    %mul3A_7 = arith.muli %mul3A_5, %mul3A_6 : i32
    %add3A_8 = arith.constant 0 : i32
    %add3A_9 = arith.addi %mul3A_7, %add3A_8 : i32
    %get3A = arith.index_cast %add3A_9 : i32 to index
    %get3A_10 = tpu.vector_load %arg8[%get3A] {strides = array<i32>} : memref<10000xi32, #tpu.memory_space<vmem>>, vector<16xi32>,
    %get3A_11 = vector.shape_cast %get3A_10 : vector<16xi32> to vector<16xi32>
    %swap3A = arith.constant 0 : index
    %swap3A_12 = tpu.vector_load %arg9[%swap3A] {strides = array<i32>} : memref<80xi32, #tpu.memory_space<vmem>>, vector<16xi32>,
    %swap3A_13 = vector.shape_cast %swap3A_12 : vector<16xi32> to vector<16xi32>
    %swap3A_14 = vector.shape_cast %get3A_11 : vector<16xi32> to vector<16xi32>
    tpu.vector_store %arg9[%swap3A], %swap3A_14 {strides = array<i32>} : memref<80xi32, #tpu.memory_space<vmem>>, vector<16xi32>,
    %add3A_15 = arith.constant 16 : i32
    %add3A_16 = arith.addi %mul3A_7, %add3A_15 : i32
    %get3A_17 = arith.index_cast %add3A_16 : i32 to index
    %get3A_18 = tpu.vector_load %arg8[%get3A_17] {strides = array<i32>} : memref<10000xi32, #tpu.memory_space<vmem>>, vector<16xi32>,
    %get3A_19 = vector.shape_cast %get3A_18 : vector<16xi32> to vector<16xi32>
    %swap3A_20 = arith.constant 16 : index
    %swap3A_21 = tpu.vector_load %arg9[%swap3A_20] {strides = array<i32>} : memref<80xi32, #tpu.memory_space<vmem>>, vector<16xi32>,
    %swap3A_22 = vector.shape_cast %swap3A_21 : vector<16xi32> to vector<16xi32>
    %swap3A_23 = vector.shape_cast %get3A_19 : vector<16xi32> to vector<16xi32>
    tpu.vector_store %arg9[%swap3A_20], %swap3A_23 {strides = array<i32>} : memref<80xi32, #tpu.memory_space<vmem>>, vector<16xi32>,
    %add3A_24 = arith.constant 32 : i32
    %add3A_25 = arith.addi %mul3A_7, %add3A_24 : i32
    %get3A_26 = arith.index_cast %add3A_25 : i32 to index
    %get3A_27 = tpu.vector_load %arg8[%get3A_26] {strides = array<i32>} : memref<10000xi32, #tpu.memory_space<vmem>>, vector<16xi32>,
    %get3A_28 = vector.shape_cast %get3A_27 : vector<16xi32> to vector<16xi32>
    %swap3A_29 = arith.constant 32 : index
    %swap3A_30 = tpu.vector_load %arg9[%swap3A_29] {strides = array<i32>} : memref<80xi32, #tpu.memory_space<vmem>>, vector<16xi32>,
    %swap3A_31 = vector.shape_cast %swap3A_30 : vector<16xi32> to vector<16xi32>
    %swap3A_32 = vector.shape_cast %get3A_28 : vector<16xi32> to vector<16xi32>
    tpu.vector_store %arg9[%swap3A_29], %swap3A_32 {strides = array<i32>} : memref<80xi32, #tpu.memory_space<vmem>>, vector<16xi32>,
    %add3A_33 = arith.constant 48 : i32
    %add3A_34 = arith.addi %mul3A_7, %add3A_33 : i32
    %get3A_35 = arith.index_cast %add3A_34 : i32 to index
    %get3A_36 = tpu.vector_load %arg8[%get3A_35] {strides = array<i32>} : memref<10000xi32, #tpu.memory_space<vmem>>, vector<16xi32>,
    %get3A_37 = vector.shape_cast %get3A_36 : vector<16xi32> to vector<16xi32>
    %swap3A_38 = arith.constant 48 : index
    %swap3A_39 = tpu.vector_load %arg9[%swap3A_38] {strides = array<i32>} : memref<80xi32, #tpu.memory_space<vmem>>, vector<16xi32>,
    %swap3A_40 = vector.shape_cast %swap3A_39 : vector<16xi32> to vector<16xi32>
    %swap3A_41 = vector.shape_cast %get3A_37 : vector<16xi32> to vector<16xi32>
    tpu.vector_store %arg9[%swap3A_38], %swap3A_41 {strides = array<i32>} : memref<80xi32, #tpu.memory_space<vmem>>, vector<16xi32>,
    %add3A_42 = arith.constant 64 : i32
    %add3A_43 = arith.addi %mul3A_7, %add3A_42 : i32
    %get3A_44 = arith.index_cast %add3A_43 : i32 to index
    %get3A_45 = tpu.vector_load %arg8[%get3A_44] {strides = array<i32>} : memref<10000xi32, #tpu.memory_space<vmem>>, vector<16xi32>,
    %get3A_46 = vector.shape_cast %get3A_45 : vector<16xi32> to vector<16xi32>
    %swap3A_47 = arith.constant 64 : index
    %swap3A_48 = tpu.vector_load %arg9[%swap3A_47] {strides = array<i32>} : memref<80xi32, #tpu.memory_space<vmem>>, vector<16xi32>,
    %swap3A_49 = vector.shape_cast %swap3A_48 : vector<16xi32> to vector<16xi32>
    %swap3A_50 = vector.shape_cast %get3A_46 : vector<16xi32> to vector<16xi32>
    tpu.vector_store %arg9[%swap3A_47], %swap3A_50 {strides = array<i32>} : memref<80xi32, #tpu.memory_space<vmem>>, vector<16xi32>,
    %mul3A_51 = arith.constant 0 : i32
    %mul3A_52 = arith.constant 80 : i32
    %mul3A_53 = arith.muli %mul3A_51, %mul3A_52 : i32
    %dma_start3A = tpu.memref_slice %arg7[%mul3A_53] : memref<10000xi32, #tpu.memory_space<vmem>> -> memref<80xi32, #tpu.memory_space<vmem>>
    %dma_start3A_54 = arith.constant 0 : i32
    %dma_start3A_55 = arith.constant 0 : i32
    %dma_start3A_56 = tpu.memref_slice %arg2[%dma_start3A_54, %dma_start3A_55] : memref<10000x128xf32, #tpu.memory_space<hbm>> -> memref<10000x128xf32, #tpu.memory_space<hbm>>
    tpu.enqueue_indirect_dma source(%dma_start3A_56 : memref<10000x128xf32, #tpu.memory_space<hbm>>) target(%arg11 : memref<80x128xf32, #tpu.memory_space<vmem>>) offsets(%dma_start3A : memref<80xi32, #tpu.memory_space<vmem>>) semaphore(%arg14 : memref<!tpu.dma_semaphore, #tpu.memory_space<semaphore_mem>>)
    %while3A = arith.constant 0 : i32
    %while3A_57 = arith.constant 0 : i32
    %while3A_58 = arith.constant 63 : i32
    %while3A_59 = arith.subi %while3A_58, %while3A_57 : i32
    %while3A_60 = arith.addi %while3A_57, %while3A_59 : i32
    %while3A_61 = arith.constant 1 : i32
    %while3A_62 = arith.divsi %while3A_59, %while3A_61 : i32
    %while3A_63 = arith.muli %while3A_62, %while3A_61 : i32
    %while3A_64 = arith.addi %while3A_57, %while3A_63 : i32
    %while3A_65 = arith.constant 1 : i32
    scf.for %while3A_71 = %while3A_57 to %while3A_64 step %while3A_65  : i32 {
      %mul3A_72 = arith.constant 2 : i32
      %mul3A_73 = arith.muli %while3A_71, %mul3A_72 : i32
      %add3A_74 = arith.constant 1 : i32
      %add3A_75 = arith.addi %mul3A_73, %add3A_74 : i32
      %lt3A = arith.constant 125 : i32
      %lt3A_76 = arith.cmpi slt, %add3A_75, %lt3A : i32
      %convert_element_type3A = arith.extui %lt3A_76 : i1 to i32
      %cond3A = arith.constant 0 : i32
      %cond3A_77 = arith.cmpi ne, %convert_element_type3A, %cond3A : i32
      scf.if %cond3A_77 {
        %mul3A_95 = arith.constant 80 : i32
        %mul3A_96 = arith.muli %add3A_75, %mul3A_95 : i32
        %add3A_97 = arith.constant 0 : i32
        %add3A_98 = arith.addi %mul3A_96, %add3A_97 : i32
        %get3A_99 = arith.index_cast %add3A_98 : i32 to index
        %get3A_100 = tpu.vector_load %arg8[%get3A_99] {strides = array<i32>} : memref<10000xi32, #tpu.memory_space<vmem>>, vector<16xi32>,
        %get3A_101 = vector.shape_cast %get3A_100 : vector<16xi32> to vector<16xi32>
        %swap3A_102 = arith.constant 0 : index
        %swap3A_103 = tpu.vector_load %arg10[%swap3A_102] {strides = array<i32>} : memref<80xi32, #tpu.memory_space<vmem>>, vector<16xi32>,
        %swap3A_104 = vector.shape_cast %swap3A_103 : vector<16xi32> to vector<16xi32>
        %swap3A_105 = vector.shape_cast %get3A_101 : vector<16xi32> to vector<16xi32>
        tpu.vector_store %arg10[%swap3A_102], %swap3A_105 {strides = array<i32>} : memref<80xi32, #tpu.memory_space<vmem>>, vector<16xi32>,
        %add3A_106 = arith.constant 16 : i32
        %add3A_107 = arith.addi %mul3A_96, %add3A_106 : i32
        %get3A_108 = arith.index_cast %add3A_107 : i32 to index
        %get3A_109 = tpu.vector_load %arg8[%get3A_108] {strides = array<i32>} : memref<10000xi32, #tpu.memory_space<vmem>>, vector<16xi32>,
        %get3A_110 = vector.shape_cast %get3A_109 : vector<16xi32> to vector<16xi32>
        %swap3A_111 = arith.constant 16 : index
        %swap3A_112 = tpu.vector_load %arg10[%swap3A_111] {strides = array<i32>} : memref<80xi32, #tpu.memory_space<vmem>>, vector<16xi32>,
        %swap3A_113 = vector.shape_cast %swap3A_112 : vector<16xi32> to vector<16xi32>
        %swap3A_114 = vector.shape_cast %get3A_110 : vector<16xi32> to vector<16xi32>
        tpu.vector_store %arg10[%swap3A_111], %swap3A_114 {strides = array<i32>} : memref<80xi32, #tpu.memory_space<vmem>>, vector<16xi32>,
        %add3A_115 = arith.constant 32 : i32
        %add3A_116 = arith.addi %mul3A_96, %add3A_115 : i32
        %get3A_117 = arith.index_cast %add3A_116 : i32 to index
        %get3A_118 = tpu.vector_load %arg8[%get3A_117] {strides = array<i32>} : memref<10000xi32, #tpu.memory_space<vmem>>, vector<16xi32>,
        %get3A_119 = vector.shape_cast %get3A_118 : vector<16xi32> to vector<16xi32>
        %swap3A_120 = arith.constant 32 : index
        %swap3A_121 = tpu.vector_load %arg10[%swap3A_120] {strides = array<i32>} : memref<80xi32, #tpu.memory_space<vmem>>, vector<16xi32>,
        %swap3A_122 = vector.shape_cast %swap3A_121 : vector<16xi32> to vector<16xi32>
        %swap3A_123 = vector.shape_cast %get3A_119 : vector<16xi32> to vector<16xi32>
        tpu.vector_store %arg10[%swap3A_120], %swap3A_123 {strides = array<i32>} : memref<80xi32, #tpu.memory_space<vmem>>, vector<16xi32>,
        %add3A_124 = arith.constant 48 : i32
        %add3A_125 = arith.addi %mul3A_96, %add3A_124 : i32
        %get3A_126 = arith.index_cast %add3A_125 : i32 to index
        %get3A_127 = tpu.vector_load %arg8[%get3A_126] {strides = array<i32>} : memref<10000xi32, #tpu.memory_space<vmem>>, vector<16xi32>,
        %get3A_128 = vector.shape_cast %get3A_127 : vector<16xi32> to vector<16xi32>
        %swap3A_129 = arith.constant 48 : index
        %swap3A_130 = tpu.vector_load %arg10[%swap3A_129] {strides = array<i32>} : memref<80xi32, #tpu.memory_space<vmem>>, vector<16xi32>,
        %swap3A_131 = vector.shape_cast %swap3A_130 : vector<16xi32> to vector<16xi32>
        %swap3A_132 = vector.shape_cast %get3A_128 : vector<16xi32> to vector<16xi32>
        tpu.vector_store %arg10[%swap3A_129], %swap3A_132 {strides = array<i32>} : memref<80xi32, #tpu.memory_space<vmem>>, vector<16xi32>,
        %add3A_133 = arith.constant 64 : i32
        %add3A_134 = arith.addi %mul3A_96, %add3A_133 : i32
        %get3A_135 = arith.index_cast %add3A_134 : i32 to index
        %get3A_136 = tpu.vector_load %arg8[%get3A_135] {strides = array<i32>} : memref<10000xi32, #tpu.memory_space<vmem>>, vector<16xi32>,
        %get3A_137 = vector.shape_cast %get3A_136 : vector<16xi32> to vector<16xi32>
        %swap3A_138 = arith.constant 64 : index
        %swap3A_139 = tpu.vector_load %arg10[%swap3A_138] {strides = array<i32>} : memref<80xi32, #tpu.memory_space<vmem>>, vector<16xi32>,
        %swap3A_140 = vector.shape_cast %swap3A_139 : vector<16xi32> to vector<16xi32>
        %swap3A_141 = vector.shape_cast %get3A_137 : vector<16xi32> to vector<16xi32>
        tpu.vector_store %arg10[%swap3A_138], %swap3A_141 {strides = array<i32>} : memref<80xi32, #tpu.memory_space<vmem>>, vector<16xi32>,
        %mul3A_142 = arith.constant 80 : i32
        %mul3A_143 = arith.muli %add3A_75, %mul3A_142 : i32
        %dma_start3A_144 = tpu.memref_slice %arg7[%mul3A_143] : memref<10000xi32, #tpu.memory_space<vmem>> -> memref<80xi32, #tpu.memory_space<vmem>>
        %dma_start3A_145 = arith.constant 0 : i32
        %dma_start3A_146 = arith.constant 0 : i32
        %dma_start3A_147 = tpu.memref_slice %arg2[%dma_start3A_145, %dma_start3A_146] : memref<10000x128xf32, #tpu.memory_space<hbm>> -> memref<10000x128xf32, #tpu.memory_space<hbm>>
        tpu.enqueue_indirect_dma source(%dma_start3A_147 : memref<10000x128xf32, #tpu.memory_space<hbm>>) target(%arg12 : memref<80x128xf32, #tpu.memory_space<vmem>>) offsets(%dma_start3A_144 : memref<80xi32, #tpu.memory_space<vmem>>) semaphore(%arg15 : memref<!tpu.dma_semaphore, #tpu.memory_space<semaphore_mem>>)
      } else {
      }
      %mul3A_78 = arith.constant 80 : i32
      %mul3A_79 = arith.muli %mul3A_73, %mul3A_78 : i32
      %dma_wait3A = tpu.memref_slice %arg7[%mul3A_79] : memref<10000xi32, #tpu.memory_space<vmem>> -> memref<80xi32, #tpu.memory_space<vmem>>
      %dma_wait3A_80 = arith.constant 0 : i32
      %dma_wait3A_81 = arith.constant 0 : i32
      %dma_wait3A_82 = tpu.memref_slice %arg2[%dma_wait3A_80, %dma_wait3A_81] : memref<10000x128xf32, #tpu.memory_space<hbm>> -> memref<10000x128xf32, #tpu.memory_space<hbm>>
      tpu.wait_indirect_dma semaphore(%arg14 : memref<!tpu.dma_semaphore, #tpu.memory_space<semaphore_mem>>) src(%dma_wait3A_82 : memref<10000x128xf32, #tpu.memory_space<hbm>>) dst(%arg11 : memref<80x128xf32, #tpu.memory_space<vmem>>)
      "tpu.region"() ({
        %run_scoped3A = tpu.sem_alloc : memref<!tpu.dma_semaphore, #tpu.memory_space<semaphore_mem>>
        %dma_start3A_95 = arith.constant 0 : i32
        %dma_start3A_96 = arith.constant 0 : i32
        %dma_start3A_97 = tpu.memref_slice %arg13[%dma_start3A_95, %dma_start3A_96] : memref<10240x128xf32, #tpu.memory_space<vmem_shared>> -> memref<10240x128xf32, #tpu.memory_space<vmem_shared>>
        tpu.enqueue_indirect_dma source(%arg11 : memref<80x128xf32, #tpu.memory_space<vmem>>) target(%dma_start3A_97 : memref<10240x128xf32, #tpu.memory_space<vmem_shared>>) offsets(%arg9 : memref<80xi32, #tpu.memory_space<vmem>>) semaphore(%run_scoped3A : memref<!tpu.dma_semaphore, #tpu.memory_space<semaphore_mem>>) {add = true}
        %dma_wait3A_98 = arith.constant 0 : i32
        %dma_wait3A_99 = arith.constant 0 : i32
        %dma_wait3A_100 = tpu.memref_slice %arg13[%dma_wait3A_98, %dma_wait3A_99] : memref<10240x128xf32, #tpu.memory_space<vmem_shared>> -> memref<10240x128xf32, #tpu.memory_space<vmem_shared>>
        tpu.wait_indirect_dma semaphore(%run_scoped3A : memref<!tpu.dma_semaphore, #tpu.memory_space<semaphore_mem>>) src(%arg11 : memref<80x128xf32, #tpu.memory_space<vmem>>) dst(%dma_wait3A_100 : memref<10240x128xf32, #tpu.memory_space<vmem_shared>>)
        tpu.yield
      }) : () -> ()
      %add3A_83 = arith.constant 1 : i32
      %add3A_84 = arith.addi %add3A_75, %add3A_83 : i32
      %lt3A_85 = arith.constant 125 : i32
      %lt3A_86 = arith.cmpi slt, %add3A_84, %lt3A_85 : i32
      %convert_element_type3A_87 = arith.extui %lt3A_86 : i1 to i32
      %cond3A_88 = arith.constant 0 : i32
      %cond3A_89 = arith.cmpi ne, %convert_element_type3A_87, %cond3A_88 : i32
      scf.if %cond3A_89 {
        %add3A_95 = arith.constant 1 : i32
        %add3A_96 = arith.addi %add3A_75, %add3A_95 : i32
        %mul3A_97 = arith.constant 80 : i32
        %mul3A_98 = arith.muli %add3A_96, %mul3A_97 : i32
        %add3A_99 = arith.constant 0 : i32
        %add3A_100 = arith.addi %mul3A_98, %add3A_99 : i32
        %get3A_101 = arith.index_cast %add3A_100 : i32 to index
        %get3A_102 = tpu.vector_load %arg8[%get3A_101] {strides = array<i32>} : memref<10000xi32, #tpu.memory_space<vmem>>, vector<16xi32>,
        %get3A_103 = vector.shape_cast %get3A_102 : vector<16xi32> to vector<16xi32>
        %swap3A_104 = arith.constant 0 : index
        %swap3A_105 = tpu.vector_load %arg9[%swap3A_104] {strides = array<i32>} : memref<80xi32, #tpu.memory_space<vmem>>, vector<16xi32>,
        %swap3A_106 = vector.shape_cast %swap3A_105 : vector<16xi32> to vector<16xi32>
        %swap3A_107 = vector.shape_cast %get3A_103 : vector<16xi32> to vector<16xi32>
        tpu.vector_store %arg9[%swap3A_104], %swap3A_107 {strides = array<i32>} : memref<80xi32, #tpu.memory_space<vmem>>, vector<16xi32>,
        %add3A_108 = arith.constant 16 : i32
        %add3A_109 = arith.addi %mul3A_98, %add3A_108 : i32
        %get3A_110 = arith.index_cast %add3A_109 : i32 to index
        %get3A_111 = tpu.vector_load %arg8[%get3A_110] {strides = array<i32>} : memref<10000xi32, #tpu.memory_space<vmem>>, vector<16xi32>,
        %get3A_112 = vector.shape_cast %get3A_111 : vector<16xi32> to vector<16xi32>
        %swap3A_113 = arith.constant 16 : index
        %swap3A_114 = tpu.vector_load %arg9[%swap3A_113] {strides = array<i32>} : memref<80xi32, #tpu.memory_space<vmem>>, vector<16xi32>,
        %swap3A_115 = vector.shape_cast %swap3A_114 : vector<16xi32> to vector<16xi32>
        %swap3A_116 = vector.shape_cast %get3A_112 : vector<16xi32> to vector<16xi32>
        tpu.vector_store %arg9[%swap3A_113], %swap3A_116 {strides = array<i32>} : memref<80xi32, #tpu.memory_space<vmem>>, vector<16xi32>,
        %add3A_117 = arith.constant 32 : i32
        %add3A_118 = arith.addi %mul3A_98, %add3A_117 : i32
        %get3A_119 = arith.index_cast %add3A_118 : i32 to index
        %get3A_120 = tpu.vector_load %arg8[%get3A_119] {strides = array<i32>} : memref<10000xi32, #tpu.memory_space<vmem>>, vector<16xi32>,
        %get3A_121 = vector.shape_cast %get3A_120 : vector<16xi32> to vector<16xi32>
        %swap3A_122 = arith.constant 32 : index
        %swap3A_123 = tpu.vector_load %arg9[%swap3A_122] {strides = array<i32>} : memref<80xi32, #tpu.memory_space<vmem>>, vector<16xi32>,
        %swap3A_124 = vector.shape_cast %swap3A_123 : vector<16xi32> to vector<16xi32>
        %swap3A_125 = vector.shape_cast %get3A_121 : vector<16xi32> to vector<16xi32>
        tpu.vector_store %arg9[%swap3A_122], %swap3A_125 {strides = array<i32>} : memref<80xi32, #tpu.memory_space<vmem>>, vector<16xi32>,
        %add3A_126 = arith.constant 48 : i32
        %add3A_127 = arith.addi %mul3A_98, %add3A_126 : i32
        %get3A_128 = arith.index_cast %add3A_127 : i32 to index
        %get3A_129 = tpu.vector_load %arg8[%get3A_128] {strides = array<i32>} : memref<10000xi32, #tpu.memory_space<vmem>>, vector<16xi32>,
        %get3A_130 = vector.shape_cast %get3A_129 : vector<16xi32> to vector<16xi32>
        %swap3A_131 = arith.constant 48 : index
        %swap3A_132 = tpu.vector_load %arg9[%swap3A_131] {strides = array<i32>} : memref<80xi32, #tpu.memory_space<vmem>>, vector<16xi32>,
        %swap3A_133 = vector.shape_cast %swap3A_132 : vector<16xi32> to vector<16xi32>
        %swap3A_134 = vector.shape_cast %get3A_130 : vector<16xi32> to vector<16xi32>
        tpu.vector_store %arg9[%swap3A_131], %swap3A_134 {strides = array<i32>} : memref<80xi32, #tpu.memory_space<vmem>>, vector<16xi32>,
        %add3A_135 = arith.constant 64 : i32
        %add3A_136 = arith.addi %mul3A_98, %add3A_135 : i32
        %get3A_137 = arith.index_cast %add3A_136 : i32 to index
        %get3A_138 = tpu.vector_load %arg8[%get3A_137] {strides = array<i32>} : memref<10000xi32, #tpu.memory_space<vmem>>, vector<16xi32>,
        %get3A_139 = vector.shape_cast %get3A_138 : vector<16xi32> to vector<16xi32>
        %swap3A_140 = arith.constant 64 : index
        %swap3A_141 = tpu.vector_load %arg9[%swap3A_140] {strides = array<i32>} : memref<80xi32, #tpu.memory_space<vmem>>, vector<16xi32>,
        %swap3A_142 = vector.shape_cast %swap3A_141 : vector<16xi32> to vector<16xi32>
        %swap3A_143 = vector.shape_cast %get3A_139 : vector<16xi32> to vector<16xi32>
        tpu.vector_store %arg9[%swap3A_140], %swap3A_143 {strides = array<i32>} : memref<80xi32, #tpu.memory_space<vmem>>, vector<16xi32>,
        %add3A_144 = arith.constant 1 : i32
        %add3A_145 = arith.addi %add3A_75, %add3A_144 : i32
        %mul3A_146 = arith.constant 80 : i32
        %mul3A_147 = arith.muli %add3A_145, %mul3A_146 : i32
        %dma_start3A_148 = tpu.memref_slice %arg7[%mul3A_147] : memref<10000xi32, #tpu.memory_space<vmem>> -> memref<80xi32, #tpu.memory_space<vmem>>
        %dma_start3A_149 = arith.constant 0 : i32
        %dma_start3A_150 = arith.constant 0 : i32
        %dma_start3A_151 = tpu.memref_slice %arg2[%dma_start3A_149, %dma_start3A_150] : memref<10000x128xf32, #tpu.memory_space<hbm>> -> memref<10000x128xf32, #tpu.memory_space<hbm>>
        tpu.enqueue_indirect_dma source(%dma_start3A_151 : memref<10000x128xf32, #tpu.memory_space<hbm>>) target(%arg11 : memref<80x128xf32, #tpu.memory_space<vmem>>) offsets(%dma_start3A_148 : memref<80xi32, #tpu.memory_space<vmem>>) semaphore(%arg14 : memref<!tpu.dma_semaphore, #tpu.memory_space<semaphore_mem>>)
      } else {
      }
      %lt3A_90 = arith.constant 125 : i32
      %lt3A_91 = arith.cmpi slt, %add3A_75, %lt3A_90 : i32
      %convert_element_type3A_92 = arith.extui %lt3A_91 : i1 to i32
      %cond3A_93 = arith.constant 0 : i32
      %cond3A_94 = arith.cmpi ne, %convert_element_type3A_92, %cond3A_93 : i32
      scf.if %cond3A_94 {
        %mul3A_95 = arith.constant 80 : i32
        %mul3A_96 = arith.muli %add3A_75, %mul3A_95 : i32
        %dma_wait3A_97 = tpu.memref_slice %arg7[%mul3A_96] : memref<10000xi32, #tpu.memory_space<vmem>> -> memref<80xi32, #tpu.memory_space<vmem>>
        %dma_wait3A_98 = arith.constant 0 : i32
        %dma_wait3A_99 = arith.constant 0 : i32
        %dma_wait3A_100 = tpu.memref_slice %arg2[%dma_wait3A_98, %dma_wait3A_99] : memref<10000x128xf32, #tpu.memory_space<hbm>> -> memref<10000x128xf32, #tpu.memory_space<hbm>>
        tpu.wait_indirect_dma semaphore(%arg15 : memref<!tpu.dma_semaphore, #tpu.memory_space<semaphore_mem>>) src(%dma_wait3A_100 : memref<10000x128xf32, #tpu.memory_space<hbm>>) dst(%arg12 : memref<80x128xf32, #tpu.memory_space<vmem>>)
        "tpu.region"() ({
          %run_scoped3A = tpu.sem_alloc : memref<!tpu.dma_semaphore, #tpu.memory_space<semaphore_mem>>
          %dma_start3A_101 = arith.constant 0 : i32
          %dma_start3A_102 = arith.constant 0 : i32
          %dma_start3A_103 = tpu.memref_slice %arg13[%dma_start3A_101, %dma_start3A_102] : memref<10240x128xf32, #tpu.memory_space<vmem_shared>> -> memref<10240x128xf32, #tpu.memory_space<vmem_shared>>
          tpu.enqueue_indirect_dma source(%arg12 : memref<80x128xf32, #tpu.memory_space<vmem>>) target(%dma_start3A_103 : memref<10240x128xf32, #tpu.memory_space<vmem_shared>>) offsets(%arg10 : memref<80xi32, #tpu.memory_space<vmem>>) semaphore(%run_scoped3A : memref<!tpu.dma_semaphore, #tpu.memory_space<semaphore_mem>>) {add = true}
          %dma_wait3A_104 = arith.constant 0 : i32
          %dma_wait3A_105 = arith.constant 0 : i32
          %dma_wait3A_106 = tpu.memref_slice %arg13[%dma_wait3A_104, %dma_wait3A_105] : memref<10240x128xf32, #tpu.memory_space<vmem_shared>> -> memref<10240x128xf32, #tpu.memory_space<vmem_shared>>
          tpu.wait_indirect_dma semaphore(%run_scoped3A : memref<!tpu.dma_semaphore, #tpu.memory_space<semaphore_mem>>) src(%arg12 : memref<80x128xf32, #tpu.memory_space<vmem>>) dst(%dma_wait3A_106 : memref<10240x128xf32, #tpu.memory_space<vmem_shared>>)
          tpu.yield
        }) : () -> ()
      } else {
      }
    }
    %while3A_66 = arith.constant 1 : i32
    scf.for %while3A_71 = %while3A_64 to %while3A_60 step %while3A_66  : i32 {
      %mul3A_72 = arith.constant 2 : i32
      %mul3A_73 = arith.muli %while3A_71, %mul3A_72 : i32
      %add3A_74 = arith.constant 1 : i32
      %add3A_75 = arith.addi %mul3A_73, %add3A_74 : i32
      %lt3A = arith.constant 125 : i32
      %lt3A_76 = arith.cmpi slt, %add3A_75, %lt3A : i32
      %convert_element_type3A = arith.extui %lt3A_76 : i1 to i32
      %cond3A = arith.constant 0 : i32
      %cond3A_77 = arith.cmpi ne, %convert_element_type3A, %cond3A : i32
      scf.if %cond3A_77 {
        %mul3A_95 = arith.constant 80 : i32
        %mul3A_96 = arith.muli %add3A_75, %mul3A_95 : i32
        %add3A_97 = arith.constant 0 : i32
        %add3A_98 = arith.addi %mul3A_96, %add3A_97 : i32
        %get3A_99 = arith.index_cast %add3A_98 : i32 to index
        %get3A_100 = tpu.vector_load %arg8[%get3A_99] {strides = array<i32>} : memref<10000xi32, #tpu.memory_space<vmem>>, vector<16xi32>,
        %get3A_101 = vector.shape_cast %get3A_100 : vector<16xi32> to vector<16xi32>
        %swap3A_102 = arith.constant 0 : index
        %swap3A_103 = tpu.vector_load %arg10[%swap3A_102] {strides = array<i32>} : memref<80xi32, #tpu.memory_space<vmem>>, vector<16xi32>,
        %swap3A_104 = vector.shape_cast %swap3A_103 : vector<16xi32> to vector<16xi32>
        %swap3A_105 = vector.shape_cast %get3A_101 : vector<16xi32> to vector<16xi32>
        tpu.vector_store %arg10[%swap3A_102], %swap3A_105 {strides = array<i32>} : memref<80xi32, #tpu.memory_space<vmem>>, vector<16xi32>,
        %add3A_106 = arith.constant 16 : i32
        %add3A_107 = arith.addi %mul3A_96, %add3A_106 : i32
        %get3A_108 = arith.index_cast %add3A_107 : i32 to index
        %get3A_109 = tpu.vector_load %arg8[%get3A_108] {strides = array<i32>} : memref<10000xi32, #tpu.memory_space<vmem>>, vector<16xi32>,
        %get3A_110 = vector.shape_cast %get3A_109 : vector<16xi32> to vector<16xi32>
        %swap3A_111 = arith.constant 16 : index
        %swap3A_112 = tpu.vector_load %arg10[%swap3A_111] {strides = array<i32>} : memref<80xi32, #tpu.memory_space<vmem>>, vector<16xi32>,
        %swap3A_113 = vector.shape_cast %swap3A_112 : vector<16xi32> to vector<16xi32>
        %swap3A_114 = vector.shape_cast %get3A_110 : vector<16xi32> to vector<16xi32>
        tpu.vector_store %arg10[%swap3A_111], %swap3A_114 {strides = array<i32>} : memref<80xi32, #tpu.memory_space<vmem>>, vector<16xi32>,
        %add3A_115 = arith.constant 32 : i32
        %add3A_116 = arith.addi %mul3A_96, %add3A_115 : i32
        %get3A_117 = arith.index_cast %add3A_116 : i32 to index
        %get3A_118 = tpu.vector_load %arg8[%get3A_117] {strides = array<i32>} : memref<10000xi32, #tpu.memory_space<vmem>>, vector<16xi32>,
        %get3A_119 = vector.shape_cast %get3A_118 : vector<16xi32> to vector<16xi32>
        %swap3A_120 = arith.constant 32 : index
        %swap3A_121 = tpu.vector_load %arg10[%swap3A_120] {strides = array<i32>} : memref<80xi32, #tpu.memory_space<vmem>>, vector<16xi32>,
        %swap3A_122 = vector.shape_cast %swap3A_121 : vector<16xi32> to vector<16xi32>
        %swap3A_123 = vector.shape_cast %get3A_119 : vector<16xi32> to vector<16xi32>
        tpu.vector_store %arg10[%swap3A_120], %swap3A_123 {strides = array<i32>} : memref<80xi32, #tpu.memory_space<vmem>>, vector<16xi32>,
        %add3A_124 = arith.constant 48 : i32
        %add3A_125 = arith.addi %mul3A_96, %add3A_124 : i32
        %get3A_126 = arith.index_cast %add3A_125 : i32 to index
        %get3A_127 = tpu.vector_load %arg8[%get3A_126] {strides = array<i32>} : memref<10000xi32, #tpu.memory_space<vmem>>, vector<16xi32>,
        %get3A_128 = vector.shape_cast %get3A_127 : vector<16xi32> to vector<16xi32>
        %swap3A_129 = arith.constant 48 : index
        %swap3A_130 = tpu.vector_load %arg10[%swap3A_129] {strides = array<i32>} : memref<80xi32, #tpu.memory_space<vmem>>, vector<16xi32>,
        %swap3A_131 = vector.shape_cast %swap3A_130 : vector<16xi32> to vector<16xi32>
        %swap3A_132 = vector.shape_cast %get3A_128 : vector<16xi32> to vector<16xi32>
        tpu.vector_store %arg10[%swap3A_129], %swap3A_132 {strides = array<i32>} : memref<80xi32, #tpu.memory_space<vmem>>, vector<16xi32>,
        %add3A_133 = arith.constant 64 : i32
        %add3A_134 = arith.addi %mul3A_96, %add3A_133 : i32
        %get3A_135 = arith.index_cast %add3A_134 : i32 to index
        %get3A_136 = tpu.vector_load %arg8[%get3A_135] {strides = array<i32>} : memref<10000xi32, #tpu.memory_space<vmem>>, vector<16xi32>,
        %get3A_137 = vector.shape_cast %get3A_136 : vector<16xi32> to vector<16xi32>
        %swap3A_138 = arith.constant 64 : index
        %swap3A_139 = tpu.vector_load %arg10[%swap3A_138] {strides = array<i32>} : memref<80xi32, #tpu.memory_space<vmem>>, vector<16xi32>,
        %swap3A_140 = vector.shape_cast %swap3A_139 : vector<16xi32> to vector<16xi32>
        %swap3A_141 = vector.shape_cast %get3A_137 : vector<16xi32> to vector<16xi32>
        tpu.vector_store %arg10[%swap3A_138], %swap3A_141 {strides = array<i32>} : memref<80xi32, #tpu.memory_space<vmem>>, vector<16xi32>,
        %mul3A_142 = arith.constant 80 : i32
        %mul3A_143 = arith.muli %add3A_75, %mul3A_142 : i32
        %dma_start3A_144 = tpu.memref_slice %arg7[%mul3A_143] : memref<10000xi32, #tpu.memory_space<vmem>> -> memref<80xi32, #tpu.memory_space<vmem>>
        %dma_start3A_145 = arith.constant 0 : i32
        %dma_start3A_146 = arith.constant 0 : i32
        %dma_start3A_147 = tpu.memref_slice %arg2[%dma_start3A_145, %dma_start3A_146] : memref<10000x128xf32, #tpu.memory_space<hbm>> -> memref<10000x128xf32, #tpu.memory_space<hbm>>
        tpu.enqueue_indirect_dma source(%dma_start3A_147 : memref<10000x128xf32, #tpu.memory_space<hbm>>) target(%arg12 : memref<80x128xf32, #tpu.memory_space<vmem>>) offsets(%dma_start3A_144 : memref<80xi32, #tpu.memory_space<vmem>>) semaphore(%arg15 : memref<!tpu.dma_semaphore, #tpu.memory_space<semaphore_mem>>)
      } else {
      }
      %mul3A_78 = arith.constant 80 : i32
      %mul3A_79 = arith.muli %mul3A_73, %mul3A_78 : i32
      %dma_wait3A = tpu.memref_slice %arg7[%mul3A_79] : memref<10000xi32, #tpu.memory_space<vmem>> -> memref<80xi32, #tpu.memory_space<vmem>>
      %dma_wait3A_80 = arith.constant 0 : i32
      %dma_wait3A_81 = arith.constant 0 : i32
      %dma_wait3A_82 = tpu.memref_slice %arg2[%dma_wait3A_80, %dma_wait3A_81] : memref<10000x128xf32, #tpu.memory_space<hbm>> -> memref<10000x128xf32, #tpu.memory_space<hbm>>
      tpu.wait_indirect_dma semaphore(%arg14 : memref<!tpu.dma_semaphore, #tpu.memory_space<semaphore_mem>>) src(%dma_wait3A_82 : memref<10000x128xf32, #tpu.memory_space<hbm>>) dst(%arg11 : memref<80x128xf32, #tpu.memory_space<vmem>>)
      "tpu.region"() ({
        %run_scoped3A = tpu.sem_alloc : memref<!tpu.dma_semaphore, #tpu.memory_space<semaphore_mem>>
        %dma_start3A_95 = arith.constant 0 : i32
        %dma_start3A_96 = arith.constant 0 : i32
        %dma_start3A_97 = tpu.memref_slice %arg13[%dma_start3A_95, %dma_start3A_96] : memref<10240x128xf32, #tpu.memory_space<vmem_shared>> -> memref<10240x128xf32, #tpu.memory_space<vmem_shared>>
        tpu.enqueue_indirect_dma source(%arg11 : memref<80x128xf32, #tpu.memory_space<vmem>>) target(%dma_start3A_97 : memref<10240x128xf32, #tpu.memory_space<vmem_shared>>) offsets(%arg9 : memref<80xi32, #tpu.memory_space<vmem>>) semaphore(%run_scoped3A : memref<!tpu.dma_semaphore, #tpu.memory_space<semaphore_mem>>) {add = true}
        %dma_wait3A_98 = arith.constant 0 : i32
        %dma_wait3A_99 = arith.constant 0 : i32
        %dma_wait3A_100 = tpu.memref_slice %arg13[%dma_wait3A_98, %dma_wait3A_99] : memref<10240x128xf32, #tpu.memory_space<vmem_shared>> -> memref<10240x128xf32, #tpu.memory_space<vmem_shared>>
        tpu.wait_indirect_dma semaphore(%run_scoped3A : memref<!tpu.dma_semaphore, #tpu.memory_space<semaphore_mem>>) src(%arg11 : memref<80x128xf32, #tpu.memory_space<vmem>>) dst(%dma_wait3A_100 : memref<10240x128xf32, #tpu.memory_space<vmem_shared>>)
        tpu.yield
      }) : () -> ()
      %add3A_83 = arith.constant 1 : i32
      %add3A_84 = arith.addi %add3A_75, %add3A_83 : i32
      %lt3A_85 = arith.constant 125 : i32
      %lt3A_86 = arith.cmpi slt, %add3A_84, %lt3A_85 : i32
      %convert_element_type3A_87 = arith.extui %lt3A_86 : i1 to i32
      %cond3A_88 = arith.constant 0 : i32
      %cond3A_89 = arith.cmpi ne, %convert_element_type3A_87, %cond3A_88 : i32
      scf.if %cond3A_89 {
        %add3A_95 = arith.constant 1 : i32
        %add3A_96 = arith.addi %add3A_75, %add3A_95 : i32
        %mul3A_97 = arith.constant 80 : i32
        %mul3A_98 = arith.muli %add3A_96, %mul3A_97 : i32
        %add3A_99 = arith.constant 0 : i32
        %add3A_100 = arith.addi %mul3A_98, %add3A_99 : i32
        %get3A_101 = arith.index_cast %add3A_100 : i32 to index
        %get3A_102 = tpu.vector_load %arg8[%get3A_101] {strides = array<i32>} : memref<10000xi32, #tpu.memory_space<vmem>>, vector<16xi32>,
        %get3A_103 = vector.shape_cast %get3A_102 : vector<16xi32> to vector<16xi32>
        %swap3A_104 = arith.constant 0 : index
        %swap3A_105 = tpu.vector_load %arg9[%swap3A_104] {strides = array<i32>} : memref<80xi32, #tpu.memory_space<vmem>>, vector<16xi32>,
        %swap3A_106 = vector.shape_cast %swap3A_105 : vector<16xi32> to vector<16xi32>
        %swap3A_107 = vector.shape_cast %get3A_103 : vector<16xi32> to vector<16xi32>
        tpu.vector_store %arg9[%swap3A_104], %swap3A_107 {strides = array<i32>} : memref<80xi32, #tpu.memory_space<vmem>>, vector<16xi32>,
        %add3A_108 = arith.constant 16 : i32
        %add3A_109 = arith.addi %mul3A_98, %add3A_108 : i32
        %get3A_110 = arith.index_cast %add3A_109 : i32 to index
        %get3A_111 = tpu.vector_load %arg8[%get3A_110] {strides = array<i32>} : memref<10000xi32, #tpu.memory_space<vmem>>, vector<16xi32>,
        %get3A_112 = vector.shape_cast %get3A_111 : vector<16xi32> to vector<16xi32>
        %swap3A_113 = arith.constant 16 : index
        %swap3A_114 = tpu.vector_load %arg9[%swap3A_113] {strides = array<i32>} : memref<80xi32, #tpu.memory_space<vmem>>, vector<16xi32>,
        %swap3A_115 = vector.shape_cast %swap3A_114 : vector<16xi32> to vector<16xi32>
        %swap3A_116 = vector.shape_cast %get3A_112 : vector<16xi32> to vector<16xi32>
        tpu.vector_store %arg9[%swap3A_113], %swap3A_116 {strides = array<i32>} : memref<80xi32, #tpu.memory_space<vmem>>, vector<16xi32>,
        %add3A_117 = arith.constant 32 : i32
        %add3A_118 = arith.addi %mul3A_98, %add3A_117 : i32
        %get3A_119 = arith.index_cast %add3A_118 : i32 to index
        %get3A_120 = tpu.vector_load %arg8[%get3A_119] {strides = array<i32>} : memref<10000xi32, #tpu.memory_space<vmem>>, vector<16xi32>,
        %get3A_121 = vector.shape_cast %get3A_120 : vector<16xi32> to vector<16xi32>
        %swap3A_122 = arith.constant 32 : index
        %swap3A_123 = tpu.vector_load %arg9[%swap3A_122] {strides = array<i32>} : memref<80xi32, #tpu.memory_space<vmem>>, vector<16xi32>,
        %swap3A_124 = vector.shape_cast %swap3A_123 : vector<16xi32> to vector<16xi32>
        %swap3A_125 = vector.shape_cast %get3A_121 : vector<16xi32> to vector<16xi32>
        tpu.vector_store %arg9[%swap3A_122], %swap3A_125 {strides = array<i32>} : memref<80xi32, #tpu.memory_space<vmem>>, vector<16xi32>,
        %add3A_126 = arith.constant 48 : i32
        %add3A_127 = arith.addi %mul3A_98, %add3A_126 : i32
        %get3A_128 = arith.index_cast %add3A_127 : i32 to index
        %get3A_129 = tpu.vector_load %arg8[%get3A_128] {strides = array<i32>} : memref<10000xi32, #tpu.memory_space<vmem>>, vector<16xi32>,
        %get3A_130 = vector.shape_cast %get3A_129 : vector<16xi32> to vector<16xi32>
        %swap3A_131 = arith.constant 48 : index
        %swap3A_132 = tpu.vector_load %arg9[%swap3A_131] {strides = array<i32>} : memref<80xi32, #tpu.memory_space<vmem>>, vector<16xi32>,
        %swap3A_133 = vector.shape_cast %swap3A_132 : vector<16xi32> to vector<16xi32>
        %swap3A_134 = vector.shape_cast %get3A_130 : vector<16xi32> to vector<16xi32>
        tpu.vector_store %arg9[%swap3A_131], %swap3A_134 {strides = array<i32>} : memref<80xi32, #tpu.memory_space<vmem>>, vector<16xi32>,
        %add3A_135 = arith.constant 64 : i32
        %add3A_136 = arith.addi %mul3A_98, %add3A_135 : i32
        %get3A_137 = arith.index_cast %add3A_136 : i32 to index
        %get3A_138 = tpu.vector_load %arg8[%get3A_137] {strides = array<i32>} : memref<10000xi32, #tpu.memory_space<vmem>>, vector<16xi32>,
        %get3A_139 = vector.shape_cast %get3A_138 : vector<16xi32> to vector<16xi32>
        %swap3A_140 = arith.constant 64 : index
        %swap3A_141 = tpu.vector_load %arg9[%swap3A_140] {strides = array<i32>} : memref<80xi32, #tpu.memory_space<vmem>>, vector<16xi32>,
        %swap3A_142 = vector.shape_cast %swap3A_141 : vector<16xi32> to vector<16xi32>
        %swap3A_143 = vector.shape_cast %get3A_139 : vector<16xi32> to vector<16xi32>
        tpu.vector_store %arg9[%swap3A_140], %swap3A_143 {strides = array<i32>} : memref<80xi32, #tpu.memory_space<vmem>>, vector<16xi32>,
        %add3A_144 = arith.constant 1 : i32
        %add3A_145 = arith.addi %add3A_75, %add3A_144 : i32
        %mul3A_146 = arith.constant 80 : i32
        %mul3A_147 = arith.muli %add3A_145, %mul3A_146 : i32
        %dma_start3A_148 = tpu.memref_slice %arg7[%mul3A_147] : memref<10000xi32, #tpu.memory_space<vmem>> -> memref<80xi32, #tpu.memory_space<vmem>>
        %dma_start3A_149 = arith.constant 0 : i32
        %dma_start3A_150 = arith.constant 0 : i32
        %dma_start3A_151 = tpu.memref_slice %arg2[%dma_start3A_149, %dma_start3A_150] : memref<10000x128xf32, #tpu.memory_space<hbm>> -> memref<10000x128xf32, #tpu.memory_space<hbm>>
        tpu.enqueue_indirect_dma source(%dma_start3A_151 : memref<10000x128xf32, #tpu.memory_space<hbm>>) target(%arg11 : memref<80x128xf32, #tpu.memory_space<vmem>>) offsets(%dma_start3A_148 : memref<80xi32, #tpu.memory_space<vmem>>) semaphore(%arg14 : memref<!tpu.dma_semaphore, #tpu.memory_space<semaphore_mem>>)
      } else {
      }
      %lt3A_90 = arith.constant 125 : i32
      %lt3A_91 = arith.cmpi slt, %add3A_75, %lt3A_90 : i32
      %convert_element_type3A_92 = arith.extui %lt3A_91 : i1 to i32
      %cond3A_93 = arith.constant 0 : i32
      %cond3A_94 = arith.cmpi ne, %convert_element_type3A_92, %cond3A_93 : i32
      scf.if %cond3A_94 {
        %mul3A_95 = arith.constant 80 : i32
        %mul3A_96 = arith.muli %add3A_75, %mul3A_95 : i32
        %dma_wait3A_97 = tpu.memref_slice %arg7[%mul3A_96] : memref<10000xi32, #tpu.memory_space<vmem>> -> memref<80xi32, #tpu.memory_space<vmem>>
        %dma_wait3A_98 = arith.constant 0 : i32
        %dma_wait3A_99 = arith.constant 0 : i32
        %dma_wait3A_100 = tpu.memref_slice %arg2[%dma_wait3A_98, %dma_wait3A_99] : memref<10000x128xf32, #tpu.memory_space<hbm>> -> memref<10000x128xf32, #tpu.memory_space<hbm>>
        tpu.wait_indirect_dma semaphore(%arg15 : memref<!tpu.dma_semaphore, #tpu.memory_space<semaphore_mem>>) src(%dma_wait3A_100 : memref<10000x128xf32, #tpu.memory_space<hbm>>) dst(%arg12 : memref<80x128xf32, #tpu.memory_space<vmem>>)
        "tpu.region"() ({
          %run_scoped3A = tpu.sem_alloc : memref<!tpu.dma_semaphore, #tpu.memory_space<semaphore_mem>>
          %dma_start3A_101 = arith.constant 0 : i32
          %dma_start3A_102 = arith.constant 0 : i32
          %dma_start3A_103 = tpu.memref_slice %arg13[%dma_start3A_101, %dma_start3A_102] : memref<10240x128xf32, #tpu.memory_space<vmem_shared>> -> memref<10240x128xf32, #tpu.memory_space<vmem_shared>>
          tpu.enqueue_indirect_dma source(%arg12 : memref<80x128xf32, #tpu.memory_space<vmem>>) target(%dma_start3A_103 : memref<10240x128xf32, #tpu.memory_space<vmem_shared>>) offsets(%arg10 : memref<80xi32, #tpu.memory_space<vmem>>) semaphore(%run_scoped3A : memref<!tpu.dma_semaphore, #tpu.memory_space<semaphore_mem>>) {add = true}
          %dma_wait3A_104 = arith.constant 0 : i32
          %dma_wait3A_105 = arith.constant 0 : i32
          %dma_wait3A_106 = tpu.memref_slice %arg13[%dma_wait3A_104, %dma_wait3A_105] : memref<10240x128xf32, #tpu.memory_space<vmem_shared>> -> memref<10240x128xf32, #tpu.memory_space<vmem_shared>>
          tpu.wait_indirect_dma semaphore(%run_scoped3A : memref<!tpu.dma_semaphore, #tpu.memory_space<semaphore_mem>>) src(%arg12 : memref<80x128xf32, #tpu.memory_space<vmem>>) dst(%dma_wait3A_106 : memref<10240x128xf32, #tpu.memory_space<vmem_shared>>)
          tpu.yield
        }) : () -> ()
      } else {
      }
    }
    %barrier3A_67 = arith.constant 0 : index
    tpu.barrier barrier_id(%barrier3A_67)
    %mul3A_68 = arith.constant 10240 : i32
    %mul3A_69 = arith.muli %arg0, %mul3A_68 : i32
    %add3A_70 = arith.addi %mul3A_69, %mul3A_2 : i32
    "tpu.region"() ({
      %run_scoped3A = tpu.sem_alloc : memref<!tpu.dma_semaphore, #tpu.memory_space<semaphore_mem>>
      %dma_start3A_71 = arith.constant 0 : i32
      %dma_start3A_72 = tpu.memref_slice %arg6[%add3A_70, %dma_start3A_71] : memref<20480x128xf32, #tpu.memory_space<hbm>> -> memref<640x128xf32, #tpu.memory_space<hbm>>
      %dma_start3A_73 = arith.constant 0 : i32
      %dma_start3A_74 = tpu.memref_slice %arg13[%mul3A_2, %dma_start3A_73] : memref<10240x128xf32, #tpu.memory_space<vmem_shared>> -> memref<640x128xf32, #tpu.memory_space<vmem_shared>>
      tpu.enqueue_dma source(%dma_start3A_74 : memref<640x128xf32, #tpu.memory_space<vmem_shared>>) target(%dma_start3A_72 : memref<640x128xf32, #tpu.memory_space<hbm>>) target_semaphore(%run_scoped3A : memref<!tpu.dma_semaphore, #tpu.memory_space<semaphore_mem>>)
      %dma_wait3A = arith.constant 0 : i32
      %dma_wait3A_75 = tpu.memref_slice %arg6[%add3A_70, %dma_wait3A] : memref<20480x128xf32, #tpu.memory_space<hbm>> -> memref<640x128xf32, #tpu.memory_space<hbm>>
      %dma_wait3A_76 = arith.constant 0 : i32
      %dma_wait3A_77 = tpu.memref_slice %arg13[%mul3A_2, %dma_wait3A_76] : memref<10240x128xf32, #tpu.memory_space<vmem_shared>> -> memref<640x128xf32, #tpu.memory_space<vmem_shared>>
      tpu.wait_dma2 semaphore(%run_scoped3A : memref<!tpu.dma_semaphore, #tpu.memory_space<semaphore_mem>>) src(%dma_wait3A_77 : memref<640x128xf32, #tpu.memory_space<vmem_shared>>) dst(%dma_wait3A_75 : memref<640x128xf32, #tpu.memory_space<hbm>>)
      tpu.yield
    }) : () -> ()
    return
  }
}

#map = affine_map<(d0, d1) -> (0, 0)>
#map1 = affine_map<(d0, d1) -> (0)>
module attributes {stable_mosaic.version = 14 : i64} {
  func.func @_agg_kernel(%arg0: i32, %arg1: i32, %arg2: memref<10000x128xf32, #tpu.memory_space<hbm>>, %arg3: memref<320000xi32, #tpu.memory_space<hbm>>, %arg4: memref<320000xi32, #tpu.memory_space<hbm>>, %arg5: memref<10240x128xf32, #tpu.memory_space<hbm>>, %arg6: memref<20480x128xf32, #tpu.memory_space<hbm>>, %arg7: memref<10000xi32, #tpu.memory_space<vmem>>, %arg8: memref<10000xi32, #tpu.memory_space<vmem>>, %arg9: memref<80xi32, #tpu.memory_space<vmem>>, %arg10: memref<80xi32, #tpu.memory_space<vmem>>, %arg11: memref<80x128xf32, #tpu.memory_space<vmem>>, %arg12: memref<80x128xf32, #tpu.memory_space<vmem>>, %arg13: memref<10240x128xf32, #tpu.memory_space<vmem_shared>>, %arg14: memref<!tpu.dma_semaphore, #tpu.memory_space<semaphore_mem>>, %arg15: memref<!tpu.dma_semaphore, #tpu.memory_space<semaphore_mem>>) attributes {dimension_semantics = [#tpu.dimension_semantics<core_parallel>, #tpu.dimension_semantics<subcore_parallel>], iteration_bounds = array<i64: 2, 16>, scalar_prefetch = 0 : i64, scratch_operands = 9 : i64, tpu.core_type = #tpu.core_type<sc_vector_subcore>, window_params = [{transform_indices = #map}, {transform_indices = #map1}, {transform_indices = #map1}, {transform_indices = #map}, {transform_indices = #map}]} {
    %mul3A = arith.constant 16 : i32
    %mul3A_0 = arith.muli %arg0, %mul3A : i32
    %add3A = arith.addi %mul3A_0, %arg1 : i32
    %mul3A_1 = arith.constant 640 : i32
    %mul3A_2 = arith.muli %arg1, %mul3A_1 : i32
    %mul3A_3 = arith.constant 10000 : i32
    %mul3A_4 = arith.muli %add3A, %mul3A_3 : i32
    "tpu.region"() ({
      %run_scoped3A = tpu.sem_alloc : memref<!tpu.dma_semaphore, #tpu.memory_space<semaphore_mem>>
      %dma_start3A_71 = arith.constant 0 : i32
      %dma_start3A_72 = tpu.memref_slice %arg13[%mul3A_2, %dma_start3A_71] : memref<10240x128xf32, #tpu.memory_space<vmem_shared>> -> memref<640x128xf32, #tpu.memory_space<vmem_shared>>
      %dma_start3A_73 = arith.constant 0 : i32
      %dma_start3A_74 = tpu.memref_slice %arg5[%mul3A_2, %dma_start3A_73] : memref<10240x128xf32, #tpu.memory_space<hbm>> -> memref<640x128xf32, #tpu.memory_space<hbm>>
      tpu.enqueue_dma source(%dma_start3A_74 : memref<640x128xf32, #tpu.memory_space<hbm>>) target(%dma_start3A_72 : memref<640x128xf32, #tpu.memory_space<vmem_shared>>) target_semaphore(%run_scoped3A : memref<!tpu.dma_semaphore, #tpu.memory_space<semaphore_mem>>)
      %dma_wait3A = arith.constant 0 : i32
      %dma_wait3A_75 = tpu.memref_slice %arg13[%mul3A_2, %dma_wait3A] : memref<10240x128xf32, #tpu.memory_space<vmem_shared>> -> memref<640x128xf32, #tpu.memory_space<vmem_shared>>
      %dma_wait3A_76 = arith.constant 0 : i32
      %dma_wait3A_77 = tpu.memref_slice %arg5[%mul3A_2, %dma_wait3A_76] : memref<10240x128xf32, #tpu.memory_space<hbm>> -> memref<640x128xf32, #tpu.memory_space<hbm>>
      tpu.wait_dma2 semaphore(%run_scoped3A : memref<!tpu.dma_semaphore, #tpu.memory_space<semaphore_mem>>) src(%dma_wait3A_77 : memref<640x128xf32, #tpu.memory_space<hbm>>) dst(%dma_wait3A_75 : memref<640x128xf32, #tpu.memory_space<vmem_shared>>)
      tpu.yield
    }) : () -> ()
    "tpu.region"() ({
      %run_scoped3A = tpu.sem_alloc : memref<!tpu.dma_semaphore, #tpu.memory_space<semaphore_mem>>
      %dma_start3A_71 = tpu.memref_slice %arg3[%mul3A_4] : memref<320000xi32, #tpu.memory_space<hbm>> -> memref<10000xi32, #tpu.memory_space<hbm>>
      %dma_start3A_72 = tpu.memref_slice %arg3[%mul3A_4] : memref<320000xi32, #tpu.memory_space<hbm>> -> memref<10000xi32, #tpu.memory_space<hbm>>
      tpu.enqueue_dma source(%dma_start3A_72 : memref<10000xi32, #tpu.memory_space<hbm>>) target(%arg7 : memref<10000xi32, #tpu.memory_space<vmem>>) target_semaphore(%run_scoped3A : memref<!tpu.dma_semaphore, #tpu.memory_space<semaphore_mem>>)
      %dma_wait3A = tpu.memref_slice %arg3[%mul3A_4] : memref<320000xi32, #tpu.memory_space<hbm>> -> memref<10000xi32, #tpu.memory_space<hbm>>
      %dma_wait3A_73 = tpu.memref_slice %arg3[%mul3A_4] : memref<320000xi32, #tpu.memory_space<hbm>> -> memref<10000xi32, #tpu.memory_space<hbm>>
      tpu.wait_dma2 semaphore(%run_scoped3A : memref<!tpu.dma_semaphore, #tpu.memory_space<semaphore_mem>>) src(%dma_wait3A_73 : memref<10000xi32, #tpu.memory_space<hbm>>) dst(%arg7 : memref<10000xi32, #tpu.memory_space<vmem>>)
      tpu.yield
    }) : () -> ()
    "tpu.region"() ({
      %run_scoped3A = tpu.sem_alloc : memref<!tpu.dma_semaphore, #tpu.memory_space<semaphore_mem>>
      %dma_start3A_71 = tpu.memref_slice %arg4[%mul3A_4] : memref<320000xi32, #tpu.memory_space<hbm>> -> memref<10000xi32, #tpu.memory_space<hbm>>
      %dma_start3A_72 = tpu.memref_slice %arg4[%mul3A_4] : memref<320000xi32, #tpu.memory_space<hbm>> -> memref<10000xi32, #tpu.memory_space<hbm>>
      tpu.enqueue_dma source(%dma_start3A_72 : memref<10000xi32, #tpu.memory_space<hbm>>) target(%arg8 : memref<10000xi32, #tpu.memory_space<vmem>>) target_semaphore(%run_scoped3A : memref<!tpu.dma_semaphore, #tpu.memory_space<semaphore_mem>>)
      %dma_wait3A = tpu.memref_slice %arg4[%mul3A_4] : memref<320000xi32, #tpu.memory_space<hbm>> -> memref<10000xi32, #tpu.memory_space<hbm>>
      %dma_wait3A_73 = tpu.memref_slice %arg4[%mul3A_4] : memref<320000xi32, #tpu.memory_space<hbm>> -> memref<10000xi32, #tpu.memory_space<hbm>>
      tpu.wait_dma2 semaphore(%run_scoped3A : memref<!tpu.dma_semaphore, #tpu.memory_space<semaphore_mem>>) src(%dma_wait3A_73 : memref<10000xi32, #tpu.memory_space<hbm>>) dst(%arg8 : memref<10000xi32, #tpu.memory_space<vmem>>)
      tpu.yield
    }) : () -> ()
    %barrier3A = arith.constant 0 : index
    tpu.barrier barrier_id(%barrier3A)
    %mul3A_5 = arith.constant 0 : i32
    %mul3A_6 = arith.constant 80 : i32
    %mul3A_7 = arith.muli %mul3A_5, %mul3A_6 : i32
    %add3A_8 = arith.constant 0 : i32
    %add3A_9 = arith.addi %mul3A_7, %add3A_8 : i32
    %get3A = arith.index_cast %add3A_9 : i32 to index
    %get3A_10 = tpu.vector_load %arg8[%get3A] {strides = array<i32>} : memref<10000xi32, #tpu.memory_space<vmem>>, vector<16xi32>,
    %get3A_11 = vector.shape_cast %get3A_10 : vector<16xi32> to vector<16xi32>
    %swap3A = arith.constant 0 : index
    %swap3A_12 = tpu.vector_load %arg9[%swap3A] {strides = array<i32>} : memref<80xi32, #tpu.memory_space<vmem>>, vector<16xi32>,
    %swap3A_13 = vector.shape_cast %swap3A_12 : vector<16xi32> to vector<16xi32>
    %swap3A_14 = vector.shape_cast %get3A_11 : vector<16xi32> to vector<16xi32>
    tpu.vector_store %arg9[%swap3A], %swap3A_14 {strides = array<i32>} : memref<80xi32, #tpu.memory_space<vmem>>, vector<16xi32>,
    %add3A_15 = arith.constant 16 : i32
    %add3A_16 = arith.addi %mul3A_7, %add3A_15 : i32
    %get3A_17 = arith.index_cast %add3A_16 : i32 to index
    %get3A_18 = tpu.vector_load %arg8[%get3A_17] {strides = array<i32>} : memref<10000xi32, #tpu.memory_space<vmem>>, vector<16xi32>,
    %get3A_19 = vector.shape_cast %get3A_18 : vector<16xi32> to vector<16xi32>
    %swap3A_20 = arith.constant 16 : index
    %swap3A_21 = tpu.vector_load %arg9[%swap3A_20] {strides = array<i32>} : memref<80xi32, #tpu.memory_space<vmem>>, vector<16xi32>,
    %swap3A_22 = vector.shape_cast %swap3A_21 : vector<16xi32> to vector<16xi32>
    %swap3A_23 = vector.shape_cast %get3A_19 : vector<16xi32> to vector<16xi32>
    tpu.vector_store %arg9[%swap3A_20], %swap3A_23 {strides = array<i32>} : memref<80xi32, #tpu.memory_space<vmem>>, vector<16xi32>,
    %add3A_24 = arith.constant 32 : i32
    %add3A_25 = arith.addi %mul3A_7, %add3A_24 : i32
    %get3A_26 = arith.index_cast %add3A_25 : i32 to index
    %get3A_27 = tpu.vector_load %arg8[%get3A_26] {strides = array<i32>} : memref<10000xi32, #tpu.memory_space<vmem>>, vector<16xi32>,
    %get3A_28 = vector.shape_cast %get3A_27 : vector<16xi32> to vector<16xi32>
    %swap3A_29 = arith.constant 32 : index
    %swap3A_30 = tpu.vector_load %arg9[%swap3A_29] {strides = array<i32>} : memref<80xi32, #tpu.memory_space<vmem>>, vector<16xi32>,
    %swap3A_31 = vector.shape_cast %swap3A_30 : vector<16xi32> to vector<16xi32>
    %swap3A_32 = vector.shape_cast %get3A_28 : vector<16xi32> to vector<16xi32>
    tpu.vector_store %arg9[%swap3A_29], %swap3A_32 {strides = array<i32>} : memref<80xi32, #tpu.memory_space<vmem>>, vector<16xi32>,
    %add3A_33 = arith.constant 48 : i32
    %add3A_34 = arith.addi %mul3A_7, %add3A_33 : i32
    %get3A_35 = arith.index_cast %add3A_34 : i32 to index
    %get3A_36 = tpu.vector_load %arg8[%get3A_35] {strides = array<i32>} : memref<10000xi32, #tpu.memory_space<vmem>>, vector<16xi32>,
    %get3A_37 = vector.shape_cast %get3A_36 : vector<16xi32> to vector<16xi32>
    %swap3A_38 = arith.constant 48 : index
    %swap3A_39 = tpu.vector_load %arg9[%swap3A_38] {strides = array<i32>} : memref<80xi32, #tpu.memory_space<vmem>>, vector<16xi32>,
    %swap3A_40 = vector.shape_cast %swap3A_39 : vector<16xi32> to vector<16xi32>
    %swap3A_41 = vector.shape_cast %get3A_37 : vector<16xi32> to vector<16xi32>
    tpu.vector_store %arg9[%swap3A_38], %swap3A_41 {strides = array<i32>} : memref<80xi32, #tpu.memory_space<vmem>>, vector<16xi32>,
    %add3A_42 = arith.constant 64 : i32
    %add3A_43 = arith.addi %mul3A_7, %add3A_42 : i32
    %get3A_44 = arith.index_cast %add3A_43 : i32 to index
    %get3A_45 = tpu.vector_load %arg8[%get3A_44] {strides = array<i32>} : memref<10000xi32, #tpu.memory_space<vmem>>, vector<16xi32>,
    %get3A_46 = vector.shape_cast %get3A_45 : vector<16xi32> to vector<16xi32>
    %swap3A_47 = arith.constant 64 : index
    %swap3A_48 = tpu.vector_load %arg9[%swap3A_47] {strides = array<i32>} : memref<80xi32, #tpu.memory_space<vmem>>, vector<16xi32>,
    %swap3A_49 = vector.shape_cast %swap3A_48 : vector<16xi32> to vector<16xi32>
    %swap3A_50 = vector.shape_cast %get3A_46 : vector<16xi32> to vector<16xi32>
    tpu.vector_store %arg9[%swap3A_47], %swap3A_50 {strides = array<i32>} : memref<80xi32, #tpu.memory_space<vmem>>, vector<16xi32>,
    %mul3A_51 = arith.constant 0 : i32
    %mul3A_52 = arith.constant 80 : i32
    %mul3A_53 = arith.muli %mul3A_51, %mul3A_52 : i32
    %dma_start3A = tpu.memref_slice %arg7[%mul3A_53] : memref<10000xi32, #tpu.memory_space<vmem>> -> memref<80xi32, #tpu.memory_space<vmem>>
    %dma_start3A_54 = arith.constant 0 : i32
    %dma_start3A_55 = arith.constant 0 : i32
    %dma_start3A_56 = tpu.memref_slice %arg2[%dma_start3A_54, %dma_start3A_55] : memref<10000x128xf32, #tpu.memory_space<hbm>> -> memref<10000x128xf32, #tpu.memory_space<hbm>>
    tpu.enqueue_indirect_dma source(%dma_start3A_56 : memref<10000x128xf32, #tpu.memory_space<hbm>>) target(%arg11 : memref<80x128xf32, #tpu.memory_space<vmem>>) offsets(%dma_start3A : memref<80xi32, #tpu.memory_space<vmem>>) semaphore(%arg14 : memref<!tpu.dma_semaphore, #tpu.memory_space<semaphore_mem>>)
    %while3A = arith.constant 0 : i32
    %while3A_57 = arith.constant 0 : i32
    %while3A_58 = arith.constant 63 : i32
    %while3A_59 = arith.subi %while3A_58, %while3A_57 : i32
    %while3A_60 = arith.addi %while3A_57, %while3A_59 : i32
    %while3A_61 = arith.constant 1 : i32
    %while3A_62 = arith.divsi %while3A_59, %while3A_61 : i32
    %while3A_63 = arith.muli %while3A_62, %while3A_61 : i32
    %while3A_64 = arith.addi %while3A_57, %while3A_63 : i32
    %while3A_65 = arith.constant 1 : i32
    scf.for %while3A_71 = %while3A_57 to %while3A_64 step %while3A_65  : i32 {
      %mul3A_72 = arith.constant 2 : i32
      %mul3A_73 = arith.muli %while3A_71, %mul3A_72 : i32
      %add3A_74 = arith.constant 1 : i32
      %add3A_75 = arith.addi %mul3A_73, %add3A_74 : i32
      %lt3A = arith.constant 125 : i32
      %lt3A_76 = arith.cmpi slt, %add3A_75, %lt3A : i32
      %convert_element_type3A = arith.extui %lt3A_76 : i1 to i32
      %cond3A = arith.constant 0 : i32
      %cond3A_77 = arith.cmpi ne, %convert_element_type3A, %cond3A : i32
      scf.if %cond3A_77 {
        %mul3A_95 = arith.constant 80 : i32
        %mul3A_96 = arith.muli %add3A_75, %mul3A_95 : i32
        %add3A_97 = arith.constant 0 : i32
        %add3A_98 = arith.addi %mul3A_96, %add3A_97 : i32
        %get3A_99 = arith.index_cast %add3A_98 : i32 to index
        %get3A_100 = tpu.vector_load %arg8[%get3A_99] {strides = array<i32>} : memref<10000xi32, #tpu.memory_space<vmem>>, vector<16xi32>,
        %get3A_101 = vector.shape_cast %get3A_100 : vector<16xi32> to vector<16xi32>
        %swap3A_102 = arith.constant 0 : index
        %swap3A_103 = tpu.vector_load %arg10[%swap3A_102] {strides = array<i32>} : memref<80xi32, #tpu.memory_space<vmem>>, vector<16xi32>,
        %swap3A_104 = vector.shape_cast %swap3A_103 : vector<16xi32> to vector<16xi32>
        %swap3A_105 = vector.shape_cast %get3A_101 : vector<16xi32> to vector<16xi32>
        tpu.vector_store %arg10[%swap3A_102], %swap3A_105 {strides = array<i32>} : memref<80xi32, #tpu.memory_space<vmem>>, vector<16xi32>,
        %add3A_106 = arith.constant 16 : i32
        %add3A_107 = arith.addi %mul3A_96, %add3A_106 : i32
        %get3A_108 = arith.index_cast %add3A_107 : i32 to index
        %get3A_109 = tpu.vector_load %arg8[%get3A_108] {strides = array<i32>} : memref<10000xi32, #tpu.memory_space<vmem>>, vector<16xi32>,
        %get3A_110 = vector.shape_cast %get3A_109 : vector<16xi32> to vector<16xi32>
        %swap3A_111 = arith.constant 16 : index
        %swap3A_112 = tpu.vector_load %arg10[%swap3A_111] {strides = array<i32>} : memref<80xi32, #tpu.memory_space<vmem>>, vector<16xi32>,
        %swap3A_113 = vector.shape_cast %swap3A_112 : vector<16xi32> to vector<16xi32>
        %swap3A_114 = vector.shape_cast %get3A_110 : vector<16xi32> to vector<16xi32>
        tpu.vector_store %arg10[%swap3A_111], %swap3A_114 {strides = array<i32>} : memref<80xi32, #tpu.memory_space<vmem>>, vector<16xi32>,
        %add3A_115 = arith.constant 32 : i32
        %add3A_116 = arith.addi %mul3A_96, %add3A_115 : i32
        %get3A_117 = arith.index_cast %add3A_116 : i32 to index
        %get3A_118 = tpu.vector_load %arg8[%get3A_117] {strides = array<i32>} : memref<10000xi32, #tpu.memory_space<vmem>>, vector<16xi32>,
        %get3A_119 = vector.shape_cast %get3A_118 : vector<16xi32> to vector<16xi32>
        %swap3A_120 = arith.constant 32 : index
        %swap3A_121 = tpu.vector_load %arg10[%swap3A_120] {strides = array<i32>} : memref<80xi32, #tpu.memory_space<vmem>>, vector<16xi32>,
        %swap3A_122 = vector.shape_cast %swap3A_121 : vector<16xi32> to vector<16xi32>
        %swap3A_123 = vector.shape_cast %get3A_119 : vector<16xi32> to vector<16xi32>
        tpu.vector_store %arg10[%swap3A_120], %swap3A_123 {strides = array<i32>} : memref<80xi32, #tpu.memory_space<vmem>>, vector<16xi32>,
        %add3A_124 = arith.constant 48 : i32
        %add3A_125 = arith.addi %mul3A_96, %add3A_124 : i32
        %get3A_126 = arith.index_cast %add3A_125 : i32 to index
        %get3A_127 = tpu.vector_load %arg8[%get3A_126] {strides = array<i32>} : memref<10000xi32, #tpu.memory_space<vmem>>, vector<16xi32>,
        %get3A_128 = vector.shape_cast %get3A_127 : vector<16xi32> to vector<16xi32>
        %swap3A_129 = arith.constant 48 : index
        %swap3A_130 = tpu.vector_load %arg10[%swap3A_129] {strides = array<i32>} : memref<80xi32, #tpu.memory_space<vmem>>, vector<16xi32>,
        %swap3A_131 = vector.shape_cast %swap3A_130 : vector<16xi32> to vector<16xi32>
        %swap3A_132 = vector.shape_cast %get3A_128 : vector<16xi32> to vector<16xi32>
        tpu.vector_store %arg10[%swap3A_129], %swap3A_132 {strides = array<i32>} : memref<80xi32, #tpu.memory_space<vmem>>, vector<16xi32>,
        %add3A_133 = arith.constant 64 : i32
        %add3A_134 = arith.addi %mul3A_96, %add3A_133 : i32
        %get3A_135 = arith.index_cast %add3A_134 : i32 to index
        %get3A_136 = tpu.vector_load %arg8[%get3A_135] {strides = array<i32>} : memref<10000xi32, #tpu.memory_space<vmem>>, vector<16xi32>,
        %get3A_137 = vector.shape_cast %get3A_136 : vector<16xi32> to vector<16xi32>
        %swap3A_138 = arith.constant 64 : index
        %swap3A_139 = tpu.vector_load %arg10[%swap3A_138] {strides = array<i32>} : memref<80xi32, #tpu.memory_space<vmem>>, vector<16xi32>,
        %swap3A_140 = vector.shape_cast %swap3A_139 : vector<16xi32> to vector<16xi32>
        %swap3A_141 = vector.shape_cast %get3A_137 : vector<16xi32> to vector<16xi32>
        tpu.vector_store %arg10[%swap3A_138], %swap3A_141 {strides = array<i32>} : memref<80xi32, #tpu.memory_space<vmem>>, vector<16xi32>,
        %mul3A_142 = arith.constant 80 : i32
        %mul3A_143 = arith.muli %add3A_75, %mul3A_142 : i32
        %dma_start3A_144 = tpu.memref_slice %arg7[%mul3A_143] : memref<10000xi32, #tpu.memory_space<vmem>> -> memref<80xi32, #tpu.memory_space<vmem>>
        %dma_start3A_145 = arith.constant 0 : i32
        %dma_start3A_146 = arith.constant 0 : i32
        %dma_start3A_147 = tpu.memref_slice %arg2[%dma_start3A_145, %dma_start3A_146] : memref<10000x128xf32, #tpu.memory_space<hbm>> -> memref<10000x128xf32, #tpu.memory_space<hbm>>
        tpu.enqueue_indirect_dma source(%dma_start3A_147 : memref<10000x128xf32, #tpu.memory_space<hbm>>) target(%arg12 : memref<80x128xf32, #tpu.memory_space<vmem>>) offsets(%dma_start3A_144 : memref<80xi32, #tpu.memory_space<vmem>>) semaphore(%arg15 : memref<!tpu.dma_semaphore, #tpu.memory_space<semaphore_mem>>)
      } else {
      }
      %mul3A_78 = arith.constant 80 : i32
      %mul3A_79 = arith.muli %mul3A_73, %mul3A_78 : i32
      %dma_wait3A = tpu.memref_slice %arg7[%mul3A_79] : memref<10000xi32, #tpu.memory_space<vmem>> -> memref<80xi32, #tpu.memory_space<vmem>>
      %dma_wait3A_80 = arith.constant 0 : i32
      %dma_wait3A_81 = arith.constant 0 : i32
      %dma_wait3A_82 = tpu.memref_slice %arg2[%dma_wait3A_80, %dma_wait3A_81] : memref<10000x128xf32, #tpu.memory_space<hbm>> -> memref<10000x128xf32, #tpu.memory_space<hbm>>
      tpu.wait_indirect_dma semaphore(%arg14 : memref<!tpu.dma_semaphore, #tpu.memory_space<semaphore_mem>>) src(%dma_wait3A_82 : memref<10000x128xf32, #tpu.memory_space<hbm>>) dst(%arg11 : memref<80x128xf32, #tpu.memory_space<vmem>>)
      "tpu.region"() ({
        %run_scoped3A = tpu.sem_alloc : memref<!tpu.dma_semaphore, #tpu.memory_space<semaphore_mem>>
        %dma_start3A_95 = arith.constant 0 : i32
        %dma_start3A_96 = arith.constant 0 : i32
        %dma_start3A_97 = tpu.memref_slice %arg13[%dma_start3A_95, %dma_start3A_96] : memref<10240x128xf32, #tpu.memory_space<vmem_shared>> -> memref<10240x128xf32, #tpu.memory_space<vmem_shared>>
        tpu.enqueue_indirect_dma source(%arg11 : memref<80x128xf32, #tpu.memory_space<vmem>>) target(%dma_start3A_97 : memref<10240x128xf32, #tpu.memory_space<vmem_shared>>) offsets(%arg9 : memref<80xi32, #tpu.memory_space<vmem>>) semaphore(%run_scoped3A : memref<!tpu.dma_semaphore, #tpu.memory_space<semaphore_mem>>) {add = true}
        %dma_wait3A_98 = arith.constant 0 : i32
        %dma_wait3A_99 = arith.constant 0 : i32
        %dma_wait3A_100 = tpu.memref_slice %arg13[%dma_wait3A_98, %dma_wait3A_99] : memref<10240x128xf32, #tpu.memory_space<vmem_shared>> -> memref<10240x128xf32, #tpu.memory_space<vmem_shared>>
        tpu.wait_indirect_dma semaphore(%run_scoped3A : memref<!tpu.dma_semaphore, #tpu.memory_space<semaphore_mem>>) src(%arg11 : memref<80x128xf32, #tpu.memory_space<vmem>>) dst(%dma_wait3A_100 : memref<10240x128xf32, #tpu.memory_space<vmem_shared>>)
        tpu.yield
      }) : () -> ()
      %add3A_83 = arith.constant 1 : i32
      %add3A_84 = arith.addi %add3A_75, %add3A_83 : i32
      %lt3A_85 = arith.constant 125 : i32
      %lt3A_86 = arith.cmpi slt, %add3A_84, %lt3A_85 : i32
      %convert_element_type3A_87 = arith.extui %lt3A_86 : i1 to i32
      %cond3A_88 = arith.constant 0 : i32
      %cond3A_89 = arith.cmpi ne, %convert_element_type3A_87, %cond3A_88 : i32
      scf.if %cond3A_89 {
        %add3A_95 = arith.constant 1 : i32
        %add3A_96 = arith.addi %add3A_75, %add3A_95 : i32
        %mul3A_97 = arith.constant 80 : i32
        %mul3A_98 = arith.muli %add3A_96, %mul3A_97 : i32
        %add3A_99 = arith.constant 0 : i32
        %add3A_100 = arith.addi %mul3A_98, %add3A_99 : i32
        %get3A_101 = arith.index_cast %add3A_100 : i32 to index
        %get3A_102 = tpu.vector_load %arg8[%get3A_101] {strides = array<i32>} : memref<10000xi32, #tpu.memory_space<vmem>>, vector<16xi32>,
        %get3A_103 = vector.shape_cast %get3A_102 : vector<16xi32> to vector<16xi32>
        %swap3A_104 = arith.constant 0 : index
        %swap3A_105 = tpu.vector_load %arg9[%swap3A_104] {strides = array<i32>} : memref<80xi32, #tpu.memory_space<vmem>>, vector<16xi32>,
        %swap3A_106 = vector.shape_cast %swap3A_105 : vector<16xi32> to vector<16xi32>
        %swap3A_107 = vector.shape_cast %get3A_103 : vector<16xi32> to vector<16xi32>
        tpu.vector_store %arg9[%swap3A_104], %swap3A_107 {strides = array<i32>} : memref<80xi32, #tpu.memory_space<vmem>>, vector<16xi32>,
        %add3A_108 = arith.constant 16 : i32
        %add3A_109 = arith.addi %mul3A_98, %add3A_108 : i32
        %get3A_110 = arith.index_cast %add3A_109 : i32 to index
        %get3A_111 = tpu.vector_load %arg8[%get3A_110] {strides = array<i32>} : memref<10000xi32, #tpu.memory_space<vmem>>, vector<16xi32>,
        %get3A_112 = vector.shape_cast %get3A_111 : vector<16xi32> to vector<16xi32>
        %swap3A_113 = arith.constant 16 : index
        %swap3A_114 = tpu.vector_load %arg9[%swap3A_113] {strides = array<i32>} : memref<80xi32, #tpu.memory_space<vmem>>, vector<16xi32>,
        %swap3A_115 = vector.shape_cast %swap3A_114 : vector<16xi32> to vector<16xi32>
        %swap3A_116 = vector.shape_cast %get3A_112 : vector<16xi32> to vector<16xi32>
        tpu.vector_store %arg9[%swap3A_113], %swap3A_116 {strides = array<i32>} : memref<80xi32, #tpu.memory_space<vmem>>, vector<16xi32>,
        %add3A_117 = arith.constant 32 : i32
        %add3A_118 = arith.addi %mul3A_98, %add3A_117 : i32
        %get3A_119 = arith.index_cast %add3A_118 : i32 to index
        %get3A_120 = tpu.vector_load %arg8[%get3A_119] {strides = array<i32>} : memref<10000xi32, #tpu.memory_space<vmem>>, vector<16xi32>,
        %get3A_121 = vector.shape_cast %get3A_120 : vector<16xi32> to vector<16xi32>
        %swap3A_122 = arith.constant 32 : index
        %swap3A_123 = tpu.vector_load %arg9[%swap3A_122] {strides = array<i32>} : memref<80xi32, #tpu.memory_space<vmem>>, vector<16xi32>,
        %swap3A_124 = vector.shape_cast %swap3A_123 : vector<16xi32> to vector<16xi32>
        %swap3A_125 = vector.shape_cast %get3A_121 : vector<16xi32> to vector<16xi32>
        tpu.vector_store %arg9[%swap3A_122], %swap3A_125 {strides = array<i32>} : memref<80xi32, #tpu.memory_space<vmem>>, vector<16xi32>,
        %add3A_126 = arith.constant 48 : i32
        %add3A_127 = arith.addi %mul3A_98, %add3A_126 : i32
        %get3A_128 = arith.index_cast %add3A_127 : i32 to index
        %get3A_129 = tpu.vector_load %arg8[%get3A_128] {strides = array<i32>} : memref<10000xi32, #tpu.memory_space<vmem>>, vector<16xi32>,
        %get3A_130 = vector.shape_cast %get3A_129 : vector<16xi32> to vector<16xi32>
        %swap3A_131 = arith.constant 48 : index
        %swap3A_132 = tpu.vector_load %arg9[%swap3A_131] {strides = array<i32>} : memref<80xi32, #tpu.memory_space<vmem>>, vector<16xi32>,
        %swap3A_133 = vector.shape_cast %swap3A_132 : vector<16xi32> to vector<16xi32>
        %swap3A_134 = vector.shape_cast %get3A_130 : vector<16xi32> to vector<16xi32>
        tpu.vector_store %arg9[%swap3A_131], %swap3A_134 {strides = array<i32>} : memref<80xi32, #tpu.memory_space<vmem>>, vector<16xi32>,
        %add3A_135 = arith.constant 64 : i32
        %add3A_136 = arith.addi %mul3A_98, %add3A_135 : i32
        %get3A_137 = arith.index_cast %add3A_136 : i32 to index
        %get3A_138 = tpu.vector_load %arg8[%get3A_137] {strides = array<i32>} : memref<10000xi32, #tpu.memory_space<vmem>>, vector<16xi32>,
        %get3A_139 = vector.shape_cast %get3A_138 : vector<16xi32> to vector<16xi32>
        %swap3A_140 = arith.constant 64 : index
        %swap3A_141 = tpu.vector_load %arg9[%swap3A_140] {strides = array<i32>} : memref<80xi32, #tpu.memory_space<vmem>>, vector<16xi32>,
        %swap3A_142 = vector.shape_cast %swap3A_141 : vector<16xi32> to vector<16xi32>
        %swap3A_143 = vector.shape_cast %get3A_139 : vector<16xi32> to vector<16xi32>
        tpu.vector_store %arg9[%swap3A_140], %swap3A_143 {strides = array<i32>} : memref<80xi32, #tpu.memory_space<vmem>>, vector<16xi32>,
        %add3A_144 = arith.constant 1 : i32
        %add3A_145 = arith.addi %add3A_75, %add3A_144 : i32
        %mul3A_146 = arith.constant 80 : i32
        %mul3A_147 = arith.muli %add3A_145, %mul3A_146 : i32
        %dma_start3A_148 = tpu.memref_slice %arg7[%mul3A_147] : memref<10000xi32, #tpu.memory_space<vmem>> -> memref<80xi32, #tpu.memory_space<vmem>>
        %dma_start3A_149 = arith.constant 0 : i32
        %dma_start3A_150 = arith.constant 0 : i32
        %dma_start3A_151 = tpu.memref_slice %arg2[%dma_start3A_149, %dma_start3A_150] : memref<10000x128xf32, #tpu.memory_space<hbm>> -> memref<10000x128xf32, #tpu.memory_space<hbm>>
        tpu.enqueue_indirect_dma source(%dma_start3A_151 : memref<10000x128xf32, #tpu.memory_space<hbm>>) target(%arg11 : memref<80x128xf32, #tpu.memory_space<vmem>>) offsets(%dma_start3A_148 : memref<80xi32, #tpu.memory_space<vmem>>) semaphore(%arg14 : memref<!tpu.dma_semaphore, #tpu.memory_space<semaphore_mem>>)
      } else {
      }
      %lt3A_90 = arith.constant 125 : i32
      %lt3A_91 = arith.cmpi slt, %add3A_75, %lt3A_90 : i32
      %convert_element_type3A_92 = arith.extui %lt3A_91 : i1 to i32
      %cond3A_93 = arith.constant 0 : i32
      %cond3A_94 = arith.cmpi ne, %convert_element_type3A_92, %cond3A_93 : i32
      scf.if %cond3A_94 {
        %mul3A_95 = arith.constant 80 : i32
        %mul3A_96 = arith.muli %add3A_75, %mul3A_95 : i32
        %dma_wait3A_97 = tpu.memref_slice %arg7[%mul3A_96] : memref<10000xi32, #tpu.memory_space<vmem>> -> memref<80xi32, #tpu.memory_space<vmem>>
        %dma_wait3A_98 = arith.constant 0 : i32
        %dma_wait3A_99 = arith.constant 0 : i32
        %dma_wait3A_100 = tpu.memref_slice %arg2[%dma_wait3A_98, %dma_wait3A_99] : memref<10000x128xf32, #tpu.memory_space<hbm>> -> memref<10000x128xf32, #tpu.memory_space<hbm>>
        tpu.wait_indirect_dma semaphore(%arg15 : memref<!tpu.dma_semaphore, #tpu.memory_space<semaphore_mem>>) src(%dma_wait3A_100 : memref<10000x128xf32, #tpu.memory_space<hbm>>) dst(%arg12 : memref<80x128xf32, #tpu.memory_space<vmem>>)
        "tpu.region"() ({
          %run_scoped3A = tpu.sem_alloc : memref<!tpu.dma_semaphore, #tpu.memory_space<semaphore_mem>>
          %dma_start3A_101 = arith.constant 0 : i32
          %dma_start3A_102 = arith.constant 0 : i32
          %dma_start3A_103 = tpu.memref_slice %arg13[%dma_start3A_101, %dma_start3A_102] : memref<10240x128xf32, #tpu.memory_space<vmem_shared>> -> memref<10240x128xf32, #tpu.memory_space<vmem_shared>>
          tpu.enqueue_indirect_dma source(%arg12 : memref<80x128xf32, #tpu.memory_space<vmem>>) target(%dma_start3A_103 : memref<10240x128xf32, #tpu.memory_space<vmem_shared>>) offsets(%arg10 : memref<80xi32, #tpu.memory_space<vmem>>) semaphore(%run_scoped3A : memref<!tpu.dma_semaphore, #tpu.memory_space<semaphore_mem>>) {add = true}
          %dma_wait3A_104 = arith.constant 0 : i32
          %dma_wait3A_105 = arith.constant 0 : i32
          %dma_wait3A_106 = tpu.memref_slice %arg13[%dma_wait3A_104, %dma_wait3A_105] : memref<10240x128xf32, #tpu.memory_space<vmem_shared>> -> memref<10240x128xf32, #tpu.memory_space<vmem_shared>>
          tpu.wait_indirect_dma semaphore(%run_scoped3A : memref<!tpu.dma_semaphore, #tpu.memory_space<semaphore_mem>>) src(%arg12 : memref<80x128xf32, #tpu.memory_space<vmem>>) dst(%dma_wait3A_106 : memref<10240x128xf32, #tpu.memory_space<vmem_shared>>)
          tpu.yield
        }) : () -> ()
      } else {
      }
    }
    %while3A_66 = arith.constant 1 : i32
    scf.for %while3A_71 = %while3A_64 to %while3A_60 step %while3A_66  : i32 {
      %mul3A_72 = arith.constant 2 : i32
      %mul3A_73 = arith.muli %while3A_71, %mul3A_72 : i32
      %add3A_74 = arith.constant 1 : i32
      %add3A_75 = arith.addi %mul3A_73, %add3A_74 : i32
      %lt3A = arith.constant 125 : i32
      %lt3A_76 = arith.cmpi slt, %add3A_75, %lt3A : i32
      %convert_element_type3A = arith.extui %lt3A_76 : i1 to i32
      %cond3A = arith.constant 0 : i32
      %cond3A_77 = arith.cmpi ne, %convert_element_type3A, %cond3A : i32
      scf.if %cond3A_77 {
        %mul3A_95 = arith.constant 80 : i32
        %mul3A_96 = arith.muli %add3A_75, %mul3A_95 : i32
        %add3A_97 = arith.constant 0 : i32
        %add3A_98 = arith.addi %mul3A_96, %add3A_97 : i32
        %get3A_99 = arith.index_cast %add3A_98 : i32 to index
        %get3A_100 = tpu.vector_load %arg8[%get3A_99] {strides = array<i32>} : memref<10000xi32, #tpu.memory_space<vmem>>, vector<16xi32>,
        %get3A_101 = vector.shape_cast %get3A_100 : vector<16xi32> to vector<16xi32>
        %swap3A_102 = arith.constant 0 : index
        %swap3A_103 = tpu.vector_load %arg10[%swap3A_102] {strides = array<i32>} : memref<80xi32, #tpu.memory_space<vmem>>, vector<16xi32>,
        %swap3A_104 = vector.shape_cast %swap3A_103 : vector<16xi32> to vector<16xi32>
        %swap3A_105 = vector.shape_cast %get3A_101 : vector<16xi32> to vector<16xi32>
        tpu.vector_store %arg10[%swap3A_102], %swap3A_105 {strides = array<i32>} : memref<80xi32, #tpu.memory_space<vmem>>, vector<16xi32>,
        %add3A_106 = arith.constant 16 : i32
        %add3A_107 = arith.addi %mul3A_96, %add3A_106 : i32
        %get3A_108 = arith.index_cast %add3A_107 : i32 to index
        %get3A_109 = tpu.vector_load %arg8[%get3A_108] {strides = array<i32>} : memref<10000xi32, #tpu.memory_space<vmem>>, vector<16xi32>,
        %get3A_110 = vector.shape_cast %get3A_109 : vector<16xi32> to vector<16xi32>
        %swap3A_111 = arith.constant 16 : index
        %swap3A_112 = tpu.vector_load %arg10[%swap3A_111] {strides = array<i32>} : memref<80xi32, #tpu.memory_space<vmem>>, vector<16xi32>,
        %swap3A_113 = vector.shape_cast %swap3A_112 : vector<16xi32> to vector<16xi32>
        %swap3A_114 = vector.shape_cast %get3A_110 : vector<16xi32> to vector<16xi32>
        tpu.vector_store %arg10[%swap3A_111], %swap3A_114 {strides = array<i32>} : memref<80xi32, #tpu.memory_space<vmem>>, vector<16xi32>,
        %add3A_115 = arith.constant 32 : i32
        %add3A_116 = arith.addi %mul3A_96, %add3A_115 : i32
        %get3A_117 = arith.index_cast %add3A_116 : i32 to index
        %get3A_118 = tpu.vector_load %arg8[%get3A_117] {strides = array<i32>} : memref<10000xi32, #tpu.memory_space<vmem>>, vector<16xi32>,
        %get3A_119 = vector.shape_cast %get3A_118 : vector<16xi32> to vector<16xi32>
        %swap3A_120 = arith.constant 32 : index
        %swap3A_121 = tpu.vector_load %arg10[%swap3A_120] {strides = array<i32>} : memref<80xi32, #tpu.memory_space<vmem>>, vector<16xi32>,
        %swap3A_122 = vector.shape_cast %swap3A_121 : vector<16xi32> to vector<16xi32>
        %swap3A_123 = vector.shape_cast %get3A_119 : vector<16xi32> to vector<16xi32>
        tpu.vector_store %arg10[%swap3A_120], %swap3A_123 {strides = array<i32>} : memref<80xi32, #tpu.memory_space<vmem>>, vector<16xi32>,
        %add3A_124 = arith.constant 48 : i32
        %add3A_125 = arith.addi %mul3A_96, %add3A_124 : i32
        %get3A_126 = arith.index_cast %add3A_125 : i32 to index
        %get3A_127 = tpu.vector_load %arg8[%get3A_126] {strides = array<i32>} : memref<10000xi32, #tpu.memory_space<vmem>>, vector<16xi32>,
        %get3A_128 = vector.shape_cast %get3A_127 : vector<16xi32> to vector<16xi32>
        %swap3A_129 = arith.constant 48 : index
        %swap3A_130 = tpu.vector_load %arg10[%swap3A_129] {strides = array<i32>} : memref<80xi32, #tpu.memory_space<vmem>>, vector<16xi32>,
        %swap3A_131 = vector.shape_cast %swap3A_130 : vector<16xi32> to vector<16xi32>
        %swap3A_132 = vector.shape_cast %get3A_128 : vector<16xi32> to vector<16xi32>
        tpu.vector_store %arg10[%swap3A_129], %swap3A_132 {strides = array<i32>} : memref<80xi32, #tpu.memory_space<vmem>>, vector<16xi32>,
        %add3A_133 = arith.constant 64 : i32
        %add3A_134 = arith.addi %mul3A_96, %add3A_133 : i32
        %get3A_135 = arith.index_cast %add3A_134 : i32 to index
        %get3A_136 = tpu.vector_load %arg8[%get3A_135] {strides = array<i32>} : memref<10000xi32, #tpu.memory_space<vmem>>, vector<16xi32>,
        %get3A_137 = vector.shape_cast %get3A_136 : vector<16xi32> to vector<16xi32>
        %swap3A_138 = arith.constant 64 : index
        %swap3A_139 = tpu.vector_load %arg10[%swap3A_138] {strides = array<i32>} : memref<80xi32, #tpu.memory_space<vmem>>, vector<16xi32>,
        %swap3A_140 = vector.shape_cast %swap3A_139 : vector<16xi32> to vector<16xi32>
        %swap3A_141 = vector.shape_cast %get3A_137 : vector<16xi32> to vector<16xi32>
        tpu.vector_store %arg10[%swap3A_138], %swap3A_141 {strides = array<i32>} : memref<80xi32, #tpu.memory_space<vmem>>, vector<16xi32>,
        %mul3A_142 = arith.constant 80 : i32
        %mul3A_143 = arith.muli %add3A_75, %mul3A_142 : i32
        %dma_start3A_144 = tpu.memref_slice %arg7[%mul3A_143] : memref<10000xi32, #tpu.memory_space<vmem>> -> memref<80xi32, #tpu.memory_space<vmem>>
        %dma_start3A_145 = arith.constant 0 : i32
        %dma_start3A_146 = arith.constant 0 : i32
        %dma_start3A_147 = tpu.memref_slice %arg2[%dma_start3A_145, %dma_start3A_146] : memref<10000x128xf32, #tpu.memory_space<hbm>> -> memref<10000x128xf32, #tpu.memory_space<hbm>>
        tpu.enqueue_indirect_dma source(%dma_start3A_147 : memref<10000x128xf32, #tpu.memory_space<hbm>>) target(%arg12 : memref<80x128xf32, #tpu.memory_space<vmem>>) offsets(%dma_start3A_144 : memref<80xi32, #tpu.memory_space<vmem>>) semaphore(%arg15 : memref<!tpu.dma_semaphore, #tpu.memory_space<semaphore_mem>>)
      } else {
      }
      %mul3A_78 = arith.constant 80 : i32
      %mul3A_79 = arith.muli %mul3A_73, %mul3A_78 : i32
      %dma_wait3A = tpu.memref_slice %arg7[%mul3A_79] : memref<10000xi32, #tpu.memory_space<vmem>> -> memref<80xi32, #tpu.memory_space<vmem>>
      %dma_wait3A_80 = arith.constant 0 : i32
      %dma_wait3A_81 = arith.constant 0 : i32
      %dma_wait3A_82 = tpu.memref_slice %arg2[%dma_wait3A_80, %dma_wait3A_81] : memref<10000x128xf32, #tpu.memory_space<hbm>> -> memref<10000x128xf32, #tpu.memory_space<hbm>>
      tpu.wait_indirect_dma semaphore(%arg14 : memref<!tpu.dma_semaphore, #tpu.memory_space<semaphore_mem>>) src(%dma_wait3A_82 : memref<10000x128xf32, #tpu.memory_space<hbm>>) dst(%arg11 : memref<80x128xf32, #tpu.memory_space<vmem>>)
      "tpu.region"() ({
        %run_scoped3A = tpu.sem_alloc : memref<!tpu.dma_semaphore, #tpu.memory_space<semaphore_mem>>
        %dma_start3A_95 = arith.constant 0 : i32
        %dma_start3A_96 = arith.constant 0 : i32
        %dma_start3A_97 = tpu.memref_slice %arg13[%dma_start3A_95, %dma_start3A_96] : memref<10240x128xf32, #tpu.memory_space<vmem_shared>> -> memref<10240x128xf32, #tpu.memory_space<vmem_shared>>
        tpu.enqueue_indirect_dma source(%arg11 : memref<80x128xf32, #tpu.memory_space<vmem>>) target(%dma_start3A_97 : memref<10240x128xf32, #tpu.memory_space<vmem_shared>>) offsets(%arg9 : memref<80xi32, #tpu.memory_space<vmem>>) semaphore(%run_scoped3A : memref<!tpu.dma_semaphore, #tpu.memory_space<semaphore_mem>>) {add = true}
        %dma_wait3A_98 = arith.constant 0 : i32
        %dma_wait3A_99 = arith.constant 0 : i32
        %dma_wait3A_100 = tpu.memref_slice %arg13[%dma_wait3A_98, %dma_wait3A_99] : memref<10240x128xf32, #tpu.memory_space<vmem_shared>> -> memref<10240x128xf32, #tpu.memory_space<vmem_shared>>
        tpu.wait_indirect_dma semaphore(%run_scoped3A : memref<!tpu.dma_semaphore, #tpu.memory_space<semaphore_mem>>) src(%arg11 : memref<80x128xf32, #tpu.memory_space<vmem>>) dst(%dma_wait3A_100 : memref<10240x128xf32, #tpu.memory_space<vmem_shared>>)
        tpu.yield
      }) : () -> ()
      %add3A_83 = arith.constant 1 : i32
      %add3A_84 = arith.addi %add3A_75, %add3A_83 : i32
      %lt3A_85 = arith.constant 125 : i32
      %lt3A_86 = arith.cmpi slt, %add3A_84, %lt3A_85 : i32
      %convert_element_type3A_87 = arith.extui %lt3A_86 : i1 to i32
      %cond3A_88 = arith.constant 0 : i32
      %cond3A_89 = arith.cmpi ne, %convert_element_type3A_87, %cond3A_88 : i32
      scf.if %cond3A_89 {
        %add3A_95 = arith.constant 1 : i32
        %add3A_96 = arith.addi %add3A_75, %add3A_95 : i32
        %mul3A_97 = arith.constant 80 : i32
        %mul3A_98 = arith.muli %add3A_96, %mul3A_97 : i32
        %add3A_99 = arith.constant 0 : i32
        %add3A_100 = arith.addi %mul3A_98, %add3A_99 : i32
        %get3A_101 = arith.index_cast %add3A_100 : i32 to index
        %get3A_102 = tpu.vector_load %arg8[%get3A_101] {strides = array<i32>} : memref<10000xi32, #tpu.memory_space<vmem>>, vector<16xi32>,
        %get3A_103 = vector.shape_cast %get3A_102 : vector<16xi32> to vector<16xi32>
        %swap3A_104 = arith.constant 0 : index
        %swap3A_105 = tpu.vector_load %arg9[%swap3A_104] {strides = array<i32>} : memref<80xi32, #tpu.memory_space<vmem>>, vector<16xi32>,
        %swap3A_106 = vector.shape_cast %swap3A_105 : vector<16xi32> to vector<16xi32>
        %swap3A_107 = vector.shape_cast %get3A_103 : vector<16xi32> to vector<16xi32>
        tpu.vector_store %arg9[%swap3A_104], %swap3A_107 {strides = array<i32>} : memref<80xi32, #tpu.memory_space<vmem>>, vector<16xi32>,
        %add3A_108 = arith.constant 16 : i32
        %add3A_109 = arith.addi %mul3A_98, %add3A_108 : i32
        %get3A_110 = arith.index_cast %add3A_109 : i32 to index
        %get3A_111 = tpu.vector_load %arg8[%get3A_110] {strides = array<i32>} : memref<10000xi32, #tpu.memory_space<vmem>>, vector<16xi32>,
        %get3A_112 = vector.shape_cast %get3A_111 : vector<16xi32> to vector<16xi32>
        %swap3A_113 = arith.constant 16 : index
        %swap3A_114 = tpu.vector_load %arg9[%swap3A_113] {strides = array<i32>} : memref<80xi32, #tpu.memory_space<vmem>>, vector<16xi32>,
        %swap3A_115 = vector.shape_cast %swap3A_114 : vector<16xi32> to vector<16xi32>
        %swap3A_116 = vector.shape_cast %get3A_112 : vector<16xi32> to vector<16xi32>
        tpu.vector_store %arg9[%swap3A_113], %swap3A_116 {strides = array<i32>} : memref<80xi32, #tpu.memory_space<vmem>>, vector<16xi32>,
        %add3A_117 = arith.constant 32 : i32
        %add3A_118 = arith.addi %mul3A_98, %add3A_117 : i32
        %get3A_119 = arith.index_cast %add3A_118 : i32 to index
        %get3A_120 = tpu.vector_load %arg8[%get3A_119] {strides = array<i32>} : memref<10000xi32, #tpu.memory_space<vmem>>, vector<16xi32>,
        %get3A_121 = vector.shape_cast %get3A_120 : vector<16xi32> to vector<16xi32>
        %swap3A_122 = arith.constant 32 : index
        %swap3A_123 = tpu.vector_load %arg9[%swap3A_122] {strides = array<i32>} : memref<80xi32, #tpu.memory_space<vmem>>, vector<16xi32>,
        %swap3A_124 = vector.shape_cast %swap3A_123 : vector<16xi32> to vector<16xi32>
        %swap3A_125 = vector.shape_cast %get3A_121 : vector<16xi32> to vector<16xi32>
        tpu.vector_store %arg9[%swap3A_122], %swap3A_125 {strides = array<i32>} : memref<80xi32, #tpu.memory_space<vmem>>, vector<16xi32>,
        %add3A_126 = arith.constant 48 : i32
        %add3A_127 = arith.addi %mul3A_98, %add3A_126 : i32
        %get3A_128 = arith.index_cast %add3A_127 : i32 to index
        %get3A_129 = tpu.vector_load %arg8[%get3A_128] {strides = array<i32>} : memref<10000xi32, #tpu.memory_space<vmem>>, vector<16xi32>,
        %get3A_130 = vector.shape_cast %get3A_129 : vector<16xi32> to vector<16xi32>
        %swap3A_131 = arith.constant 48 : index
        %swap3A_132 = tpu.vector_load %arg9[%swap3A_131] {strides = array<i32>} : memref<80xi32, #tpu.memory_space<vmem>>, vector<16xi32>,
        %swap3A_133 = vector.shape_cast %swap3A_132 : vector<16xi32> to vector<16xi32>
        %swap3A_134 = vector.shape_cast %get3A_130 : vector<16xi32> to vector<16xi32>
        tpu.vector_store %arg9[%swap3A_131], %swap3A_134 {strides = array<i32>} : memref<80xi32, #tpu.memory_space<vmem>>, vector<16xi32>,
        %add3A_135 = arith.constant 64 : i32
        %add3A_136 = arith.addi %mul3A_98, %add3A_135 : i32
        %get3A_137 = arith.index_cast %add3A_136 : i32 to index
        %get3A_138 = tpu.vector_load %arg8[%get3A_137] {strides = array<i32>} : memref<10000xi32, #tpu.memory_space<vmem>>, vector<16xi32>,
        %get3A_139 = vector.shape_cast %get3A_138 : vector<16xi32> to vector<16xi32>
        %swap3A_140 = arith.constant 64 : index
        %swap3A_141 = tpu.vector_load %arg9[%swap3A_140] {strides = array<i32>} : memref<80xi32, #tpu.memory_space<vmem>>, vector<16xi32>,
        %swap3A_142 = vector.shape_cast %swap3A_141 : vector<16xi32> to vector<16xi32>
        %swap3A_143 = vector.shape_cast %get3A_139 : vector<16xi32> to vector<16xi32>
        tpu.vector_store %arg9[%swap3A_140], %swap3A_143 {strides = array<i32>} : memref<80xi32, #tpu.memory_space<vmem>>, vector<16xi32>,
        %add3A_144 = arith.constant 1 : i32
        %add3A_145 = arith.addi %add3A_75, %add3A_144 : i32
        %mul3A_146 = arith.constant 80 : i32
        %mul3A_147 = arith.muli %add3A_145, %mul3A_146 : i32
        %dma_start3A_148 = tpu.memref_slice %arg7[%mul3A_147] : memref<10000xi32, #tpu.memory_space<vmem>> -> memref<80xi32, #tpu.memory_space<vmem>>
        %dma_start3A_149 = arith.constant 0 : i32
        %dma_start3A_150 = arith.constant 0 : i32
        %dma_start3A_151 = tpu.memref_slice %arg2[%dma_start3A_149, %dma_start3A_150] : memref<10000x128xf32, #tpu.memory_space<hbm>> -> memref<10000x128xf32, #tpu.memory_space<hbm>>
        tpu.enqueue_indirect_dma source(%dma_start3A_151 : memref<10000x128xf32, #tpu.memory_space<hbm>>) target(%arg11 : memref<80x128xf32, #tpu.memory_space<vmem>>) offsets(%dma_start3A_148 : memref<80xi32, #tpu.memory_space<vmem>>) semaphore(%arg14 : memref<!tpu.dma_semaphore, #tpu.memory_space<semaphore_mem>>)
      } else {
      }
      %lt3A_90 = arith.constant 125 : i32
      %lt3A_91 = arith.cmpi slt, %add3A_75, %lt3A_90 : i32
      %convert_element_type3A_92 = arith.extui %lt3A_91 : i1 to i32
      %cond3A_93 = arith.constant 0 : i32
      %cond3A_94 = arith.cmpi ne, %convert_element_type3A_92, %cond3A_93 : i32
      scf.if %cond3A_94 {
        %mul3A_95 = arith.constant 80 : i32
        %mul3A_96 = arith.muli %add3A_75, %mul3A_95 : i32
        %dma_wait3A_97 = tpu.memref_slice %arg7[%mul3A_96] : memref<10000xi32, #tpu.memory_space<vmem>> -> memref<80xi32, #tpu.memory_space<vmem>>
        %dma_wait3A_98 = arith.constant 0 : i32
        %dma_wait3A_99 = arith.constant 0 : i32
        %dma_wait3A_100 = tpu.memref_slice %arg2[%dma_wait3A_98, %dma_wait3A_99] : memref<10000x128xf32, #tpu.memory_space<hbm>> -> memref<10000x128xf32, #tpu.memory_space<hbm>>
        tpu.wait_indirect_dma semaphore(%arg15 : memref<!tpu.dma_semaphore, #tpu.memory_space<semaphore_mem>>) src(%dma_wait3A_100 : memref<10000x128xf32, #tpu.memory_space<hbm>>) dst(%arg12 : memref<80x128xf32, #tpu.memory_space<vmem>>)
        "tpu.region"() ({
          %run_scoped3A = tpu.sem_alloc : memref<!tpu.dma_semaphore, #tpu.memory_space<semaphore_mem>>
          %dma_start3A_101 = arith.constant 0 : i32
          %dma_start3A_102 = arith.constant 0 : i32
          %dma_start3A_103 = tpu.memref_slice %arg13[%dma_start3A_101, %dma_start3A_102] : memref<10240x128xf32, #tpu.memory_space<vmem_shared>> -> memref<10240x128xf32, #tpu.memory_space<vmem_shared>>
          tpu.enqueue_indirect_dma source(%arg12 : memref<80x128xf32, #tpu.memory_space<vmem>>) target(%dma_start3A_103 : memref<10240x128xf32, #tpu.memory_space<vmem_shared>>) offsets(%arg10 : memref<80xi32, #tpu.memory_space<vmem>>) semaphore(%run_scoped3A : memref<!tpu.dma_semaphore, #tpu.memory_space<semaphore_mem>>) {add = true}
          %dma_wait3A_104 = arith.constant 0 : i32
          %dma_wait3A_105 = arith.constant 0 : i32
          %dma_wait3A_106 = tpu.memref_slice %arg13[%dma_wait3A_104, %dma_wait3A_105] : memref<10240x128xf32, #tpu.memory_space<vmem_shared>> -> memref<10240x128xf32, #tpu.memory_space<vmem_shared>>
          tpu.wait_indirect_dma semaphore(%run_scoped3A : memref<!tpu.dma_semaphore, #tpu.memory_space<semaphore_mem>>) src(%arg12 : memref<80x128xf32, #tpu.memory_space<vmem>>) dst(%dma_wait3A_106 : memref<10240x128xf32, #tpu.memory_space<vmem_shared>>)
          tpu.yield
        }) : () -> ()
      } else {
      }
    }
    %barrier3A_67 = arith.constant 0 : index
    tpu.barrier barrier_id(%barrier3A_67)
    %mul3A_68 = arith.constant 10240 : i32
    %mul3A_69 = arith.muli %arg0, %mul3A_68 : i32
    %add3A_70 = arith.addi %mul3A_69, %mul3A_2 : i32
    "tpu.region"() ({
      %run_scoped3A = tpu.sem_alloc : memref<!tpu.dma_semaphore, #tpu.memory_space<semaphore_mem>>
      %dma_start3A_71 = arith.constant 0 : i32
      %dma_start3A_72 = tpu.memref_slice %arg6[%add3A_70, %dma_start3A_71] : memref<20480x128xf32, #tpu.memory_space<hbm>> -> memref<640x128xf32, #tpu.memory_space<hbm>>
      %dma_start3A_73 = arith.constant 0 : i32
      %dma_start3A_74 = tpu.memref_slice %arg13[%mul3A_2, %dma_start3A_73] : memref<10240x128xf32, #tpu.memory_space<vmem_shared>> -> memref<640x128xf32, #tpu.memory_space<vmem_shared>>
      tpu.enqueue_dma source(%dma_start3A_74 : memref<640x128xf32, #tpu.memory_space<vmem_shared>>) target(%dma_start3A_72 : memref<640x128xf32, #tpu.memory_space<hbm>>) target_semaphore(%run_scoped3A : memref<!tpu.dma_semaphore, #tpu.memory_space<semaphore_mem>>)
      %dma_wait3A = arith.constant 0 : i32
      %dma_wait3A_75 = tpu.memref_slice %arg6[%add3A_70, %dma_wait3A] : memref<20480x128xf32, #tpu.memory_space<hbm>> -> memref<640x128xf32, #tpu.memory_space<hbm>>
      %dma_wait3A_76 = arith.constant 0 : i32
      %dma_wait3A_77 = tpu.memref_slice %arg13[%mul3A_2, %dma_wait3A_76] : memref<10240x128xf32, #tpu.memory_space<vmem_shared>> -> memref<640x128xf32, #tpu.memory_space<vmem_shared>>
      tpu.wait_dma2 semaphore(%run_scoped3A : memref<!tpu.dma_semaphore, #tpu.memory_space<semaphore_mem>>) src(%dma_wait3A_77 : memref<640x128xf32, #tpu.memory_space<vmem_shared>>) dst(%dma_wait3A_75 : memref<640x128xf32, #tpu.memory_space<hbm>>)
      tpu.yield
    }) : () -> ()
    return
  }
}

#map = affine_map<(d0, d1) -> (0, 0)>
#map1 = affine_map<(d0, d1) -> (0)>
module attributes {stable_mosaic.version = 14 : i64} {
  func.func @_edge_kernel(%arg0: i32, %arg1: i32, %arg2: memref<10000x128xf32, #tpu.memory_space<hbm>>, %arg3: memref<320000xi32, #tpu.memory_space<hbm>>, %arg4: memref<320000xi32, #tpu.memory_space<hbm>>, %arg5: memref<320000x64xf32, #tpu.memory_space<hbm>>, %arg6: memref<10000xi32, #tpu.memory_space<vmem>>, %arg7: memref<10000xi32, #tpu.memory_space<vmem>>, %arg8: memref<80x128xf32, #tpu.memory_space<vmem>>, %arg9: memref<80x128xf32, #tpu.memory_space<vmem>>, %arg10: memref<80x128xf32, #tpu.memory_space<vmem>>, %arg11: memref<80x128xf32, #tpu.memory_space<vmem>>, %arg12: memref<80x64xf32, #tpu.memory_space<vmem>>, %arg13: memref<80x64xf32, #tpu.memory_space<vmem>>, %arg14: memref<!tpu.dma_semaphore, #tpu.memory_space<semaphore_mem>>, %arg15: memref<!tpu.dma_semaphore, #tpu.memory_space<semaphore_mem>>, %arg16: memref<!tpu.dma_semaphore, #tpu.memory_space<semaphore_mem>>, %arg17: memref<!tpu.dma_semaphore, #tpu.memory_space<semaphore_mem>>, %arg18: memref<!tpu.dma_semaphore, #tpu.memory_space<semaphore_mem>>, %arg19: memref<!tpu.dma_semaphore, #tpu.memory_space<semaphore_mem>>) attributes {dimension_semantics = [#tpu.dimension_semantics<core_parallel>, #tpu.dimension_semantics<subcore_parallel>], iteration_bounds = array<i64: 2, 16>, scalar_prefetch = 0 : i64, scratch_operands = 14 : i64, tpu.core_type = #tpu.core_type<sc_vector_subcore>, window_params = [{transform_indices = #map}, {transform_indices = #map1}, {transform_indices = #map1}, {transform_indices = #map}]} {
    %mul3A = arith.constant 16 : i32
    %mul3A_0 = arith.muli %arg0, %mul3A : i32
    %add3A = arith.addi %mul3A_0, %arg1 : i32
    %mul3A_1 = arith.constant 10000 : i32
    %mul3A_2 = arith.muli %add3A, %mul3A_1 : i32
    "tpu.region"() ({
      %run_scoped3A = tpu.sem_alloc : memref<!tpu.dma_semaphore, #tpu.memory_space<semaphore_mem>>
      %dma_start3A_41 = tpu.memref_slice %arg3[%mul3A_2] : memref<320000xi32, #tpu.memory_space<hbm>> -> memref<10000xi32, #tpu.memory_space<hbm>>
      %dma_start3A_42 = tpu.memref_slice %arg3[%mul3A_2] : memref<320000xi32, #tpu.memory_space<hbm>> -> memref<10000xi32, #tpu.memory_space<hbm>>
      tpu.enqueue_dma source(%dma_start3A_42 : memref<10000xi32, #tpu.memory_space<hbm>>) target(%arg6 : memref<10000xi32, #tpu.memory_space<vmem>>) target_semaphore(%run_scoped3A : memref<!tpu.dma_semaphore, #tpu.memory_space<semaphore_mem>>)
      %dma_wait3A_43 = tpu.memref_slice %arg3[%mul3A_2] : memref<320000xi32, #tpu.memory_space<hbm>> -> memref<10000xi32, #tpu.memory_space<hbm>>
      %dma_wait3A_44 = tpu.memref_slice %arg3[%mul3A_2] : memref<320000xi32, #tpu.memory_space<hbm>> -> memref<10000xi32, #tpu.memory_space<hbm>>
      tpu.wait_dma2 semaphore(%run_scoped3A : memref<!tpu.dma_semaphore, #tpu.memory_space<semaphore_mem>>) src(%dma_wait3A_44 : memref<10000xi32, #tpu.memory_space<hbm>>) dst(%arg6 : memref<10000xi32, #tpu.memory_space<vmem>>)
      tpu.yield
    }) : () -> ()
    "tpu.region"() ({
      %run_scoped3A = tpu.sem_alloc : memref<!tpu.dma_semaphore, #tpu.memory_space<semaphore_mem>>
      %dma_start3A_41 = tpu.memref_slice %arg4[%mul3A_2] : memref<320000xi32, #tpu.memory_space<hbm>> -> memref<10000xi32, #tpu.memory_space<hbm>>
      %dma_start3A_42 = tpu.memref_slice %arg4[%mul3A_2] : memref<320000xi32, #tpu.memory_space<hbm>> -> memref<10000xi32, #tpu.memory_space<hbm>>
      tpu.enqueue_dma source(%dma_start3A_42 : memref<10000xi32, #tpu.memory_space<hbm>>) target(%arg7 : memref<10000xi32, #tpu.memory_space<vmem>>) target_semaphore(%run_scoped3A : memref<!tpu.dma_semaphore, #tpu.memory_space<semaphore_mem>>)
      %dma_wait3A_43 = tpu.memref_slice %arg4[%mul3A_2] : memref<320000xi32, #tpu.memory_space<hbm>> -> memref<10000xi32, #tpu.memory_space<hbm>>
      %dma_wait3A_44 = tpu.memref_slice %arg4[%mul3A_2] : memref<320000xi32, #tpu.memory_space<hbm>> -> memref<10000xi32, #tpu.memory_space<hbm>>
      tpu.wait_dma2 semaphore(%run_scoped3A : memref<!tpu.dma_semaphore, #tpu.memory_space<semaphore_mem>>) src(%dma_wait3A_44 : memref<10000xi32, #tpu.memory_space<hbm>>) dst(%arg7 : memref<10000xi32, #tpu.memory_space<vmem>>)
      tpu.yield
    }) : () -> ()
    %mul3A_3 = arith.constant 0 : i32
    %mul3A_4 = arith.constant 80 : i32
    %mul3A_5 = arith.muli %mul3A_3, %mul3A_4 : i32
    %dma_start3A = tpu.memref_slice %arg6[%mul3A_5] : memref<10000xi32, #tpu.memory_space<vmem>> -> memref<80xi32, #tpu.memory_space<vmem>>
    %dma_start3A_6 = arith.constant 0 : i32
    %dma_start3A_7 = arith.constant 0 : i32
    %dma_start3A_8 = tpu.memref_slice %arg2[%dma_start3A_6, %dma_start3A_7] : memref<10000x128xf32, #tpu.memory_space<hbm>> -> memref<10000x128xf32, #tpu.memory_space<hbm>>
    tpu.enqueue_indirect_dma source(%dma_start3A_8 : memref<10000x128xf32, #tpu.memory_space<hbm>>) target(%arg8 : memref<80x128xf32, #tpu.memory_space<vmem>>) offsets(%dma_start3A : memref<80xi32, #tpu.memory_space<vmem>>) semaphore(%arg14 : memref<!tpu.dma_semaphore, #tpu.memory_space<semaphore_mem>>)
    %mul3A_9 = arith.constant 0 : i32
    %mul3A_10 = arith.constant 80 : i32
    %mul3A_11 = arith.muli %mul3A_9, %mul3A_10 : i32
    %dma_start3A_12 = tpu.memref_slice %arg7[%mul3A_11] : memref<10000xi32, #tpu.memory_space<vmem>> -> memref<80xi32, #tpu.memory_space<vmem>>
    %dma_start3A_13 = arith.constant 0 : i32
    %dma_start3A_14 = arith.constant 0 : i32
    %dma_start3A_15 = tpu.memref_slice %arg2[%dma_start3A_13, %dma_start3A_14] : memref<10000x128xf32, #tpu.memory_space<hbm>> -> memref<10000x128xf32, #tpu.memory_space<hbm>>
    tpu.enqueue_indirect_dma source(%dma_start3A_15 : memref<10000x128xf32, #tpu.memory_space<hbm>>) target(%arg10 : memref<80x128xf32, #tpu.memory_space<vmem>>) offsets(%dma_start3A_12 : memref<80xi32, #tpu.memory_space<vmem>>) semaphore(%arg16 : memref<!tpu.dma_semaphore, #tpu.memory_space<semaphore_mem>>)
    %while3A = arith.constant 0 : i32
    %while3A_16 = arith.constant 0 : i32
    %while3A_17 = arith.constant 63 : i32
    %while3A_18 = arith.subi %while3A_17, %while3A_16 : i32
    %while3A_19 = arith.addi %while3A_16, %while3A_18 : i32
    %while3A_20 = arith.constant 1 : i32
    %while3A_21 = arith.divsi %while3A_18, %while3A_20 : i32
    %while3A_22 = arith.muli %while3A_21, %while3A_20 : i32
    %while3A_23 = arith.addi %while3A_16, %while3A_22 : i32
    %while3A_24 = arith.constant 1 : i32
    scf.for %while3A_41 = %while3A_16 to %while3A_23 step %while3A_24  : i32 {
      %mul3A_42 = arith.constant 2 : i32
      %mul3A_43 = arith.muli %while3A_41, %mul3A_42 : i32
      %add3A_44 = arith.constant 1 : i32
      %add3A_45 = arith.addi %mul3A_43, %add3A_44 : i32
      %lt3A = arith.constant 125 : i32
      %lt3A_46 = arith.cmpi slt, %add3A_45, %lt3A : i32
      %convert_element_type3A = arith.extui %lt3A_46 : i1 to i32
      %cond3A = arith.constant 0 : i32
      %cond3A_47 = arith.cmpi ne, %convert_element_type3A, %cond3A : i32
      scf.if %cond3A_47 {
        %mul3A_94 = arith.constant 80 : i32
        %mul3A_95 = arith.muli %add3A_45, %mul3A_94 : i32
        %dma_start3A_96 = tpu.memref_slice %arg6[%mul3A_95] : memref<10000xi32, #tpu.memory_space<vmem>> -> memref<80xi32, #tpu.memory_space<vmem>>
        %dma_start3A_97 = arith.constant 0 : i32
        %dma_start3A_98 = arith.constant 0 : i32
        %dma_start3A_99 = tpu.memref_slice %arg2[%dma_start3A_97, %dma_start3A_98] : memref<10000x128xf32, #tpu.memory_space<hbm>> -> memref<10000x128xf32, #tpu.memory_space<hbm>>
        tpu.enqueue_indirect_dma source(%dma_start3A_99 : memref<10000x128xf32, #tpu.memory_space<hbm>>) target(%arg9 : memref<80x128xf32, #tpu.memory_space<vmem>>) offsets(%dma_start3A_96 : memref<80xi32, #tpu.memory_space<vmem>>) semaphore(%arg15 : memref<!tpu.dma_semaphore, #tpu.memory_space<semaphore_mem>>)
        %mul3A_100 = arith.constant 80 : i32
        %mul3A_101 = arith.muli %add3A_45, %mul3A_100 : i32
        %dma_start3A_102 = tpu.memref_slice %arg7[%mul3A_101] : memref<10000xi32, #tpu.memory_space<vmem>> -> memref<80xi32, #tpu.memory_space<vmem>>
        %dma_start3A_103 = arith.constant 0 : i32
        %dma_start3A_104 = arith.constant 0 : i32
        %dma_start3A_105 = tpu.memref_slice %arg2[%dma_start3A_103, %dma_start3A_104] : memref<10000x128xf32, #tpu.memory_space<hbm>> -> memref<10000x128xf32, #tpu.memory_space<hbm>>
        tpu.enqueue_indirect_dma source(%dma_start3A_105 : memref<10000x128xf32, #tpu.memory_space<hbm>>) target(%arg11 : memref<80x128xf32, #tpu.memory_space<vmem>>) offsets(%dma_start3A_102 : memref<80xi32, #tpu.memory_space<vmem>>) semaphore(%arg17 : memref<!tpu.dma_semaphore, #tpu.memory_space<semaphore_mem>>)
      } else {
      }
      %mul3A_48 = arith.constant 80 : i32
      %mul3A_49 = arith.muli %mul3A_43, %mul3A_48 : i32
      %dma_wait3A_50 = tpu.memref_slice %arg6[%mul3A_49] : memref<10000xi32, #tpu.memory_space<vmem>> -> memref<80xi32, #tpu.memory_space<vmem>>
      %dma_wait3A_51 = arith.constant 0 : i32
      %dma_wait3A_52 = arith.constant 0 : i32
      %dma_wait3A_53 = tpu.memref_slice %arg2[%dma_wait3A_51, %dma_wait3A_52] : memref<10000x128xf32, #tpu.memory_space<hbm>> -> memref<10000x128xf32, #tpu.memory_space<hbm>>
      tpu.wait_indirect_dma semaphore(%arg14 : memref<!tpu.dma_semaphore, #tpu.memory_space<semaphore_mem>>) src(%dma_wait3A_53 : memref<10000x128xf32, #tpu.memory_space<hbm>>) dst(%arg8 : memref<80x128xf32, #tpu.memory_space<vmem>>)
      %mul3A_54 = arith.constant 80 : i32
      %mul3A_55 = arith.muli %mul3A_43, %mul3A_54 : i32
      %dma_wait3A_56 = tpu.memref_slice %arg7[%mul3A_55] : memref<10000xi32, #tpu.memory_space<vmem>> -> memref<80xi32, #tpu.memory_space<vmem>>
      %dma_wait3A_57 = arith.constant 0 : i32
      %dma_wait3A_58 = arith.constant 0 : i32
      %dma_wait3A_59 = tpu.memref_slice %arg2[%dma_wait3A_57, %dma_wait3A_58] : memref<10000x128xf32, #tpu.memory_space<hbm>> -> memref<10000x128xf32, #tpu.memory_space<hbm>>
      tpu.wait_indirect_dma semaphore(%arg16 : memref<!tpu.dma_semaphore, #tpu.memory_space<semaphore_mem>>) src(%dma_wait3A_59 : memref<10000x128xf32, #tpu.memory_space<hbm>>) dst(%arg10 : memref<80x128xf32, #tpu.memory_space<vmem>>)
      %ge3A = arith.constant 2 : i32
      %ge3A_60 = arith.cmpi sge, %mul3A_43, %ge3A : i32
      %convert_element_type3A_61 = arith.extui %ge3A_60 : i1 to i32
      %cond3A_62 = arith.constant 0 : i32
      %cond3A_63 = arith.cmpi ne, %convert_element_type3A_61, %cond3A_62 : i32
      scf.if %cond3A_63 {
        %sub3A = arith.constant 2 : i32
        %sub3A_94 = arith.subi %mul3A_43, %sub3A : i32
        %mul3A_95 = arith.constant 80 : i32
        %mul3A_96 = arith.muli %sub3A_94, %mul3A_95 : i32
        %add3A_97 = arith.addi %mul3A_2, %mul3A_96 : i32
        %dma_wait3A_98 = arith.constant 0 : i32
        %dma_wait3A_99 = tpu.memref_slice %arg5[%add3A_97, %dma_wait3A_98] : memref<320000x64xf32, #tpu.memory_space<hbm>> -> memref<80x64xf32, #tpu.memory_space<hbm>>
        %dma_wait3A_100 = arith.constant 0 : i32
        %dma_wait3A_101 = tpu.memref_slice %arg5[%add3A_97, %dma_wait3A_100] : memref<320000x64xf32, #tpu.memory_space<hbm>> -> memref<80x64xf32, #tpu.memory_space<hbm>>
        tpu.wait_dma2 semaphore(%arg18 : memref<!tpu.dma_semaphore, #tpu.memory_space<semaphore_mem>>) src(%arg12 : memref<80x64xf32, #tpu.memory_space<vmem>>) dst(%dma_wait3A_101 : memref<80x64xf32, #tpu.memory_space<hbm>>)
      } else {
      }
      %while3A_64 = arith.constant 0 : i32
      %while3A_65 = arith.constant 0 : i32
      %while3A_66 = arith.constant 80 : i32
      %while3A_67 = arith.subi %while3A_66, %while3A_65 : i32
      %while3A_68 = arith.addi %while3A_65, %while3A_67 : i32
      %while3A_69 = arith.constant 1 : i32
      %while3A_70 = arith.divsi %while3A_67, %while3A_69 : i32
      %while3A_71 = arith.muli %while3A_70, %while3A_69 : i32
      %while3A_72 = arith.addi %while3A_65, %while3A_71 : i32
      %while3A_73 = arith.constant 1 : i32
      scf.for %while3A_94 = %while3A_65 to %while3A_72 step %while3A_73  : i32 {
        %get3A = arith.index_cast %while3A_94 : i32 to index
        %get3A_95 = arith.constant 0 : index
        %get3A_96 = tpu.vector_load %arg8[%get3A, %get3A_95] {strides = array<i32>} : memref<80x128xf32, #tpu.memory_space<vmem>>, vector<1x16xf32>,
        %get3A_97 = vector.shape_cast %get3A_96 : vector<1x16xf32> to vector<16xf32>
        %get3A_98 = arith.index_cast %while3A_94 : i32 to index
        %get3A_99 = arith.constant 64 : index
        %get3A_100 = tpu.vector_load %arg10[%get3A_98, %get3A_99] {strides = array<i32>} : memref<80x128xf32, #tpu.memory_space<vmem>>, vector<1x16xf32>,
        %get3A_101 = vector.shape_cast %get3A_100 : vector<1x16xf32> to vector<16xf32>
        %add3A_102 = arith.addf %get3A_97, %get3A_101 : vector<16xf32>
        %max3A = arith.constant 0.000000e+00 : f32
        %max3A_103 = vector.broadcast %max3A : f32 to vector<16xf32>
        %max3A_104 = arith.maximumf %add3A_102, %max3A_103 : vector<16xf32>
        %swap3A = arith.index_cast %while3A_94 : i32 to index
        %swap3A_105 = arith.constant 0 : index
        %swap3A_106 = tpu.vector_load %arg12[%swap3A, %swap3A_105] {strides = array<i32>} : memref<80x64xf32, #tpu.memory_space<vmem>>, vector<1x16xf32>,
        %swap3A_107 = vector.shape_cast %swap3A_106 : vector<1x16xf32> to vector<16xf32>
        %swap3A_108 = vector.shape_cast %max3A_104 : vector<16xf32> to vector<1x16xf32>
        tpu.vector_store %arg12[%swap3A, %swap3A_105], %swap3A_108 {strides = array<i32>} : memref<80x64xf32, #tpu.memory_space<vmem>>, vector<1x16xf32>,
        %get3A_109 = arith.index_cast %while3A_94 : i32 to index
        %get3A_110 = arith.constant 16 : index
        %get3A_111 = tpu.vector_load %arg8[%get3A_109, %get3A_110] {strides = array<i32>} : memref<80x128xf32, #tpu.memory_space<vmem>>, vector<1x16xf32>,
        %get3A_112 = vector.shape_cast %get3A_111 : vector<1x16xf32> to vector<16xf32>
        %get3A_113 = arith.index_cast %while3A_94 : i32 to index
        %get3A_114 = arith.constant 80 : index
        %get3A_115 = tpu.vector_load %arg10[%get3A_113, %get3A_114] {strides = array<i32>} : memref<80x128xf32, #tpu.memory_space<vmem>>, vector<1x16xf32>,
        %get3A_116 = vector.shape_cast %get3A_115 : vector<1x16xf32> to vector<16xf32>
        %add3A_117 = arith.addf %get3A_112, %get3A_116 : vector<16xf32>
        %max3A_118 = arith.constant 0.000000e+00 : f32
        %max3A_119 = vector.broadcast %max3A_118 : f32 to vector<16xf32>
        %max3A_120 = arith.maximumf %add3A_117, %max3A_119 : vector<16xf32>
        %swap3A_121 = arith.index_cast %while3A_94 : i32 to index
        %swap3A_122 = arith.constant 16 : index
        %swap3A_123 = tpu.vector_load %arg12[%swap3A_121, %swap3A_122] {strides = array<i32>} : memref<80x64xf32, #tpu.memory_space<vmem>>, vector<1x16xf32>,
        %swap3A_124 = vector.shape_cast %swap3A_123 : vector<1x16xf32> to vector<16xf32>
        %swap3A_125 = vector.shape_cast %max3A_120 : vector<16xf32> to vector<1x16xf32>
        tpu.vector_store %arg12[%swap3A_121, %swap3A_122], %swap3A_125 {strides = array<i32>} : memref<80x64xf32, #tpu.memory_space<vmem>>, vector<1x16xf32>,
        %get3A_126 = arith.index_cast %while3A_94 : i32 to index
        %get3A_127 = arith.constant 32 : index
        %get3A_128 = tpu.vector_load %arg8[%get3A_126, %get3A_127] {strides = array<i32>} : memref<80x128xf32, #tpu.memory_space<vmem>>, vector<1x16xf32>,
        %get3A_129 = vector.shape_cast %get3A_128 : vector<1x16xf32> to vector<16xf32>
        %get3A_130 = arith.index_cast %while3A_94 : i32 to index
        %get3A_131 = arith.constant 96 : index
        %get3A_132 = tpu.vector_load %arg10[%get3A_130, %get3A_131] {strides = array<i32>} : memref<80x128xf32, #tpu.memory_space<vmem>>, vector<1x16xf32>,
        %get3A_133 = vector.shape_cast %get3A_132 : vector<1x16xf32> to vector<16xf32>
        %add3A_134 = arith.addf %get3A_129, %get3A_133 : vector<16xf32>
        %max3A_135 = arith.constant 0.000000e+00 : f32
        %max3A_136 = vector.broadcast %max3A_135 : f32 to vector<16xf32>
        %max3A_137 = arith.maximumf %add3A_134, %max3A_136 : vector<16xf32>
        %swap3A_138 = arith.index_cast %while3A_94 : i32 to index
        %swap3A_139 = arith.constant 32 : index
        %swap3A_140 = tpu.vector_load %arg12[%swap3A_138, %swap3A_139] {strides = array<i32>} : memref<80x64xf32, #tpu.memory_space<vmem>>, vector<1x16xf32>,
        %swap3A_141 = vector.shape_cast %swap3A_140 : vector<1x16xf32> to vector<16xf32>
        %swap3A_142 = vector.shape_cast %max3A_137 : vector<16xf32> to vector<1x16xf32>
        tpu.vector_store %arg12[%swap3A_138, %swap3A_139], %swap3A_142 {strides = array<i32>} : memref<80x64xf32, #tpu.memory_space<vmem>>, vector<1x16xf32>,
        %get3A_143 = arith.index_cast %while3A_94 : i32 to index
        %get3A_144 = arith.constant 48 : index
        %get3A_145 = tpu.vector_load %arg8[%get3A_143, %get3A_144] {strides = array<i32>} : memref<80x128xf32, #tpu.memory_space<vmem>>, vector<1x16xf32>,
        %get3A_146 = vector.shape_cast %get3A_145 : vector<1x16xf32> to vector<16xf32>
        %get3A_147 = arith.index_cast %while3A_94 : i32 to index
        %get3A_148 = arith.constant 112 : index
        %get3A_149 = tpu.vector_load %arg10[%get3A_147, %get3A_148] {strides = array<i32>} : memref<80x128xf32, #tpu.memory_space<vmem>>, vector<1x16xf32>,
        %get3A_150 = vector.shape_cast %get3A_149 : vector<1x16xf32> to vector<16xf32>
        %add3A_151 = arith.addf %get3A_146, %get3A_150 : vector<16xf32>
        %max3A_152 = arith.constant 0.000000e+00 : f32
        %max3A_153 = vector.broadcast %max3A_152 : f32 to vector<16xf32>
        %max3A_154 = arith.maximumf %add3A_151, %max3A_153 : vector<16xf32>
        %swap3A_155 = arith.index_cast %while3A_94 : i32 to index
        %swap3A_156 = arith.constant 48 : index
        %swap3A_157 = tpu.vector_load %arg12[%swap3A_155, %swap3A_156] {strides = array<i32>} : memref<80x64xf32, #tpu.memory_space<vmem>>, vector<1x16xf32>,
        %swap3A_158 = vector.shape_cast %swap3A_157 : vector<1x16xf32> to vector<16xf32>
        %swap3A_159 = vector.shape_cast %max3A_154 : vector<16xf32> to vector<1x16xf32>
        tpu.vector_store %arg12[%swap3A_155, %swap3A_156], %swap3A_159 {strides = array<i32>} : memref<80x64xf32, #tpu.memory_space<vmem>>, vector<1x16xf32>,
      }
      %while3A_74 = arith.constant 1 : i32
      scf.for %while3A_94 = %while3A_72 to %while3A_68 step %while3A_74  : i32 {
        %get3A = arith.index_cast %while3A_94 : i32 to index
        %get3A_95 = arith.constant 0 : index
        %get3A_96 = tpu.vector_load %arg8[%get3A, %get3A_95] {strides = array<i32>} : memref<80x128xf32, #tpu.memory_space<vmem>>, vector<1x16xf32>,
        %get3A_97 = vector.shape_cast %get3A_96 : vector<1x16xf32> to vector<16xf32>
        %get3A_98 = arith.index_cast %while3A_94 : i32 to index
        %get3A_99 = arith.constant 64 : index
        %get3A_100 = tpu.vector_load %arg10[%get3A_98, %get3A_99] {strides = array<i32>} : memref<80x128xf32, #tpu.memory_space<vmem>>, vector<1x16xf32>,
        %get3A_101 = vector.shape_cast %get3A_100 : vector<1x16xf32> to vector<16xf32>
        %add3A_102 = arith.addf %get3A_97, %get3A_101 : vector<16xf32>
        %max3A = arith.constant 0.000000e+00 : f32
        %max3A_103 = vector.broadcast %max3A : f32 to vector<16xf32>
        %max3A_104 = arith.maximumf %add3A_102, %max3A_103 : vector<16xf32>
        %swap3A = arith.index_cast %while3A_94 : i32 to index
        %swap3A_105 = arith.constant 0 : index
        %swap3A_106 = tpu.vector_load %arg12[%swap3A, %swap3A_105] {strides = array<i32>} : memref<80x64xf32, #tpu.memory_space<vmem>>, vector<1x16xf32>,
        %swap3A_107 = vector.shape_cast %swap3A_106 : vector<1x16xf32> to vector<16xf32>
        %swap3A_108 = vector.shape_cast %max3A_104 : vector<16xf32> to vector<1x16xf32>
        tpu.vector_store %arg12[%swap3A, %swap3A_105], %swap3A_108 {strides = array<i32>} : memref<80x64xf32, #tpu.memory_space<vmem>>, vector<1x16xf32>,
        %get3A_109 = arith.index_cast %while3A_94 : i32 to index
        %get3A_110 = arith.constant 16 : index
        %get3A_111 = tpu.vector_load %arg8[%get3A_109, %get3A_110] {strides = array<i32>} : memref<80x128xf32, #tpu.memory_space<vmem>>, vector<1x16xf32>,
        %get3A_112 = vector.shape_cast %get3A_111 : vector<1x16xf32> to vector<16xf32>
        %get3A_113 = arith.index_cast %while3A_94 : i32 to index
        %get3A_114 = arith.constant 80 : index
        %get3A_115 = tpu.vector_load %arg10[%get3A_113, %get3A_114] {strides = array<i32>} : memref<80x128xf32, #tpu.memory_space<vmem>>, vector<1x16xf32>,
        %get3A_116 = vector.shape_cast %get3A_115 : vector<1x16xf32> to vector<16xf32>
        %add3A_117 = arith.addf %get3A_112, %get3A_116 : vector<16xf32>
        %max3A_118 = arith.constant 0.000000e+00 : f32
        %max3A_119 = vector.broadcast %max3A_118 : f32 to vector<16xf32>
        %max3A_120 = arith.maximumf %add3A_117, %max3A_119 : vector<16xf32>
        %swap3A_121 = arith.index_cast %while3A_94 : i32 to index
        %swap3A_122 = arith.constant 16 : index
        %swap3A_123 = tpu.vector_load %arg12[%swap3A_121, %swap3A_122] {strides = array<i32>} : memref<80x64xf32, #tpu.memory_space<vmem>>, vector<1x16xf32>,
        %swap3A_124 = vector.shape_cast %swap3A_123 : vector<1x16xf32> to vector<16xf32>
        %swap3A_125 = vector.shape_cast %max3A_120 : vector<16xf32> to vector<1x16xf32>
        tpu.vector_store %arg12[%swap3A_121, %swap3A_122], %swap3A_125 {strides = array<i32>} : memref<80x64xf32, #tpu.memory_space<vmem>>, vector<1x16xf32>,
        %get3A_126 = arith.index_cast %while3A_94 : i32 to index
        %get3A_127 = arith.constant 32 : index
        %get3A_128 = tpu.vector_load %arg8[%get3A_126, %get3A_127] {strides = array<i32>} : memref<80x128xf32, #tpu.memory_space<vmem>>, vector<1x16xf32>,
        %get3A_129 = vector.shape_cast %get3A_128 : vector<1x16xf32> to vector<16xf32>
        %get3A_130 = arith.index_cast %while3A_94 : i32 to index
        %get3A_131 = arith.constant 96 : index
        %get3A_132 = tpu.vector_load %arg10[%get3A_130, %get3A_131] {strides = array<i32>} : memref<80x128xf32, #tpu.memory_space<vmem>>, vector<1x16xf32>,
        %get3A_133 = vector.shape_cast %get3A_132 : vector<1x16xf32> to vector<16xf32>
        %add3A_134 = arith.addf %get3A_129, %get3A_133 : vector<16xf32>
        %max3A_135 = arith.constant 0.000000e+00 : f32
        %max3A_136 = vector.broadcast %max3A_135 : f32 to vector<16xf32>
        %max3A_137 = arith.maximumf %add3A_134, %max3A_136 : vector<16xf32>
        %swap3A_138 = arith.index_cast %while3A_94 : i32 to index
        %swap3A_139 = arith.constant 32 : index
        %swap3A_140 = tpu.vector_load %arg12[%swap3A_138, %swap3A_139] {strides = array<i32>} : memref<80x64xf32, #tpu.memory_space<vmem>>, vector<1x16xf32>,
        %swap3A_141 = vector.shape_cast %swap3A_140 : vector<1x16xf32> to vector<16xf32>
        %swap3A_142 = vector.shape_cast %max3A_137 : vector<16xf32> to vector<1x16xf32>
        tpu.vector_store %arg12[%swap3A_138, %swap3A_139], %swap3A_142 {strides = array<i32>} : memref<80x64xf32, #tpu.memory_space<vmem>>, vector<1x16xf32>,
        %get3A_143 = arith.index_cast %while3A_94 : i32 to index
        %get3A_144 = arith.constant 48 : index
        %get3A_145 = tpu.vector_load %arg8[%get3A_143, %get3A_144] {strides = array<i32>} : memref<80x128xf32, #tpu.memory_space<vmem>>, vector<1x16xf32>,
        %get3A_146 = vector.shape_cast %get3A_145 : vector<1x16xf32> to vector<16xf32>
        %get3A_147 = arith.index_cast %while3A_94 : i32 to index
        %get3A_148 = arith.constant 112 : index
        %get3A_149 = tpu.vector_load %arg10[%get3A_147, %get3A_148] {strides = array<i32>} : memref<80x128xf32, #tpu.memory_space<vmem>>, vector<1x16xf32>,
        %get3A_150 = vector.shape_cast %get3A_149 : vector<1x16xf32> to vector<16xf32>
        %add3A_151 = arith.addf %get3A_146, %get3A_150 : vector<16xf32>
        %max3A_152 = arith.constant 0.000000e+00 : f32
        %max3A_153 = vector.broadcast %max3A_152 : f32 to vector<16xf32>
        %max3A_154 = arith.maximumf %add3A_151, %max3A_153 : vector<16xf32>
        %swap3A_155 = arith.index_cast %while3A_94 : i32 to index
        %swap3A_156 = arith.constant 48 : index
        %swap3A_157 = tpu.vector_load %arg12[%swap3A_155, %swap3A_156] {strides = array<i32>} : memref<80x64xf32, #tpu.memory_space<vmem>>, vector<1x16xf32>,
        %swap3A_158 = vector.shape_cast %swap3A_157 : vector<1x16xf32> to vector<16xf32>
        %swap3A_159 = vector.shape_cast %max3A_154 : vector<16xf32> to vector<1x16xf32>
        tpu.vector_store %arg12[%swap3A_155, %swap3A_156], %swap3A_159 {strides = array<i32>} : memref<80x64xf32, #tpu.memory_space<vmem>>, vector<1x16xf32>,
      }
      %mul3A_75 = arith.constant 80 : i32
      %mul3A_76 = arith.muli %mul3A_43, %mul3A_75 : i32
      %add3A_77 = arith.addi %mul3A_2, %mul3A_76 : i32
      %dma_start3A_78 = arith.constant 0 : i32
      %dma_start3A_79 = tpu.memref_slice %arg5[%add3A_77, %dma_start3A_78] : memref<320000x64xf32, #tpu.memory_space<hbm>> -> memref<80x64xf32, #tpu.memory_space<hbm>>
      %dma_start3A_80 = arith.constant 0 : i32
      %dma_start3A_81 = tpu.memref_slice %arg5[%add3A_77, %dma_start3A_80] : memref<320000x64xf32, #tpu.memory_space<hbm>> -> memref<80x64xf32, #tpu.memory_space<hbm>>
      tpu.enqueue_dma source(%arg12 : memref<80x64xf32, #tpu.memory_space<vmem>>) target(%dma_start3A_81 : memref<80x64xf32, #tpu.memory_space<hbm>>) target_semaphore(%arg18 : memref<!tpu.dma_semaphore, #tpu.memory_space<semaphore_mem>>)
      %add3A_82 = arith.constant 1 : i32
      %add3A_83 = arith.addi %add3A_45, %add3A_82 : i32
      %lt3A_84 = arith.constant 125 : i32
      %lt3A_85 = arith.cmpi slt, %add3A_83, %lt3A_84 : i32
      %convert_element_type3A_86 = arith.extui %lt3A_85 : i1 to i32
      %cond3A_87 = arith.constant 0 : i32
      %cond3A_88 = arith.cmpi ne, %convert_element_type3A_86, %cond3A_87 : i32
      scf.if %cond3A_88 {
        %add3A_94 = arith.constant 1 : i32
        %add3A_95 = arith.addi %add3A_45, %add3A_94 : i32
        %mul3A_96 = arith.constant 80 : i32
        %mul3A_97 = arith.muli %add3A_95, %mul3A_96 : i32
        %dma_start3A_98 = tpu.memref_slice %arg6[%mul3A_97] : memref<10000xi32, #tpu.memory_space<vmem>> -> memref<80xi32, #tpu.memory_space<vmem>>
        %dma_start3A_99 = arith.constant 0 : i32
        %dma_start3A_100 = arith.constant 0 : i32
        %dma_start3A_101 = tpu.memref_slice %arg2[%dma_start3A_99, %dma_start3A_100] : memref<10000x128xf32, #tpu.memory_space<hbm>> -> memref<10000x128xf32, #tpu.memory_space<hbm>>
        tpu.enqueue_indirect_dma source(%dma_start3A_101 : memref<10000x128xf32, #tpu.memory_space<hbm>>) target(%arg8 : memref<80x128xf32, #tpu.memory_space<vmem>>) offsets(%dma_start3A_98 : memref<80xi32, #tpu.memory_space<vmem>>) semaphore(%arg14 : memref<!tpu.dma_semaphore, #tpu.memory_space<semaphore_mem>>)
        %add3A_102 = arith.constant 1 : i32
        %add3A_103 = arith.addi %add3A_45, %add3A_102 : i32
        %mul3A_104 = arith.constant 80 : i32
        %mul3A_105 = arith.muli %add3A_103, %mul3A_104 : i32
        %dma_start3A_106 = tpu.memref_slice %arg7[%mul3A_105] : memref<10000xi32, #tpu.memory_space<vmem>> -> memref<80xi32, #tpu.memory_space<vmem>>
        %dma_start3A_107 = arith.constant 0 : i32
        %dma_start3A_108 = arith.constant 0 : i32
        %dma_start3A_109 = tpu.memref_slice %arg2[%dma_start3A_107, %dma_start3A_108] : memref<10000x128xf32, #tpu.memory_space<hbm>> -> memref<10000x128xf32, #tpu.memory_space<hbm>>
        tpu.enqueue_indirect_dma source(%dma_start3A_109 : memref<10000x128xf32, #tpu.memory_space<hbm>>) target(%arg10 : memref<80x128xf32, #tpu.memory_space<vmem>>) offsets(%dma_start3A_106 : memref<80xi32, #tpu.memory_space<vmem>>) semaphore(%arg16 : memref<!tpu.dma_semaphore, #tpu.memory_space<semaphore_mem>>)
      } else {
      }
      %lt3A_89 = arith.constant 125 : i32
      %lt3A_90 = arith.cmpi slt, %add3A_45, %lt3A_89 : i32
      %convert_element_type3A_91 = arith.extui %lt3A_90 : i1 to i32
      %cond3A_92 = arith.constant 0 : i32
      %cond3A_93 = arith.cmpi ne, %convert_element_type3A_91, %cond3A_92 : i32
      scf.if %cond3A_93 {
        %mul3A_94 = arith.constant 80 : i32
        %mul3A_95 = arith.muli %add3A_45, %mul3A_94 : i32
        %dma_wait3A_96 = tpu.memref_slice %arg6[%mul3A_95] : memref<10000xi32, #tpu.memory_space<vmem>> -> memref<80xi32, #tpu.memory_space<vmem>>
        %dma_wait3A_97 = arith.constant 0 : i32
        %dma_wait3A_98 = arith.constant 0 : i32
        %dma_wait3A_99 = tpu.memref_slice %arg2[%dma_wait3A_97, %dma_wait3A_98] : memref<10000x128xf32, #tpu.memory_space<hbm>> -> memref<10000x128xf32, #tpu.memory_space<hbm>>
        tpu.wait_indirect_dma semaphore(%arg15 : memref<!tpu.dma_semaphore, #tpu.memory_space<semaphore_mem>>) src(%dma_wait3A_99 : memref<10000x128xf32, #tpu.memory_space<hbm>>) dst(%arg9 : memref<80x128xf32, #tpu.memory_space<vmem>>)
        %mul3A_100 = arith.constant 80 : i32
        %mul3A_101 = arith.muli %add3A_45, %mul3A_100 : i32
        %dma_wait3A_102 = tpu.memref_slice %arg7[%mul3A_101] : memref<10000xi32, #tpu.memory_space<vmem>> -> memref<80xi32, #tpu.memory_space<vmem>>
        %dma_wait3A_103 = arith.constant 0 : i32
        %dma_wait3A_104 = arith.constant 0 : i32
        %dma_wait3A_105 = tpu.memref_slice %arg2[%dma_wait3A_103, %dma_wait3A_104] : memref<10000x128xf32, #tpu.memory_space<hbm>> -> memref<10000x128xf32, #tpu.memory_space<hbm>>
        tpu.wait_indirect_dma semaphore(%arg17 : memref<!tpu.dma_semaphore, #tpu.memory_space<semaphore_mem>>) src(%dma_wait3A_105 : memref<10000x128xf32, #tpu.memory_space<hbm>>) dst(%arg11 : memref<80x128xf32, #tpu.memory_space<vmem>>)
        %ge3A_106 = arith.constant 2 : i32
        %ge3A_107 = arith.cmpi sge, %add3A_45, %ge3A_106 : i32
        %convert_element_type3A_108 = arith.extui %ge3A_107 : i1 to i32
        %cond3A_109 = arith.constant 0 : i32
        %cond3A_110 = arith.cmpi ne, %convert_element_type3A_108, %cond3A_109 : i32
        scf.if %cond3A_110 {
          %sub3A = arith.constant 2 : i32
          %sub3A_129 = arith.subi %add3A_45, %sub3A : i32
          %mul3A_130 = arith.constant 80 : i32
          %mul3A_131 = arith.muli %sub3A_129, %mul3A_130 : i32
          %add3A_132 = arith.addi %mul3A_2, %mul3A_131 : i32
          %dma_wait3A_133 = arith.constant 0 : i32
          %dma_wait3A_134 = tpu.memref_slice %arg5[%add3A_132, %dma_wait3A_133] : memref<320000x64xf32, #tpu.memory_space<hbm>> -> memref<80x64xf32, #tpu.memory_space<hbm>>
          %dma_wait3A_135 = arith.constant 0 : i32
          %dma_wait3A_136 = tpu.memref_slice %arg5[%add3A_132, %dma_wait3A_135] : memref<320000x64xf32, #tpu.memory_space<hbm>> -> memref<80x64xf32, #tpu.memory_space<hbm>>
          tpu.wait_dma2 semaphore(%arg19 : memref<!tpu.dma_semaphore, #tpu.memory_space<semaphore_mem>>) src(%arg13 : memref<80x64xf32, #tpu.memory_space<vmem>>) dst(%dma_wait3A_136 : memref<80x64xf32, #tpu.memory_space<hbm>>)
        } else {
        }
        %while3A_111 = arith.constant 0 : i32
        %while3A_112 = arith.constant 0 : i32
        %while3A_113 = arith.constant 80 : i32
        %while3A_114 = arith.subi %while3A_113, %while3A_112 : i32
        %while3A_115 = arith.addi %while3A_112, %while3A_114 : i32
        %while3A_116 = arith.constant 1 : i32
        %while3A_117 = arith.divsi %while3A_114, %while3A_116 : i32
        %while3A_118 = arith.muli %while3A_117, %while3A_116 : i32
        %while3A_119 = arith.addi %while3A_112, %while3A_118 : i32
        %while3A_120 = arith.constant 1 : i32
        scf.for %while3A_129 = %while3A_112 to %while3A_119 step %while3A_120  : i32 {
          %get3A = arith.index_cast %while3A_129 : i32 to index
          %get3A_130 = arith.constant 0 : index
          %get3A_131 = tpu.vector_load %arg9[%get3A, %get3A_130] {strides = array<i32>} : memref<80x128xf32, #tpu.memory_space<vmem>>, vector<1x16xf32>,
          %get3A_132 = vector.shape_cast %get3A_131 : vector<1x16xf32> to vector<16xf32>
          %get3A_133 = arith.index_cast %while3A_129 : i32 to index
          %get3A_134 = arith.constant 64 : index
          %get3A_135 = tpu.vector_load %arg11[%get3A_133, %get3A_134] {strides = array<i32>} : memref<80x128xf32, #tpu.memory_space<vmem>>, vector<1x16xf32>,
          %get3A_136 = vector.shape_cast %get3A_135 : vector<1x16xf32> to vector<16xf32>
          %add3A_137 = arith.addf %get3A_132, %get3A_136 : vector<16xf32>
          %max3A = arith.constant 0.000000e+00 : f32
          %max3A_138 = vector.broadcast %max3A : f32 to vector<16xf32>
          %max3A_139 = arith.maximumf %add3A_137, %max3A_138 : vector<16xf32>
          %swap3A = arith.index_cast %while3A_129 : i32 to index
          %swap3A_140 = arith.constant 0 : index
          %swap3A_141 = tpu.vector_load %arg13[%swap3A, %swap3A_140] {strides = array<i32>} : memref<80x64xf32, #tpu.memory_space<vmem>>, vector<1x16xf32>,
          %swap3A_142 = vector.shape_cast %swap3A_141 : vector<1x16xf32> to vector<16xf32>
          %swap3A_143 = vector.shape_cast %max3A_139 : vector<16xf32> to vector<1x16xf32>
          tpu.vector_store %arg13[%swap3A, %swap3A_140], %swap3A_143 {strides = array<i32>} : memref<80x64xf32, #tpu.memory_space<vmem>>, vector<1x16xf32>,
          %get3A_144 = arith.index_cast %while3A_129 : i32 to index
          %get3A_145 = arith.constant 16 : index
          %get3A_146 = tpu.vector_load %arg9[%get3A_144, %get3A_145] {strides = array<i32>} : memref<80x128xf32, #tpu.memory_space<vmem>>, vector<1x16xf32>,
          %get3A_147 = vector.shape_cast %get3A_146 : vector<1x16xf32> to vector<16xf32>
          %get3A_148 = arith.index_cast %while3A_129 : i32 to index
          %get3A_149 = arith.constant 80 : index
          %get3A_150 = tpu.vector_load %arg11[%get3A_148, %get3A_149] {strides = array<i32>} : memref<80x128xf32, #tpu.memory_space<vmem>>, vector<1x16xf32>,
          %get3A_151 = vector.shape_cast %get3A_150 : vector<1x16xf32> to vector<16xf32>
          %add3A_152 = arith.addf %get3A_147, %get3A_151 : vector<16xf32>
          %max3A_153 = arith.constant 0.000000e+00 : f32
          %max3A_154 = vector.broadcast %max3A_153 : f32 to vector<16xf32>
          %max3A_155 = arith.maximumf %add3A_152, %max3A_154 : vector<16xf32>
          %swap3A_156 = arith.index_cast %while3A_129 : i32 to index
          %swap3A_157 = arith.constant 16 : index
          %swap3A_158 = tpu.vector_load %arg13[%swap3A_156, %swap3A_157] {strides = array<i32>} : memref<80x64xf32, #tpu.memory_space<vmem>>, vector<1x16xf32>,
          %swap3A_159 = vector.shape_cast %swap3A_158 : vector<1x16xf32> to vector<16xf32>
          %swap3A_160 = vector.shape_cast %max3A_155 : vector<16xf32> to vector<1x16xf32>
          tpu.vector_store %arg13[%swap3A_156, %swap3A_157], %swap3A_160 {strides = array<i32>} : memref<80x64xf32, #tpu.memory_space<vmem>>, vector<1x16xf32>,
          %get3A_161 = arith.index_cast %while3A_129 : i32 to index
          %get3A_162 = arith.constant 32 : index
          %get3A_163 = tpu.vector_load %arg9[%get3A_161, %get3A_162] {strides = array<i32>} : memref<80x128xf32, #tpu.memory_space<vmem>>, vector<1x16xf32>,
          %get3A_164 = vector.shape_cast %get3A_163 : vector<1x16xf32> to vector<16xf32>
          %get3A_165 = arith.index_cast %while3A_129 : i32 to index
          %get3A_166 = arith.constant 96 : index
          %get3A_167 = tpu.vector_load %arg11[%get3A_165, %get3A_166] {strides = array<i32>} : memref<80x128xf32, #tpu.memory_space<vmem>>, vector<1x16xf32>,
          %get3A_168 = vector.shape_cast %get3A_167 : vector<1x16xf32> to vector<16xf32>
          %add3A_169 = arith.addf %get3A_164, %get3A_168 : vector<16xf32>
          %max3A_170 = arith.constant 0.000000e+00 : f32
          %max3A_171 = vector.broadcast %max3A_170 : f32 to vector<16xf32>
          %max3A_172 = arith.maximumf %add3A_169, %max3A_171 : vector<16xf32>
          %swap3A_173 = arith.index_cast %while3A_129 : i32 to index
          %swap3A_174 = arith.constant 32 : index
          %swap3A_175 = tpu.vector_load %arg13[%swap3A_173, %swap3A_174] {strides = array<i32>} : memref<80x64xf32, #tpu.memory_space<vmem>>, vector<1x16xf32>,
          %swap3A_176 = vector.shape_cast %swap3A_175 : vector<1x16xf32> to vector<16xf32>
          %swap3A_177 = vector.shape_cast %max3A_172 : vector<16xf32> to vector<1x16xf32>
          tpu.vector_store %arg13[%swap3A_173, %swap3A_174], %swap3A_177 {strides = array<i32>} : memref<80x64xf32, #tpu.memory_space<vmem>>, vector<1x16xf32>,
          %get3A_178 = arith.index_cast %while3A_129 : i32 to index
          %get3A_179 = arith.constant 48 : index
          %get3A_180 = tpu.vector_load %arg9[%get3A_178, %get3A_179] {strides = array<i32>} : memref<80x128xf32, #tpu.memory_space<vmem>>, vector<1x16xf32>,
          %get3A_181 = vector.shape_cast %get3A_180 : vector<1x16xf32> to vector<16xf32>
          %get3A_182 = arith.index_cast %while3A_129 : i32 to index
          %get3A_183 = arith.constant 112 : index
          %get3A_184 = tpu.vector_load %arg11[%get3A_182, %get3A_183] {strides = array<i32>} : memref<80x128xf32, #tpu.memory_space<vmem>>, vector<1x16xf32>,
          %get3A_185 = vector.shape_cast %get3A_184 : vector<1x16xf32> to vector<16xf32>
          %add3A_186 = arith.addf %get3A_181, %get3A_185 : vector<16xf32>
          %max3A_187 = arith.constant 0.000000e+00 : f32
          %max3A_188 = vector.broadcast %max3A_187 : f32 to vector<16xf32>
          %max3A_189 = arith.maximumf %add3A_186, %max3A_188 : vector<16xf32>
          %swap3A_190 = arith.index_cast %while3A_129 : i32 to index
          %swap3A_191 = arith.constant 48 : index
          %swap3A_192 = tpu.vector_load %arg13[%swap3A_190, %swap3A_191] {strides = array<i32>} : memref<80x64xf32, #tpu.memory_space<vmem>>, vector<1x16xf32>,
          %swap3A_193 = vector.shape_cast %swap3A_192 : vector<1x16xf32> to vector<16xf32>
          %swap3A_194 = vector.shape_cast %max3A_189 : vector<16xf32> to vector<1x16xf32>
          tpu.vector_store %arg13[%swap3A_190, %swap3A_191], %swap3A_194 {strides = array<i32>} : memref<80x64xf32, #tpu.memory_space<vmem>>, vector<1x16xf32>,
        }
        %while3A_121 = arith.constant 1 : i32
        scf.for %while3A_129 = %while3A_119 to %while3A_115 step %while3A_121  : i32 {
          %get3A = arith.index_cast %while3A_129 : i32 to index
          %get3A_130 = arith.constant 0 : index
          %get3A_131 = tpu.vector_load %arg9[%get3A, %get3A_130] {strides = array<i32>} : memref<80x128xf32, #tpu.memory_space<vmem>>, vector<1x16xf32>,
          %get3A_132 = vector.shape_cast %get3A_131 : vector<1x16xf32> to vector<16xf32>
          %get3A_133 = arith.index_cast %while3A_129 : i32 to index
          %get3A_134 = arith.constant 64 : index
          %get3A_135 = tpu.vector_load %arg11[%get3A_133, %get3A_134] {strides = array<i32>} : memref<80x128xf32, #tpu.memory_space<vmem>>, vector<1x16xf32>,
          %get3A_136 = vector.shape_cast %get3A_135 : vector<1x16xf32> to vector<16xf32>
          %add3A_137 = arith.addf %get3A_132, %get3A_136 : vector<16xf32>
          %max3A = arith.constant 0.000000e+00 : f32
          %max3A_138 = vector.broadcast %max3A : f32 to vector<16xf32>
          %max3A_139 = arith.maximumf %add3A_137, %max3A_138 : vector<16xf32>
          %swap3A = arith.index_cast %while3A_129 : i32 to index
          %swap3A_140 = arith.constant 0 : index
          %swap3A_141 = tpu.vector_load %arg13[%swap3A, %swap3A_140] {strides = array<i32>} : memref<80x64xf32, #tpu.memory_space<vmem>>, vector<1x16xf32>,
          %swap3A_142 = vector.shape_cast %swap3A_141 : vector<1x16xf32> to vector<16xf32>
          %swap3A_143 = vector.shape_cast %max3A_139 : vector<16xf32> to vector<1x16xf32>
          tpu.vector_store %arg13[%swap3A, %swap3A_140], %swap3A_143 {strides = array<i32>} : memref<80x64xf32, #tpu.memory_space<vmem>>, vector<1x16xf32>,
          %get3A_144 = arith.index_cast %while3A_129 : i32 to index
          %get3A_145 = arith.constant 16 : index
          %get3A_146 = tpu.vector_load %arg9[%get3A_144, %get3A_145] {strides = array<i32>} : memref<80x128xf32, #tpu.memory_space<vmem>>, vector<1x16xf32>,
          %get3A_147 = vector.shape_cast %get3A_146 : vector<1x16xf32> to vector<16xf32>
          %get3A_148 = arith.index_cast %while3A_129 : i32 to index
          %get3A_149 = arith.constant 80 : index
          %get3A_150 = tpu.vector_load %arg11[%get3A_148, %get3A_149] {strides = array<i32>} : memref<80x128xf32, #tpu.memory_space<vmem>>, vector<1x16xf32>,
          %get3A_151 = vector.shape_cast %get3A_150 : vector<1x16xf32> to vector<16xf32>
          %add3A_152 = arith.addf %get3A_147, %get3A_151 : vector<16xf32>
          %max3A_153 = arith.constant 0.000000e+00 : f32
          %max3A_154 = vector.broadcast %max3A_153 : f32 to vector<16xf32>
          %max3A_155 = arith.maximumf %add3A_152, %max3A_154 : vector<16xf32>
          %swap3A_156 = arith.index_cast %while3A_129 : i32 to index
          %swap3A_157 = arith.constant 16 : index
          %swap3A_158 = tpu.vector_load %arg13[%swap3A_156, %swap3A_157] {strides = array<i32>} : memref<80x64xf32, #tpu.memory_space<vmem>>, vector<1x16xf32>,
          %swap3A_159 = vector.shape_cast %swap3A_158 : vector<1x16xf32> to vector<16xf32>
          %swap3A_160 = vector.shape_cast %max3A_155 : vector<16xf32> to vector<1x16xf32>
          tpu.vector_store %arg13[%swap3A_156, %swap3A_157], %swap3A_160 {strides = array<i32>} : memref<80x64xf32, #tpu.memory_space<vmem>>, vector<1x16xf32>,
          %get3A_161 = arith.index_cast %while3A_129 : i32 to index
          %get3A_162 = arith.constant 32 : index
          %get3A_163 = tpu.vector_load %arg9[%get3A_161, %get3A_162] {strides = array<i32>} : memref<80x128xf32, #tpu.memory_space<vmem>>, vector<1x16xf32>,
          %get3A_164 = vector.shape_cast %get3A_163 : vector<1x16xf32> to vector<16xf32>
          %get3A_165 = arith.index_cast %while3A_129 : i32 to index
          %get3A_166 = arith.constant 96 : index
          %get3A_167 = tpu.vector_load %arg11[%get3A_165, %get3A_166] {strides = array<i32>} : memref<80x128xf32, #tpu.memory_space<vmem>>, vector<1x16xf32>,
          %get3A_168 = vector.shape_cast %get3A_167 : vector<1x16xf32> to vector<16xf32>
          %add3A_169 = arith.addf %get3A_164, %get3A_168 : vector<16xf32>
          %max3A_170 = arith.constant 0.000000e+00 : f32
          %max3A_171 = vector.broadcast %max3A_170 : f32 to vector<16xf32>
          %max3A_172 = arith.maximumf %add3A_169, %max3A_171 : vector<16xf32>
          %swap3A_173 = arith.index_cast %while3A_129 : i32 to index
          %swap3A_174 = arith.constant 32 : index
          %swap3A_175 = tpu.vector_load %arg13[%swap3A_173, %swap3A_174] {strides = array<i32>} : memref<80x64xf32, #tpu.memory_space<vmem>>, vector<1x16xf32>,
          %swap3A_176 = vector.shape_cast %swap3A_175 : vector<1x16xf32> to vector<16xf32>
          %swap3A_177 = vector.shape_cast %max3A_172 : vector<16xf32> to vector<1x16xf32>
          tpu.vector_store %arg13[%swap3A_173, %swap3A_174], %swap3A_177 {strides = array<i32>} : memref<80x64xf32, #tpu.memory_space<vmem>>, vector<1x16xf32>,
          %get3A_178 = arith.index_cast %while3A_129 : i32 to index
          %get3A_179 = arith.constant 48 : index
          %get3A_180 = tpu.vector_load %arg9[%get3A_178, %get3A_179] {strides = array<i32>} : memref<80x128xf32, #tpu.memory_space<vmem>>, vector<1x16xf32>,
          %get3A_181 = vector.shape_cast %get3A_180 : vector<1x16xf32> to vector<16xf32>
          %get3A_182 = arith.index_cast %while3A_129 : i32 to index
          %get3A_183 = arith.constant 112 : index
          %get3A_184 = tpu.vector_load %arg11[%get3A_182, %get3A_183] {strides = array<i32>} : memref<80x128xf32, #tpu.memory_space<vmem>>, vector<1x16xf32>,
          %get3A_185 = vector.shape_cast %get3A_184 : vector<1x16xf32> to vector<16xf32>
          %add3A_186 = arith.addf %get3A_181, %get3A_185 : vector<16xf32>
          %max3A_187 = arith.constant 0.000000e+00 : f32
          %max3A_188 = vector.broadcast %max3A_187 : f32 to vector<16xf32>
          %max3A_189 = arith.maximumf %add3A_186, %max3A_188 : vector<16xf32>
          %swap3A_190 = arith.index_cast %while3A_129 : i32 to index
          %swap3A_191 = arith.constant 48 : index
          %swap3A_192 = tpu.vector_load %arg13[%swap3A_190, %swap3A_191] {strides = array<i32>} : memref<80x64xf32, #tpu.memory_space<vmem>>, vector<1x16xf32>,
          %swap3A_193 = vector.shape_cast %swap3A_192 : vector<1x16xf32> to vector<16xf32>
          %swap3A_194 = vector.shape_cast %max3A_189 : vector<16xf32> to vector<1x16xf32>
          tpu.vector_store %arg13[%swap3A_190, %swap3A_191], %swap3A_194 {strides = array<i32>} : memref<80x64xf32, #tpu.memory_space<vmem>>, vector<1x16xf32>,
        }
        %mul3A_122 = arith.constant 80 : i32
        %mul3A_123 = arith.muli %add3A_45, %mul3A_122 : i32
        %add3A_124 = arith.addi %mul3A_2, %mul3A_123 : i32
        %dma_start3A_125 = arith.constant 0 : i32
        %dma_start3A_126 = tpu.memref_slice %arg5[%add3A_124, %dma_start3A_125] : memref<320000x64xf32, #tpu.memory_space<hbm>> -> memref<80x64xf32, #tpu.memory_space<hbm>>
        %dma_start3A_127 = arith.constant 0 : i32
        %dma_start3A_128 = tpu.memref_slice %arg5[%add3A_124, %dma_start3A_127] : memref<320000x64xf32, #tpu.memory_space<hbm>> -> memref<80x64xf32, #tpu.memory_space<hbm>>
        tpu.enqueue_dma source(%arg13 : memref<80x64xf32, #tpu.memory_space<vmem>>) target(%dma_start3A_128 : memref<80x64xf32, #tpu.memory_space<hbm>>) target_semaphore(%arg19 : memref<!tpu.dma_semaphore, #tpu.memory_space<semaphore_mem>>)
      } else {
      }
    }
    %while3A_25 = arith.constant 1 : i32
    scf.for %while3A_41 = %while3A_23 to %while3A_19 step %while3A_25  : i32 {
      %mul3A_42 = arith.constant 2 : i32
      %mul3A_43 = arith.muli %while3A_41, %mul3A_42 : i32
      %add3A_44 = arith.constant 1 : i32
      %add3A_45 = arith.addi %mul3A_43, %add3A_44 : i32
      %lt3A = arith.constant 125 : i32
      %lt3A_46 = arith.cmpi slt, %add3A_45, %lt3A : i32
      %convert_element_type3A = arith.extui %lt3A_46 : i1 to i32
      %cond3A = arith.constant 0 : i32
      %cond3A_47 = arith.cmpi ne, %convert_element_type3A, %cond3A : i32
      scf.if %cond3A_47 {
        %mul3A_94 = arith.constant 80 : i32
        %mul3A_95 = arith.muli %add3A_45, %mul3A_94 : i32
        %dma_start3A_96 = tpu.memref_slice %arg6[%mul3A_95] : memref<10000xi32, #tpu.memory_space<vmem>> -> memref<80xi32, #tpu.memory_space<vmem>>
        %dma_start3A_97 = arith.constant 0 : i32
        %dma_start3A_98 = arith.constant 0 : i32
        %dma_start3A_99 = tpu.memref_slice %arg2[%dma_start3A_97, %dma_start3A_98] : memref<10000x128xf32, #tpu.memory_space<hbm>> -> memref<10000x128xf32, #tpu.memory_space<hbm>>
        tpu.enqueue_indirect_dma source(%dma_start3A_99 : memref<10000x128xf32, #tpu.memory_space<hbm>>) target(%arg9 : memref<80x128xf32, #tpu.memory_space<vmem>>) offsets(%dma_start3A_96 : memref<80xi32, #tpu.memory_space<vmem>>) semaphore(%arg15 : memref<!tpu.dma_semaphore, #tpu.memory_space<semaphore_mem>>)
        %mul3A_100 = arith.constant 80 : i32
        %mul3A_101 = arith.muli %add3A_45, %mul3A_100 : i32
        %dma_start3A_102 = tpu.memref_slice %arg7[%mul3A_101] : memref<10000xi32, #tpu.memory_space<vmem>> -> memref<80xi32, #tpu.memory_space<vmem>>
        %dma_start3A_103 = arith.constant 0 : i32
        %dma_start3A_104 = arith.constant 0 : i32
        %dma_start3A_105 = tpu.memref_slice %arg2[%dma_start3A_103, %dma_start3A_104] : memref<10000x128xf32, #tpu.memory_space<hbm>> -> memref<10000x128xf32, #tpu.memory_space<hbm>>
        tpu.enqueue_indirect_dma source(%dma_start3A_105 : memref<10000x128xf32, #tpu.memory_space<hbm>>) target(%arg11 : memref<80x128xf32, #tpu.memory_space<vmem>>) offsets(%dma_start3A_102 : memref<80xi32, #tpu.memory_space<vmem>>) semaphore(%arg17 : memref<!tpu.dma_semaphore, #tpu.memory_space<semaphore_mem>>)
      } else {
      }
      %mul3A_48 = arith.constant 80 : i32
      %mul3A_49 = arith.muli %mul3A_43, %mul3A_48 : i32
      %dma_wait3A_50 = tpu.memref_slice %arg6[%mul3A_49] : memref<10000xi32, #tpu.memory_space<vmem>> -> memref<80xi32, #tpu.memory_space<vmem>>
      %dma_wait3A_51 = arith.constant 0 : i32
      %dma_wait3A_52 = arith.constant 0 : i32
      %dma_wait3A_53 = tpu.memref_slice %arg2[%dma_wait3A_51, %dma_wait3A_52] : memref<10000x128xf32, #tpu.memory_space<hbm>> -> memref<10000x128xf32, #tpu.memory_space<hbm>>
      tpu.wait_indirect_dma semaphore(%arg14 : memref<!tpu.dma_semaphore, #tpu.memory_space<semaphore_mem>>) src(%dma_wait3A_53 : memref<10000x128xf32, #tpu.memory_space<hbm>>) dst(%arg8 : memref<80x128xf32, #tpu.memory_space<vmem>>)
      %mul3A_54 = arith.constant 80 : i32
      %mul3A_55 = arith.muli %mul3A_43, %mul3A_54 : i32
      %dma_wait3A_56 = tpu.memref_slice %arg7[%mul3A_55] : memref<10000xi32, #tpu.memory_space<vmem>> -> memref<80xi32, #tpu.memory_space<vmem>>
      %dma_wait3A_57 = arith.constant 0 : i32
      %dma_wait3A_58 = arith.constant 0 : i32
      %dma_wait3A_59 = tpu.memref_slice %arg2[%dma_wait3A_57, %dma_wait3A_58] : memref<10000x128xf32, #tpu.memory_space<hbm>> -> memref<10000x128xf32, #tpu.memory_space<hbm>>
      tpu.wait_indirect_dma semaphore(%arg16 : memref<!tpu.dma_semaphore, #tpu.memory_space<semaphore_mem>>) src(%dma_wait3A_59 : memref<10000x128xf32, #tpu.memory_space<hbm>>) dst(%arg10 : memref<80x128xf32, #tpu.memory_space<vmem>>)
      %ge3A = arith.constant 2 : i32
      %ge3A_60 = arith.cmpi sge, %mul3A_43, %ge3A : i32
      %convert_element_type3A_61 = arith.extui %ge3A_60 : i1 to i32
      %cond3A_62 = arith.constant 0 : i32
      %cond3A_63 = arith.cmpi ne, %convert_element_type3A_61, %cond3A_62 : i32
      scf.if %cond3A_63 {
        %sub3A = arith.constant 2 : i32
        %sub3A_94 = arith.subi %mul3A_43, %sub3A : i32
        %mul3A_95 = arith.constant 80 : i32
        %mul3A_96 = arith.muli %sub3A_94, %mul3A_95 : i32
        %add3A_97 = arith.addi %mul3A_2, %mul3A_96 : i32
        %dma_wait3A_98 = arith.constant 0 : i32
        %dma_wait3A_99 = tpu.memref_slice %arg5[%add3A_97, %dma_wait3A_98] : memref<320000x64xf32, #tpu.memory_space<hbm>> -> memref<80x64xf32, #tpu.memory_space<hbm>>
        %dma_wait3A_100 = arith.constant 0 : i32
        %dma_wait3A_101 = tpu.memref_slice %arg5[%add3A_97, %dma_wait3A_100] : memref<320000x64xf32, #tpu.memory_space<hbm>> -> memref<80x64xf32, #tpu.memory_space<hbm>>
        tpu.wait_dma2 semaphore(%arg18 : memref<!tpu.dma_semaphore, #tpu.memory_space<semaphore_mem>>) src(%arg12 : memref<80x64xf32, #tpu.memory_space<vmem>>) dst(%dma_wait3A_101 : memref<80x64xf32, #tpu.memory_space<hbm>>)
      } else {
      }
      %while3A_64 = arith.constant 0 : i32
      %while3A_65 = arith.constant 0 : i32
      %while3A_66 = arith.constant 80 : i32
      %while3A_67 = arith.subi %while3A_66, %while3A_65 : i32
      %while3A_68 = arith.addi %while3A_65, %while3A_67 : i32
      %while3A_69 = arith.constant 1 : i32
      %while3A_70 = arith.divsi %while3A_67, %while3A_69 : i32
      %while3A_71 = arith.muli %while3A_70, %while3A_69 : i32
      %while3A_72 = arith.addi %while3A_65, %while3A_71 : i32
      %while3A_73 = arith.constant 1 : i32
      scf.for %while3A_94 = %while3A_65 to %while3A_72 step %while3A_73  : i32 {
        %get3A = arith.index_cast %while3A_94 : i32 to index
        %get3A_95 = arith.constant 0 : index
        %get3A_96 = tpu.vector_load %arg8[%get3A, %get3A_95] {strides = array<i32>} : memref<80x128xf32, #tpu.memory_space<vmem>>, vector<1x16xf32>,
        %get3A_97 = vector.shape_cast %get3A_96 : vector<1x16xf32> to vector<16xf32>
        %get3A_98 = arith.index_cast %while3A_94 : i32 to index
        %get3A_99 = arith.constant 64 : index
        %get3A_100 = tpu.vector_load %arg10[%get3A_98, %get3A_99] {strides = array<i32>} : memref<80x128xf32, #tpu.memory_space<vmem>>, vector<1x16xf32>,
        %get3A_101 = vector.shape_cast %get3A_100 : vector<1x16xf32> to vector<16xf32>
        %add3A_102 = arith.addf %get3A_97, %get3A_101 : vector<16xf32>
        %max3A = arith.constant 0.000000e+00 : f32
        %max3A_103 = vector.broadcast %max3A : f32 to vector<16xf32>
        %max3A_104 = arith.maximumf %add3A_102, %max3A_103 : vector<16xf32>
        %swap3A = arith.index_cast %while3A_94 : i32 to index
        %swap3A_105 = arith.constant 0 : index
        %swap3A_106 = tpu.vector_load %arg12[%swap3A, %swap3A_105] {strides = array<i32>} : memref<80x64xf32, #tpu.memory_space<vmem>>, vector<1x16xf32>,
        %swap3A_107 = vector.shape_cast %swap3A_106 : vector<1x16xf32> to vector<16xf32>
        %swap3A_108 = vector.shape_cast %max3A_104 : vector<16xf32> to vector<1x16xf32>
        tpu.vector_store %arg12[%swap3A, %swap3A_105], %swap3A_108 {strides = array<i32>} : memref<80x64xf32, #tpu.memory_space<vmem>>, vector<1x16xf32>,
        %get3A_109 = arith.index_cast %while3A_94 : i32 to index
        %get3A_110 = arith.constant 16 : index
        %get3A_111 = tpu.vector_load %arg8[%get3A_109, %get3A_110] {strides = array<i32>} : memref<80x128xf32, #tpu.memory_space<vmem>>, vector<1x16xf32>,
        %get3A_112 = vector.shape_cast %get3A_111 : vector<1x16xf32> to vector<16xf32>
        %get3A_113 = arith.index_cast %while3A_94 : i32 to index
        %get3A_114 = arith.constant 80 : index
        %get3A_115 = tpu.vector_load %arg10[%get3A_113, %get3A_114] {strides = array<i32>} : memref<80x128xf32, #tpu.memory_space<vmem>>, vector<1x16xf32>,
        %get3A_116 = vector.shape_cast %get3A_115 : vector<1x16xf32> to vector<16xf32>
        %add3A_117 = arith.addf %get3A_112, %get3A_116 : vector<16xf32>
        %max3A_118 = arith.constant 0.000000e+00 : f32
        %max3A_119 = vector.broadcast %max3A_118 : f32 to vector<16xf32>
        %max3A_120 = arith.maximumf %add3A_117, %max3A_119 : vector<16xf32>
        %swap3A_121 = arith.index_cast %while3A_94 : i32 to index
        %swap3A_122 = arith.constant 16 : index
        %swap3A_123 = tpu.vector_load %arg12[%swap3A_121, %swap3A_122] {strides = array<i32>} : memref<80x64xf32, #tpu.memory_space<vmem>>, vector<1x16xf32>,
        %swap3A_124 = vector.shape_cast %swap3A_123 : vector<1x16xf32> to vector<16xf32>
        %swap3A_125 = vector.shape_cast %max3A_120 : vector<16xf32> to vector<1x16xf32>
        tpu.vector_store %arg12[%swap3A_121, %swap3A_122], %swap3A_125 {strides = array<i32>} : memref<80x64xf32, #tpu.memory_space<vmem>>, vector<1x16xf32>,
        %get3A_126 = arith.index_cast %while3A_94 : i32 to index
        %get3A_127 = arith.constant 32 : index
        %get3A_128 = tpu.vector_load %arg8[%get3A_126, %get3A_127] {strides = array<i32>} : memref<80x128xf32, #tpu.memory_space<vmem>>, vector<1x16xf32>,
        %get3A_129 = vector.shape_cast %get3A_128 : vector<1x16xf32> to vector<16xf32>
        %get3A_130 = arith.index_cast %while3A_94 : i32 to index
        %get3A_131 = arith.constant 96 : index
        %get3A_132 = tpu.vector_load %arg10[%get3A_130, %get3A_131] {strides = array<i32>} : memref<80x128xf32, #tpu.memory_space<vmem>>, vector<1x16xf32>,
        %get3A_133 = vector.shape_cast %get3A_132 : vector<1x16xf32> to vector<16xf32>
        %add3A_134 = arith.addf %get3A_129, %get3A_133 : vector<16xf32>
        %max3A_135 = arith.constant 0.000000e+00 : f32
        %max3A_136 = vector.broadcast %max3A_135 : f32 to vector<16xf32>
        %max3A_137 = arith.maximumf %add3A_134, %max3A_136 : vector<16xf32>
        %swap3A_138 = arith.index_cast %while3A_94 : i32 to index
        %swap3A_139 = arith.constant 32 : index
        %swap3A_140 = tpu.vector_load %arg12[%swap3A_138, %swap3A_139] {strides = array<i32>} : memref<80x64xf32, #tpu.memory_space<vmem>>, vector<1x16xf32>,
        %swap3A_141 = vector.shape_cast %swap3A_140 : vector<1x16xf32> to vector<16xf32>
        %swap3A_142 = vector.shape_cast %max3A_137 : vector<16xf32> to vector<1x16xf32>
        tpu.vector_store %arg12[%swap3A_138, %swap3A_139], %swap3A_142 {strides = array<i32>} : memref<80x64xf32, #tpu.memory_space<vmem>>, vector<1x16xf32>,
        %get3A_143 = arith.index_cast %while3A_94 : i32 to index
        %get3A_144 = arith.constant 48 : index
        %get3A_145 = tpu.vector_load %arg8[%get3A_143, %get3A_144] {strides = array<i32>} : memref<80x128xf32, #tpu.memory_space<vmem>>, vector<1x16xf32>,
        %get3A_146 = vector.shape_cast %get3A_145 : vector<1x16xf32> to vector<16xf32>
        %get3A_147 = arith.index_cast %while3A_94 : i32 to index
        %get3A_148 = arith.constant 112 : index
        %get3A_149 = tpu.vector_load %arg10[%get3A_147, %get3A_148] {strides = array<i32>} : memref<80x128xf32, #tpu.memory_space<vmem>>, vector<1x16xf32>,
        %get3A_150 = vector.shape_cast %get3A_149 : vector<1x16xf32> to vector<16xf32>
        %add3A_151 = arith.addf %get3A_146, %get3A_150 : vector<16xf32>
        %max3A_152 = arith.constant 0.000000e+00 : f32
        %max3A_153 = vector.broadcast %max3A_152 : f32 to vector<16xf32>
        %max3A_154 = arith.maximumf %add3A_151, %max3A_153 : vector<16xf32>
        %swap3A_155 = arith.index_cast %while3A_94 : i32 to index
        %swap3A_156 = arith.constant 48 : index
        %swap3A_157 = tpu.vector_load %arg12[%swap3A_155, %swap3A_156] {strides = array<i32>} : memref<80x64xf32, #tpu.memory_space<vmem>>, vector<1x16xf32>,
        %swap3A_158 = vector.shape_cast %swap3A_157 : vector<1x16xf32> to vector<16xf32>
        %swap3A_159 = vector.shape_cast %max3A_154 : vector<16xf32> to vector<1x16xf32>
        tpu.vector_store %arg12[%swap3A_155, %swap3A_156], %swap3A_159 {strides = array<i32>} : memref<80x64xf32, #tpu.memory_space<vmem>>, vector<1x16xf32>,
      }
      %while3A_74 = arith.constant 1 : i32
      scf.for %while3A_94 = %while3A_72 to %while3A_68 step %while3A_74  : i32 {
        %get3A = arith.index_cast %while3A_94 : i32 to index
        %get3A_95 = arith.constant 0 : index
        %get3A_96 = tpu.vector_load %arg8[%get3A, %get3A_95] {strides = array<i32>} : memref<80x128xf32, #tpu.memory_space<vmem>>, vector<1x16xf32>,
        %get3A_97 = vector.shape_cast %get3A_96 : vector<1x16xf32> to vector<16xf32>
        %get3A_98 = arith.index_cast %while3A_94 : i32 to index
        %get3A_99 = arith.constant 64 : index
        %get3A_100 = tpu.vector_load %arg10[%get3A_98, %get3A_99] {strides = array<i32>} : memref<80x128xf32, #tpu.memory_space<vmem>>, vector<1x16xf32>,
        %get3A_101 = vector.shape_cast %get3A_100 : vector<1x16xf32> to vector<16xf32>
        %add3A_102 = arith.addf %get3A_97, %get3A_101 : vector<16xf32>
        %max3A = arith.constant 0.000000e+00 : f32
        %max3A_103 = vector.broadcast %max3A : f32 to vector<16xf32>
        %max3A_104 = arith.maximumf %add3A_102, %max3A_103 : vector<16xf32>
        %swap3A = arith.index_cast %while3A_94 : i32 to index
        %swap3A_105 = arith.constant 0 : index
        %swap3A_106 = tpu.vector_load %arg12[%swap3A, %swap3A_105] {strides = array<i32>} : memref<80x64xf32, #tpu.memory_space<vmem>>, vector<1x16xf32>,
        %swap3A_107 = vector.shape_cast %swap3A_106 : vector<1x16xf32> to vector<16xf32>
        %swap3A_108 = vector.shape_cast %max3A_104 : vector<16xf32> to vector<1x16xf32>
        tpu.vector_store %arg12[%swap3A, %swap3A_105], %swap3A_108 {strides = array<i32>} : memref<80x64xf32, #tpu.memory_space<vmem>>, vector<1x16xf32>,
        %get3A_109 = arith.index_cast %while3A_94 : i32 to index
        %get3A_110 = arith.constant 16 : index
        %get3A_111 = tpu.vector_load %arg8[%get3A_109, %get3A_110] {strides = array<i32>} : memref<80x128xf32, #tpu.memory_space<vmem>>, vector<1x16xf32>,
        %get3A_112 = vector.shape_cast %get3A_111 : vector<1x16xf32> to vector<16xf32>
        %get3A_113 = arith.index_cast %while3A_94 : i32 to index
        %get3A_114 = arith.constant 80 : index
        %get3A_115 = tpu.vector_load %arg10[%get3A_113, %get3A_114] {strides = array<i32>} : memref<80x128xf32, #tpu.memory_space<vmem>>, vector<1x16xf32>,
        %get3A_116 = vector.shape_cast %get3A_115 : vector<1x16xf32> to vector<16xf32>
        %add3A_117 = arith.addf %get3A_112, %get3A_116 : vector<16xf32>
        %max3A_118 = arith.constant 0.000000e+00 : f32
        %max3A_119 = vector.broadcast %max3A_118 : f32 to vector<16xf32>
        %max3A_120 = arith.maximumf %add3A_117, %max3A_119 : vector<16xf32>
        %swap3A_121 = arith.index_cast %while3A_94 : i32 to index
        %swap3A_122 = arith.constant 16 : index
        %swap3A_123 = tpu.vector_load %arg12[%swap3A_121, %swap3A_122] {strides = array<i32>} : memref<80x64xf32, #tpu.memory_space<vmem>>, vector<1x16xf32>,
        %swap3A_124 = vector.shape_cast %swap3A_123 : vector<1x16xf32> to vector<16xf32>
        %swap3A_125 = vector.shape_cast %max3A_120 : vector<16xf32> to vector<1x16xf32>
        tpu.vector_store %arg12[%swap3A_121, %swap3A_122], %swap3A_125 {strides = array<i32>} : memref<80x64xf32, #tpu.memory_space<vmem>>, vector<1x16xf32>,
        %get3A_126 = arith.index_cast %while3A_94 : i32 to index
        %get3A_127 = arith.constant 32 : index
        %get3A_128 = tpu.vector_load %arg8[%get3A_126, %get3A_127] {strides = array<i32>} : memref<80x128xf32, #tpu.memory_space<vmem>>, vector<1x16xf32>,
        %get3A_129 = vector.shape_cast %get3A_128 : vector<1x16xf32> to vector<16xf32>
        %get3A_130 = arith.index_cast %while3A_94 : i32 to index
        %get3A_131 = arith.constant 96 : index
        %get3A_132 = tpu.vector_load %arg10[%get3A_130, %get3A_131] {strides = array<i32>} : memref<80x128xf32, #tpu.memory_space<vmem>>, vector<1x16xf32>,
        %get3A_133 = vector.shape_cast %get3A_132 : vector<1x16xf32> to vector<16xf32>
        %add3A_134 = arith.addf %get3A_129, %get3A_133 : vector<16xf32>
        %max3A_135 = arith.constant 0.000000e+00 : f32
        %max3A_136 = vector.broadcast %max3A_135 : f32 to vector<16xf32>
        %max3A_137 = arith.maximumf %add3A_134, %max3A_136 : vector<16xf32>
        %swap3A_138 = arith.index_cast %while3A_94 : i32 to index
        %swap3A_139 = arith.constant 32 : index
        %swap3A_140 = tpu.vector_load %arg12[%swap3A_138, %swap3A_139] {strides = array<i32>} : memref<80x64xf32, #tpu.memory_space<vmem>>, vector<1x16xf32>,
        %swap3A_141 = vector.shape_cast %swap3A_140 : vector<1x16xf32> to vector<16xf32>
        %swap3A_142 = vector.shape_cast %max3A_137 : vector<16xf32> to vector<1x16xf32>
        tpu.vector_store %arg12[%swap3A_138, %swap3A_139], %swap3A_142 {strides = array<i32>} : memref<80x64xf32, #tpu.memory_space<vmem>>, vector<1x16xf32>,
        %get3A_143 = arith.index_cast %while3A_94 : i32 to index
        %get3A_144 = arith.constant 48 : index
        %get3A_145 = tpu.vector_load %arg8[%get3A_143, %get3A_144] {strides = array<i32>} : memref<80x128xf32, #tpu.memory_space<vmem>>, vector<1x16xf32>,
        %get3A_146 = vector.shape_cast %get3A_145 : vector<1x16xf32> to vector<16xf32>
        %get3A_147 = arith.index_cast %while3A_94 : i32 to index
        %get3A_148 = arith.constant 112 : index
        %get3A_149 = tpu.vector_load %arg10[%get3A_147, %get3A_148] {strides = array<i32>} : memref<80x128xf32, #tpu.memory_space<vmem>>, vector<1x16xf32>,
        %get3A_150 = vector.shape_cast %get3A_149 : vector<1x16xf32> to vector<16xf32>
        %add3A_151 = arith.addf %get3A_146, %get3A_150 : vector<16xf32>
        %max3A_152 = arith.constant 0.000000e+00 : f32
        %max3A_153 = vector.broadcast %max3A_152 : f32 to vector<16xf32>
        %max3A_154 = arith.maximumf %add3A_151, %max3A_153 : vector<16xf32>
        %swap3A_155 = arith.index_cast %while3A_94 : i32 to index
        %swap3A_156 = arith.constant 48 : index
        %swap3A_157 = tpu.vector_load %arg12[%swap3A_155, %swap3A_156] {strides = array<i32>} : memref<80x64xf32, #tpu.memory_space<vmem>>, vector<1x16xf32>,
        %swap3A_158 = vector.shape_cast %swap3A_157 : vector<1x16xf32> to vector<16xf32>
        %swap3A_159 = vector.shape_cast %max3A_154 : vector<16xf32> to vector<1x16xf32>
        tpu.vector_store %arg12[%swap3A_155, %swap3A_156], %swap3A_159 {strides = array<i32>} : memref<80x64xf32, #tpu.memory_space<vmem>>, vector<1x16xf32>,
      }
      %mul3A_75 = arith.constant 80 : i32
      %mul3A_76 = arith.muli %mul3A_43, %mul3A_75 : i32
      %add3A_77 = arith.addi %mul3A_2, %mul3A_76 : i32
      %dma_start3A_78 = arith.constant 0 : i32
      %dma_start3A_79 = tpu.memref_slice %arg5[%add3A_77, %dma_start3A_78] : memref<320000x64xf32, #tpu.memory_space<hbm>> -> memref<80x64xf32, #tpu.memory_space<hbm>>
      %dma_start3A_80 = arith.constant 0 : i32
      %dma_start3A_81 = tpu.memref_slice %arg5[%add3A_77, %dma_start3A_80] : memref<320000x64xf32, #tpu.memory_space<hbm>> -> memref<80x64xf32, #tpu.memory_space<hbm>>
      tpu.enqueue_dma source(%arg12 : memref<80x64xf32, #tpu.memory_space<vmem>>) target(%dma_start3A_81 : memref<80x64xf32, #tpu.memory_space<hbm>>) target_semaphore(%arg18 : memref<!tpu.dma_semaphore, #tpu.memory_space<semaphore_mem>>)
      %add3A_82 = arith.constant 1 : i32
      %add3A_83 = arith.addi %add3A_45, %add3A_82 : i32
      %lt3A_84 = arith.constant 125 : i32
      %lt3A_85 = arith.cmpi slt, %add3A_83, %lt3A_84 : i32
      %convert_element_type3A_86 = arith.extui %lt3A_85 : i1 to i32
      %cond3A_87 = arith.constant 0 : i32
      %cond3A_88 = arith.cmpi ne, %convert_element_type3A_86, %cond3A_87 : i32
      scf.if %cond3A_88 {
        %add3A_94 = arith.constant 1 : i32
        %add3A_95 = arith.addi %add3A_45, %add3A_94 : i32
        %mul3A_96 = arith.constant 80 : i32
        %mul3A_97 = arith.muli %add3A_95, %mul3A_96 : i32
        %dma_start3A_98 = tpu.memref_slice %arg6[%mul3A_97] : memref<10000xi32, #tpu.memory_space<vmem>> -> memref<80xi32, #tpu.memory_space<vmem>>
        %dma_start3A_99 = arith.constant 0 : i32
        %dma_start3A_100 = arith.constant 0 : i32
        %dma_start3A_101 = tpu.memref_slice %arg2[%dma_start3A_99, %dma_start3A_100] : memref<10000x128xf32, #tpu.memory_space<hbm>> -> memref<10000x128xf32, #tpu.memory_space<hbm>>
        tpu.enqueue_indirect_dma source(%dma_start3A_101 : memref<10000x128xf32, #tpu.memory_space<hbm>>) target(%arg8 : memref<80x128xf32, #tpu.memory_space<vmem>>) offsets(%dma_start3A_98 : memref<80xi32, #tpu.memory_space<vmem>>) semaphore(%arg14 : memref<!tpu.dma_semaphore, #tpu.memory_space<semaphore_mem>>)
        %add3A_102 = arith.constant 1 : i32
        %add3A_103 = arith.addi %add3A_45, %add3A_102 : i32
        %mul3A_104 = arith.constant 80 : i32
        %mul3A_105 = arith.muli %add3A_103, %mul3A_104 : i32
        %dma_start3A_106 = tpu.memref_slice %arg7[%mul3A_105] : memref<10000xi32, #tpu.memory_space<vmem>> -> memref<80xi32, #tpu.memory_space<vmem>>
        %dma_start3A_107 = arith.constant 0 : i32
        %dma_start3A_108 = arith.constant 0 : i32
        %dma_start3A_109 = tpu.memref_slice %arg2[%dma_start3A_107, %dma_start3A_108] : memref<10000x128xf32, #tpu.memory_space<hbm>> -> memref<10000x128xf32, #tpu.memory_space<hbm>>
        tpu.enqueue_indirect_dma source(%dma_start3A_109 : memref<10000x128xf32, #tpu.memory_space<hbm>>) target(%arg10 : memref<80x128xf32, #tpu.memory_space<vmem>>) offsets(%dma_start3A_106 : memref<80xi32, #tpu.memory_space<vmem>>) semaphore(%arg16 : memref<!tpu.dma_semaphore, #tpu.memory_space<semaphore_mem>>)
      } else {
      }
      %lt3A_89 = arith.constant 125 : i32
      %lt3A_90 = arith.cmpi slt, %add3A_45, %lt3A_89 : i32
      %convert_element_type3A_91 = arith.extui %lt3A_90 : i1 to i32
      %cond3A_92 = arith.constant 0 : i32
      %cond3A_93 = arith.cmpi ne, %convert_element_type3A_91, %cond3A_92 : i32
      scf.if %cond3A_93 {
        %mul3A_94 = arith.constant 80 : i32
        %mul3A_95 = arith.muli %add3A_45, %mul3A_94 : i32
        %dma_wait3A_96 = tpu.memref_slice %arg6[%mul3A_95] : memref<10000xi32, #tpu.memory_space<vmem>> -> memref<80xi32, #tpu.memory_space<vmem>>
        %dma_wait3A_97 = arith.constant 0 : i32
        %dma_wait3A_98 = arith.constant 0 : i32
        %dma_wait3A_99 = tpu.memref_slice %arg2[%dma_wait3A_97, %dma_wait3A_98] : memref<10000x128xf32, #tpu.memory_space<hbm>> -> memref<10000x128xf32, #tpu.memory_space<hbm>>
        tpu.wait_indirect_dma semaphore(%arg15 : memref<!tpu.dma_semaphore, #tpu.memory_space<semaphore_mem>>) src(%dma_wait3A_99 : memref<10000x128xf32, #tpu.memory_space<hbm>>) dst(%arg9 : memref<80x128xf32, #tpu.memory_space<vmem>>)
        %mul3A_100 = arith.constant 80 : i32
        %mul3A_101 = arith.muli %add3A_45, %mul3A_100 : i32
        %dma_wait3A_102 = tpu.memref_slice %arg7[%mul3A_101] : memref<10000xi32, #tpu.memory_space<vmem>> -> memref<80xi32, #tpu.memory_space<vmem>>
        %dma_wait3A_103 = arith.constant 0 : i32
        %dma_wait3A_104 = arith.constant 0 : i32
        %dma_wait3A_105 = tpu.memref_slice %arg2[%dma_wait3A_103, %dma_wait3A_104] : memref<10000x128xf32, #tpu.memory_space<hbm>> -> memref<10000x128xf32, #tpu.memory_space<hbm>>
        tpu.wait_indirect_dma semaphore(%arg17 : memref<!tpu.dma_semaphore, #tpu.memory_space<semaphore_mem>>) src(%dma_wait3A_105 : memref<10000x128xf32, #tpu.memory_space<hbm>>) dst(%arg11 : memref<80x128xf32, #tpu.memory_space<vmem>>)
        %ge3A_106 = arith.constant 2 : i32
        %ge3A_107 = arith.cmpi sge, %add3A_45, %ge3A_106 : i32
        %convert_element_type3A_108 = arith.extui %ge3A_107 : i1 to i32
        %cond3A_109 = arith.constant 0 : i32
        %cond3A_110 = arith.cmpi ne, %convert_element_type3A_108, %cond3A_109 : i32
        scf.if %cond3A_110 {
          %sub3A = arith.constant 2 : i32
          %sub3A_129 = arith.subi %add3A_45, %sub3A : i32
          %mul3A_130 = arith.constant 80 : i32
          %mul3A_131 = arith.muli %sub3A_129, %mul3A_130 : i32
          %add3A_132 = arith.addi %mul3A_2, %mul3A_131 : i32
          %dma_wait3A_133 = arith.constant 0 : i32
          %dma_wait3A_134 = tpu.memref_slice %arg5[%add3A_132, %dma_wait3A_133] : memref<320000x64xf32, #tpu.memory_space<hbm>> -> memref<80x64xf32, #tpu.memory_space<hbm>>
          %dma_wait3A_135 = arith.constant 0 : i32
          %dma_wait3A_136 = tpu.memref_slice %arg5[%add3A_132, %dma_wait3A_135] : memref<320000x64xf32, #tpu.memory_space<hbm>> -> memref<80x64xf32, #tpu.memory_space<hbm>>
          tpu.wait_dma2 semaphore(%arg19 : memref<!tpu.dma_semaphore, #tpu.memory_space<semaphore_mem>>) src(%arg13 : memref<80x64xf32, #tpu.memory_space<vmem>>) dst(%dma_wait3A_136 : memref<80x64xf32, #tpu.memory_space<hbm>>)
        } else {
        }
        %while3A_111 = arith.constant 0 : i32
        %while3A_112 = arith.constant 0 : i32
        %while3A_113 = arith.constant 80 : i32
        %while3A_114 = arith.subi %while3A_113, %while3A_112 : i32
        %while3A_115 = arith.addi %while3A_112, %while3A_114 : i32
        %while3A_116 = arith.constant 1 : i32
        %while3A_117 = arith.divsi %while3A_114, %while3A_116 : i32
        %while3A_118 = arith.muli %while3A_117, %while3A_116 : i32
        %while3A_119 = arith.addi %while3A_112, %while3A_118 : i32
        %while3A_120 = arith.constant 1 : i32
        scf.for %while3A_129 = %while3A_112 to %while3A_119 step %while3A_120  : i32 {
          %get3A = arith.index_cast %while3A_129 : i32 to index
          %get3A_130 = arith.constant 0 : index
          %get3A_131 = tpu.vector_load %arg9[%get3A, %get3A_130] {strides = array<i32>} : memref<80x128xf32, #tpu.memory_space<vmem>>, vector<1x16xf32>,
          %get3A_132 = vector.shape_cast %get3A_131 : vector<1x16xf32> to vector<16xf32>
          %get3A_133 = arith.index_cast %while3A_129 : i32 to index
          %get3A_134 = arith.constant 64 : index
          %get3A_135 = tpu.vector_load %arg11[%get3A_133, %get3A_134] {strides = array<i32>} : memref<80x128xf32, #tpu.memory_space<vmem>>, vector<1x16xf32>,
          %get3A_136 = vector.shape_cast %get3A_135 : vector<1x16xf32> to vector<16xf32>
          %add3A_137 = arith.addf %get3A_132, %get3A_136 : vector<16xf32>
          %max3A = arith.constant 0.000000e+00 : f32
          %max3A_138 = vector.broadcast %max3A : f32 to vector<16xf32>
          %max3A_139 = arith.maximumf %add3A_137, %max3A_138 : vector<16xf32>
          %swap3A = arith.index_cast %while3A_129 : i32 to index
          %swap3A_140 = arith.constant 0 : index
          %swap3A_141 = tpu.vector_load %arg13[%swap3A, %swap3A_140] {strides = array<i32>} : memref<80x64xf32, #tpu.memory_space<vmem>>, vector<1x16xf32>,
          %swap3A_142 = vector.shape_cast %swap3A_141 : vector<1x16xf32> to vector<16xf32>
          %swap3A_143 = vector.shape_cast %max3A_139 : vector<16xf32> to vector<1x16xf32>
          tpu.vector_store %arg13[%swap3A, %swap3A_140], %swap3A_143 {strides = array<i32>} : memref<80x64xf32, #tpu.memory_space<vmem>>, vector<1x16xf32>,
          %get3A_144 = arith.index_cast %while3A_129 : i32 to index
          %get3A_145 = arith.constant 16 : index
          %get3A_146 = tpu.vector_load %arg9[%get3A_144, %get3A_145] {strides = array<i32>} : memref<80x128xf32, #tpu.memory_space<vmem>>, vector<1x16xf32>,
          %get3A_147 = vector.shape_cast %get3A_146 : vector<1x16xf32> to vector<16xf32>
          %get3A_148 = arith.index_cast %while3A_129 : i32 to index
          %get3A_149 = arith.constant 80 : index
          %get3A_150 = tpu.vector_load %arg11[%get3A_148, %get3A_149] {strides = array<i32>} : memref<80x128xf32, #tpu.memory_space<vmem>>, vector<1x16xf32>,
          %get3A_151 = vector.shape_cast %get3A_150 : vector<1x16xf32> to vector<16xf32>
          %add3A_152 = arith.addf %get3A_147, %get3A_151 : vector<16xf32>
          %max3A_153 = arith.constant 0.000000e+00 : f32
          %max3A_154 = vector.broadcast %max3A_153 : f32 to vector<16xf32>
          %max3A_155 = arith.maximumf %add3A_152, %max3A_154 : vector<16xf32>
          %swap3A_156 = arith.index_cast %while3A_129 : i32 to index
          %swap3A_157 = arith.constant 16 : index
          %swap3A_158 = tpu.vector_load %arg13[%swap3A_156, %swap3A_157] {strides = array<i32>} : memref<80x64xf32, #tpu.memory_space<vmem>>, vector<1x16xf32>,
          %swap3A_159 = vector.shape_cast %swap3A_158 : vector<1x16xf32> to vector<16xf32>
          %swap3A_160 = vector.shape_cast %max3A_155 : vector<16xf32> to vector<1x16xf32>
          tpu.vector_store %arg13[%swap3A_156, %swap3A_157], %swap3A_160 {strides = array<i32>} : memref<80x64xf32, #tpu.memory_space<vmem>>, vector<1x16xf32>,
          %get3A_161 = arith.index_cast %while3A_129 : i32 to index
          %get3A_162 = arith.constant 32 : index
          %get3A_163 = tpu.vector_load %arg9[%get3A_161, %get3A_162] {strides = array<i32>} : memref<80x128xf32, #tpu.memory_space<vmem>>, vector<1x16xf32>,
          %get3A_164 = vector.shape_cast %get3A_163 : vector<1x16xf32> to vector<16xf32>
          %get3A_165 = arith.index_cast %while3A_129 : i32 to index
          %get3A_166 = arith.constant 96 : index
          %get3A_167 = tpu.vector_load %arg11[%get3A_165, %get3A_166] {strides = array<i32>} : memref<80x128xf32, #tpu.memory_space<vmem>>, vector<1x16xf32>,
          %get3A_168 = vector.shape_cast %get3A_167 : vector<1x16xf32> to vector<16xf32>
          %add3A_169 = arith.addf %get3A_164, %get3A_168 : vector<16xf32>
          %max3A_170 = arith.constant 0.000000e+00 : f32
          %max3A_171 = vector.broadcast %max3A_170 : f32 to vector<16xf32>
          %max3A_172 = arith.maximumf %add3A_169, %max3A_171 : vector<16xf32>
          %swap3A_173 = arith.index_cast %while3A_129 : i32 to index
          %swap3A_174 = arith.constant 32 : index
          %swap3A_175 = tpu.vector_load %arg13[%swap3A_173, %swap3A_174] {strides = array<i32>} : memref<80x64xf32, #tpu.memory_space<vmem>>, vector<1x16xf32>,
          %swap3A_176 = vector.shape_cast %swap3A_175 : vector<1x16xf32> to vector<16xf32>
          %swap3A_177 = vector.shape_cast %max3A_172 : vector<16xf32> to vector<1x16xf32>
          tpu.vector_store %arg13[%swap3A_173, %swap3A_174], %swap3A_177 {strides = array<i32>} : memref<80x64xf32, #tpu.memory_space<vmem>>, vector<1x16xf32>,
          %get3A_178 = arith.index_cast %while3A_129 : i32 to index
          %get3A_179 = arith.constant 48 : index
          %get3A_180 = tpu.vector_load %arg9[%get3A_178, %get3A_179] {strides = array<i32>} : memref<80x128xf32, #tpu.memory_space<vmem>>, vector<1x16xf32>,
          %get3A_181 = vector.shape_cast %get3A_180 : vector<1x16xf32> to vector<16xf32>
          %get3A_182 = arith.index_cast %while3A_129 : i32 to index
          %get3A_183 = arith.constant 112 : index
          %get3A_184 = tpu.vector_load %arg11[%get3A_182, %get3A_183] {strides = array<i32>} : memref<80x128xf32, #tpu.memory_space<vmem>>, vector<1x16xf32>,
          %get3A_185 = vector.shape_cast %get3A_184 : vector<1x16xf32> to vector<16xf32>
          %add3A_186 = arith.addf %get3A_181, %get3A_185 : vector<16xf32>
          %max3A_187 = arith.constant 0.000000e+00 : f32
          %max3A_188 = vector.broadcast %max3A_187 : f32 to vector<16xf32>
          %max3A_189 = arith.maximumf %add3A_186, %max3A_188 : vector<16xf32>
          %swap3A_190 = arith.index_cast %while3A_129 : i32 to index
          %swap3A_191 = arith.constant 48 : index
          %swap3A_192 = tpu.vector_load %arg13[%swap3A_190, %swap3A_191] {strides = array<i32>} : memref<80x64xf32, #tpu.memory_space<vmem>>, vector<1x16xf32>,
          %swap3A_193 = vector.shape_cast %swap3A_192 : vector<1x16xf32> to vector<16xf32>
          %swap3A_194 = vector.shape_cast %max3A_189 : vector<16xf32> to vector<1x16xf32>
          tpu.vector_store %arg13[%swap3A_190, %swap3A_191], %swap3A_194 {strides = array<i32>} : memref<80x64xf32, #tpu.memory_space<vmem>>, vector<1x16xf32>,
        }
        %while3A_121 = arith.constant 1 : i32
        scf.for %while3A_129 = %while3A_119 to %while3A_115 step %while3A_121  : i32 {
          %get3A = arith.index_cast %while3A_129 : i32 to index
          %get3A_130 = arith.constant 0 : index
          %get3A_131 = tpu.vector_load %arg9[%get3A, %get3A_130] {strides = array<i32>} : memref<80x128xf32, #tpu.memory_space<vmem>>, vector<1x16xf32>,
          %get3A_132 = vector.shape_cast %get3A_131 : vector<1x16xf32> to vector<16xf32>
          %get3A_133 = arith.index_cast %while3A_129 : i32 to index
          %get3A_134 = arith.constant 64 : index
          %get3A_135 = tpu.vector_load %arg11[%get3A_133, %get3A_134] {strides = array<i32>} : memref<80x128xf32, #tpu.memory_space<vmem>>, vector<1x16xf32>,
          %get3A_136 = vector.shape_cast %get3A_135 : vector<1x16xf32> to vector<16xf32>
          %add3A_137 = arith.addf %get3A_132, %get3A_136 : vector<16xf32>
          %max3A = arith.constant 0.000000e+00 : f32
          %max3A_138 = vector.broadcast %max3A : f32 to vector<16xf32>
          %max3A_139 = arith.maximumf %add3A_137, %max3A_138 : vector<16xf32>
          %swap3A = arith.index_cast %while3A_129 : i32 to index
          %swap3A_140 = arith.constant 0 : index
          %swap3A_141 = tpu.vector_load %arg13[%swap3A, %swap3A_140] {strides = array<i32>} : memref<80x64xf32, #tpu.memory_space<vmem>>, vector<1x16xf32>,
          %swap3A_142 = vector.shape_cast %swap3A_141 : vector<1x16xf32> to vector<16xf32>
          %swap3A_143 = vector.shape_cast %max3A_139 : vector<16xf32> to vector<1x16xf32>
          tpu.vector_store %arg13[%swap3A, %swap3A_140], %swap3A_143 {strides = array<i32>} : memref<80x64xf32, #tpu.memory_space<vmem>>, vector<1x16xf32>,
          %get3A_144 = arith.index_cast %while3A_129 : i32 to index
          %get3A_145 = arith.constant 16 : index
          %get3A_146 = tpu.vector_load %arg9[%get3A_144, %get3A_145] {strides = array<i32>} : memref<80x128xf32, #tpu.memory_space<vmem>>, vector<1x16xf32>,
          %get3A_147 = vector.shape_cast %get3A_146 : vector<1x16xf32> to vector<16xf32>
          %get3A_148 = arith.index_cast %while3A_129 : i32 to index
          %get3A_149 = arith.constant 80 : index
          %get3A_150 = tpu.vector_load %arg11[%get3A_148, %get3A_149] {strides = array<i32>} : memref<80x128xf32, #tpu.memory_space<vmem>>, vector<1x16xf32>,
          %get3A_151 = vector.shape_cast %get3A_150 : vector<1x16xf32> to vector<16xf32>
          %add3A_152 = arith.addf %get3A_147, %get3A_151 : vector<16xf32>
          %max3A_153 = arith.constant 0.000000e+00 : f32
          %max3A_154 = vector.broadcast %max3A_153 : f32 to vector<16xf32>
          %max3A_155 = arith.maximumf %add3A_152, %max3A_154 : vector<16xf32>
          %swap3A_156 = arith.index_cast %while3A_129 : i32 to index
          %swap3A_157 = arith.constant 16 : index
          %swap3A_158 = tpu.vector_load %arg13[%swap3A_156, %swap3A_157] {strides = array<i32>} : memref<80x64xf32, #tpu.memory_space<vmem>>, vector<1x16xf32>,
          %swap3A_159 = vector.shape_cast %swap3A_158 : vector<1x16xf32> to vector<16xf32>
          %swap3A_160 = vector.shape_cast %max3A_155 : vector<16xf32> to vector<1x16xf32>
          tpu.vector_store %arg13[%swap3A_156, %swap3A_157], %swap3A_160 {strides = array<i32>} : memref<80x64xf32, #tpu.memory_space<vmem>>, vector<1x16xf32>,
          %get3A_161 = arith.index_cast %while3A_129 : i32 to index
          %get3A_162 = arith.constant 32 : index
          %get3A_163 = tpu.vector_load %arg9[%get3A_161, %get3A_162] {strides = array<i32>} : memref<80x128xf32, #tpu.memory_space<vmem>>, vector<1x16xf32>,
          %get3A_164 = vector.shape_cast %get3A_163 : vector<1x16xf32> to vector<16xf32>
          %get3A_165 = arith.index_cast %while3A_129 : i32 to index
          %get3A_166 = arith.constant 96 : index
          %get3A_167 = tpu.vector_load %arg11[%get3A_165, %get3A_166] {strides = array<i32>} : memref<80x128xf32, #tpu.memory_space<vmem>>, vector<1x16xf32>,
          %get3A_168 = vector.shape_cast %get3A_167 : vector<1x16xf32> to vector<16xf32>
          %add3A_169 = arith.addf %get3A_164, %get3A_168 : vector<16xf32>
          %max3A_170 = arith.constant 0.000000e+00 : f32
          %max3A_171 = vector.broadcast %max3A_170 : f32 to vector<16xf32>
          %max3A_172 = arith.maximumf %add3A_169, %max3A_171 : vector<16xf32>
          %swap3A_173 = arith.index_cast %while3A_129 : i32 to index
          %swap3A_174 = arith.constant 32 : index
          %swap3A_175 = tpu.vector_load %arg13[%swap3A_173, %swap3A_174] {strides = array<i32>} : memref<80x64xf32, #tpu.memory_space<vmem>>, vector<1x16xf32>,
          %swap3A_176 = vector.shape_cast %swap3A_175 : vector<1x16xf32> to vector<16xf32>
          %swap3A_177 = vector.shape_cast %max3A_172 : vector<16xf32> to vector<1x16xf32>
          tpu.vector_store %arg13[%swap3A_173, %swap3A_174], %swap3A_177 {strides = array<i32>} : memref<80x64xf32, #tpu.memory_space<vmem>>, vector<1x16xf32>,
          %get3A_178 = arith.index_cast %while3A_129 : i32 to index
          %get3A_179 = arith.constant 48 : index
          %get3A_180 = tpu.vector_load %arg9[%get3A_178, %get3A_179] {strides = array<i32>} : memref<80x128xf32, #tpu.memory_space<vmem>>, vector<1x16xf32>,
          %get3A_181 = vector.shape_cast %get3A_180 : vector<1x16xf32> to vector<16xf32>
          %get3A_182 = arith.index_cast %while3A_129 : i32 to index
          %get3A_183 = arith.constant 112 : index
          %get3A_184 = tpu.vector_load %arg11[%get3A_182, %get3A_183] {strides = array<i32>} : memref<80x128xf32, #tpu.memory_space<vmem>>, vector<1x16xf32>,
          %get3A_185 = vector.shape_cast %get3A_184 : vector<1x16xf32> to vector<16xf32>
          %add3A_186 = arith.addf %get3A_181, %get3A_185 : vector<16xf32>
          %max3A_187 = arith.constant 0.000000e+00 : f32
          %max3A_188 = vector.broadcast %max3A_187 : f32 to vector<16xf32>
          %max3A_189 = arith.maximumf %add3A_186, %max3A_188 : vector<16xf32>
          %swap3A_190 = arith.index_cast %while3A_129 : i32 to index
          %swap3A_191 = arith.constant 48 : index
          %swap3A_192 = tpu.vector_load %arg13[%swap3A_190, %swap3A_191] {strides = array<i32>} : memref<80x64xf32, #tpu.memory_space<vmem>>, vector<1x16xf32>,
          %swap3A_193 = vector.shape_cast %swap3A_192 : vector<1x16xf32> to vector<16xf32>
          %swap3A_194 = vector.shape_cast %max3A_189 : vector<16xf32> to vector<1x16xf32>
          tpu.vector_store %arg13[%swap3A_190, %swap3A_191], %swap3A_194 {strides = array<i32>} : memref<80x64xf32, #tpu.memory_space<vmem>>, vector<1x16xf32>,
        }
        %mul3A_122 = arith.constant 80 : i32
        %mul3A_123 = arith.muli %add3A_45, %mul3A_122 : i32
        %add3A_124 = arith.addi %mul3A_2, %mul3A_123 : i32
        %dma_start3A_125 = arith.constant 0 : i32
        %dma_start3A_126 = tpu.memref_slice %arg5[%add3A_124, %dma_start3A_125] : memref<320000x64xf32, #tpu.memory_space<hbm>> -> memref<80x64xf32, #tpu.memory_space<hbm>>
        %dma_start3A_127 = arith.constant 0 : i32
        %dma_start3A_128 = tpu.memref_slice %arg5[%add3A_124, %dma_start3A_127] : memref<320000x64xf32, #tpu.memory_space<hbm>> -> memref<80x64xf32, #tpu.memory_space<hbm>>
        tpu.enqueue_dma source(%arg13 : memref<80x64xf32, #tpu.memory_space<vmem>>) target(%dma_start3A_128 : memref<80x64xf32, #tpu.memory_space<hbm>>) target_semaphore(%arg19 : memref<!tpu.dma_semaphore, #tpu.memory_space<semaphore_mem>>)
      } else {
      }
    }
    %mul3A_26 = arith.constant 124 : i32
    %mul3A_27 = arith.constant 80 : i32
    %mul3A_28 = arith.muli %mul3A_26, %mul3A_27 : i32
    %add3A_29 = arith.addi %mul3A_2, %mul3A_28 : i32
    %dma_wait3A = arith.constant 0 : i32
    %dma_wait3A_30 = tpu.memref_slice %arg5[%add3A_29, %dma_wait3A] : memref<320000x64xf32, #tpu.memory_space<hbm>> -> memref<80x64xf32, #tpu.memory_space<hbm>>
    %dma_wait3A_31 = arith.constant 0 : i32
    %dma_wait3A_32 = tpu.memref_slice %arg5[%add3A_29, %dma_wait3A_31] : memref<320000x64xf32, #tpu.memory_space<hbm>> -> memref<80x64xf32, #tpu.memory_space<hbm>>
    tpu.wait_dma2 semaphore(%arg18 : memref<!tpu.dma_semaphore, #tpu.memory_space<semaphore_mem>>) src(%arg12 : memref<80x64xf32, #tpu.memory_space<vmem>>) dst(%dma_wait3A_32 : memref<80x64xf32, #tpu.memory_space<hbm>>)
    %mul3A_33 = arith.constant 123 : i32
    %mul3A_34 = arith.constant 80 : i32
    %mul3A_35 = arith.muli %mul3A_33, %mul3A_34 : i32
    %add3A_36 = arith.addi %mul3A_2, %mul3A_35 : i32
    %dma_wait3A_37 = arith.constant 0 : i32
    %dma_wait3A_38 = tpu.memref_slice %arg5[%add3A_36, %dma_wait3A_37] : memref<320000x64xf32, #tpu.memory_space<hbm>> -> memref<80x64xf32, #tpu.memory_space<hbm>>
    %dma_wait3A_39 = arith.constant 0 : i32
    %dma_wait3A_40 = tpu.memref_slice %arg5[%add3A_36, %dma_wait3A_39] : memref<320000x64xf32, #tpu.memory_space<hbm>> -> memref<80x64xf32, #tpu.memory_space<hbm>>
    tpu.wait_dma2 semaphore(%arg19 : memref<!tpu.dma_semaphore, #tpu.memory_space<semaphore_mem>>) src(%arg13 : memref<80x64xf32, #tpu.memory_space<vmem>>) dst(%dma_wait3A_40 : memref<80x64xf32, #tpu.memory_space<hbm>>)
    return
  }
}

module attributes {stable_mosaic.version = 14 : i64} {
  func.func @_prep1_body(%arg0: memref<10000x128xf32, #tpu.memory_space<vmem>>, %arg1: memref<2x10240x128xf32, #tpu.memory_space<vmem>>, %arg2: memref<1x128xf32, #tpu.memory_space<vmem>>, %arg3: memref<1x128xf32, #tpu.memory_space<vmem>>, %arg4: memref<128x128xf32, #tpu.memory_space<vmem>>, %arg5: memref<10000x128xf32, #tpu.memory_space<vmem>>) attributes {dimension_semantics = [], scalar_prefetch = 0 : i64, scratch_operands = 0 : i64, tpu.core_type = #tpu.core_type<tc>} {
    %get3A = arith.constant 0 : index
    %get3A_0 = arith.constant 0 : index
    %get3A_1 = arith.constant 0 : index
    %get3A_2 = vector.load %arg1[%get3A, %get3A_0, %get3A_1] : memref<2x10240x128xf32, #tpu.memory_space<vmem>>, vector<1x10000x1xf32>
    %get3A_3 = vector.shape_cast %get3A_2 : vector<1x10000x1xf32> to vector<10000x1xf32>
    %get3A_4 = arith.constant 1 : index
    %get3A_5 = arith.constant 0 : index
    %get3A_6 = arith.constant 0 : index
    %get3A_7 = vector.load %arg1[%get3A_4, %get3A_5, %get3A_6] : memref<2x10240x128xf32, #tpu.memory_space<vmem>>, vector<1x10000x1xf32>
    %get3A_8 = vector.shape_cast %get3A_7 : vector<1x10000x1xf32> to vector<10000x1xf32>
    %add3A = arith.addf %get3A_3, %get3A_8 : vector<10000x1xf32>
    %max3A = arith.constant 1.000000e+00 : f32
    %max3A_9 = vector.broadcast %max3A : f32 to vector<10000x1xf32>
    %max3A_10 = arith.maximumf %add3A, %max3A_9 : vector<10000x1xf32>
    %rsqrt3A = math.rsqrt %max3A_10 : vector<10000x1xf32>
    %get3A_11 = arith.constant 0 : index
    %get3A_12 = arith.constant 0 : index
    %get3A_13 = vector.load %arg0[%get3A_11, %get3A_12] : memref<10000x128xf32, #tpu.memory_space<vmem>>, vector<10000x128xf32>
    %reduce_sum3A = arith.constant dense<0.000000e+00> : vector<128xf32>
    %reduce_sum3A_14 = vector.multi_reduction <add>, %get3A_13, %reduce_sum3A [0] : vector<10000x128xf32> to vector<128xf32>
    %broadcast_in_dim3A = vector.shape_cast %reduce_sum3A_14 : vector<128xf32> to vector<1x128xf32>
    %div3A = arith.constant 1.000000e+04 : f32
    %div3A_15 = vector.broadcast %div3A : f32 to vector<1x128xf32>
    %div3A_16 = arith.divf %broadcast_in_dim3A, %div3A_15 : vector<1x128xf32>
    %sub3A = vector.broadcast %div3A_16 : vector<1x128xf32> to vector<10000x128xf32>
    %sub3A_17 = arith.subf %get3A_13, %sub3A : vector<10000x128xf32>
    %mul3A = arith.mulf %sub3A_17, %sub3A_17 : vector<10000x128xf32>
    %reduce_sum3A_18 = arith.constant dense<0.000000e+00> : vector<128xf32>
    %reduce_sum3A_19 = vector.multi_reduction <add>, %mul3A, %reduce_sum3A_18 [0] : vector<10000x128xf32> to vector<128xf32>
    %broadcast_in_dim3A_20 = vector.shape_cast %reduce_sum3A_19 : vector<128xf32> to vector<1x128xf32>
    %div3A_21 = arith.constant 1.000000e+04 : f32
    %div3A_22 = vector.broadcast %div3A_21 : f32 to vector<1x128xf32>
    %div3A_23 = arith.divf %broadcast_in_dim3A_20, %div3A_22 : vector<1x128xf32>
    %add3A_24 = arith.constant 9.99999974E-6 : f32
    %add3A_25 = vector.broadcast %add3A_24 : f32 to vector<1x128xf32>
    %add3A_26 = arith.addf %div3A_23, %add3A_25 : vector<1x128xf32>
    %rsqrt3A_27 = math.rsqrt %add3A_26 : vector<1x128xf32>
    %mul3A_28 = vector.broadcast %rsqrt3A_27 : vector<1x128xf32> to vector<10000x128xf32>
    %mul3A_29 = arith.mulf %sub3A_17, %mul3A_28 : vector<10000x128xf32>
    %get3A_30 = arith.constant 0 : index
    %get3A_31 = arith.constant 0 : index
    %get3A_32 = vector.load %arg2[%get3A_30, %get3A_31] : memref<1x128xf32, #tpu.memory_space<vmem>>, vector<1x128xf32>
    %mul3A_33 = vector.broadcast %get3A_32 : vector<1x128xf32> to vector<10000x128xf32>
    %mul3A_34 = arith.mulf %mul3A_29, %mul3A_33 : vector<10000x128xf32>
    %get3A_35 = arith.constant 0 : index
    %get3A_36 = arith.constant 0 : index
    %get3A_37 = vector.load %arg3[%get3A_35, %get3A_36] : memref<1x128xf32, #tpu.memory_space<vmem>>, vector<1x128xf32>
    %add3A_38 = vector.broadcast %get3A_37 : vector<1x128xf32> to vector<10000x128xf32>
    %add3A_39 = arith.addf %mul3A_34, %add3A_38 : vector<10000x128xf32>
    %mul3A_40 = vector.broadcast %rsqrt3A : vector<10000x1xf32> to vector<10000x128xf32>
    %mul3A_41 = arith.mulf %add3A_39, %mul3A_40 : vector<10000x128xf32>
    %get3A_42 = arith.constant 0 : index
    %get3A_43 = arith.constant 0 : index
    %get3A_44 = vector.load %arg4[%get3A_42, %get3A_43] : memref<128x128xf32, #tpu.memory_space<vmem>>, vector<128x128xf32>
    %dot_general3A = arith.constant dense<0.000000e+00> : vector<10000x128xf32>
    %dot_general3A_45 = tpu.matmul %mul3A_41, %get3A_44, %dot_general3A {dimension_numbers = #tpu.dot_dimension_numbers<[1], [0], [0], [1], [0, 0, 1, 1], [], []>, precision = #tpu.contract_precision<fp32>, transpose_lhs_hint = false} : vector<10000x128xf32>, vector<128x128xf32>, vector<10000x128xf32> -> vector<10000x128xf32>
    %swap3A = arith.constant 0 : index
    %swap3A_46 = arith.constant 0 : index
    %swap3A_47 = vector.load %arg5[%swap3A, %swap3A_46] : memref<10000x128xf32, #tpu.memory_space<vmem>>, vector<10000x128xf32>
    tpu.vector_store %arg5[%swap3A, %swap3A_46], %dot_general3A_45 {strides = array<i32>} : memref<10000x128xf32, #tpu.memory_space<vmem>>, vector<10000x128xf32>,
    return
  }
}

module attributes {stable_mosaic.version = 14 : i64} {
  func.func @_prep2_body(%arg0: memref<2x10240x128xf32, #tpu.memory_space<vmem>>, %arg1: memref<2x10240x128xf32, #tpu.memory_space<vmem>>, %arg2: memref<1x128xf32, #tpu.memory_space<vmem>>, %arg3: memref<1x128xf32, #tpu.memory_space<vmem>>, %arg4: memref<1x128xf32, #tpu.memory_space<vmem>>, %arg5: memref<128x128xf32, #tpu.memory_space<vmem>>, %arg6: memref<10000x128xf32, #tpu.memory_space<vmem>>) attributes {dimension_semantics = [], scalar_prefetch = 0 : i64, scratch_operands = 0 : i64, tpu.core_type = #tpu.core_type<tc>} {
    %get3A = arith.constant 0 : index
    %get3A_0 = arith.constant 0 : index
    %get3A_1 = arith.constant 0 : index
    %get3A_2 = vector.load %arg1[%get3A, %get3A_0, %get3A_1] : memref<2x10240x128xf32, #tpu.memory_space<vmem>>, vector<1x10000x1xf32>
    %get3A_3 = vector.shape_cast %get3A_2 : vector<1x10000x1xf32> to vector<10000x1xf32>
    %get3A_4 = arith.constant 1 : index
    %get3A_5 = arith.constant 0 : index
    %get3A_6 = arith.constant 0 : index
    %get3A_7 = vector.load %arg1[%get3A_4, %get3A_5, %get3A_6] : memref<2x10240x128xf32, #tpu.memory_space<vmem>>, vector<1x10000x1xf32>
    %get3A_8 = vector.shape_cast %get3A_7 : vector<1x10000x1xf32> to vector<10000x1xf32>
    %add3A = arith.addf %get3A_3, %get3A_8 : vector<10000x1xf32>
    %max3A = arith.constant 1.000000e+00 : f32
    %max3A_9 = vector.broadcast %max3A : f32 to vector<10000x1xf32>
    %max3A_10 = arith.maximumf %add3A, %max3A_9 : vector<10000x1xf32>
    %rsqrt3A = math.rsqrt %max3A_10 : vector<10000x1xf32>
    %get3A_11 = arith.constant 0 : index
    %get3A_12 = arith.constant 0 : index
    %get3A_13 = arith.constant 64 : index
    %get3A_14 = vector.load %arg1[%get3A_11, %get3A_12, %get3A_13] : memref<2x10240x128xf32, #tpu.memory_space<vmem>>, vector<1x10000x1xf32>
    %get3A_15 = vector.shape_cast %get3A_14 : vector<1x10000x1xf32> to vector<10000x1xf32>
    %get3A_16 = arith.constant 1 : index
    %get3A_17 = arith.constant 0 : index
    %get3A_18 = arith.constant 64 : index
    %get3A_19 = vector.load %arg1[%get3A_16, %get3A_17, %get3A_18] : memref<2x10240x128xf32, #tpu.memory_space<vmem>>, vector<1x10000x1xf32>
    %get3A_20 = vector.shape_cast %get3A_19 : vector<1x10000x1xf32> to vector<10000x1xf32>
    %add3A_21 = arith.addf %get3A_15, %get3A_20 : vector<10000x1xf32>
    %max3A_22 = arith.constant 1.000000e+00 : f32
    %max3A_23 = vector.broadcast %max3A_22 : f32 to vector<10000x1xf32>
    %max3A_24 = arith.maximumf %add3A_21, %max3A_23 : vector<10000x1xf32>
    %rsqrt3A_25 = math.rsqrt %max3A_24 : vector<10000x1xf32>
    %get3A_26 = arith.constant 0 : index
    %get3A_27 = arith.constant 0 : index
    %get3A_28 = arith.constant 0 : index
    %get3A_29 = vector.load %arg0[%get3A_26, %get3A_27, %get3A_28] : memref<2x10240x128xf32, #tpu.memory_space<vmem>>, vector<1x10000x128xf32>
    %get3A_30 = vector.shape_cast %get3A_29 : vector<1x10000x128xf32> to vector<10000x128xf32>
    %get3A_31 = arith.constant 1 : index
    %get3A_32 = arith.constant 0 : index
    %get3A_33 = arith.constant 0 : index
    %get3A_34 = vector.load %arg0[%get3A_31, %get3A_32, %get3A_33] : memref<2x10240x128xf32, #tpu.memory_space<vmem>>, vector<1x10000x128xf32>
    %get3A_35 = vector.shape_cast %get3A_34 : vector<1x10000x128xf32> to vector<10000x128xf32>
    %add3A_36 = arith.addf %get3A_30, %get3A_35 : vector<10000x128xf32>
    %mul3A = vector.broadcast %rsqrt3A_25 : vector<10000x1xf32> to vector<10000x128xf32>
    %mul3A_37 = arith.mulf %add3A_36, %mul3A : vector<10000x128xf32>
    %get3A_38 = arith.constant 0 : index
    %get3A_39 = arith.constant 0 : index
    %get3A_40 = vector.load %arg2[%get3A_38, %get3A_39] : memref<1x128xf32, #tpu.memory_space<vmem>>, vector<1x128xf32>
    %add3A_41 = vector.broadcast %get3A_40 : vector<1x128xf32> to vector<10000x128xf32>
    %add3A_42 = arith.addf %mul3A_37, %add3A_41 : vector<10000x128xf32>
    %max3A_43 = arith.constant 0.000000e+00 : f32
    %max3A_44 = vector.broadcast %max3A_43 : f32 to vector<10000x128xf32>
    %max3A_45 = arith.maximumf %add3A_42, %max3A_44 : vector<10000x128xf32>
    %reduce_sum3A = arith.constant dense<0.000000e+00> : vector<128xf32>
    %reduce_sum3A_46 = vector.multi_reduction <add>, %max3A_45, %reduce_sum3A [0] : vector<10000x128xf32> to vector<128xf32>
    %broadcast_in_dim3A = vector.shape_cast %reduce_sum3A_46 : vector<128xf32> to vector<1x128xf32>
    %div3A = arith.constant 1.000000e+04 : f32
    %div3A_47 = vector.broadcast %div3A : f32 to vector<1x128xf32>
    %div3A_48 = arith.divf %broadcast_in_dim3A, %div3A_47 : vector<1x128xf32>
    %sub3A = vector.broadcast %div3A_48 : vector<1x128xf32> to vector<10000x128xf32>
    %sub3A_49 = arith.subf %max3A_45, %sub3A : vector<10000x128xf32>
    %mul3A_50 = arith.mulf %sub3A_49, %sub3A_49 : vector<10000x128xf32>
    %reduce_sum3A_51 = arith.constant dense<0.000000e+00> : vector<128xf32>
    %reduce_sum3A_52 = vector.multi_reduction <add>, %mul3A_50, %reduce_sum3A_51 [0] : vector<10000x128xf32> to vector<128xf32>
    %broadcast_in_dim3A_53 = vector.shape_cast %reduce_sum3A_52 : vector<128xf32> to vector<1x128xf32>
    %div3A_54 = arith.constant 1.000000e+04 : f32
    %div3A_55 = vector.broadcast %div3A_54 : f32 to vector<1x128xf32>
    %div3A_56 = arith.divf %broadcast_in_dim3A_53, %div3A_55 : vector<1x128xf32>
    %add3A_57 = arith.constant 9.99999974E-6 : f32
    %add3A_58 = vector.broadcast %add3A_57 : f32 to vector<1x128xf32>
    %add3A_59 = arith.addf %div3A_56, %add3A_58 : vector<1x128xf32>
    %rsqrt3A_60 = math.rsqrt %add3A_59 : vector<1x128xf32>
    %mul3A_61 = vector.broadcast %rsqrt3A_60 : vector<1x128xf32> to vector<10000x128xf32>
    %mul3A_62 = arith.mulf %sub3A_49, %mul3A_61 : vector<10000x128xf32>
    %get3A_63 = arith.constant 0 : index
    %get3A_64 = arith.constant 0 : index
    %get3A_65 = vector.load %arg3[%get3A_63, %get3A_64] : memref<1x128xf32, #tpu.memory_space<vmem>>, vector<1x128xf32>
    %mul3A_66 = vector.broadcast %get3A_65 : vector<1x128xf32> to vector<10000x128xf32>
    %mul3A_67 = arith.mulf %mul3A_62, %mul3A_66 : vector<10000x128xf32>
    %get3A_68 = arith.constant 0 : index
    %get3A_69 = arith.constant 0 : index
    %get3A_70 = vector.load %arg4[%get3A_68, %get3A_69] : memref<1x128xf32, #tpu.memory_space<vmem>>, vector<1x128xf32>
    %add3A_71 = vector.broadcast %get3A_70 : vector<1x128xf32> to vector<10000x128xf32>
    %add3A_72 = arith.addf %mul3A_67, %add3A_71 : vector<10000x128xf32>
    %mul3A_73 = vector.broadcast %rsqrt3A : vector<10000x1xf32> to vector<10000x128xf32>
    %mul3A_74 = arith.mulf %add3A_72, %mul3A_73 : vector<10000x128xf32>
    %get3A_75 = arith.constant 0 : index
    %get3A_76 = arith.constant 0 : index
    %get3A_77 = vector.load %arg5[%get3A_75, %get3A_76] : memref<128x128xf32, #tpu.memory_space<vmem>>, vector<128x128xf32>
    %dot_general3A = arith.constant dense<0.000000e+00> : vector<10000x128xf32>
    %dot_general3A_78 = tpu.matmul %mul3A_74, %get3A_77, %dot_general3A {dimension_numbers = #tpu.dot_dimension_numbers<[1], [0], [0], [1], [0, 0, 1, 1], [], []>, precision = #tpu.contract_precision<fp32>, transpose_lhs_hint = false} : vector<10000x128xf32>, vector<128x128xf32>, vector<10000x128xf32> -> vector<10000x128xf32>
    %swap3A = arith.constant 0 : index
    %swap3A_79 = arith.constant 0 : index
    %swap3A_80 = vector.load %arg6[%swap3A, %swap3A_79] : memref<10000x128xf32, #tpu.memory_space<vmem>>, vector<10000x128xf32>
    tpu.vector_store %arg6[%swap3A, %swap3A_79], %dot_general3A_78 {strides = array<i32>} : memref<10000x128xf32, #tpu.memory_space<vmem>>, vector<10000x128xf32>,
    return
  }
}

module attributes {stable_mosaic.version = 14 : i64} {
  func.func @_stats3_body(%arg0: memref<2x10240x128xf32, #tpu.memory_space<vmem>>, %arg1: memref<2x10240x128xf32, #tpu.memory_space<vmem>>, %arg2: memref<1x128xf32, #tpu.memory_space<vmem>>, %arg3: memref<1x128xf32, #tpu.memory_space<vmem>>, %arg4: memref<1x128xf32, #tpu.memory_space<vmem>>, %arg5: memref<1x128xf32, #tpu.memory_space<vmem>>, %arg6: memref<1x128xf32, #tpu.memory_space<vmem>>) attributes {dimension_semantics = [], scalar_prefetch = 0 : i64, scratch_operands = 0 : i64, tpu.core_type = #tpu.core_type<tc>} {
    %get3A = arith.constant 0 : index
    %get3A_0 = arith.constant 0 : index
    %get3A_1 = arith.constant 0 : index
    %get3A_2 = vector.load %arg1[%get3A, %get3A_0, %get3A_1] : memref<2x10240x128xf32, #tpu.memory_space<vmem>>, vector<1x10000x1xf32>
    %get3A_3 = vector.shape_cast %get3A_2 : vector<1x10000x1xf32> to vector<10000x1xf32>
    %get3A_4 = arith.constant 1 : index
    %get3A_5 = arith.constant 0 : index
    %get3A_6 = arith.constant 0 : index
    %get3A_7 = vector.load %arg1[%get3A_4, %get3A_5, %get3A_6] : memref<2x10240x128xf32, #tpu.memory_space<vmem>>, vector<1x10000x1xf32>
    %get3A_8 = vector.shape_cast %get3A_7 : vector<1x10000x1xf32> to vector<10000x1xf32>
    %add3A = arith.addf %get3A_3, %get3A_8 : vector<10000x1xf32>
    %get3A_9 = arith.constant 0 : index
    %get3A_10 = arith.constant 0 : index
    %get3A_11 = arith.constant 64 : index
    %get3A_12 = vector.load %arg1[%get3A_9, %get3A_10, %get3A_11] : memref<2x10240x128xf32, #tpu.memory_space<vmem>>, vector<1x10000x1xf32>
    %get3A_13 = vector.shape_cast %get3A_12 : vector<1x10000x1xf32> to vector<10000x1xf32>
    %get3A_14 = arith.constant 1 : index
    %get3A_15 = arith.constant 0 : index
    %get3A_16 = arith.constant 64 : index
    %get3A_17 = vector.load %arg1[%get3A_14, %get3A_15, %get3A_16] : memref<2x10240x128xf32, #tpu.memory_space<vmem>>, vector<1x10000x1xf32>
    %get3A_18 = vector.shape_cast %get3A_17 : vector<1x10000x1xf32> to vector<10000x1xf32>
    %add3A_19 = arith.addf %get3A_13, %get3A_18 : vector<10000x1xf32>
    %max3A = arith.constant 1.000000e+00 : f32
    %max3A_20 = vector.broadcast %max3A : f32 to vector<10000x1xf32>
    %max3A_21 = arith.maximumf %add3A_19, %max3A_20 : vector<10000x1xf32>
    %rsqrt3A = math.rsqrt %max3A_21 : vector<10000x1xf32>
    %get3A_22 = arith.constant 0 : index
    %get3A_23 = arith.constant 0 : index
    %get3A_24 = arith.constant 0 : index
    %get3A_25 = vector.load %arg0[%get3A_22, %get3A_23, %get3A_24] : memref<2x10240x128xf32, #tpu.memory_space<vmem>>, vector<1x10000x128xf32>
    %get3A_26 = vector.shape_cast %get3A_25 : vector<1x10000x128xf32> to vector<10000x128xf32>
    %get3A_27 = arith.constant 1 : index
    %get3A_28 = arith.constant 0 : index
    %get3A_29 = arith.constant 0 : index
    %get3A_30 = vector.load %arg0[%get3A_27, %get3A_28, %get3A_29] : memref<2x10240x128xf32, #tpu.memory_space<vmem>>, vector<1x10000x128xf32>
    %get3A_31 = vector.shape_cast %get3A_30 : vector<1x10000x128xf32> to vector<10000x128xf32>
    %add3A_32 = arith.addf %get3A_26, %get3A_31 : vector<10000x128xf32>
    %mul3A = vector.broadcast %rsqrt3A : vector<10000x1xf32> to vector<10000x128xf32>
    %mul3A_33 = arith.mulf %add3A_32, %mul3A : vector<10000x128xf32>
    %get3A_34 = arith.constant 0 : index
    %get3A_35 = arith.constant 0 : index
    %get3A_36 = vector.load %arg2[%get3A_34, %get3A_35] : memref<1x128xf32, #tpu.memory_space<vmem>>, vector<1x128xf32>
    %add3A_37 = vector.broadcast %get3A_36 : vector<1x128xf32> to vector<10000x128xf32>
    %add3A_38 = arith.addf %mul3A_33, %add3A_37 : vector<10000x128xf32>
    %max3A_39 = arith.constant 0.000000e+00 : f32
    %max3A_40 = vector.broadcast %max3A_39 : f32 to vector<10000x128xf32>
    %max3A_41 = arith.maximumf %add3A_38, %max3A_40 : vector<10000x128xf32>
    %mul3A_42 = vector.broadcast %add3A : vector<10000x1xf32> to vector<10000x128xf32>
    %mul3A_43 = arith.mulf %mul3A_42, %max3A_41 : vector<10000x128xf32>
    %reduce_sum3A = arith.constant dense<0.000000e+00> : vector<128xf32>
    %reduce_sum3A_44 = vector.multi_reduction <add>, %mul3A_43, %reduce_sum3A [0] : vector<10000x128xf32> to vector<128xf32>
    %broadcast_in_dim3A = vector.shape_cast %reduce_sum3A_44 : vector<128xf32> to vector<1x128xf32>
    %mul3A_45 = arith.constant 3.125000e-06 : f32
    %mul3A_46 = vector.broadcast %mul3A_45 : f32 to vector<1x128xf32>
    %mul3A_47 = arith.mulf %broadcast_in_dim3A, %mul3A_46 : vector<1x128xf32>
    %swap3A = arith.constant 0 : index
    %swap3A_48 = arith.constant 0 : index
    %swap3A_49 = vector.load %arg3[%swap3A, %swap3A_48] : memref<1x128xf32, #tpu.memory_space<vmem>>, vector<1x128xf32>
    tpu.vector_store %arg3[%swap3A, %swap3A_48], %mul3A_47 {strides = array<i32>} : memref<1x128xf32, #tpu.memory_space<vmem>>, vector<1x128xf32>,
    %mul3A_50 = vector.broadcast %add3A : vector<10000x1xf32> to vector<10000x128xf32>
    %mul3A_51 = arith.mulf %mul3A_50, %max3A_41 : vector<10000x128xf32>
    %mul3A_52 = arith.mulf %mul3A_51, %max3A_41 : vector<10000x128xf32>
    %reduce_sum3A_53 = arith.constant dense<0.000000e+00> : vector<128xf32>
    %reduce_sum3A_54 = vector.multi_reduction <add>, %mul3A_52, %reduce_sum3A_53 [0] : vector<10000x128xf32> to vector<128xf32>
    %broadcast_in_dim3A_55 = vector.shape_cast %reduce_sum3A_54 : vector<128xf32> to vector<1x128xf32>
    %mul3A_56 = arith.constant 3.125000e-06 : f32
    %mul3A_57 = vector.broadcast %mul3A_56 : f32 to vector<1x128xf32>
    %mul3A_58 = arith.mulf %broadcast_in_dim3A_55, %mul3A_57 : vector<1x128xf32>
    %swap3A_59 = arith.constant 0 : index
    %swap3A_60 = arith.constant 0 : index
    %swap3A_61 = vector.load %arg4[%swap3A_59, %swap3A_60] : memref<1x128xf32, #tpu.memory_space<vmem>>, vector<1x128xf32>
    tpu.vector_store %arg4[%swap3A_59, %swap3A_60], %mul3A_58 {strides = array<i32>} : memref<1x128xf32, #tpu.memory_space<vmem>>, vector<1x128xf32>,
    %mul3A_62 = vector.broadcast %add3A_19 : vector<10000x1xf32> to vector<10000x128xf32>
    %mul3A_63 = arith.mulf %mul3A_62, %max3A_41 : vector<10000x128xf32>
    %reduce_sum3A_64 = arith.constant dense<0.000000e+00> : vector<128xf32>
    %reduce_sum3A_65 = vector.multi_reduction <add>, %mul3A_63, %reduce_sum3A_64 [0] : vector<10000x128xf32> to vector<128xf32>
    %broadcast_in_dim3A_66 = vector.shape_cast %reduce_sum3A_65 : vector<128xf32> to vector<1x128xf32>
    %mul3A_67 = arith.constant 3.125000e-06 : f32
    %mul3A_68 = vector.broadcast %mul3A_67 : f32 to vector<1x128xf32>
    %mul3A_69 = arith.mulf %broadcast_in_dim3A_66, %mul3A_68 : vector<1x128xf32>
    %swap3A_70 = arith.constant 0 : index
    %swap3A_71 = arith.constant 0 : index
    %swap3A_72 = vector.load %arg5[%swap3A_70, %swap3A_71] : memref<1x128xf32, #tpu.memory_space<vmem>>, vector<1x128xf32>
    tpu.vector_store %arg5[%swap3A_70, %swap3A_71], %mul3A_69 {strides = array<i32>} : memref<1x128xf32, #tpu.memory_space<vmem>>, vector<1x128xf32>,
    %mul3A_73 = vector.broadcast %add3A_19 : vector<10000x1xf32> to vector<10000x128xf32>
    %mul3A_74 = arith.mulf %mul3A_73, %max3A_41 : vector<10000x128xf32>
    %mul3A_75 = arith.mulf %mul3A_74, %max3A_41 : vector<10000x128xf32>
    %reduce_sum3A_76 = arith.constant dense<0.000000e+00> : vector<128xf32>
    %reduce_sum3A_77 = vector.multi_reduction <add>, %mul3A_75, %reduce_sum3A_76 [0] : vector<10000x128xf32> to vector<128xf32>
    %broadcast_in_dim3A_78 = vector.shape_cast %reduce_sum3A_77 : vector<128xf32> to vector<1x128xf32>
    %mul3A_79 = arith.constant 3.125000e-06 : f32
    %mul3A_80 = vector.broadcast %mul3A_79 : f32 to vector<1x128xf32>
    %mul3A_81 = arith.mulf %broadcast_in_dim3A_78, %mul3A_80 : vector<1x128xf32>
    %swap3A_82 = arith.constant 0 : index
    %swap3A_83 = arith.constant 0 : index
    %swap3A_84 = vector.load %arg6[%swap3A_82, %swap3A_83] : memref<1x128xf32, #tpu.memory_space<vmem>>, vector<1x128xf32>
    tpu.vector_store %arg6[%swap3A_82, %swap3A_83], %mul3A_81 {strides = array<i32>} : memref<1x128xf32, #tpu.memory_space<vmem>>, vector<1x128xf32>,
    return
  }
}

module attributes {stable_mosaic.version = 14 : i64} {
  func.func @_mm3_body(%arg0: memref<2x10240x128xf32, #tpu.memory_space<vmem>>, %arg1: memref<2x10240x128xf32, #tpu.memory_space<vmem>>, %arg2: memref<1x128xf32, #tpu.memory_space<vmem>>, %arg3: memref<1x128xf32, #tpu.memory_space<vmem>>, %arg4: memref<1x128xf32, #tpu.memory_space<vmem>>, %arg5: memref<1x128xf32, #tpu.memory_space<vmem>>, %arg6: memref<1x128xf32, #tpu.memory_space<vmem>>, %arg7: memref<1x256xf32, #tpu.memory_space<vmem>>, %arg8: memref<1x256xf32, #tpu.memory_space<vmem>>, %arg9: memref<256x64xf32, #tpu.memory_space<vmem>>, %arg10: memref<1x64xf32, #tpu.memory_space<vmem>>, %arg11: memref<10000x128xf32, #tpu.memory_space<vmem>>) attributes {dimension_semantics = [], scalar_prefetch = 0 : i64, scratch_operands = 0 : i64, tpu.core_type = #tpu.core_type<tc>} {
    %get3A = arith.constant 0 : index
    %get3A_0 = arith.constant 0 : index
    %get3A_1 = arith.constant 64 : index
    %get3A_2 = vector.load %arg1[%get3A, %get3A_0, %get3A_1] : memref<2x10240x128xf32, #tpu.memory_space<vmem>>, vector<1x10000x1xf32>
    %get3A_3 = vector.shape_cast %get3A_2 : vector<1x10000x1xf32> to vector<10000x1xf32>
    %get3A_4 = arith.constant 1 : index
    %get3A_5 = arith.constant 0 : index
    %get3A_6 = arith.constant 64 : index
    %get3A_7 = vector.load %arg1[%get3A_4, %get3A_5, %get3A_6] : memref<2x10240x128xf32, #tpu.memory_space<vmem>>, vector<1x10000x1xf32>
    %get3A_8 = vector.shape_cast %get3A_7 : vector<1x10000x1xf32> to vector<10000x1xf32>
    %add3A = arith.addf %get3A_3, %get3A_8 : vector<10000x1xf32>
    %max3A = arith.constant 1.000000e+00 : f32
    %max3A_9 = vector.broadcast %max3A : f32 to vector<10000x1xf32>
    %max3A_10 = arith.maximumf %add3A, %max3A_9 : vector<10000x1xf32>
    %rsqrt3A = math.rsqrt %max3A_10 : vector<10000x1xf32>
    %get3A_11 = arith.constant 0 : index
    %get3A_12 = arith.constant 0 : index
    %get3A_13 = arith.constant 0 : index
    %get3A_14 = vector.load %arg0[%get3A_11, %get3A_12, %get3A_13] : memref<2x10240x128xf32, #tpu.memory_space<vmem>>, vector<1x10000x128xf32>
    %get3A_15 = vector.shape_cast %get3A_14 : vector<1x10000x128xf32> to vector<10000x128xf32>
    %get3A_16 = arith.constant 1 : index
    %get3A_17 = arith.constant 0 : index
    %get3A_18 = arith.constant 0 : index
    %get3A_19 = vector.load %arg0[%get3A_16, %get3A_17, %get3A_18] : memref<2x10240x128xf32, #tpu.memory_space<vmem>>, vector<1x10000x128xf32>
    %get3A_20 = vector.shape_cast %get3A_19 : vector<1x10000x128xf32> to vector<10000x128xf32>
    %add3A_21 = arith.addf %get3A_15, %get3A_20 : vector<10000x128xf32>
    %mul3A = vector.broadcast %rsqrt3A : vector<10000x1xf32> to vector<10000x128xf32>
    %mul3A_22 = arith.mulf %add3A_21, %mul3A : vector<10000x128xf32>
    %get3A_23 = arith.constant 0 : index
    %get3A_24 = arith.constant 0 : index
    %get3A_25 = vector.load %arg2[%get3A_23, %get3A_24] : memref<1x128xf32, #tpu.memory_space<vmem>>, vector<1x128xf32>
    %add3A_26 = vector.broadcast %get3A_25 : vector<1x128xf32> to vector<10000x128xf32>
    %add3A_27 = arith.addf %mul3A_22, %add3A_26 : vector<10000x128xf32>
    %max3A_28 = arith.constant 0.000000e+00 : f32
    %max3A_29 = vector.broadcast %max3A_28 : f32 to vector<10000x128xf32>
    %max3A_30 = arith.maximumf %add3A_27, %max3A_29 : vector<10000x128xf32>
    %get3A_31 = arith.constant 0 : index
    %get3A_32 = arith.constant 0 : index
    %get3A_33 = vector.load %arg3[%get3A_31, %get3A_32] : memref<1x128xf32, #tpu.memory_space<vmem>>, vector<1x128xf32>
    %get3A_34 = arith.constant 0 : index
    %get3A_35 = arith.constant 0 : index
    %get3A_36 = vector.load %arg5[%get3A_34, %get3A_35] : memref<1x128xf32, #tpu.memory_space<vmem>>, vector<1x128xf32>
    %get3A_37 = arith.constant 0 : index
    %get3A_38 = arith.constant 0 : index
    %get3A_39 = vector.load %arg4[%get3A_37, %get3A_38] : memref<1x128xf32, #tpu.memory_space<vmem>>, vector<1x128xf32>
    %mul3A_40 = arith.mulf %get3A_33, %get3A_33 : vector<1x128xf32>
    %sub3A = arith.subf %get3A_39, %mul3A_40 : vector<1x128xf32>
    %max3A_41 = arith.constant 0.000000e+00 : f32
    %max3A_42 = vector.broadcast %max3A_41 : f32 to vector<1x128xf32>
    %max3A_43 = arith.maximumf %sub3A, %max3A_42 : vector<1x128xf32>
    %get3A_44 = arith.constant 0 : index
    %get3A_45 = arith.constant 0 : index
    %get3A_46 = vector.load %arg6[%get3A_44, %get3A_45] : memref<1x128xf32, #tpu.memory_space<vmem>>, vector<1x128xf32>
    %mul3A_47 = arith.mulf %get3A_36, %get3A_36 : vector<1x128xf32>
    %sub3A_48 = arith.subf %get3A_46, %mul3A_47 : vector<1x128xf32>
    %max3A_49 = arith.constant 0.000000e+00 : f32
    %max3A_50 = vector.broadcast %max3A_49 : f32 to vector<1x128xf32>
    %max3A_51 = arith.maximumf %sub3A_48, %max3A_50 : vector<1x128xf32>
    %get3A_52 = arith.constant 0 : index
    %get3A_53 = arith.constant 0 : index
    %get3A_54 = vector.load %arg7[%get3A_52, %get3A_53] : memref<1x256xf32, #tpu.memory_space<vmem>>, vector<1x256xf32>
    %get3A_55 = arith.constant 0 : index
    %get3A_56 = arith.constant 0 : index
    %get3A_57 = vector.load %arg8[%get3A_55, %get3A_56] : memref<1x256xf32, #tpu.memory_space<vmem>>, vector<1x256xf32>
    %get3A_58 = arith.constant 0 : index
    %get3A_59 = arith.constant 0 : index
    %get3A_60 = vector.load %arg9[%get3A_58, %get3A_59] : memref<256x64xf32, #tpu.memory_space<vmem>>, vector<256x64xf32>
    %slice3A = vector.extract_strided_slice %get3A_54 {offsets = [0, 0], sizes = [1, 128], strides = [1, 1]} : vector<1x256xf32> to vector<1x128xf32>
    %add3A_61 = arith.constant 9.99999974E-6 : f32
    %add3A_62 = vector.broadcast %add3A_61 : f32 to vector<1x128xf32>
    %add3A_63 = arith.addf %max3A_43, %add3A_62 : vector<1x128xf32>
    %rsqrt3A_64 = math.rsqrt %add3A_63 : vector<1x128xf32>
    %mul3A_65 = arith.mulf %slice3A, %rsqrt3A_64 : vector<1x128xf32>
    %slice3A_66 = vector.extract_strided_slice %get3A_54 {offsets = [0, 128], sizes = [1, 128], strides = [1, 1]} : vector<1x256xf32> to vector<1x128xf32>
    %add3A_67 = arith.constant 9.99999974E-6 : f32
    %add3A_68 = vector.broadcast %add3A_67 : f32 to vector<1x128xf32>
    %add3A_69 = arith.addf %max3A_51, %add3A_68 : vector<1x128xf32>
    %rsqrt3A_70 = math.rsqrt %add3A_69 : vector<1x128xf32>
    %mul3A_71 = arith.mulf %slice3A_66, %rsqrt3A_70 : vector<1x128xf32>
    %slice3A_72 = vector.extract_strided_slice %get3A_57 {offsets = [0, 0], sizes = [1, 128], strides = [1, 1]} : vector<1x256xf32> to vector<1x128xf32>
    %mul3A_73 = arith.mulf %get3A_33, %mul3A_65 : vector<1x128xf32>
    %sub3A_74 = arith.subf %slice3A_72, %mul3A_73 : vector<1x128xf32>
    %slice3A_75 = vector.extract_strided_slice %get3A_60 {offsets = [0, 0], sizes = [128, 64], strides = [1, 1]} : vector<256x64xf32> to vector<128x64xf32>
    %dot_general3A = arith.constant dense<0.000000e+00> : vector<1x64xf32>
    %dot_general3A_76 = tpu.matmul %sub3A_74, %slice3A_75, %dot_general3A {dimension_numbers = #tpu.dot_dimension_numbers<[1], [0], [0], [1], [0, 0, 1, 1], [], []>, precision = #tpu.contract_precision<fp32>, transpose_lhs_hint = false} : vector<1x128xf32>, vector<128x64xf32>, vector<1x64xf32> -> vector<1x64xf32>
    %slice3A_77 = vector.extract_strided_slice %get3A_57 {offsets = [0, 128], sizes = [1, 128], strides = [1, 1]} : vector<1x256xf32> to vector<1x128xf32>
    %mul3A_78 = arith.mulf %get3A_36, %mul3A_71 : vector<1x128xf32>
    %sub3A_79 = arith.subf %slice3A_77, %mul3A_78 : vector<1x128xf32>
    %slice3A_80 = vector.extract_strided_slice %get3A_60 {offsets = [128, 0], sizes = [128, 64], strides = [1, 1]} : vector<256x64xf32> to vector<128x64xf32>
    %dot_general3A_81 = arith.constant dense<0.000000e+00> : vector<1x64xf32>
    %dot_general3A_82 = tpu.matmul %sub3A_79, %slice3A_80, %dot_general3A_81 {dimension_numbers = #tpu.dot_dimension_numbers<[1], [0], [0], [1], [0, 0, 1, 1], [], []>, precision = #tpu.contract_precision<fp32>, transpose_lhs_hint = false} : vector<1x128xf32>, vector<128x64xf32>, vector<1x64xf32> -> vector<1x64xf32>
    %add3A_83 = arith.addf %dot_general3A_76, %dot_general3A_82 : vector<1x64xf32>
    %get3A_84 = arith.constant 0 : index
    %get3A_85 = arith.constant 0 : index
    %get3A_86 = vector.load %arg10[%get3A_84, %get3A_85] : memref<1x64xf32, #tpu.memory_space<vmem>>, vector<1x64xf32>
    %add3A_87 = arith.addf %add3A_83, %get3A_86 : vector<1x64xf32>
    %mul3A_88 = vector.broadcast %mul3A_65 : vector<1x128xf32> to vector<10000x128xf32>
    %mul3A_89 = arith.mulf %max3A_30, %mul3A_88 : vector<10000x128xf32>
    %slice3A_90 = vector.extract_strided_slice %get3A_60 {offsets = [0, 0], sizes = [128, 64], strides = [1, 1]} : vector<256x64xf32> to vector<128x64xf32>
    %dot_general3A_91 = arith.constant dense<0.000000e+00> : vector<10000x64xf32>
    %dot_general3A_92 = tpu.matmul %mul3A_89, %slice3A_90, %dot_general3A_91 {dimension_numbers = #tpu.dot_dimension_numbers<[1], [0], [0], [1], [0, 0, 1, 1], [], []>, precision = #tpu.contract_precision<fp32>, transpose_lhs_hint = false} : vector<10000x128xf32>, vector<128x64xf32>, vector<10000x64xf32> -> vector<10000x64xf32>
    %mul3A_93 = vector.broadcast %mul3A_71 : vector<1x128xf32> to vector<10000x128xf32>
    %mul3A_94 = arith.mulf %max3A_30, %mul3A_93 : vector<10000x128xf32>
    %slice3A_95 = vector.extract_strided_slice %get3A_60 {offsets = [128, 0], sizes = [128, 64], strides = [1, 1]} : vector<256x64xf32> to vector<128x64xf32>
    %dot_general3A_96 = arith.constant dense<0.000000e+00> : vector<10000x64xf32>
    %dot_general3A_97 = tpu.matmul %mul3A_94, %slice3A_95, %dot_general3A_96 {dimension_numbers = #tpu.dot_dimension_numbers<[1], [0], [0], [1], [0, 0, 1, 1], [], []>, precision = #tpu.contract_precision<fp32>, transpose_lhs_hint = false} : vector<10000x128xf32>, vector<128x64xf32>, vector<10000x64xf32> -> vector<10000x64xf32>
    %add3A_98 = vector.broadcast %add3A_87 : vector<1x64xf32> to vector<10000x64xf32>
    %add3A_99 = arith.addf %dot_general3A_97, %add3A_98 : vector<10000x64xf32>
    %concatenate3A = tpu.concatenate %dot_general3A_92, %add3A_99 in 1 : vector<10000x64xf32>, vector<10000x64xf32> -> vector<10000x128xf32>
    %swap3A = arith.constant 0 : index
    %swap3A_100 = arith.constant 0 : index
    %swap3A_101 = vector.load %arg11[%swap3A, %swap3A_100] : memref<10000x128xf32, #tpu.memory_space<vmem>>, vector<10000x128xf32>
    tpu.vector_store %arg11[%swap3A, %swap3A_100], %concatenate3A {strides = array<i32>} : memref<10000x128xf32, #tpu.memory_space<vmem>>, vector<10000x128xf32>,
    return
  }
}

module attributes {stable_mosaic.version = 14 : i64} {
  func.func @_final_body(%arg0: i32, %arg1: i32, %arg2: memref<4000x512xf32, #tpu.memory_space<vmem>>, %arg3: memref<1x64xf32, #tpu.memory_space<vmem>>, %arg4: memref<1x64xf32, #tpu.memory_space<vmem>>, %arg5: memref<64x1xf32, #tpu.memory_space<vmem>>, %arg6: memref<1x1xf32, #tpu.memory_space<vmem>>, %arg7: memref<4000x8xf32, #tpu.memory_space<vmem>>, %arg8: memref<2x512xf32, #tpu.memory_space<vmem>>) attributes {dimension_semantics = [#tpu.dimension_semantics<arbitrary>, #tpu.dimension_semantics<arbitrary>], iteration_bounds = array<i64: 2, 10>, scalar_prefetch = 0 : i64, scratch_operands = 1 : i64, tpu.core_type = #tpu.core_type<tc>, window_params = [{transform_indices = @transform_0, window_bounds = array<i64: 4000, 512>}, {pipeline_mode = #tpu.pipeline_mode<synchronous>, transform_indices = @transform_1, window_bounds = array<i64: 1, 64>}, {pipeline_mode = #tpu.pipeline_mode<synchronous>, transform_indices = @transform_2, window_bounds = array<i64: 1, 64>}, {pipeline_mode = #tpu.pipeline_mode<synchronous>, transform_indices = @transform_3, window_bounds = array<i64: 64, 1>}, {pipeline_mode = #tpu.pipeline_mode<synchronous>, transform_indices = @transform_4, window_bounds = array<i64: 1, 1>}, {transform_indices = @transform_5, window_bounds = array<i64: 4000, 8>}]} {
    %eq3A = arith.constant 0 : i32
    %eq3A_0 = arith.cmpi eq, %arg0, %eq3A : i32
    %eq3A_1 = arith.constant 0 : i32
    %eq3A_2 = arith.cmpi eq, %arg1, %eq3A_1 : i32
    %and3A = arith.andi %eq3A_0, %eq3A_2 : i1
    %convert_element_type3A = arith.extui %and3A : i1 to i32
    %cond3A = arith.constant 0 : i32
    %cond3A_3 = arith.cmpi ne, %convert_element_type3A, %cond3A : i32
    scf.if %cond3A_3 {
      %broadcast_in_dim3A = arith.constant 0.000000e+00 : f32
      %broadcast_in_dim3A_14 = vector.broadcast %broadcast_in_dim3A : f32 to vector<2x512xf32>
      %swap3A = arith.constant 0 : index
      %swap3A_15 = arith.constant 0 : index
      %swap3A_16 = vector.load %arg8[%swap3A, %swap3A_15] : memref<2x512xf32, #tpu.memory_space<vmem>>, vector<2x512xf32>
      tpu.vector_store %arg8[%swap3A, %swap3A_15], %broadcast_in_dim3A_14 {strides = array<i32>} : memref<2x512xf32, #tpu.memory_space<vmem>>, vector<2x512xf32>,
    } else {
    }
    %eq3A_4 = arith.constant 0 : i32
    %eq3A_5 = arith.cmpi eq, %arg0, %eq3A_4 : i32
    %convert_element_type3A_6 = arith.extui %eq3A_5 : i1 to i32
    %cond3A_7 = arith.constant 0 : i32
    %cond3A_8 = arith.cmpi ne, %convert_element_type3A_6, %cond3A_7 : i32
    scf.if %cond3A_8 {
      %get3A = arith.constant 0 : index
      %get3A_14 = arith.constant 0 : index
      %get3A_15 = vector.load %arg2[%get3A, %get3A_14] : memref<4000x512xf32, #tpu.memory_space<vmem>>, vector<4000x512xf32>
      %get3A_16 = arith.constant 0 : index
      %get3A_17 = arith.constant 0 : index
      %get3A_18 = vector.load %arg8[%get3A_16, %get3A_17] : memref<2x512xf32, #tpu.memory_space<vmem>>, vector<1x512xf32>
      %reduce_sum3A = arith.constant dense<0.000000e+00> : vector<512xf32>
      %reduce_sum3A_19 = vector.multi_reduction <add>, %get3A_15, %reduce_sum3A [0] : vector<4000x512xf32> to vector<512xf32>
      %broadcast_in_dim3A = vector.shape_cast %reduce_sum3A_19 : vector<512xf32> to vector<1x512xf32>
      %add3A = arith.addf %get3A_18, %broadcast_in_dim3A : vector<1x512xf32>
      %swap3A = arith.constant 0 : index
      %swap3A_20 = arith.constant 0 : index
      %swap3A_21 = vector.load %arg8[%swap3A, %swap3A_20] : memref<2x512xf32, #tpu.memory_space<vmem>>, vector<1x512xf32>
      tpu.vector_store %arg8[%swap3A, %swap3A_20], %add3A {strides = array<i32>} : memref<2x512xf32, #tpu.memory_space<vmem>>, vector<1x512xf32>,
      %get3A_22 = arith.constant 1 : index
      %get3A_23 = arith.constant 0 : index
      %get3A_24 = vector.load %arg8[%get3A_22, %get3A_23] : memref<2x512xf32, #tpu.memory_space<vmem>>, vector<1x512xf32>
      %mul3A = arith.mulf %get3A_15, %get3A_15 : vector<4000x512xf32>
      %reduce_sum3A_25 = arith.constant dense<0.000000e+00> : vector<512xf32>
      %reduce_sum3A_26 = vector.multi_reduction <add>, %mul3A, %reduce_sum3A_25 [0] : vector<4000x512xf32> to vector<512xf32>
      %broadcast_in_dim3A_27 = vector.shape_cast %reduce_sum3A_26 : vector<512xf32> to vector<1x512xf32>
      %add3A_28 = arith.addf %get3A_24, %broadcast_in_dim3A_27 : vector<1x512xf32>
      %swap3A_29 = arith.constant 1 : index
      %swap3A_30 = arith.constant 0 : index
      %swap3A_31 = vector.load %arg8[%swap3A_29, %swap3A_30] : memref<2x512xf32, #tpu.memory_space<vmem>>, vector<1x512xf32>
      tpu.vector_store %arg8[%swap3A_29, %swap3A_30], %add3A_28 {strides = array<i32>} : memref<2x512xf32, #tpu.memory_space<vmem>>, vector<1x512xf32>,
      %broadcast_in_dim3A_32 = arith.constant 0.000000e+00 : f32
      %broadcast_in_dim3A_33 = vector.broadcast %broadcast_in_dim3A_32 : f32 to vector<4000x8xf32>
      %swap3A_34 = arith.constant 0 : index
      %swap3A_35 = arith.constant 0 : index
      %swap3A_36 = vector.load %arg7[%swap3A_34, %swap3A_35] : memref<4000x8xf32, #tpu.memory_space<vmem>>, vector<4000x8xf32>
      tpu.vector_store %arg7[%swap3A_34, %swap3A_35], %broadcast_in_dim3A_33 {strides = array<i32>} : memref<4000x8xf32, #tpu.memory_space<vmem>>, vector<4000x8xf32>,
    } else {
    }
    %eq3A_9 = arith.constant 1 : i32
    %eq3A_10 = arith.cmpi eq, %arg0, %eq3A_9 : i32
    %convert_element_type3A_11 = arith.extui %eq3A_10 : i1 to i32
    %cond3A_12 = arith.constant 0 : i32
    %cond3A_13 = arith.cmpi ne, %convert_element_type3A_11, %cond3A_12 : i32
    scf.if %cond3A_13 {
      %get3A = arith.constant 0 : index
      %get3A_14 = arith.constant 0 : index
      %get3A_15 = vector.load %arg8[%get3A, %get3A_14] : memref<2x512xf32, #tpu.memory_space<vmem>>, vector<1x512xf32>
      %get3A_16 = arith.constant 1 : index
      %get3A_17 = arith.constant 0 : index
      %get3A_18 = vector.load %arg8[%get3A_16, %get3A_17] : memref<2x512xf32, #tpu.memory_space<vmem>>, vector<1x512xf32>
      %slice3A = vector.extract_strided_slice %get3A_15 {offsets = [0, 0], sizes = [1, 64], strides = [1, 1]} : vector<1x512xf32> to vector<1x64xf32>
      %add3A = arith.constant 0.000000e+00 : f32
      %add3A_19 = vector.broadcast %add3A : f32 to vector<1x64xf32>
      %add3A_20 = arith.addf %add3A_19, %slice3A : vector<1x64xf32>
      %slice3A_21 = vector.extract_strided_slice %get3A_15 {offsets = [0, 64], sizes = [1, 64], strides = [1, 1]} : vector<1x512xf32> to vector<1x64xf32>
      %add3A_22 = arith.addf %add3A_20, %slice3A_21 : vector<1x64xf32>
      %slice3A_23 = vector.extract_strided_slice %get3A_15 {offsets = [0, 128], sizes = [1, 64], strides = [1, 1]} : vector<1x512xf32> to vector<1x64xf32>
      %add3A_24 = arith.addf %add3A_22, %slice3A_23 : vector<1x64xf32>
      %slice3A_25 = vector.extract_strided_slice %get3A_15 {offsets = [0, 192], sizes = [1, 64], strides = [1, 1]} : vector<1x512xf32> to vector<1x64xf32>
      %add3A_26 = arith.addf %add3A_24, %slice3A_25 : vector<1x64xf32>
      %slice3A_27 = vector.extract_strided_slice %get3A_15 {offsets = [0, 256], sizes = [1, 64], strides = [1, 1]} : vector<1x512xf32> to vector<1x64xf32>
      %add3A_28 = arith.addf %add3A_26, %slice3A_27 : vector<1x64xf32>
      %slice3A_29 = vector.extract_strided_slice %get3A_15 {offsets = [0, 320], sizes = [1, 64], strides = [1, 1]} : vector<1x512xf32> to vector<1x64xf32>
      %add3A_30 = arith.addf %add3A_28, %slice3A_29 : vector<1x64xf32>
      %slice3A_31 = vector.extract_strided_slice %get3A_15 {offsets = [0, 384], sizes = [1, 64], strides = [1, 1]} : vector<1x512xf32> to vector<1x64xf32>
      %add3A_32 = arith.addf %add3A_30, %slice3A_31 : vector<1x64xf32>
      %slice3A_33 = vector.extract_strided_slice %get3A_15 {offsets = [0, 448], sizes = [1, 64], strides = [1, 1]} : vector<1x512xf32> to vector<1x64xf32>
      %add3A_34 = arith.addf %add3A_32, %slice3A_33 : vector<1x64xf32>
      %slice3A_35 = vector.extract_strided_slice %get3A_18 {offsets = [0, 0], sizes = [1, 64], strides = [1, 1]} : vector<1x512xf32> to vector<1x64xf32>
      %add3A_36 = arith.constant 0.000000e+00 : f32
      %add3A_37 = vector.broadcast %add3A_36 : f32 to vector<1x64xf32>
      %add3A_38 = arith.addf %add3A_37, %slice3A_35 : vector<1x64xf32>
      %slice3A_39 = vector.extract_strided_slice %get3A_18 {offsets = [0, 64], sizes = [1, 64], strides = [1, 1]} : vector<1x512xf32> to vector<1x64xf32>
      %add3A_40 = arith.addf %add3A_38, %slice3A_39 : vector<1x64xf32>
      %slice3A_41 = vector.extract_strided_slice %get3A_18 {offsets = [0, 128], sizes = [1, 64], strides = [1, 1]} : vector<1x512xf32> to vector<1x64xf32>
      %add3A_42 = arith.addf %add3A_40, %slice3A_41 : vector<1x64xf32>
      %slice3A_43 = vector.extract_strided_slice %get3A_18 {offsets = [0, 192], sizes = [1, 64], strides = [1, 1]} : vector<1x512xf32> to vector<1x64xf32>
      %add3A_44 = arith.addf %add3A_42, %slice3A_43 : vector<1x64xf32>
      %slice3A_45 = vector.extract_strided_slice %get3A_18 {offsets = [0, 256], sizes = [1, 64], strides = [1, 1]} : vector<1x512xf32> to vector<1x64xf32>
      %add3A_46 = arith.addf %add3A_44, %slice3A_45 : vector<1x64xf32>
      %slice3A_47 = vector.extract_strided_slice %get3A_18 {offsets = [0, 320], sizes = [1, 64], strides = [1, 1]} : vector<1x512xf32> to vector<1x64xf32>
      %add3A_48 = arith.addf %add3A_46, %slice3A_47 : vector<1x64xf32>
      %slice3A_49 = vector.extract_strided_slice %get3A_18 {offsets = [0, 384], sizes = [1, 64], strides = [1, 1]} : vector<1x512xf32> to vector<1x64xf32>
      %add3A_50 = arith.addf %add3A_48, %slice3A_49 : vector<1x64xf32>
      %slice3A_51 = vector.extract_strided_slice %get3A_18 {offsets = [0, 448], sizes = [1, 64], strides = [1, 1]} : vector<1x512xf32> to vector<1x64xf32>
      %add3A_52 = arith.addf %add3A_50, %slice3A_51 : vector<1x64xf32>
      %mul3A = arith.constant 3.125000e-06 : f32
      %mul3A_53 = vector.broadcast %mul3A : f32 to vector<1x64xf32>
      %mul3A_54 = arith.mulf %add3A_34, %mul3A_53 : vector<1x64xf32>
      %mul3A_55 = arith.constant 3.125000e-06 : f32
      %mul3A_56 = vector.broadcast %mul3A_55 : f32 to vector<1x64xf32>
      %mul3A_57 = arith.mulf %add3A_52, %mul3A_56 : vector<1x64xf32>
      %mul3A_58 = arith.mulf %mul3A_54, %mul3A_54 : vector<1x64xf32>
      %sub3A = arith.subf %mul3A_57, %mul3A_58 : vector<1x64xf32>
      %max3A = arith.constant 0.000000e+00 : f32
      %max3A_59 = vector.broadcast %max3A : f32 to vector<1x64xf32>
      %max3A_60 = arith.maximumf %sub3A, %max3A_59 : vector<1x64xf32>
      %get3A_61 = arith.constant 0 : index
      %get3A_62 = arith.constant 0 : index
      %get3A_63 = vector.load %arg3[%get3A_61, %get3A_62] : memref<1x64xf32, #tpu.memory_space<vmem>>, vector<1x64xf32>
      %add3A_64 = arith.constant 9.99999974E-6 : f32
      %add3A_65 = vector.broadcast %add3A_64 : f32 to vector<1x64xf32>
      %add3A_66 = arith.addf %max3A_60, %add3A_65 : vector<1x64xf32>
      %rsqrt3A = math.rsqrt %add3A_66 : vector<1x64xf32>
      %mul3A_67 = arith.mulf %get3A_63, %rsqrt3A : vector<1x64xf32>
      %get3A_68 = arith.constant 0 : index
      %get3A_69 = arith.constant 0 : index
      %get3A_70 = vector.load %arg4[%get3A_68, %get3A_69] : memref<1x64xf32, #tpu.memory_space<vmem>>, vector<1x64xf32>
      %mul3A_71 = arith.mulf %mul3A_54, %mul3A_67 : vector<1x64xf32>
      %sub3A_72 = arith.subf %get3A_70, %mul3A_71 : vector<1x64xf32>
      %concatenate3A = tpu.concatenate %mul3A_67, %mul3A_67, %mul3A_67, %mul3A_67, %mul3A_67, %mul3A_67, %mul3A_67, %mul3A_67 in 1 : vector<1x64xf32>, vector<1x64xf32>, vector<1x64xf32>, vector<1x64xf32>, vector<1x64xf32>, vector<1x64xf32>, vector<1x64xf32>, vector<1x64xf32> -> vector<1x512xf32>
      %concatenate3A_73 = tpu.concatenate %sub3A_72, %sub3A_72, %sub3A_72, %sub3A_72, %sub3A_72, %sub3A_72, %sub3A_72, %sub3A_72 in 1 : vector<1x64xf32>, vector<1x64xf32>, vector<1x64xf32>, vector<1x64xf32>, vector<1x64xf32>, vector<1x64xf32>, vector<1x64xf32>, vector<1x64xf32> -> vector<1x512xf32>
      %get3A_74 = arith.constant 0 : index
      %get3A_75 = arith.constant 0 : index
      %get3A_76 = vector.load %arg5[%get3A_74, %get3A_75] : memref<64x1xf32, #tpu.memory_space<vmem>>, vector<64x1xf32>
      %concatenate3A_77 = tpu.concatenate %get3A_76, %get3A_76, %get3A_76, %get3A_76, %get3A_76, %get3A_76, %get3A_76, %get3A_76 in 0 : vector<64x1xf32>, vector<64x1xf32>, vector<64x1xf32>, vector<64x1xf32>, vector<64x1xf32>, vector<64x1xf32>, vector<64x1xf32>, vector<64x1xf32> -> vector<512x1xf32>
      %iota3A = tpu.iota {dimensions = array<i32: 0>} : vector<512x8xi32>
      %jit3A = arith.constant 64 : i64
      %convert_element_type3A_78 = arith.trunci %jit3A : i64 to i32
      %div3A = vector.broadcast %convert_element_type3A_78 : i32 to vector<512x8xi32>
      %div3A_79 = arith.divsi %iota3A, %div3A : vector<512x8xi32>
      %sign3A = arith.constant 0 : i32
      %sign3A_80 = vector.broadcast %sign3A : i32 to vector<512x8xi32>
      %sign3A_81 = arith.cmpi sgt, %iota3A, %sign3A_80 : vector<512x8xi32>
      %sign3A_82 = arith.extui %sign3A_81 : vector<512x8xi1> to vector<512x8xi32>
      %sign3A_83 = arith.constant 0 : i32
      %sign3A_84 = vector.broadcast %sign3A_83 : i32 to vector<512x8xi32>
      %sign3A_85 = arith.cmpi slt, %iota3A, %sign3A_84 : vector<512x8xi32>
      %sign3A_86 = arith.extui %sign3A_85 : vector<512x8xi1> to vector<512x8xi32>
      %sign3A_87 = arith.subi %sign3A_82, %sign3A_86 : vector<512x8xi32>
      %sign3A_88 = arith.constant 0 : i32
      %sign3A_89 = arith.cmpi sgt, %convert_element_type3A_78, %sign3A_88 : i32
      %sign3A_90 = arith.extui %sign3A_89 : i1 to i32
      %sign3A_91 = arith.constant 0 : i32
      %sign3A_92 = arith.cmpi slt, %convert_element_type3A_78, %sign3A_91 : i32
      %sign3A_93 = arith.extui %sign3A_92 : i1 to i32
      %sign3A_94 = arith.subi %sign3A_90, %sign3A_93 : i32
      %ne3A = vector.broadcast %sign3A_94 : i32 to vector<512x8xi32>
      %ne3A_95 = arith.cmpi ne, %sign3A_87, %ne3A : vector<512x8xi32>
      %rem3A = vector.broadcast %convert_element_type3A_78 : i32 to vector<512x8xi32>
      %rem3A_96 = arith.remsi %iota3A, %rem3A : vector<512x8xi32>
      %ne3A_97 = arith.constant 0 : i32
      %ne3A_98 = vector.broadcast %ne3A_97 : i32 to vector<512x8xi32>
      %ne3A_99 = arith.cmpi ne, %rem3A_96, %ne3A_98 : vector<512x8xi32>
      %and3A_100 = arith.andi %ne3A_95, %ne3A_99 : vector<512x8xi1>
      %sub3A_101 = arith.constant 1 : i32
      %sub3A_102 = vector.broadcast %sub3A_101 : i32 to vector<512x8xi32>
      %sub3A_103 = arith.subi %div3A_79, %sub3A_102 : vector<512x8xi32>
      %select_n3A = arith.select %and3A_100, %sub3A_103, %div3A_79 : vector<512x8xi1>, vector<512x8xi32>
      %iota3A_104 = tpu.iota {dimensions = array<i32: 1>} : vector<512x8xi32>
      %eq3A_105 = arith.cmpi eq, %select_n3A, %iota3A_104 : vector<512x8xi32>
      %jit3A_106 = arith.constant 0.000000e+00 : f64
      %convert_element_type3A_107 = arith.truncf %jit3A_106 : f64 to f32
      %broadcast_in_dim3A = vector.shape_cast %concatenate3A_77 : vector<512x1xf32> to vector<512x1xf32>
      %broadcast_in_dim3A_108 = vector.broadcast %broadcast_in_dim3A : vector<512x1xf32> to vector<512x8xf32>
      %broadcast_in_dim3A_109 = vector.broadcast %convert_element_type3A_107 : f32 to vector<512x8xf32>
      %select_n3A_110 = arith.select %eq3A_105, %broadcast_in_dim3A_108, %broadcast_in_dim3A_109 : vector<512x8xi1>, vector<512x8xf32>
      %get3A_111 = arith.constant 0 : index
      %get3A_112 = arith.constant 0 : index
      %get3A_113 = vector.load %arg2[%get3A_111, %get3A_112] : memref<4000x512xf32, #tpu.memory_space<vmem>>, vector<4000x512xf32>
      %mul3A_114 = vector.broadcast %concatenate3A : vector<1x512xf32> to vector<4000x512xf32>
      %mul3A_115 = arith.mulf %get3A_113, %mul3A_114 : vector<4000x512xf32>
      %add3A_116 = vector.broadcast %concatenate3A_73 : vector<1x512xf32> to vector<4000x512xf32>
      %add3A_117 = arith.addf %mul3A_115, %add3A_116 : vector<4000x512xf32>
      %dot_general3A = arith.constant dense<0.000000e+00> : vector<4000x8xf32>
      %dot_general3A_118 = tpu.matmul %add3A_117, %select_n3A_110, %dot_general3A {dimension_numbers = #tpu.dot_dimension_numbers<[1], [0], [0], [1], [0, 0, 1, 1], [], []>, precision = #tpu.contract_precision<fp32>, transpose_lhs_hint = false} : vector<4000x512xf32>, vector<512x8xf32>, vector<4000x8xf32> -> vector<4000x8xf32>
      %get3A_119 = arith.constant 0 : index
      %get3A_120 = arith.constant 0 : index
      %get3A_121 = vector.load %arg6[%get3A_119, %get3A_120] : memref<1x1xf32, #tpu.memory_space<vmem>>, vector<1x1xf32>
      %add3A_122 = vector.broadcast %get3A_121 : vector<1x1xf32> to vector<4000x8xf32>
      %add3A_123 = arith.addf %dot_general3A_118, %add3A_122 : vector<4000x8xf32>
      %swap3A = arith.constant 0 : index
      %swap3A_124 = arith.constant 0 : index
      %swap3A_125 = vector.load %arg7[%swap3A, %swap3A_124] : memref<4000x8xf32, #tpu.memory_space<vmem>>, vector<4000x8xf32>
      tpu.vector_store %arg7[%swap3A, %swap3A_124], %add3A_123 {strides = array<i32>} : memref<4000x8xf32, #tpu.memory_space<vmem>>, vector<4000x8xf32>,
    } else {
    }
    return
  }
  func.func @transform_0(%arg0: i32, %arg1: i32) -> (i32, i32) {
    %c0_i32 = arith.constant 0 : i32
    %c0_i32_0 = arith.constant 0 : i32
    return %arg1, %c0_i32 : i32, i32
  }
  func.func @transform_1(%arg0: i32, %arg1: i32) -> (i32, i32) {
    %c0_i32 = arith.constant 0 : i32
    %c0_i32_0 = arith.constant 0 : i32
    %c0_i32_1 = arith.constant 0 : i32
    return %c0_i32, %c0_i32_0 : i32, i32
  }
  func.func @transform_2(%arg0: i32, %arg1: i32) -> (i32, i32) {
    %c0_i32 = arith.constant 0 : i32
    %c0_i32_0 = arith.constant 0 : i32
    %c0_i32_1 = arith.constant 0 : i32
    return %c0_i32, %c0_i32_0 : i32, i32
  }
  func.func @transform_3(%arg0: i32, %arg1: i32) -> (i32, i32) {
    %c0_i32 = arith.constant 0 : i32
    %c0_i32_0 = arith.constant 0 : i32
    %c0_i32_1 = arith.constant 0 : i32
    return %c0_i32, %c0_i32_0 : i32, i32
  }
  func.func @transform_4(%arg0: i32, %arg1: i32) -> (i32, i32) {
    %c0_i32 = arith.constant 0 : i32
    %c0_i32_0 = arith.constant 0 : i32
    %c0_i32_1 = arith.constant 0 : i32
    return %c0_i32, %c0_i32_0 : i32, i32
  }
  func.func @transform_5(%arg0: i32, %arg1: i32) -> (i32, i32) {
    %c0_i32 = arith.constant 0 : i32
    %c0_i32_0 = arith.constant 0 : i32
    return %arg1, %c0_i32 : i32, i32
  }
}

</mosaic_0001>

<sc_bundles>
// kernel: kernel.11.cloned.1.call-start
scs
__scs_entry_jumppad:
0x0: {  	(pc) =	sbr.rel $0x88, $3  }
0x1: {  	(tag) =	ssettag $0x0;
	lr =	simm.s32 $0x1  }
0x2: {  	[smem:$0x3F8F] =	sst lr;
	_ =	strace $0xD0000000  }
0x3: {  	_ = 	snop  }
0x4: {  	_ = 	snop  }
0x5: {  	_ = 	snop  }
0x6: {  	_ = 	snop  }
0x7: {  	_ = 	snop  }
__scs_overlays_trampoline_lowered:
0x8: {  	[smem:$0x3F9E] =	sst s0  }
0x9: {  	[smem:$0x3F9F] =	sst s1  }
0xa: {  	[smem:$0x3FA0] =	sst s2  }
0xb: {  	[smem:$0x3FA1] =	sst s3  }
0xc: {  	[smem:$0x3FA2] =	sst s4  }
0xd: {  	[smem:$0x3FA3] =	sst s5  }
0xe: {  	[smem:$0x3FA4] =	sst s6  }
0xf: {  	[smem:$0x3FA5] =	sst s7  }
0x10: {  	[smem:$0x3FA6] =	sst s8  }
0x11: {  	[smem:$0x3FA7] =	sst s9;
	s0 =	simm.s32 @!p0 $0x0  }
0x12: {  	s1 =	sld [smem:$0x3F8D];
	s0 =	simm.s32 @p0 $0x1  }
0x13: {  	[smem:$0x3FA8] =	sst s0;
	s0 =	simm.s32 @!p1 $0x0  }
0x14: {  	s2 =	sld [smem:$0x3F8C];
	s0 =	simm.s32 @p1 $0x1  }
0x15: {  	[smem:$0x3FA9] =	sst s0;
	s0 =	simm.s32 @!p2 $0x0  }
0x16: {  	s3 =	sld [smem:$0x3FDB];
	s0 =	simm.s32 @p2 $0x1  }
0x17: {  	s4 =	simm.s32 $0x1BF5;
	[smem:$0x3FAB] =	sst s0  }
0x18: {  	s0 =	sld [smem:$0x3F8E];
	_ =	swait.ge [sflag:s4], $0x0  }
0x19: {  	s7 =	sld [smem:$0x3F8F]  }
0x1a: {  	s8 =	sadd.s32 $0xFFFFE003, lr  }
0x1b: {  	s9 =	sadd.s32 $0xFFFFFEF7, lr;
	s5 =	simm.s32 $0xFFFFFFFF;
	p2 =	slt.u32 s8, $0xFFFFF086  }
0x1c: {  	p1 =	slt.u32 s9, $0xF7A;
	s5 =	simm.s32 @!p2 $0x0  }
0x1d: {  	s5 =	simm.s32 @p1 $0x1;
	p0 =	seq.s32 s7, s2  }
0x1e: {  	s7 =	smul.u32 @!p0 $0xF7A, s2;
	p2 =	seq.s32 @!p0 s5, $0x0  }
0x1f: {  	s9 =	smul.u32 $0xF7A, s1;
	s8 =	simm.s32 @!p0 $0x1BF5;
	p2 =	por !p2, p0  }
0x20: {  	[sflag:s8] =	ssyncset.s32 @!p0 $0xFFFFF086;
	s6 =	sadd.s32 @!p0 s3, s7;
	s7 =	simm.s32 @!p0 $0x108  }
0x21: {  	s3 =	sadd.s32 s3, s9;
	s6 =	sadd.s32 @!p0 $0x88, s6;
	s7 =	simm.s32 @p2 $0x1082  }
0x22: {  	[simem:s7], [sflag:s8] =	dma.local @!p0 [hbm:s6], $0xF7A  }
0x23: {  	s9 =	sor.u32 $0xD0000000, s2;
	s6 =	simm.s32 $0x108;
	_ =	swait.ge @!p0 [sflag:s8], $0x0  }
0x24: {  	s3 =	sadd.s32 $0x88, s3;
	s6 =	simm.s32 @!p1 $0x1082;
	[sflag:s4] =	ssyncset.s32 $0xFFFFF086  }
0x25: {  	[simem:s6], [sflag:s4] =	dma.local [hbm:s3], $0xF7A  }
0x26: {  	[smem:$0x3F8F] =	sst s1;
	(tag) =	ssettag s2;
	_ =	strace s9  }
0x27: {  	s1 =	sld [smem:$0x3F9F]  }
0x28: {  	s2 =	sld [smem:$0x3FA0]  }
0x29: {  	s4 =	sld [smem:$0x3FA2]  }
0x2a: {  	p0 =	seq.s32 s5, $0x0;
	s5 =	sld [smem:$0x3FA3]  }
0x2b: {  	s6 =	sld [smem:$0x3FA4]  }
0x2c: {  	s7 =	sld [smem:$0x3FA5]  }
0x2d: {  	s3 =	simm.s32 $0x108;
	s8 =	sld [smem:$0x3FA6]  }
0x2e: {  	s3 =	simm.s32 @!p0 $0x1082;
	s9 =	sld [smem:$0x3FA7]  }
0x2f: {  	lr =	sadd.s32 s0, s3;
	s0 =	sld [smem:$0x3F9E]  }
0x30: {  	s3 =	sld [smem:$0x3FA1]  }
0x31: {  	[smem:$0x3FAA] =	sst s10  }
0x32: {  	s10 =	sld [smem:$0x3FA8];
	_ =	sdelay $0x3  }
0x33: {  	p0 =	seq.s32 s10, $0x1;
	s10 =	sld [smem:$0x3FAA];
	_ =	sdelay $0x3  }
0x34: {  	[smem:$0x3FAA] =	sst s10  }
0x35: {  	s10 =	sld [smem:$0x3FA9];
	_ =	sdelay $0x3  }
0x36: {  	p1 =	seq.s32 s10, $0x1;
	s10 =	sld [smem:$0x3FAA];
	_ =	sdelay $0x3  }
0x37: {  	[smem:$0x3FAA] =	sst s10  }
0x38: {  	s10 =	sld [smem:$0x3FAB]  }
0x39: {  	_ = 	snop;
	(pc) =	sbr.ind lr, $3  }
0x3a: {  	_ = 	snop  }
0x3b: {  	_ = 	snop  }
0x3c: {  	p2 =	seq.s32 s10, $0x1;
	s10 =	sld [smem:$0x3FAA]  }
0x3d: {  	_ =	shalt  }
0x3e: {  	_ =	shalt  }
0x3f: {  	_ =	shalt  }
0x40: {  	_ =	shalt  }
0x41: {  	_ =	shalt  }
0x42: {  	_ =	shalt  }
0x43: {  	_ =	shalt  }
0x44: {  	_ =	shalt  }
0x45: {  	_ =	shalt  }
0x46: {  	_ =	shalt  }
0x47: {  	_ =	shalt  }
0x48: {  	_ =	shalt  }
0x49: {  	_ =	shalt  }
0x4a: {  	_ =	shalt  }
0x4b: {  	_ =	shalt  }
0x4c: {  	_ =	shalt  }
0x4d: {  	_ =	shalt  }
0x4e: {  	_ =	shalt  }
0x4f: {  	_ =	shalt  }
0x50: {  	_ =	shalt  }
0x51: {  	_ =	shalt  }
0x52: {  	_ =	shalt  }
0x53: {  	_ =	shalt  }
0x54: {  	_ =	shalt  }
0x55: {  	_ =	shalt  }
0x56: {  	_ =	shalt  }
0x57: {  	_ =	shalt  }
0x58: {  	_ =	shalt  }
0x59: {  	_ =	shalt  }
0x5a: {  	_ =	shalt  }
0x5b: {  	_ =	shalt  }
0x5c: {  	_ =	shalt  }
0x5d: {  	_ =	shalt  }
0x5e: {  	_ =	shalt  }
0x5f: {  	_ =	shalt  }
0x60: {  	_ =	shalt  }
0x61: {  	_ =	shalt  }
0x62: {  	_ =	shalt  }
0x63: {  	_ =	shalt  }
0x64: {  	_ =	shalt  }
0x65: {  	_ =	shalt  }
0x66: {  	_ =	shalt  }
0x67: {  	_ =	shalt  }
0x68: {  	_ =	shalt  }
0x69: {  	_ =	shalt  }
0x6a: {  	_ =	shalt  }
0x6b: {  	_ =	shalt  }
0x6c: {  	_ =	shalt  }
0x6d: {  	_ =	shalt  }
0x6e: {  	_ =	shalt  }
0x6f: {  	_ =	shalt  }
0x70: {  	_ =	shalt  }
0x71: {  	_ =	shalt  }
0x72: {  	_ =	shalt  }
0x73: {  	_ =	shalt  }
0x74: {  	_ =	shalt  }
0x75: {  	_ =	shalt  }
0x76: {  	_ =	shalt  }
0x77: {  	_ =	shalt  }
0x78: {  	_ =	shalt  }
0x79: {  	_ =	shalt  }
0x7a: {  	_ =	shalt  }
0x7b: {  	_ =	shalt  }
0x7c: {  	_ =	shalt  }
0x7d: {  	_ =	shalt  }
0x7e: {  	_ =	shalt  }
0x7f: {  	_ =	shalt  }
0x80: {  	_ =	shalt  }
0x81: {  	_ =	shalt  }
0x82: {  	_ =	shalt  }
0x83: {  	_ =	shalt  }
0x84: {  	_ =	shalt  }
0x85: {  	_ =	shalt  }
0x86: {  	_ =	shalt  }
0x87: {  	_ =	shalt  }
.Lfunc_end0:
.L_simem_size_0:
called_computation_lowered:
.L_overlay_start_0:
0x88: {  	s2 =	sld [smem:$0x3FD9]  }
0x89: {  	s3 =	sld [smem:$0x3FFE];
	_ =	sdelay $0x1  }
0x8a: {  	s1 =	srdreg.scid  }
0x8b: {  	s0 =	sand.u32 $0x1, s1  }
0x8c: {  	s16 =	sshll.u32 s0, $0xA;
	s2 =	sadd.s32 s3, s2  }
0x8d: {  	s2 =	sadd.s32 s2, s16  }
0x8e: {  	[smem:$0x3FB6] =	sst s2  }
0x8f: {  	_ = 	snop  }
0x90: {  	(tm) =	ssettm $0x1  }
0x91: {  	s17 =	sld [smem:$0x3FFB];
	_ =	sdelay $0x3  }
0x92: {  	_ =	strace s17  }
0x93: {  	s2 =	sld [smem:$0x3FFC];
	_ =	sdelay $0x3  }
0x94: {  	_ =	strace s2  }
0x95: {  	s2 =	sld [smem:$0x3FFD];
	_ =	sdelay $0x3  }
0x96: {  	_ =	strace s2  }
0x97: {  	_ =	strace $0x8FFFFFFF  }
0x98: {  	s18 =	sld [smem:$0x3FDB];
	_ =	sdelay $0x1  }
0x99: {  	s19 =	simm.s32 $_scs_section_size  }
0x9a: {  	s4 =	simm.s32 $_size__tile_overlayer_lowered;
	s5 =	simm.s32 $_tile_overlayer_lowered  }
0x9b: {  	s22 =	simm.s32 $0x1BFF;
	s21 =	sshll.u32 s5, $0x1;
	s2 =	sadd.s32 s19, s18  }
0x9c: {  	s6 =	simm.s32 $0x0;
	s20 =	sshll.u32 s4, $0x1;
	s4 =	sadd.s32 s21, s2  }
0x9d: {  	[timem:s6], [sflag:s22] =	dma.local [hbm:s4], s20  }
0x9e: {  	_ =	swait.ge [sflag:s22], s20  }
0x9f: {  	s3 =	ssub.s32 $0x0, s20;
	[sflag:s22] =	ssyncset.done $0x0  }
0xa0: {  	[sflag:s22] =	ssyncadd.s32 s3;
	_ =	sdelay $0x1  }
0xa1: {  	s23 =	simm.s32 $0x1B8B  }
0xa2: {  	_ =	swait.ge [sflag:s23], $0x1  }
0xa3: {  	[sflag:s23] =	ssyncset.done $0x0  }
0xa4: {  	s25 =	simm.s32 $0x1B8E;
	s24 =	sld [smem:$0x3FFE];
	[sflag:s23] =	ssyncadd.s32 $0xFFFFFFFF  }
0xa5: {  	s26 =	simm.s32 $execute0_lowered;
	[smem:$0x3FD2] =	sst s25  }
0xa6: {  	s4 =	sshll.u32 s26, $0x1;
	_ =	strace $0x80000046;
	[dreg:$0x1] =	wrdreg $0xFFFFFFFF  }
0xa7: {  	s28 =	simm.s32 $_size_execute0_lowered;
	s2 =	sadd.s32 s2, s4;
	[dreg:$0x0] =	wrdreg $0x0  }
0xa8: {  	s4 =	sshll.u32 s28, $0x1;
	[dreg:$0x2] =	wrdreg s2  }
0xa9: {  	[dreg:$0x3] =	wrdreg s4  }
0xaa: {  	[dreg:$0x4] =	wrdreg $0xC0  }
0xab: {  	_ =	task [dreg:s6], $0x5FFFF  }
0xac: {  	[dreg:$0x1] =	wrdreg $0xFFFFFFFF  }
0xad: {  	[dreg:$0x0] =	wrdreg $0x60  }
0xae: {  	[dreg:$0x2] =	wrdreg s24  }
0xaf: {  	[dreg:$0x3] =	wrdreg $0xA0000  }
0xb0: {  	[dreg:$0x4] =	wrdreg $0x9  }
0xb1: {  	_ =	task.clear_ibuf [dreg:s6], $0x5FFFF;
	_ =	strace $0x90000046  }
0xb2: {  	s29 =	simm.s32 $0x9;
	_ =	strace $0x80000048  }
0xb3: {  	_ =	swait.ge [sflag:s29], $0x1  }
0xb4: {  	[sflag:s29] =	ssyncadd.s32 $0xFFFFFFFF  }
0xb5: {  	_ =	strace $0x90000048  }
0xb6: {  	_ =	sfence  }
0xb7: {  	s30 =	sld [smem:$0x0];
	_ =	sdelay $0x2  }
0xb8: {  	s31 =	sshll.u32 s1, $0xD;
	s1 =	sshrl.u32 s1, $0x2  }
0xb9: {  	s3 =	sand.u32 $0x4000, s31;
	s1 =	sadd.s32 s1, s30  }
0xba: {  	s0 =	sor.u32 s3, s0;
	s1 =	sshll.u32 s1, $0x11  }
0xbb: {  	s0 =	sor.u32 s1, s0  }
0xbc: {  	s0 =	sadd.s32 $0x8F2B, s0  }
0xbd: {  	[sflag:s0] =	ssyncadd.remote.s32 $0x1  }
0xbe: {  	_ =	sfence.sel $0xFFFF  }
0xbf: {  	[dreg:$0x0] =	wrdreg $0xFFFFFFFF;
	(pc) =	sbr.abs _section_cstart, $3  }
0xc0: {  	[dreg:$0x1] =	wrdreg $0xFFFFFFFF  }
0xc1: {  	_ =	task.clear_ibuf [dreg:s6], $0x2FFFF;
	_ =	strace $0x9FFFFFFF  }
0xc2: {  	(tm) =	ssettm $0x7FFFFFFF  }
0xc3: {  	_ =	shalt  }
tec
execute0_lowered:
.L_overlay_start_1:
0x0: {  	(tag) =	ssettag $0x1  }
0x1: {  	s5 =	rddreg [dreg:$0x0]  }
0x2: {  	s0 =	srdreg.scid;
	s2 =	rddreg [dreg:$0x1];
	s3 =	simm.s32 $0x0  }
0x3: {  	s13 =	simm.s32 $0x50;
	s14 =	simm.s32 $0x4F00;
	s15 =	simm.s32 $0x5000  }
0x4: {  	s16 =	simm.s32 $0x4F80;
	s4 =	sand.u32 $0x1, s0;
	s0 =	stileid.u32  }
0x5: {  	s17 =	simm.s32 $0x7800;
	s18 =	simm.s32 $0x0;
	s7 =	smul.u32 $0x2800, s0  }
0x6: {  	[smem:$0x7FF] =	sst s3;
	s1 =	sshll.u32 s4, $0x4;
	s8 =	smul.u32 $0x28000, s4  }
0x7: {  	s29 =	smul.u32 $0x50000, s0;
	s4 =	ssub.s32 $0x2, s4;
	s1 =	sor.u32 s0, s1  }
0x8: {  	s31 =	sshll.u32 s0, $0x6;
	s30 =	sshrl.u32 s4, $0x1;
	s6 =	smul.u32 $0x4E2, s1  }
0x9: {  	s1 =	rddreg [dreg:$0x2];
	s10 =	sadd.s32 s7, s5;
	s7 =	sadd.s32 s7, s8  }
0xa: {  	_ =	strace $0x80000047;
	s11 =	ssub.s32 s4, s30;
	s8 =	sadd.s32 s7, s5  }
0xb: {  	s4 =	sadd.s32 $0x14A00, s10;
	s9 =	sadd.s32 s6, s5;
	s6 =	sshrl.u32 s29, $0x2  }
0xc: {  	s5 =	sor.u32 $0x1C01, s31;
	s8 =	sadd.s32 $0x3CA00, s8;
	s12 =	sadd.s32 s6, s2  }
0xd: {  	s6 =	sadd.s32 $0xAC00, s9;
	s7 =	sadd.s32 $0xE00, s9;
	s9 =	smax.u32 s11, $0x1  }
0xe: {  	v0 =	vimm.f32 $1.000000000e+00;
	v1 =	vimm.f32 $0.0e+00;
	s11 =	simm.s32 $0x1;
	s10 =	sshrl.u32 s12, $0x3;
	s12 =	simm.s32 $0x2780  }
.LBB2_1:
0xf: {  	[spmem:s10], [sflag:s5] =	dma.local [hbm:s4], $0x2800  }
0x10: {  	_ =	swait.ge [sflag:s11], $0x2800  }
0x11: {  	[sflag:s11] =	ssyncset.done $0x0  }
0x12: {  	[sflag:s11] =	ssyncadd.s32 $0xFFFFD800  }
0x13: {  	[tilespmem:s3], [sflag:$0x1] =	stream.linear.gather [hbm4b:s6+s3], $0x2710, $0x38;
	[tilespmem:$0x1E000] =	vst v63  }
0x14: {  	_ =	swait.ge [sflag:s11], $0x2710  }
0x15: {  	[sflag:s11] =	ssyncset.done $0x0  }
0x16: {  	[sflag:s11] =	ssyncadd.s32 $0xFFFFD8F0  }
0x17: {  	[tilespmem:s12], [sflag:$0x1] =	stream.linear.gather [hbm4b:s7+s3], $0x2710, $0x38;
	[tilespmem:$0x1E000] =	vst v63  }
0x18: {  	_ =	swait.ge [sflag:s11], $0x2710  }
0x19: {  	[sflag:s11] =	ssyncset.done $0x0  }
0x1a: {  	s19 =	simm.s32 $0x0;
	s20 =	simm.s32 $0x200;
	[sflag:s11] =	ssyncadd.s32 $0xFFFFD8F0  }
.LBB2_2:
0x1b: {  	p0 =	sne.s32 s20, $0x9E00;
	[tilespmem:s19+$0x7870] =	vst v1  }
0x1c: {  	[tilespmem:s19+$0x5000] =	vst v0  }
0x1d: {  	[tilespmem:s19+$0x7800] =	vst v1  }
0x1e: {  	[tilespmem:s19+$0x5010] =	vst v1  }
0x1f: {  	[tilespmem:s19+$0x7810] =	vst v1  }
0x20: {  	[tilespmem:s19+$0x5020] =	vst v1  }
0x21: {  	[tilespmem:s19+$0x7820] =	vst v1  }
0x22: {  	[tilespmem:s19+$0x5030] =	vst v1  }
0x23: {  	[tilespmem:s19+$0x7830] =	vst v1  }
0x24: {  	[tilespmem:s19+$0x5040] =	vst v1  }
0x25: {  	[tilespmem:s19+$0x7840] =	vst v0  }
.Ltmp0:
0x26: {  	[tilespmem:s19+$0x5050] =	vst v1;
	(pc) =	sbr.rel @p0 .LBB2_2-.Ltmp0, $4  }
0x27: {  	[tilespmem:s19+$0x7850] =	vst v1  }
0x28: {  	[tilespmem:s19+$0x5060] =	vst v1  }
0x29: {  	[tilespmem:s19+$0x7860] =	vst v1  }
0x2a: {  	[tilespmem:s19+$0x5070] =	vst v1;
	s19 =	sshra.s32 s20, $0x2;
	s20 =	sadd.s32 $0x200, s20  }
0x2b: {  	[tilespmem:s19+$0x7870] =	vst v1  }
0x2c: {  	[tilespmem:s19+$0x5000] =	vst v0  }
0x2d: {  	[tilespmem:s19+$0x7800] =	vst v1  }
0x2e: {  	[tilespmem:s19+$0x5010] =	vst v1  }
0x2f: {  	[tilespmem:s19+$0x7810] =	vst v1  }
0x30: {  	[tilespmem:s19+$0x5020] =	vst v1  }
0x31: {  	[tilespmem:s19+$0x7820] =	vst v1  }
0x32: {  	[tilespmem:s19+$0x5030] =	vst v1  }
0x33: {  	[tilespmem:s19+$0x7830] =	vst v1  }
0x34: {  	[tilespmem:s19+$0x5040] =	vst v1  }
0x35: {  	[tilespmem:s19+$0x7840] =	vst v0  }
0x36: {  	[tilespmem:s19+$0x5050] =	vst v1  }
0x37: {  	[tilespmem:s19+$0x7850] =	vst v1  }
0x38: {  	[tilespmem:s19+$0x5060] =	vst v1  }
0x39: {  	[tilespmem:s19+$0x7860] =	vst v1  }
0x3a: {  	[tilespmem:s19+$0x5070] =	vst v1  }
0x3b: {  	s31 =	simm.s32 $0x0;
	[bflag:$0x0] =	sbarrier.arrive $0xFFFF  }
0x3c: {  	v2 =	vld [tilespmem:s31+$0x0];
	_ =	sdelay $0x4  }
0x3d: {  	[tilespmem:$0x4F00] =	vst v2  }
0x3e: {  	v2 =	vld [tilespmem:s31+$0x2780];
	_ =	sdelay $0x4  }
0x3f: {  	[tilespmem:$0x4F80] =	vst v2  }
0x40: {  	v2 =	vld [tilespmem:s31+$0x10];
	_ =	sdelay $0x4  }
0x41: {  	[tilespmem:$0x4F10] =	vst v2  }
0x42: {  	v2 =	vld [tilespmem:s31+$0x2790];
	_ =	sdelay $0x4  }
0x43: {  	[tilespmem:$0x4F90] =	vst v2  }
0x44: {  	v2 =	vld [tilespmem:s31+$0x20];
	_ =	sdelay $0x4  }
0x45: {  	[tilespmem:$0x4F20] =	vst v2  }
0x46: {  	v2 =	vld [tilespmem:s31+$0x27A0];
	_ =	sdelay $0x4  }
0x47: {  	[tilespmem:$0x4FA0] =	vst v2  }
0x48: {  	v2 =	vld [tilespmem:s31+$0x30];
	_ =	sdelay $0x4  }
0x49: {  	[tilespmem:$0x4F30] =	vst v2  }
0x4a: {  	v2 =	vld [tilespmem:s31+$0x27B0];
	_ =	sdelay $0x4  }
0x4b: {  	[tilespmem:$0x4FB0] =	vst v2  }
0x4c: {  	v2 =	vld [tilespmem:s31+$0x40];
	_ =	sdelay $0x4  }
0x4d: {  	[tilespmem:$0x4F40] =	vst v2  }
0x4e: {  	v2 =	vld [tilespmem:s31+$0x27C0];
	_ =	sdelay $0x4  }
0x4f: {  	[tilespmem:$0x4FC0] =	vst v2  }
0x50: {  	[spmem:s2] =	stream.indirect.scatter.add.f32 [tilespmem:s15], [sflag:$0x1], $0x80, s14, s13, $0xb8;
	[tilespmem:$0x1E000] =	vst v63  }
0x51: {  	_ =	swait.ge [sflag:s11], $0x2800  }
0x52: {  	[sflag:s11] =	ssyncset.done $0x0  }
0x53: {  	[sflag:s11] =	ssyncadd.s32 $0xFFFFD800  }
0x54: {  	[spmem:s2] =	stream.indirect.scatter.add.f32 [tilespmem:s17], [sflag:$0x1], $0x80, s16, s13, $0xb8;
	[tilespmem:$0x1E000] =	vst v63  }
0x55: {  	_ =	swait.ge [sflag:s11], $0x2800  }
0x56: {  	s19 =	simm.s32 $0x140;
	s22 =	simm.s32 $0x280;
	[sflag:s11] =	ssyncset.done $0x0  }
.LBB2_4:
0x57: {  	s21 =	sshra.s32 s19, $0x2  }
0x58: {  	[sflag:s11] =	ssyncadd.s32 $0xFFFFD800;
	s19 =	smov.u32 s22;
	s20 =	sadd.s32 $0x140, s22  }
0x59: {  	p0 =	sne.s32 s22, $0x9B00;
	v2 =	vld [tilespmem:s21+$0x0];
	_ =	sdelay $0x4  }
0x5a: {  	[tilespmem:$0x4F00] =	vst v2  }
0x5b: {  	v2 =	vld [tilespmem:s21+$0x2780];
	_ =	sdelay $0x4  }
0x5c: {  	[tilespmem:$0x4F80] =	vst v2  }
0x5d: {  	v2 =	vld [tilespmem:s21+$0x10];
	_ =	sdelay $0x4  }
0x5e: {  	[tilespmem:$0x4F10] =	vst v2  }
0x5f: {  	v2 =	vld [tilespmem:s21+$0x2790];
	_ =	sdelay $0x4  }
0x60: {  	[tilespmem:$0x4F90] =	vst v2  }
0x61: {  	v2 =	vld [tilespmem:s21+$0x20];
	_ =	sdelay $0x4  }
0x62: {  	[tilespmem:$0x4F20] =	vst v2  }
0x63: {  	v2 =	vld [tilespmem:s21+$0x27A0];
	_ =	sdelay $0x4  }
0x64: {  	[tilespmem:$0x4FA0] =	vst v2  }
0x65: {  	v2 =	vld [tilespmem:s21+$0x30];
	_ =	sdelay $0x4  }
0x66: {  	[tilespmem:$0x4F30] =	vst v2  }
0x67: {  	v2 =	vld [tilespmem:s21+$0x27B0];
	_ =	sdelay $0x4  }
0x68: {  	[tilespmem:$0x4FB0] =	vst v2  }
0x69: {  	v2 =	vld [tilespmem:s21+$0x40];
	_ =	sdelay $0x4  }
0x6a: {  	[tilespmem:$0x4F40] =	vst v2  }
0x6b: {  	v2 =	vld [tilespmem:s21+$0x27C0];
	_ =	sdelay $0x4  }
0x6c: {  	[tilespmem:$0x4FC0] =	vst v2  }
0x6d: {  	[spmem:s2] =	stream.indirect.scatter.add.f32 [tilespmem:s15], [sflag:$0x1], $0x80, s14, s13, $0xb8;
	[tilespmem:$0x1E000] =	vst v63  }
0x6e: {  	_ =	swait.ge [sflag:s11], $0x2800  }
.Ltmp1:
0x6f: {  	[sflag:s11] =	ssyncset.done $0x0;
	(pc) =	sbr.rel @p0 .LBB2_4-.Ltmp1, $4  }
0x70: {  	[sflag:s11] =	ssyncadd.s32 $0xFFFFD800  }
0x71: {  	[spmem:s2] =	stream.indirect.scatter.add.f32 [tilespmem:s17], [sflag:$0x1], $0x80, s16, s13, $0xb8;
	[tilespmem:$0x1E000] =	vst v63  }
0x72: {  	_ =	swait.ge [sflag:s11], $0x2800  }
0x73: {  	s22 =	smov.u32 s20;
	[sflag:s11] =	ssyncset.done $0x0  }
0x74: {  	s19 =	sshra.s32 s19, $0x2;
	[sflag:s11] =	ssyncadd.s32 $0xFFFFD800  }
0x75: {  	v2 =	vld [tilespmem:s19+$0x0];
	_ =	sdelay $0x4  }
0x76: {  	[tilespmem:$0x4F00] =	vst v2  }
0x77: {  	v2 =	vld [tilespmem:s19+$0x2780];
	_ =	sdelay $0x4  }
0x78: {  	[tilespmem:$0x4F80] =	vst v2  }
0x79: {  	v2 =	vld [tilespmem:s19+$0x10];
	_ =	sdelay $0x4  }
0x7a: {  	[tilespmem:$0x4F10] =	vst v2  }
0x7b: {  	v2 =	vld [tilespmem:s19+$0x2790];
	_ =	sdelay $0x4  }
0x7c: {  	[tilespmem:$0x4F90] =	vst v2  }
0x7d: {  	v2 =	vld [tilespmem:s19+$0x20];
	_ =	sdelay $0x4  }
0x7e: {  	[tilespmem:$0x4F20] =	vst v2  }
0x7f: {  	v2 =	vld [tilespmem:s19+$0x27A0];
	_ =	sdelay $0x4  }
0x80: {  	[tilespmem:$0x4FA0] =	vst v2  }
0x81: {  	v2 =	vld [tilespmem:s19+$0x30];
	_ =	sdelay $0x4  }
0x82: {  	[tilespmem:$0x4F30] =	vst v2  }
0x83: {  	v2 =	vld [tilespmem:s19+$0x27B0];
	_ =	sdelay $0x4  }
0x84: {  	[tilespmem:$0x4FB0] =	vst v2  }
0x85: {  	v2 =	vld [tilespmem:s19+$0x40];
	_ =	sdelay $0x4  }
0x86: {  	[tilespmem:$0x4F40] =	vst v2  }
0x87: {  	v2 =	vld [tilespmem:s19+$0x27C0];
	_ =	sdelay $0x4  }
0x88: {  	[tilespmem:$0x4FC0] =	vst v2  }
0x89: {  	[spmem:s2] =	stream.indirect.scatter.add.f32 [tilespmem:s15], [sflag:$0x1], $0x80, s14, s13, $0xb8;
	[tilespmem:$0x1E000] =	vst v63  }
0x8a: {  	_ =	swait.ge [sflag:s11], $0x2800  }
0x8b: {  	[sflag:s11] =	ssyncset.done $0x0  }
0x8c: {  	[sflag:s11] =	ssyncadd.s32 $0xFFFFD800  }
0x8d: {  	[spmem:s2] =	stream.indirect.scatter.add.f32 [tilespmem:s17], [sflag:$0x1], $0x80, s16, s13, $0xb8;
	[tilespmem:$0x1E000] =	vst v63  }
0x8e: {  	_ =	swait.ge [sflag:s11], $0x2800  }
0x8f: {  	s18 =	sadd.s32 $0x1, s18;
	[sflag:s11] =	ssyncset.done $0x0  }
0x90: {  	p0 =	sne.s32 s18, s9;
	[sflag:s11] =	ssyncadd.s32 $0xFFFFD800  }
.Ltmp2:
0x91: {  	[bflag:$0x0] =	sbarrier.arrive $0xFFFF;
	(pc) =	sbr.rel @p0 .LBB2_1-.Ltmp2, $4  }
0x92: {  	[hbm:s8], [sflag:s5] =	dma.local [spmem:s10], $0x2800  }
0x93: {  	_ =	swait.ge [sflag:s11], $0x2800  }
0x94: {  	[sflag:s11] =	ssyncset.done $0x0  }
0x95: {  	[sflag:s11] =	ssyncadd.s32 $0xFFFFD800  }
0x96: {  	_ =	sfence.sel $0x180000  }
0x97: {  	[bflag:$0x0] =	sbarrier.arrive $0xFFFF  }
0x98: {  	p0 =	sne.s32 s0, $0x0;
	_ =	strace $0x90000047  }
0x99: {  	s0 =	sadd.s32 @!p0 $0x100000, s1;
	[bflag:$0x2] =	sbarrier.arrive $0xFFFF  }
0x9a: {  	[sflag:s0] =	ssyncadd.tile.s32 @!p0 $0x1;
	_ =	shalt  }
.Lfunc_end2:
_tile_overlayer_lowered:
.L_overlay_start_2:
0x9b: {  	(tag) =	ssettag $0x2  }
0x9c: {  	s0 =	rddreg [dreg:$0x0];
	s2 =	stileid.u32  }
0x9d: {  	s1 =	rddreg [dreg:$0x1];
	p0 =	sne.s32 s2, $0x0  }
0x9e: {  	s3 =	rddreg [dreg:$0x2];
	[bflag:$0x3] =	sbarrier.arrive $0xFFFF;
	s2 =	simm.s32 @!p0 $0x1C01  }
0x9f: {  	[timem:s3], [sflag:s2] =	dma.local @!p0 [hbm:s0], s1  }
0xa0: {  	s0 =	simm.s32 @!p0 $0x1  }
0xa1: {  	_ =	swait.ge @!p0 [sflag:s0], s1  }
0xa2: {  	s1 =	ssub.s32 @!p0 $0x0, s1;
	[sflag:s0] =	ssyncset.done @!p0 $0x0  }
0xa3: {  	[sflag:s0] =	ssyncadd.s32 @!p0 s1  }
0xa4: {  	[bflag:$0x3] =	sbarrier.arrive $0xFFFF  }
0xa5: {  	_ =	shalt  }

// kernel: kernel.14.cloned.1.call-start
scs
__scs_entry_jumppad:
0x0: {  	(pc) =	sbr.rel $0x88, $3  }
0x1: {  	(tag) =	ssettag $0x0;
	lr =	simm.s32 $0x1  }
0x2: {  	[smem:$0x3F8F] =	sst lr;
	_ =	strace $0xD0000000  }
0x3: {  	_ = 	snop  }
0x4: {  	_ = 	snop  }
0x5: {  	_ = 	snop  }
0x6: {  	_ = 	snop  }
0x7: {  	_ = 	snop  }
__scs_overlays_trampoline_lowered:
0x8: {  	[smem:$0x3F9E] =	sst s0  }
0x9: {  	[smem:$0x3F9F] =	sst s1  }
0xa: {  	[smem:$0x3FA0] =	sst s2  }
0xb: {  	[smem:$0x3FA1] =	sst s3  }
0xc: {  	[smem:$0x3FA2] =	sst s4  }
0xd: {  	[smem:$0x3FA3] =	sst s5  }
0xe: {  	[smem:$0x3FA4] =	sst s6  }
0xf: {  	[smem:$0x3FA5] =	sst s7  }
0x10: {  	[smem:$0x3FA6] =	sst s8  }
0x11: {  	[smem:$0x3FA7] =	sst s9;
	s0 =	simm.s32 @!p0 $0x0  }
0x12: {  	s1 =	sld [smem:$0x3F8D];
	s0 =	simm.s32 @p0 $0x1  }
0x13: {  	[smem:$0x3FA8] =	sst s0;
	s0 =	simm.s32 @!p1 $0x0  }
0x14: {  	s2 =	sld [smem:$0x3F8C];
	s0 =	simm.s32 @p1 $0x1  }
0x15: {  	[smem:$0x3FA9] =	sst s0;
	s0 =	simm.s32 @!p2 $0x0  }
0x16: {  	s3 =	sld [smem:$0x3FDB];
	s0 =	simm.s32 @p2 $0x1  }
0x17: {  	s4 =	simm.s32 $0x1BF5;
	[smem:$0x3FAB] =	sst s0  }
0x18: {  	s0 =	sld [smem:$0x3F8E];
	_ =	swait.ge [sflag:s4], $0x0  }
0x19: {  	s7 =	sld [smem:$0x3F8F]  }
0x1a: {  	s8 =	sadd.s32 $0xFFFFE003, lr  }
0x1b: {  	s9 =	sadd.s32 $0xFFFFFEF7, lr;
	s5 =	simm.s32 $0xFFFFFFFF;
	p2 =	slt.u32 s8, $0xFFFFF086  }
0x1c: {  	p1 =	slt.u32 s9, $0xF7A;
	s5 =	simm.s32 @!p2 $0x0  }
0x1d: {  	s5 =	simm.s32 @p1 $0x1;
	p0 =	seq.s32 s7, s2  }
0x1e: {  	s7 =	smul.u32 @!p0 $0xF7A, s2;
	p2 =	seq.s32 @!p0 s5, $0x0  }
0x1f: {  	s9 =	smul.u32 $0xF7A, s1;
	s8 =	simm.s32 @!p0 $0x1BF5;
	p2 =	por !p2, p0  }
0x20: {  	[sflag:s8] =	ssyncset.s32 @!p0 $0xFFFFF086;
	s6 =	sadd.s32 @!p0 s3, s7;
	s7 =	simm.s32 @!p0 $0x108  }
0x21: {  	s3 =	sadd.s32 s3, s9;
	s6 =	sadd.s32 @!p0 $0x88, s6;
	s7 =	simm.s32 @p2 $0x1082  }
0x22: {  	[simem:s7], [sflag:s8] =	dma.local @!p0 [hbm:s6], $0xF7A  }
0x23: {  	s9 =	sor.u32 $0xD0000000, s2;
	s6 =	simm.s32 $0x108;
	_ =	swait.ge @!p0 [sflag:s8], $0x0  }
0x24: {  	s3 =	sadd.s32 $0x88, s3;
	s6 =	simm.s32 @!p1 $0x1082;
	[sflag:s4] =	ssyncset.s32 $0xFFFFF086  }
0x25: {  	[simem:s6], [sflag:s4] =	dma.local [hbm:s3], $0xF7A  }
0x26: {  	[smem:$0x3F8F] =	sst s1;
	(tag) =	ssettag s2;
	_ =	strace s9  }
0x27: {  	s1 =	sld [smem:$0x3F9F]  }
0x28: {  	s2 =	sld [smem:$0x3FA0]  }
0x29: {  	s4 =	sld [smem:$0x3FA2]  }
0x2a: {  	p0 =	seq.s32 s5, $0x0;
	s5 =	sld [smem:$0x3FA3]  }
0x2b: {  	s6 =	sld [smem:$0x3FA4]  }
0x2c: {  	s7 =	sld [smem:$0x3FA5]  }
0x2d: {  	s3 =	simm.s32 $0x108;
	s8 =	sld [smem:$0x3FA6]  }
0x2e: {  	s3 =	simm.s32 @!p0 $0x1082;
	s9 =	sld [smem:$0x3FA7]  }
0x2f: {  	lr =	sadd.s32 s0, s3;
	s0 =	sld [smem:$0x3F9E]  }
0x30: {  	s3 =	sld [smem:$0x3FA1]  }
0x31: {  	[smem:$0x3FAA] =	sst s10  }
0x32: {  	s10 =	sld [smem:$0x3FA8];
	_ =	sdelay $0x3  }
0x33: {  	p0 =	seq.s32 s10, $0x1;
	s10 =	sld [smem:$0x3FAA];
	_ =	sdelay $0x3  }
0x34: {  	[smem:$0x3FAA] =	sst s10  }
0x35: {  	s10 =	sld [smem:$0x3FA9];
	_ =	sdelay $0x3  }
0x36: {  	p1 =	seq.s32 s10, $0x1;
	s10 =	sld [smem:$0x3FAA];
	_ =	sdelay $0x3  }
0x37: {  	[smem:$0x3FAA] =	sst s10  }
0x38: {  	s10 =	sld [smem:$0x3FAB]  }
0x39: {  	_ = 	snop;
	(pc) =	sbr.ind lr, $3  }
0x3a: {  	_ = 	snop  }
0x3b: {  	_ = 	snop  }
0x3c: {  	p2 =	seq.s32 s10, $0x1;
	s10 =	sld [smem:$0x3FAA]  }
0x3d: {  	_ =	shalt  }
0x3e: {  	_ =	shalt  }
0x3f: {  	_ =	shalt  }
0x40: {  	_ =	shalt  }
0x41: {  	_ =	shalt  }
0x42: {  	_ =	shalt  }
0x43: {  	_ =	shalt  }
0x44: {  	_ =	shalt  }
0x45: {  	_ =	shalt  }
0x46: {  	_ =	shalt  }
0x47: {  	_ =	shalt  }
0x48: {  	_ =	shalt  }
0x49: {  	_ =	shalt  }
0x4a: {  	_ =	shalt  }
0x4b: {  	_ =	shalt  }
0x4c: {  	_ =	shalt  }
0x4d: {  	_ =	shalt  }
0x4e: {  	_ =	shalt  }
0x4f: {  	_ =	shalt  }
0x50: {  	_ =	shalt  }
0x51: {  	_ =	shalt  }
0x52: {  	_ =	shalt  }
0x53: {  	_ =	shalt  }
0x54: {  	_ =	shalt  }
0x55: {  	_ =	shalt  }
0x56: {  	_ =	shalt  }
0x57: {  	_ =	shalt  }
0x58: {  	_ =	shalt  }
0x59: {  	_ =	shalt  }
0x5a: {  	_ =	shalt  }
0x5b: {  	_ =	shalt  }
0x5c: {  	_ =	shalt  }
0x5d: {  	_ =	shalt  }
0x5e: {  	_ =	shalt  }
0x5f: {  	_ =	shalt  }
0x60: {  	_ =	shalt  }
0x61: {  	_ =	shalt  }
0x62: {  	_ =	shalt  }
0x63: {  	_ =	shalt  }
0x64: {  	_ =	shalt  }
0x65: {  	_ =	shalt  }
0x66: {  	_ =	shalt  }
0x67: {  	_ =	shalt  }
0x68: {  	_ =	shalt  }
0x69: {  	_ =	shalt  }
0x6a: {  	_ =	shalt  }
0x6b: {  	_ =	shalt  }
0x6c: {  	_ =	shalt  }
0x6d: {  	_ =	shalt  }
0x6e: {  	_ =	shalt  }
0x6f: {  	_ =	shalt  }
0x70: {  	_ =	shalt  }
0x71: {  	_ =	shalt  }
0x72: {  	_ =	shalt  }
0x73: {  	_ =	shalt  }
0x74: {  	_ =	shalt  }
0x75: {  	_ =	shalt  }
0x76: {  	_ =	shalt  }
0x77: {  	_ =	shalt  }
0x78: {  	_ =	shalt  }
0x79: {  	_ =	shalt  }
0x7a: {  	_ =	shalt  }
0x7b: {  	_ =	shalt  }
0x7c: {  	_ =	shalt  }
0x7d: {  	_ =	shalt  }
0x7e: {  	_ =	shalt  }
0x7f: {  	_ =	shalt  }
0x80: {  	_ =	shalt  }
0x81: {  	_ =	shalt  }
0x82: {  	_ =	shalt  }
0x83: {  	_ =	shalt  }
0x84: {  	_ =	shalt  }
0x85: {  	_ =	shalt  }
0x86: {  	_ =	shalt  }
0x87: {  	_ =	shalt  }
.Lfunc_end0:
.L_simem_size_0:
called_computation.1_lowered:
.L_overlay_start_0:
0x88: {  	s2 =	sld [smem:$0x3FD9]  }
0x89: {  	s3 =	sld [smem:$0x3FFE];
	_ =	sdelay $0x1  }
0x8a: {  	s1 =	srdreg.scid  }
0x8b: {  	s0 =	sand.u32 $0x1, s1  }
0x8c: {  	s16 =	sshll.u32 s0, $0xA;
	s2 =	sadd.s32 s3, s2  }
0x8d: {  	s2 =	sadd.s32 s2, s16  }
0x8e: {  	[smem:$0x3FB6] =	sst s2  }
0x8f: {  	_ = 	snop  }
0x90: {  	(tm) =	ssettm $0x1  }
0x91: {  	s17 =	sld [smem:$0x3FFB];
	_ =	sdelay $0x3  }
0x92: {  	_ =	strace s17  }
0x93: {  	s2 =	sld [smem:$0x3FFC];
	_ =	sdelay $0x3  }
0x94: {  	_ =	strace s2  }
0x95: {  	s2 =	sld [smem:$0x3FFD];
	_ =	sdelay $0x3  }
0x96: {  	_ =	strace s2  }
0x97: {  	_ =	strace $0x8FFFFFFF  }
0x98: {  	s18 =	sld [smem:$0x3FDB];
	_ =	sdelay $0x1  }
0x99: {  	s19 =	simm.s32 $_scs_section_size  }
0x9a: {  	s4 =	simm.s32 $_size__tile_overlayer_lowered;
	s5 =	simm.s32 $_tile_overlayer_lowered  }
0x9b: {  	s22 =	simm.s32 $0x1BFF;
	s21 =	sshll.u32 s5, $0x1;
	s2 =	sadd.s32 s19, s18  }
0x9c: {  	s6 =	simm.s32 $0x0;
	s20 =	sshll.u32 s4, $0x1;
	s4 =	sadd.s32 s21, s2  }
0x9d: {  	[timem:s6], [sflag:s22] =	dma.local [hbm:s4], s20  }
0x9e: {  	_ =	swait.ge [sflag:s22], s20  }
0x9f: {  	s3 =	ssub.s32 $0x0, s20;
	[sflag:s22] =	ssyncset.done $0x0  }
0xa0: {  	[sflag:s22] =	ssyncadd.s32 s3;
	_ =	sdelay $0x1  }
0xa1: {  	s23 =	simm.s32 $0x1B8B  }
0xa2: {  	_ =	swait.ge [sflag:s23], $0x1  }
0xa3: {  	[sflag:s23] =	ssyncset.done $0x0  }
0xa4: {  	s25 =	simm.s32 $0x1B8E;
	s24 =	sld [smem:$0x3FFE];
	[sflag:s23] =	ssyncadd.s32 $0xFFFFFFFF  }
0xa5: {  	s26 =	simm.s32 $execute0_lowered;
	[smem:$0x3FD2] =	sst s25  }
0xa6: {  	s4 =	sshll.u32 s26, $0x1;
	_ =	strace $0x80000049;
	[dreg:$0x1] =	wrdreg $0xFFFFFFFF  }
0xa7: {  	s28 =	simm.s32 $_size_execute0_lowered;
	s2 =	sadd.s32 s2, s4;
	[dreg:$0x0] =	wrdreg $0x0  }
0xa8: {  	s4 =	sshll.u32 s28, $0x1;
	[dreg:$0x2] =	wrdreg s2  }
0xa9: {  	[dreg:$0x3] =	wrdreg s4  }
0xaa: {  	[dreg:$0x4] =	wrdreg $0xC0  }
0xab: {  	_ =	task [dreg:s6], $0x5FFFF  }
0xac: {  	[dreg:$0x1] =	wrdreg $0xFFFFFFFF  }
0xad: {  	[dreg:$0x0] =	wrdreg $0x60  }
0xae: {  	[dreg:$0x2] =	wrdreg s24  }
0xaf: {  	[dreg:$0x3] =	wrdreg $0xA0000  }
0xb0: {  	[dreg:$0x4] =	wrdreg $0x9  }
0xb1: {  	_ =	task.clear_ibuf [dreg:s6], $0x5FFFF;
	_ =	strace $0x90000049  }
0xb2: {  	s29 =	simm.s32 $0x9;
	_ =	strace $0x8000004B  }
0xb3: {  	_ =	swait.ge [sflag:s29], $0x1  }
0xb4: {  	[sflag:s29] =	ssyncadd.s32 $0xFFFFFFFF  }
0xb5: {  	_ =	strace $0x9000004B  }
0xb6: {  	_ =	sfence  }
0xb7: {  	s30 =	sld [smem:$0x0];
	_ =	sdelay $0x2  }
0xb8: {  	s31 =	sshll.u32 s1, $0xD;
	s1 =	sshrl.u32 s1, $0x2  }
0xb9: {  	s3 =	sand.u32 $0x4000, s31;
	s1 =	sadd.s32 s1, s30  }
0xba: {  	s0 =	sor.u32 s3, s0;
	s1 =	sshll.u32 s1, $0x11  }
0xbb: {  	s0 =	sor.u32 s1, s0  }
0xbc: {  	s0 =	sadd.s32 $0x8F2B, s0  }
0xbd: {  	[sflag:s0] =	ssyncadd.remote.s32 $0x1  }
0xbe: {  	_ =	sfence.sel $0xFFFF  }
0xbf: {  	[dreg:$0x0] =	wrdreg $0xFFFFFFFF;
	(pc) =	sbr.abs _section_cstart, $3  }
0xc0: {  	[dreg:$0x1] =	wrdreg $0xFFFFFFFF  }
0xc1: {  	_ =	task.clear_ibuf [dreg:s6], $0x2FFFF;
	_ =	strace $0x9FFFFFFF  }
0xc2: {  	(tm) =	ssettm $0x7FFFFFFF  }
0xc3: {  	_ =	shalt  }
tec
execute0_lowered:
.L_overlay_start_1:
0x0: {  	(tag) =	ssettag $0x1  }
0x1: {  	s0 =	srdreg.scid;
	s6 =	rddreg [dreg:$0x0]  }
0x2: {  	s2 =	rddreg [dreg:$0x1];
	s3 =	simm.s32 $0x0;
	s14 =	simm.s32 $0x50  }
0x3: {  	s15 =	simm.s32 $0x5000;
	s16 =	simm.s32 $0x7800;
	s17 =	simm.s32 $0x1  }
0x4: {  	s18 =	simm.s32 $0x4F00;
	s5 =	sand.u32 $0x1, s0;
	s0 =	stileid.u32  }
0x5: {  	s19 =	simm.s32 $0x4;
	s20 =	simm.s32 $0x2;
	s8 =	smul.u32 $0x2800, s0  }
0x6: {  	s21 =	simm.s32 $0x4F80;
	s22 =	simm.s32 $0x0;
	s9 =	smul.u32 $0x28000, s5  }
0x7: {  	[smem:$0x7FF] =	sst s3;
	s1 =	sshll.u32 s5, $0x4;
	s29 =	smul.u32 $0x50000, s0  }
0x8: {  	s5 =	ssub.s32 $0x2, s5;
	s31 =	sshll.u32 s0, $0x6;
	s4 =	sor.u32 s0, s1  }
0x9: {  	s1 =	rddreg [dreg:$0x2];
	_ =	strace $0x8000004A;
	s30 =	sshrl.u32 s5, $0x1  }
0xa: {  	s7 =	smul.u32 $0x4E2, s4;
	s11 =	sadd.s32 s8, s6;
	s8 =	sadd.s32 s8, s9  }
0xb: {  	s4 =	sadd.s32 $0x8CA00, s6;
	s12 =	ssub.s32 s5, s30;
	s9 =	sadd.s32 s8, s6  }
0xc: {  	s5 =	sadd.s32 $0x14A00, s11;
	s10 =	sadd.s32 s7, s6;
	s7 =	sshrl.u32 s29, $0x2  }
0xd: {  	s6 =	sor.u32 $0x1C03, s31;
	s9 =	sadd.s32 $0xB3C00, s9;
	s13 =	sadd.s32 s7, s2  }
0xe: {  	s7 =	sadd.s32 $0xAC00, s10;
	s8 =	sadd.s32 $0xE00, s10;
	s10 =	smax.u32 s12, $0x1  }
0xf: {  	s12 =	simm.s32 $0x3;
	s11 =	sshrl.u32 s13, $0x3;
	s13 =	simm.s32 $0x2780  }
.LBB2_1:
0x10: {  	[spmem:s11], [sflag:s6] =	dma.local [hbm:s5], $0x2800  }
0x11: {  	_ =	swait.ge [sflag:s12], $0x2800  }
0x12: {  	[sflag:s12] =	ssyncset.done $0x0  }
0x13: {  	[sflag:s12] =	ssyncadd.s32 $0xFFFFD800  }
0x14: {  	[tilespmem:s3], [sflag:$0x3] =	stream.linear.gather [hbm4b:s7+s3], $0x2710, $0x38;
	[tilespmem:$0x1E000] =	vst v63  }
0x15: {  	_ =	swait.ge [sflag:s12], $0x2710  }
0x16: {  	[sflag:s12] =	ssyncset.done $0x0  }
0x17: {  	[sflag:s12] =	ssyncadd.s32 $0xFFFFD8F0  }
0x18: {  	[tilespmem:s13], [sflag:$0x3] =	stream.linear.gather [hbm4b:s8+s3], $0x2710, $0x38;
	[tilespmem:$0x1E000] =	vst v63  }
0x19: {  	_ =	swait.ge [sflag:s12], $0x2710  }
0x1a: {  	[sflag:s12] =	ssyncset.done $0x0  }
0x1b: {  	[sflag:s12] =	ssyncadd.s32 $0xFFFFD8F0  }
0x1c: {  	[bflag:$0x0] =	sbarrier.arrive $0xFFFF  }
0x1d: {  	v0 =	vld [tilespmem:$0x2780]  }
0x1e: {  	v1 =	vld [tilespmem:$0x2790]  }
0x1f: {  	v2 =	vld [tilespmem:$0x27A0]  }
0x20: {  	v3 =	vld [tilespmem:$0x27B0]  }
0x21: {  	v4 =	vld [tilespmem:$0x27C0]  }
0x22: {  	[tilespmem:$0x4F00] =	vst v0  }
0x23: {  	[tilespmem:$0x4F10] =	vst v1  }
0x24: {  	[tilespmem:$0x4F20] =	vst v2  }
0x25: {  	[tilespmem:$0x4F30] =	vst v3  }
0x26: {  	s23 =	simm.s32 $0x0;
	[tilespmem:$0x4F40] =	vst v4  }
0x27: {  	[tilespmem:s15], [sflag:$0x1] =	stream.indirect.gather [hbm4b:s4+s14], $0x80, s3, s14, $0xb8;
	[tilespmem:$0x1E000] =	vst v63  }
0x28: {  	v0 =	vld [tilespmem:s23+$0x27D0];
	_ =	sdelay $0x4  }
0x29: {  	[tilespmem:$0x4F80] =	vst v0  }
0x2a: {  	v0 =	vld [tilespmem:s23+$0x27E0];
	_ =	sdelay $0x4  }
0x2b: {  	[tilespmem:$0x4F90] =	vst v0  }
0x2c: {  	v0 =	vld [tilespmem:s23+$0x27F0];
	_ =	sdelay $0x4  }
0x2d: {  	[tilespmem:$0x4FA0] =	vst v0  }
0x2e: {  	v0 =	vld [tilespmem:s23+$0x2800];
	_ =	sdelay $0x4  }
0x2f: {  	[tilespmem:$0x4FB0] =	vst v0  }
0x30: {  	v0 =	vld [tilespmem:s23+$0x2810];
	_ =	sdelay $0x4  }
0x31: {  	s24 =	simm.s32 $0x50;
	[tilespmem:$0x4FC0] =	vst v0  }
0x32: {  	[tilespmem:s16], [sflag:$0x2] =	stream.indirect.gather [hbm4b:s4+s14], $0x80, s24, s14, $0xb8;
	[tilespmem:$0x1E000] =	vst v63  }
0x33: {  	_ =	swait.ge [sflag:s17], $0x2800  }
0x34: {  	[sflag:s17] =	ssyncset.done $0x0  }
0x35: {  	[sflag:s17] =	ssyncadd.s32 $0xFFFFD800  }
0x36: {  	[spmem:s2] =	stream.indirect.scatter.add.f32 [tilespmem:s15], [sflag:$0x4], $0x80, s18, s14, $0xb8;
	[tilespmem:$0x1E000] =	vst v63  }
0x37: {  	_ =	swait.ge [sflag:s19], $0x2800  }
0x38: {  	[sflag:s19] =	ssyncset.done $0x0  }
0x39: {  	[sflag:s19] =	ssyncadd.s32 $0xFFFFD800  }
0x3a: {  	v63 =	vld [tilespmem:s23+$0x2820];
	_ =	sdelay $0x4  }
0x3b: {  	[tilespmem:$0x4F00] =	vst v63  }
0x3c: {  	v0 =	vld [tilespmem:s23+$0x2830];
	_ =	sdelay $0x4  }
0x3d: {  	[tilespmem:$0x4F10] =	vst v0  }
0x3e: {  	v0 =	vld [tilespmem:s23+$0x2840];
	_ =	sdelay $0x4  }
0x3f: {  	[tilespmem:$0x4F20] =	vst v0  }
0x40: {  	v0 =	vld [tilespmem:s23+$0x2850];
	_ =	sdelay $0x4  }
0x41: {  	[tilespmem:$0x4F30] =	vst v0  }
0x42: {  	v0 =	vld [tilespmem:s23+$0x2860];
	_ =	sdelay $0x4  }
0x43: {  	s31 =	simm.s32 $0xA0;
	[tilespmem:$0x4F40] =	vst v0  }
0x44: {  	[tilespmem:s15], [sflag:$0x1] =	stream.indirect.gather [hbm4b:s4+s14], $0x80, s31, s14, $0xb8;
	[tilespmem:$0x1E000] =	vst v63  }
0x45: {  	_ =	swait.ge [sflag:s20], $0x2800  }
0x46: {  	[sflag:s20] =	ssyncset.done $0x0  }
0x47: {  	[sflag:s20] =	ssyncadd.s32 $0xFFFFD800  }
0x48: {  	[spmem:s2] =	stream.indirect.scatter.add.f32 [tilespmem:s16], [sflag:$0x3], $0x80, s21, s14, $0xb8;
	[tilespmem:$0x1E000] =	vst v63  }
0x49: {  	_ =	swait.ge [sflag:s12], $0x2800  }
0x4a: {  	s26 =	simm.s32 $0x500;
	s23 =	simm.s32 $0x280;
	[sflag:s12] =	ssyncset.done $0x0  }
.LBB2_2:
0x4b: {  	s25 =	sshra.s32 s23, $0x2  }
0x4c: {  	[sflag:s12] =	ssyncadd.s32 $0xFFFFD800;
	s23 =	smov.u32 s26;
	s24 =	sadd.s32 $0x280, s26  }
0x4d: {  	p0 =	sne.s32 s26, $0x9880;
	v0 =	vld [tilespmem:s25+$0x27D0];
	_ =	sdelay $0x4  }
0x4e: {  	[tilespmem:$0x4F80] =	vst v0  }
0x4f: {  	v0 =	vld [tilespmem:s25+$0x27E0];
	_ =	sdelay $0x4  }
0x50: {  	[tilespmem:$0x4F90] =	vst v0  }
0x51: {  	v0 =	vld [tilespmem:s25+$0x27F0];
	_ =	sdelay $0x4  }
0x52: {  	[tilespmem:$0x4FA0] =	vst v0  }
0x53: {  	v0 =	vld [tilespmem:s25+$0x2800];
	_ =	sdelay $0x4  }
0x54: {  	[tilespmem:$0x4FB0] =	vst v0  }
0x55: {  	v0 =	vld [tilespmem:s25+$0x2810];
	_ =	sdelay $0x4  }
0x56: {  	s26 =	sadd.s32 $0x50, s25;
	[tilespmem:$0x4FC0] =	vst v0  }
0x57: {  	[tilespmem:s16], [sflag:$0x2] =	stream.indirect.gather [hbm4b:s4+s14], $0x80, s26, s14, $0xb8;
	[tilespmem:$0x1E000] =	vst v63  }
0x58: {  	_ =	swait.ge [sflag:s17], $0x2800  }
0x59: {  	[sflag:s17] =	ssyncset.done $0x0  }
0x5a: {  	[sflag:s17] =	ssyncadd.s32 $0xFFFFD800  }
0x5b: {  	[spmem:s2] =	stream.indirect.scatter.add.f32 [tilespmem:s15], [sflag:$0x4], $0x80, s18, s14, $0xb8;
	[tilespmem:$0x1E000] =	vst v63  }
0x5c: {  	_ =	swait.ge [sflag:s19], $0x2800  }
0x5d: {  	[sflag:s19] =	ssyncset.done $0x0  }
0x5e: {  	[sflag:s19] =	ssyncadd.s32 $0xFFFFD800  }
0x5f: {  	v0 =	vld [tilespmem:s25+$0x2820];
	_ =	sdelay $0x4  }
0x60: {  	[tilespmem:$0x4F00] =	vst v0  }
0x61: {  	v0 =	vld [tilespmem:s25+$0x2830];
	_ =	sdelay $0x4  }
0x62: {  	[tilespmem:$0x4F10] =	vst v0  }
0x63: {  	v0 =	vld [tilespmem:s25+$0x2840];
	_ =	sdelay $0x4  }
0x64: {  	[tilespmem:$0x4F20] =	vst v0  }
0x65: {  	v0 =	vld [tilespmem:s25+$0x2850];
	_ =	sdelay $0x4  }
0x66: {  	[tilespmem:$0x4F30] =	vst v0  }
0x67: {  	v0 =	vld [tilespmem:s25+$0x2860];
	_ =	sdelay $0x4  }
0x68: {  	s25 =	sadd.s32 $0xA0, s25;
	[tilespmem:$0x4F40] =	vst v0  }
0x69: {  	[tilespmem:s15], [sflag:$0x1] =	stream.indirect.gather [hbm4b:s4+s14], $0x80, s25, s14, $0xb8;
	[tilespmem:$0x1E000] =	vst v63  }
0x6a: {  	_ =	swait.ge [sflag:s20], $0x2800  }
.Ltmp0:
0x6b: {  	[sflag:s20] =	ssyncset.done $0x0;
	(pc) =	sbr.rel @p0 .LBB2_2-.Ltmp0, $4  }
0x6c: {  	[sflag:s20] =	ssyncadd.s32 $0xFFFFD800  }
0x6d: {  	[spmem:s2] =	stream.indirect.scatter.add.f32 [tilespmem:s16], [sflag:$0x3], $0x80, s21, s14, $0xb8;
	[tilespmem:$0x1E000] =	vst v63  }
0x6e: {  	_ =	swait.ge [sflag:s12], $0x2800  }
0x6f: {  	s26 =	smov.u32 s24;
	[sflag:s12] =	ssyncset.done $0x0  }
0x70: {  	s23 =	sshra.s32 s23, $0x2;
	[sflag:s12] =	ssyncadd.s32 $0xFFFFD800  }
0x71: {  	v0 =	vld [tilespmem:s23+$0x27D0];
	_ =	sdelay $0x4  }
0x72: {  	[tilespmem:$0x4F80] =	vst v0  }
0x73: {  	v0 =	vld [tilespmem:s23+$0x27E0];
	_ =	sdelay $0x4  }
0x74: {  	[tilespmem:$0x4F90] =	vst v0  }
0x75: {  	v0 =	vld [tilespmem:s23+$0x27F0];
	_ =	sdelay $0x4  }
0x76: {  	[tilespmem:$0x4FA0] =	vst v0  }
0x77: {  	v0 =	vld [tilespmem:s23+$0x2800];
	_ =	sdelay $0x4  }
0x78: {  	[tilespmem:$0x4FB0] =	vst v0  }
0x79: {  	v0 =	vld [tilespmem:s23+$0x2810];
	_ =	sdelay $0x4  }
0x7a: {  	s24 =	sadd.s32 $0x50, s23;
	[tilespmem:$0x4FC0] =	vst v0  }
0x7b: {  	[tilespmem:s16], [sflag:$0x2] =	stream.indirect.gather [hbm4b:s4+s14], $0x80, s24, s14, $0xb8;
	[tilespmem:$0x1E000] =	vst v63  }
0x7c: {  	_ =	swait.ge [sflag:s17], $0x2800  }
0x7d: {  	[sflag:s17] =	ssyncset.done $0x0  }
0x7e: {  	[sflag:s17] =	ssyncadd.s32 $0xFFFFD800  }
0x7f: {  	[spmem:s2] =	stream.indirect.scatter.add.f32 [tilespmem:s15], [sflag:$0x4], $0x80, s18, s14, $0xb8;
	[tilespmem:$0x1E000] =	vst v63  }
0x80: {  	_ =	swait.ge [sflag:s19], $0x2800  }
0x81: {  	[sflag:s19] =	ssyncset.done $0x0  }
0x82: {  	[sflag:s19] =	ssyncadd.s32 $0xFFFFD800  }
0x83: {  	v63 =	vld [tilespmem:s23+$0x2820];
	_ =	sdelay $0x4  }
0x84: {  	[tilespmem:$0x4F00] =	vst v63  }
0x85: {  	v0 =	vld [tilespmem:s23+$0x2830];
	_ =	sdelay $0x4  }
0x86: {  	[tilespmem:$0x4F10] =	vst v0  }
0x87: {  	v0 =	vld [tilespmem:s23+$0x2840];
	_ =	sdelay $0x4  }
0x88: {  	[tilespmem:$0x4F20] =	vst v0  }
0x89: {  	v0 =	vld [tilespmem:s23+$0x2850];
	_ =	sdelay $0x4  }
0x8a: {  	[tilespmem:$0x4F30] =	vst v0  }
0x8b: {  	v0 =	vld [tilespmem:s23+$0x2860];
	_ =	sdelay $0x4  }
0x8c: {  	s23 =	sadd.s32 $0xA0, s23;
	[tilespmem:$0x4F40] =	vst v0  }
0x8d: {  	[tilespmem:s15], [sflag:$0x1] =	stream.indirect.gather [hbm4b:s4+s14], $0x80, s23, s14, $0xb8;
	[tilespmem:$0x1E000] =	vst v63  }
0x8e: {  	_ =	swait.ge [sflag:s20], $0x2800  }
0x8f: {  	[sflag:s20] =	ssyncset.done $0x0  }
0x90: {  	[sflag:s20] =	ssyncadd.s32 $0xFFFFD800  }
0x91: {  	[spmem:s2] =	stream.indirect.scatter.add.f32 [tilespmem:s16], [sflag:$0x3], $0x80, s21, s14, $0xb8;
	[tilespmem:$0x1E000] =	vst v63  }
0x92: {  	_ =	swait.ge [sflag:s12], $0x2800  }
0x93: {  	[sflag:s12] =	ssyncset.done $0x0  }
0x94: {  	[sflag:s12] =	ssyncadd.s32 $0xFFFFD800  }
0x95: {  	_ =	swait.ge [sflag:s17], $0x2800  }
0x96: {  	[sflag:s17] =	ssyncset.done $0x0  }
0x97: {  	[sflag:s17] =	ssyncadd.s32 $0xFFFFD800  }
0x98: {  	[spmem:s2] =	stream.indirect.scatter.add.f32 [tilespmem:s15], [sflag:$0x4], $0x80, s18, s14, $0xb8;
	[tilespmem:$0x1E000] =	vst v63  }
0x99: {  	_ =	swait.ge [sflag:s19], $0x2800  }
0x9a: {  	s22 =	sadd.s32 $0x1, s22;
	[sflag:s19] =	ssyncset.done $0x0  }
0x9b: {  	p0 =	sne.s32 s22, s10;
	[sflag:s19] =	ssyncadd.s32 $0xFFFFD800  }
.Ltmp1:
0x9c: {  	[bflag:$0x0] =	sbarrier.arrive $0xFFFF;
	(pc) =	sbr.rel @p0 .LBB2_1-.Ltmp1, $4  }
0x9d: {  	[hbm:s9], [sflag:s6] =	dma.local [spmem:s11], $0x2800  }
0x9e: {  	_ =	swait.ge [sflag:s12], $0x2800  }
0x9f: {  	[sflag:s12] =	ssyncset.done $0x0  }
0xa0: {  	[sflag:s12] =	ssyncadd.s32 $0xFFFFD800  }
0xa1: {  	_ =	sfence.sel $0x180000  }
0xa2: {  	[bflag:$0x0] =	sbarrier.arrive $0xFFFF  }
0xa3: {  	p0 =	sne.s32 s0, $0x0;
	_ =	strace $0x9000004A  }
0xa4: {  	s0 =	sadd.s32 @!p0 $0x100000, s1;
	[bflag:$0x2] =	sbarrier.arrive $0xFFFF  }
0xa5: {  	[sflag:s0] =	ssyncadd.tile.s32 @!p0 $0x1;
	_ =	shalt  }
.Lfunc_end2:
_tile_overlayer_lowered:
.L_overlay_start_2:
0xa6: {  	(tag) =	ssettag $0x2  }
0xa7: {  	s0 =	rddreg [dreg:$0x0];
	s2 =	stileid.u32  }
0xa8: {  	s1 =	rddreg [dreg:$0x1];
	p0 =	sne.s32 s2, $0x0  }
0xa9: {  	s3 =	rddreg [dreg:$0x2];
	[bflag:$0x3] =	sbarrier.arrive $0xFFFF;
	s2 =	simm.s32 @!p0 $0x1C03  }
0xaa: {  	[timem:s3], [sflag:s2] =	dma.local @!p0 [hbm:s0], s1  }
0xab: {  	s0 =	simm.s32 @!p0 $0x3  }
0xac: {  	_ =	swait.ge @!p0 [sflag:s0], s1  }
0xad: {  	s1 =	ssub.s32 @!p0 $0x0, s1;
	[sflag:s0] =	ssyncset.done @!p0 $0x0  }
0xae: {  	[sflag:s0] =	ssyncadd.s32 @!p0 s1  }
0xaf: {  	[bflag:$0x3] =	sbarrier.arrive $0xFFFF  }
0xb0: {  	_ =	shalt  }

// kernel: kernel.17.cloned.1.call-start
scs
__scs_entry_jumppad:
0x0: {  	(pc) =	sbr.rel $0x88, $3  }
0x1: {  	(tag) =	ssettag $0x0;
	lr =	simm.s32 $0x1  }
0x2: {  	[smem:$0x3F8F] =	sst lr;
	_ =	strace $0xD0000000  }
0x3: {  	_ = 	snop  }
0x4: {  	_ = 	snop  }
0x5: {  	_ = 	snop  }
0x6: {  	_ = 	snop  }
0x7: {  	_ = 	snop  }
__scs_overlays_trampoline_lowered:
0x8: {  	[smem:$0x3F9E] =	sst s0  }
0x9: {  	[smem:$0x3F9F] =	sst s1  }
0xa: {  	[smem:$0x3FA0] =	sst s2  }
0xb: {  	[smem:$0x3FA1] =	sst s3  }
0xc: {  	[smem:$0x3FA2] =	sst s4  }
0xd: {  	[smem:$0x3FA3] =	sst s5  }
0xe: {  	[smem:$0x3FA4] =	sst s6  }
0xf: {  	[smem:$0x3FA5] =	sst s7  }
0x10: {  	[smem:$0x3FA6] =	sst s8  }
0x11: {  	[smem:$0x3FA7] =	sst s9;
	s0 =	simm.s32 @!p0 $0x0  }
0x12: {  	s1 =	sld [smem:$0x3F8D];
	s0 =	simm.s32 @p0 $0x1  }
0x13: {  	[smem:$0x3FA8] =	sst s0;
	s0 =	simm.s32 @!p1 $0x0  }
0x14: {  	s2 =	sld [smem:$0x3F8C];
	s0 =	simm.s32 @p1 $0x1  }
0x15: {  	[smem:$0x3FA9] =	sst s0;
	s0 =	simm.s32 @!p2 $0x0  }
0x16: {  	s3 =	sld [smem:$0x3FDB];
	s0 =	simm.s32 @p2 $0x1  }
0x17: {  	s4 =	simm.s32 $0x1BF5;
	[smem:$0x3FAB] =	sst s0  }
0x18: {  	s0 =	sld [smem:$0x3F8E];
	_ =	swait.ge [sflag:s4], $0x0  }
0x19: {  	s7 =	sld [smem:$0x3F8F]  }
0x1a: {  	s8 =	sadd.s32 $0xFFFFE003, lr  }
0x1b: {  	s9 =	sadd.s32 $0xFFFFFEF7, lr;
	s5 =	simm.s32 $0xFFFFFFFF;
	p2 =	slt.u32 s8, $0xFFFFF086  }
0x1c: {  	p1 =	slt.u32 s9, $0xF7A;
	s5 =	simm.s32 @!p2 $0x0  }
0x1d: {  	s5 =	simm.s32 @p1 $0x1;
	p0 =	seq.s32 s7, s2  }
0x1e: {  	s7 =	smul.u32 @!p0 $0xF7A, s2;
	p2 =	seq.s32 @!p0 s5, $0x0  }
0x1f: {  	s9 =	smul.u32 $0xF7A, s1;
	s8 =	simm.s32 @!p0 $0x1BF5;
	p2 =	por !p2, p0  }
0x20: {  	[sflag:s8] =	ssyncset.s32 @!p0 $0xFFFFF086;
	s6 =	sadd.s32 @!p0 s3, s7;
	s7 =	simm.s32 @!p0 $0x108  }
0x21: {  	s3 =	sadd.s32 s3, s9;
	s6 =	sadd.s32 @!p0 $0x88, s6;
	s7 =	simm.s32 @p2 $0x1082  }
0x22: {  	[simem:s7], [sflag:s8] =	dma.local @!p0 [hbm:s6], $0xF7A  }
0x23: {  	s9 =	sor.u32 $0xD0000000, s2;
	s6 =	simm.s32 $0x108;
	_ =	swait.ge @!p0 [sflag:s8], $0x0  }
0x24: {  	s3 =	sadd.s32 $0x88, s3;
	s6 =	simm.s32 @!p1 $0x1082;
	[sflag:s4] =	ssyncset.s32 $0xFFFFF086  }
0x25: {  	[simem:s6], [sflag:s4] =	dma.local [hbm:s3], $0xF7A  }
0x26: {  	[smem:$0x3F8F] =	sst s1;
	(tag) =	ssettag s2;
	_ =	strace s9  }
0x27: {  	s1 =	sld [smem:$0x3F9F]  }
0x28: {  	s2 =	sld [smem:$0x3FA0]  }
0x29: {  	s4 =	sld [smem:$0x3FA2]  }
0x2a: {  	p0 =	seq.s32 s5, $0x0;
	s5 =	sld [smem:$0x3FA3]  }
0x2b: {  	s6 =	sld [smem:$0x3FA4]  }
0x2c: {  	s7 =	sld [smem:$0x3FA5]  }
0x2d: {  	s3 =	simm.s32 $0x108;
	s8 =	sld [smem:$0x3FA6]  }
0x2e: {  	s3 =	simm.s32 @!p0 $0x1082;
	s9 =	sld [smem:$0x3FA7]  }
0x2f: {  	lr =	sadd.s32 s0, s3;
	s0 =	sld [smem:$0x3F9E]  }
0x30: {  	s3 =	sld [smem:$0x3FA1]  }
0x31: {  	[smem:$0x3FAA] =	sst s10  }
0x32: {  	s10 =	sld [smem:$0x3FA8];
	_ =	sdelay $0x3  }
0x33: {  	p0 =	seq.s32 s10, $0x1;
	s10 =	sld [smem:$0x3FAA];
	_ =	sdelay $0x3  }
0x34: {  	[smem:$0x3FAA] =	sst s10  }
0x35: {  	s10 =	sld [smem:$0x3FA9];
	_ =	sdelay $0x3  }
0x36: {  	p1 =	seq.s32 s10, $0x1;
	s10 =	sld [smem:$0x3FAA];
	_ =	sdelay $0x3  }
0x37: {  	[smem:$0x3FAA] =	sst s10  }
0x38: {  	s10 =	sld [smem:$0x3FAB]  }
0x39: {  	_ = 	snop;
	(pc) =	sbr.ind lr, $3  }
0x3a: {  	_ = 	snop  }
0x3b: {  	_ = 	snop  }
0x3c: {  	p2 =	seq.s32 s10, $0x1;
	s10 =	sld [smem:$0x3FAA]  }
0x3d: {  	_ =	shalt  }
0x3e: {  	_ =	shalt  }
0x3f: {  	_ =	shalt  }
0x40: {  	_ =	shalt  }
0x41: {  	_ =	shalt  }
0x42: {  	_ =	shalt  }
0x43: {  	_ =	shalt  }
0x44: {  	_ =	shalt  }
0x45: {  	_ =	shalt  }
0x46: {  	_ =	shalt  }
0x47: {  	_ =	shalt  }
0x48: {  	_ =	shalt  }
0x49: {  	_ =	shalt  }
0x4a: {  	_ =	shalt  }
0x4b: {  	_ =	shalt  }
0x4c: {  	_ =	shalt  }
0x4d: {  	_ =	shalt  }
0x4e: {  	_ =	shalt  }
0x4f: {  	_ =	shalt  }
0x50: {  	_ =	shalt  }
0x51: {  	_ =	shalt  }
0x52: {  	_ =	shalt  }
0x53: {  	_ =	shalt  }
0x54: {  	_ =	shalt  }
0x55: {  	_ =	shalt  }
0x56: {  	_ =	shalt  }
0x57: {  	_ =	shalt  }
0x58: {  	_ =	shalt  }
0x59: {  	_ =	shalt  }
0x5a: {  	_ =	shalt  }
0x5b: {  	_ =	shalt  }
0x5c: {  	_ =	shalt  }
0x5d: {  	_ =	shalt  }
0x5e: {  	_ =	shalt  }
0x5f: {  	_ =	shalt  }
0x60: {  	_ =	shalt  }
0x61: {  	_ =	shalt  }
0x62: {  	_ =	shalt  }
0x63: {  	_ =	shalt  }
0x64: {  	_ =	shalt  }
0x65: {  	_ =	shalt  }
0x66: {  	_ =	shalt  }
0x67: {  	_ =	shalt  }
0x68: {  	_ =	shalt  }
0x69: {  	_ =	shalt  }
0x6a: {  	_ =	shalt  }
0x6b: {  	_ =	shalt  }
0x6c: {  	_ =	shalt  }
0x6d: {  	_ =	shalt  }
0x6e: {  	_ =	shalt  }
0x6f: {  	_ =	shalt  }
0x70: {  	_ =	shalt  }
0x71: {  	_ =	shalt  }
0x72: {  	_ =	shalt  }
0x73: {  	_ =	shalt  }
0x74: {  	_ =	shalt  }
0x75: {  	_ =	shalt  }
0x76: {  	_ =	shalt  }
0x77: {  	_ =	shalt  }
0x78: {  	_ =	shalt  }
0x79: {  	_ =	shalt  }
0x7a: {  	_ =	shalt  }
0x7b: {  	_ =	shalt  }
0x7c: {  	_ =	shalt  }
0x7d: {  	_ =	shalt  }
0x7e: {  	_ =	shalt  }
0x7f: {  	_ =	shalt  }
0x80: {  	_ =	shalt  }
0x81: {  	_ =	shalt  }
0x82: {  	_ =	shalt  }
0x83: {  	_ =	shalt  }
0x84: {  	_ =	shalt  }
0x85: {  	_ =	shalt  }
0x86: {  	_ =	shalt  }
0x87: {  	_ =	shalt  }
.Lfunc_end0:
.L_simem_size_0:
called_computation.2_lowered:
.L_overlay_start_0:
0x88: {  	s2 =	sld [smem:$0x3FD9]  }
0x89: {  	s3 =	sld [smem:$0x3FFE];
	_ =	sdelay $0x1  }
0x8a: {  	s1 =	srdreg.scid  }
0x8b: {  	s0 =	sand.u32 $0x1, s1  }
0x8c: {  	s16 =	sshll.u32 s0, $0xA;
	s2 =	sadd.s32 s3, s2  }
0x8d: {  	s2 =	sadd.s32 s2, s16  }
0x8e: {  	[smem:$0x3FB6] =	sst s2  }
0x8f: {  	_ = 	snop  }
0x90: {  	(tm) =	ssettm $0x1  }
0x91: {  	s17 =	sld [smem:$0x3FFB];
	_ =	sdelay $0x3  }
0x92: {  	_ =	strace s17  }
0x93: {  	s2 =	sld [smem:$0x3FFC];
	_ =	sdelay $0x3  }
0x94: {  	_ =	strace s2  }
0x95: {  	s2 =	sld [smem:$0x3FFD];
	_ =	sdelay $0x3  }
0x96: {  	_ =	strace s2  }
0x97: {  	_ =	strace $0x8FFFFFFF  }
0x98: {  	s18 =	sld [smem:$0x3FDB];
	_ =	sdelay $0x1  }
0x99: {  	s19 =	simm.s32 $_scs_section_size  }
0x9a: {  	s4 =	simm.s32 $_size__tile_overlayer_lowered;
	s5 =	simm.s32 $_tile_overlayer_lowered  }
0x9b: {  	s22 =	simm.s32 $0x1BFF;
	s21 =	sshll.u32 s5, $0x1;
	s2 =	sadd.s32 s19, s18  }
0x9c: {  	s6 =	simm.s32 $0x0;
	s20 =	sshll.u32 s4, $0x1;
	s4 =	sadd.s32 s21, s2  }
0x9d: {  	[timem:s6], [sflag:s22] =	dma.local [hbm:s4], s20  }
0x9e: {  	_ =	swait.ge [sflag:s22], s20  }
0x9f: {  	s3 =	ssub.s32 $0x0, s20;
	[sflag:s22] =	ssyncset.done $0x0  }
0xa0: {  	[sflag:s22] =	ssyncadd.s32 s3;
	_ =	sdelay $0x1  }
0xa1: {  	s23 =	simm.s32 $0x1B8B  }
0xa2: {  	_ =	swait.ge [sflag:s23], $0x1  }
0xa3: {  	[sflag:s23] =	ssyncset.done $0x0  }
0xa4: {  	s25 =	simm.s32 $0x1B8E;
	s24 =	sld [smem:$0x3FFE];
	[sflag:s23] =	ssyncadd.s32 $0xFFFFFFFF  }
0xa5: {  	s26 =	simm.s32 $execute0_lowered;
	[smem:$0x3FD2] =	sst s25  }
0xa6: {  	s4 =	sshll.u32 s26, $0x1;
	_ =	strace $0x8000004C;
	[dreg:$0x1] =	wrdreg $0xFFFFFFFF  }
0xa7: {  	s28 =	simm.s32 $_size_execute0_lowered;
	s2 =	sadd.s32 s2, s4;
	[dreg:$0x0] =	wrdreg $0x0  }
0xa8: {  	s4 =	sshll.u32 s28, $0x1;
	[dreg:$0x2] =	wrdreg s2  }
0xa9: {  	[dreg:$0x3] =	wrdreg s4  }
0xaa: {  	[dreg:$0x4] =	wrdreg $0xC0  }
0xab: {  	_ =	task [dreg:s6], $0x5FFFF  }
0xac: {  	[dreg:$0x1] =	wrdreg $0xFFFFFFFF  }
0xad: {  	[dreg:$0x0] =	wrdreg $0x60  }
0xae: {  	[dreg:$0x2] =	wrdreg s24  }
0xaf: {  	[dreg:$0x3] =	wrdreg $0xA0000  }
0xb0: {  	[dreg:$0x4] =	wrdreg $0x9  }
0xb1: {  	_ =	task.clear_ibuf [dreg:s6], $0x5FFFF;
	_ =	strace $0x9000004C  }
0xb2: {  	s29 =	simm.s32 $0x9;
	_ =	strace $0x8000004E  }
0xb3: {  	_ =	swait.ge [sflag:s29], $0x1  }
0xb4: {  	[sflag:s29] =	ssyncadd.s32 $0xFFFFFFFF  }
0xb5: {  	_ =	strace $0x9000004E  }
0xb6: {  	_ =	sfence  }
0xb7: {  	s30 =	sld [smem:$0x0];
	_ =	sdelay $0x2  }
0xb8: {  	s31 =	sshll.u32 s1, $0xD;
	s1 =	sshrl.u32 s1, $0x2  }
0xb9: {  	s3 =	sand.u32 $0x4000, s31;
	s1 =	sadd.s32 s1, s30  }
0xba: {  	s0 =	sor.u32 s3, s0;
	s1 =	sshll.u32 s1, $0x11  }
0xbb: {  	s0 =	sor.u32 s1, s0  }
0xbc: {  	s0 =	sadd.s32 $0x8F2B, s0  }
0xbd: {  	[sflag:s0] =	ssyncadd.remote.s32 $0x1  }
0xbe: {  	_ =	sfence.sel $0xFFFF  }
0xbf: {  	[dreg:$0x0] =	wrdreg $0xFFFFFFFF;
	(pc) =	sbr.abs _section_cstart, $3  }
0xc0: {  	[dreg:$0x1] =	wrdreg $0xFFFFFFFF  }
0xc1: {  	_ =	task.clear_ibuf [dreg:s6], $0x2FFFF;
	_ =	strace $0x9FFFFFFF  }
0xc2: {  	(tm) =	ssettm $0x7FFFFFFF  }
0xc3: {  	_ =	shalt  }
tec
execute0_lowered:
.L_overlay_start_1:
0x0: {  	(tag) =	ssettag $0x1  }
0x1: {  	s0 =	srdreg.scid;
	s6 =	rddreg [dreg:$0x0]  }
0x2: {  	s2 =	rddreg [dreg:$0x1];
	s3 =	simm.s32 $0x0;
	s14 =	simm.s32 $0x50  }
0x3: {  	s15 =	simm.s32 $0x5000;
	s16 =	simm.s32 $0x7800;
	s17 =	simm.s32 $0x1  }
0x4: {  	s18 =	simm.s32 $0x4F00;
	s5 =	sand.u32 $0x1, s0;
	s0 =	stileid.u32  }
0x5: {  	s19 =	simm.s32 $0x4;
	s20 =	simm.s32 $0x2;
	s8 =	smul.u32 $0x2800, s0  }
0x6: {  	s21 =	simm.s32 $0x4F80;
	s22 =	simm.s32 $0x0;
	s9 =	smul.u32 $0x28000, s5  }
0x7: {  	[smem:$0x7FF] =	sst s3;
	s1 =	sshll.u32 s5, $0x4;
	s29 =	smul.u32 $0x50000, s0  }
0x8: {  	s5 =	ssub.s32 $0x2, s5;
	s31 =	sshll.u32 s0, $0x6;
	s4 =	sor.u32 s0, s1  }
0x9: {  	s1 =	rddreg [dreg:$0x2];
	_ =	strace $0x8000004D;
	s30 =	sshrl.u32 s5, $0x1  }
0xa: {  	s7 =	smul.u32 $0x4E2, s4;
	s11 =	sadd.s32 s8, s6;
	s8 =	sadd.s32 s8, s9  }
0xb: {  	s4 =	sadd.s32 $0x8CA00, s6;
	s12 =	ssub.s32 s5, s30;
	s9 =	sadd.s32 s8, s6  }
0xc: {  	s5 =	sadd.s32 $0x14A00, s11;
	s10 =	sadd.s32 s7, s6;
	s7 =	sshrl.u32 s29, $0x2  }
0xd: {  	s6 =	sor.u32 $0x1C03, s31;
	s9 =	sadd.s32 $0xB3C00, s9;
	s13 =	sadd.s32 s7, s2  }
0xe: {  	s7 =	sadd.s32 $0xAC00, s10;
	s8 =	sadd.s32 $0xE00, s10;
	s10 =	smax.u32 s12, $0x1  }
0xf: {  	s12 =	simm.s32 $0x3;
	s11 =	sshrl.u32 s13, $0x3;
	s13 =	simm.s32 $0x2780  }
.LBB2_1:
0x10: {  	[spmem:s11], [sflag:s6] =	dma.local [hbm:s5], $0x2800  }
0x11: {  	_ =	swait.ge [sflag:s12], $0x2800  }
0x12: {  	[sflag:s12] =	ssyncset.done $0x0  }
0x13: {  	[sflag:s12] =	ssyncadd.s32 $0xFFFFD800  }
0x14: {  	[tilespmem:s3], [sflag:$0x3] =	stream.linear.gather [hbm4b:s7+s3], $0x2710, $0x38;
	[tilespmem:$0x1E000] =	vst v63  }
0x15: {  	_ =	swait.ge [sflag:s12], $0x2710  }
0x16: {  	[sflag:s12] =	ssyncset.done $0x0  }
0x17: {  	[sflag:s12] =	ssyncadd.s32 $0xFFFFD8F0  }
0x18: {  	[tilespmem:s13], [sflag:$0x3] =	stream.linear.gather [hbm4b:s8+s3], $0x2710, $0x38;
	[tilespmem:$0x1E000] =	vst v63  }
0x19: {  	_ =	swait.ge [sflag:s12], $0x2710  }
0x1a: {  	[sflag:s12] =	ssyncset.done $0x0  }
0x1b: {  	[sflag:s12] =	ssyncadd.s32 $0xFFFFD8F0  }
0x1c: {  	[bflag:$0x0] =	sbarrier.arrive $0xFFFF  }
0x1d: {  	v0 =	vld [tilespmem:$0x2780]  }
0x1e: {  	v1 =	vld [tilespmem:$0x2790]  }
0x1f: {  	v2 =	vld [tilespmem:$0x27A0]  }
0x20: {  	v3 =	vld [tilespmem:$0x27B0]  }
0x21: {  	v4 =	vld [tilespmem:$0x27C0]  }
0x22: {  	[tilespmem:$0x4F00] =	vst v0  }
0x23: {  	[tilespmem:$0x4F10] =	vst v1  }
0x24: {  	[tilespmem:$0x4F20] =	vst v2  }
0x25: {  	[tilespmem:$0x4F30] =	vst v3  }
0x26: {  	s23 =	simm.s32 $0x0;
	[tilespmem:$0x4F40] =	vst v4  }
0x27: {  	[tilespmem:s15], [sflag:$0x1] =	stream.indirect.gather [hbm4b:s4+s14], $0x80, s3, s14, $0xb8;
	[tilespmem:$0x1E000] =	vst v63  }
0x28: {  	v0 =	vld [tilespmem:s23+$0x27D0];
	_ =	sdelay $0x4  }
0x29: {  	[tilespmem:$0x4F80] =	vst v0  }
0x2a: {  	v0 =	vld [tilespmem:s23+$0x27E0];
	_ =	sdelay $0x4  }
0x2b: {  	[tilespmem:$0x4F90] =	vst v0  }
0x2c: {  	v0 =	vld [tilespmem:s23+$0x27F0];
	_ =	sdelay $0x4  }
0x2d: {  	[tilespmem:$0x4FA0] =	vst v0  }
0x2e: {  	v0 =	vld [tilespmem:s23+$0x2800];
	_ =	sdelay $0x4  }
0x2f: {  	[tilespmem:$0x4FB0] =	vst v0  }
0x30: {  	v0 =	vld [tilespmem:s23+$0x2810];
	_ =	sdelay $0x4  }
0x31: {  	s24 =	simm.s32 $0x50;
	[tilespmem:$0x4FC0] =	vst v0  }
0x32: {  	[tilespmem:s16], [sflag:$0x2] =	stream.indirect.gather [hbm4b:s4+s14], $0x80, s24, s14, $0xb8;
	[tilespmem:$0x1E000] =	vst v63  }
0x33: {  	_ =	swait.ge [sflag:s17], $0x2800  }
0x34: {  	[sflag:s17] =	ssyncset.done $0x0  }
0x35: {  	[sflag:s17] =	ssyncadd.s32 $0xFFFFD800  }
0x36: {  	[spmem:s2] =	stream.indirect.scatter.add.f32 [tilespmem:s15], [sflag:$0x4], $0x80, s18, s14, $0xb8;
	[tilespmem:$0x1E000] =	vst v63  }
0x37: {  	_ =	swait.ge [sflag:s19], $0x2800  }
0x38: {  	[sflag:s19] =	ssyncset.done $0x0  }
0x39: {  	[sflag:s19] =	ssyncadd.s32 $0xFFFFD800  }
0x3a: {  	v63 =	vld [tilespmem:s23+$0x2820];
	_ =	sdelay $0x4  }
0x3b: {  	[tilespmem:$0x4F00] =	vst v63  }
0x3c: {  	v0 =	vld [tilespmem:s23+$0x2830];
	_ =	sdelay $0x4  }
0x3d: {  	[tilespmem:$0x4F10] =	vst v0  }
0x3e: {  	v0 =	vld [tilespmem:s23+$0x2840];
	_ =	sdelay $0x4  }
0x3f: {  	[tilespmem:$0x4F20] =	vst v0  }
0x40: {  	v0 =	vld [tilespmem:s23+$0x2850];
	_ =	sdelay $0x4  }
0x41: {  	[tilespmem:$0x4F30] =	vst v0  }
0x42: {  	v0 =	vld [tilespmem:s23+$0x2860];
	_ =	sdelay $0x4  }
0x43: {  	s31 =	simm.s32 $0xA0;
	[tilespmem:$0x4F40] =	vst v0  }
0x44: {  	[tilespmem:s15], [sflag:$0x1] =	stream.indirect.gather [hbm4b:s4+s14], $0x80, s31, s14, $0xb8;
	[tilespmem:$0x1E000] =	vst v63  }
0x45: {  	_ =	swait.ge [sflag:s20], $0x2800  }
0x46: {  	[sflag:s20] =	ssyncset.done $0x0  }
0x47: {  	[sflag:s20] =	ssyncadd.s32 $0xFFFFD800  }
0x48: {  	[spmem:s2] =	stream.indirect.scatter.add.f32 [tilespmem:s16], [sflag:$0x3], $0x80, s21, s14, $0xb8;
	[tilespmem:$0x1E000] =	vst v63  }
0x49: {  	_ =	swait.ge [sflag:s12], $0x2800  }
0x4a: {  	s26 =	simm.s32 $0x500;
	s23 =	simm.s32 $0x280;
	[sflag:s12] =	ssyncset.done $0x0  }
.LBB2_2:
0x4b: {  	s25 =	sshra.s32 s23, $0x2  }
0x4c: {  	[sflag:s12] =	ssyncadd.s32 $0xFFFFD800;
	s23 =	smov.u32 s26;
	s24 =	sadd.s32 $0x280, s26  }
0x4d: {  	p0 =	sne.s32 s26, $0x9880;
	v0 =	vld [tilespmem:s25+$0x27D0];
	_ =	sdelay $0x4  }
0x4e: {  	[tilespmem:$0x4F80] =	vst v0  }
0x4f: {  	v0 =	vld [tilespmem:s25+$0x27E0];
	_ =	sdelay $0x4  }
0x50: {  	[tilespmem:$0x4F90] =	vst v0  }
0x51: {  	v0 =	vld [tilespmem:s25+$0x27F0];
	_ =	sdelay $0x4  }
0x52: {  	[tilespmem:$0x4FA0] =	vst v0  }
0x53: {  	v0 =	vld [tilespmem:s25+$0x2800];
	_ =	sdelay $0x4  }
0x54: {  	[tilespmem:$0x4FB0] =	vst v0  }
0x55: {  	v0 =	vld [tilespmem:s25+$0x2810];
	_ =	sdelay $0x4  }
0x56: {  	s26 =	sadd.s32 $0x50, s25;
	[tilespmem:$0x4FC0] =	vst v0  }
0x57: {  	[tilespmem:s16], [sflag:$0x2] =	stream.indirect.gather [hbm4b:s4+s14], $0x80, s26, s14, $0xb8;
	[tilespmem:$0x1E000] =	vst v63  }
0x58: {  	_ =	swait.ge [sflag:s17], $0x2800  }
0x59: {  	[sflag:s17] =	ssyncset.done $0x0  }
0x5a: {  	[sflag:s17] =	ssyncadd.s32 $0xFFFFD800  }
0x5b: {  	[spmem:s2] =	stream.indirect.scatter.add.f32 [tilespmem:s15], [sflag:$0x4], $0x80, s18, s14, $0xb8;
	[tilespmem:$0x1E000] =	vst v63  }
0x5c: {  	_ =	swait.ge [sflag:s19], $0x2800  }
0x5d: {  	[sflag:s19] =	ssyncset.done $0x0  }
0x5e: {  	[sflag:s19] =	ssyncadd.s32 $0xFFFFD800  }
0x5f: {  	v0 =	vld [tilespmem:s25+$0x2820];
	_ =	sdelay $0x4  }
0x60: {  	[tilespmem:$0x4F00] =	vst v0  }
0x61: {  	v0 =	vld [tilespmem:s25+$0x2830];
	_ =	sdelay $0x4  }
0x62: {  	[tilespmem:$0x4F10] =	vst v0  }
0x63: {  	v0 =	vld [tilespmem:s25+$0x2840];
	_ =	sdelay $0x4  }
0x64: {  	[tilespmem:$0x4F20] =	vst v0  }
0x65: {  	v0 =	vld [tilespmem:s25+$0x2850];
	_ =	sdelay $0x4  }
0x66: {  	[tilespmem:$0x4F30] =	vst v0  }
0x67: {  	v0 =	vld [tilespmem:s25+$0x2860];
	_ =	sdelay $0x4  }
0x68: {  	s25 =	sadd.s32 $0xA0, s25;
	[tilespmem:$0x4F40] =	vst v0  }
0x69: {  	[tilespmem:s15], [sflag:$0x1] =	stream.indirect.gather [hbm4b:s4+s14], $0x80, s25, s14, $0xb8;
	[tilespmem:$0x1E000] =	vst v63  }
0x6a: {  	_ =	swait.ge [sflag:s20], $0x2800  }
.Ltmp0:
0x6b: {  	[sflag:s20] =	ssyncset.done $0x0;
	(pc) =	sbr.rel @p0 .LBB2_2-.Ltmp0, $4  }
0x6c: {  	[sflag:s20] =	ssyncadd.s32 $0xFFFFD800  }
0x6d: {  	[spmem:s2] =	stream.indirect.scatter.add.f32 [tilespmem:s16], [sflag:$0x3], $0x80, s21, s14, $0xb8;
	[tilespmem:$0x1E000] =	vst v63  }
0x6e: {  	_ =	swait.ge [sflag:s12], $0x2800  }
0x6f: {  	s26 =	smov.u32 s24;
	[sflag:s12] =	ssyncset.done $0x0  }
0x70: {  	s23 =	sshra.s32 s23, $0x2;
	[sflag:s12] =	ssyncadd.s32 $0xFFFFD800  }
0x71: {  	v0 =	vld [tilespmem:s23+$0x27D0];
	_ =	sdelay $0x4  }
0x72: {  	[tilespmem:$0x4F80] =	vst v0  }
0x73: {  	v0 =	vld [tilespmem:s23+$0x27E0];
	_ =	sdelay $0x4  }
0x74: {  	[tilespmem:$0x4F90] =	vst v0  }
0x75: {  	v0 =	vld [tilespmem:s23+$0x27F0];
	_ =	sdelay $0x4  }
0x76: {  	[tilespmem:$0x4FA0] =	vst v0  }
0x77: {  	v0 =	vld [tilespmem:s23+$0x2800];
	_ =	sdelay $0x4  }
0x78: {  	[tilespmem:$0x4FB0] =	vst v0  }
0x79: {  	v0 =	vld [tilespmem:s23+$0x2810];
	_ =	sdelay $0x4  }
0x7a: {  	s24 =	sadd.s32 $0x50, s23;
	[tilespmem:$0x4FC0] =	vst v0  }
0x7b: {  	[tilespmem:s16], [sflag:$0x2] =	stream.indirect.gather [hbm4b:s4+s14], $0x80, s24, s14, $0xb8;
	[tilespmem:$0x1E000] =	vst v63  }
0x7c: {  	_ =	swait.ge [sflag:s17], $0x2800  }
0x7d: {  	[sflag:s17] =	ssyncset.done $0x0  }
0x7e: {  	[sflag:s17] =	ssyncadd.s32 $0xFFFFD800  }
0x7f: {  	[spmem:s2] =	stream.indirect.scatter.add.f32 [tilespmem:s15], [sflag:$0x4], $0x80, s18, s14, $0xb8;
	[tilespmem:$0x1E000] =	vst v63  }
0x80: {  	_ =	swait.ge [sflag:s19], $0x2800  }
0x81: {  	[sflag:s19] =	ssyncset.done $0x0  }
0x82: {  	[sflag:s19] =	ssyncadd.s32 $0xFFFFD800  }
0x83: {  	v63 =	vld [tilespmem:s23+$0x2820];
	_ =	sdelay $0x4  }
0x84: {  	[tilespmem:$0x4F00] =	vst v63  }
0x85: {  	v0 =	vld [tilespmem:s23+$0x2830];
	_ =	sdelay $0x4  }
0x86: {  	[tilespmem:$0x4F10] =	vst v0  }
0x87: {  	v0 =	vld [tilespmem:s23+$0x2840];
	_ =	sdelay $0x4  }
0x88: {  	[tilespmem:$0x4F20] =	vst v0  }
0x89: {  	v0 =	vld [tilespmem:s23+$0x2850];
	_ =	sdelay $0x4  }
0x8a: {  	[tilespmem:$0x4F30] =	vst v0  }
0x8b: {  	v0 =	vld [tilespmem:s23+$0x2860];
	_ =	sdelay $0x4  }
0x8c: {  	s23 =	sadd.s32 $0xA0, s23;
	[tilespmem:$0x4F40] =	vst v0  }
0x8d: {  	[tilespmem:s15], [sflag:$0x1] =	stream.indirect.gather [hbm4b:s4+s14], $0x80, s23, s14, $0xb8;
	[tilespmem:$0x1E000] =	vst v63  }
0x8e: {  	_ =	swait.ge [sflag:s20], $0x2800  }
0x8f: {  	[sflag:s20] =	ssyncset.done $0x0  }
0x90: {  	[sflag:s20] =	ssyncadd.s32 $0xFFFFD800  }
0x91: {  	[spmem:s2] =	stream.indirect.scatter.add.f32 [tilespmem:s16], [sflag:$0x3], $0x80, s21, s14, $0xb8;
	[tilespmem:$0x1E000] =	vst v63  }
0x92: {  	_ =	swait.ge [sflag:s12], $0x2800  }
0x93: {  	[sflag:s12] =	ssyncset.done $0x0  }
0x94: {  	[sflag:s12] =	ssyncadd.s32 $0xFFFFD800  }
0x95: {  	_ =	swait.ge [sflag:s17], $0x2800  }
0x96: {  	[sflag:s17] =	ssyncset.done $0x0  }
0x97: {  	[sflag:s17] =	ssyncadd.s32 $0xFFFFD800  }
0x98: {  	[spmem:s2] =	stream.indirect.scatter.add.f32 [tilespmem:s15], [sflag:$0x4], $0x80, s18, s14, $0xb8;
	[tilespmem:$0x1E000] =	vst v63  }
0x99: {  	_ =	swait.ge [sflag:s19], $0x2800  }
0x9a: {  	s22 =	sadd.s32 $0x1, s22;
	[sflag:s19] =	ssyncset.done $0x0  }
0x9b: {  	p0 =	sne.s32 s22, s10;
	[sflag:s19] =	ssyncadd.s32 $0xFFFFD800  }
.Ltmp1:
0x9c: {  	[bflag:$0x0] =	sbarrier.arrive $0xFFFF;
	(pc) =	sbr.rel @p0 .LBB2_1-.Ltmp1, $4  }
0x9d: {  	[hbm:s9], [sflag:s6] =	dma.local [spmem:s11], $0x2800  }
0x9e: {  	_ =	swait.ge [sflag:s12], $0x2800  }
0x9f: {  	[sflag:s12] =	ssyncset.done $0x0  }
0xa0: {  	[sflag:s12] =	ssyncadd.s32 $0xFFFFD800  }
0xa1: {  	_ =	sfence.sel $0x180000  }
0xa2: {  	[bflag:$0x0] =	sbarrier.arrive $0xFFFF  }
0xa3: {  	p0 =	sne.s32 s0, $0x0;
	_ =	strace $0x9000004D  }
0xa4: {  	s0 =	sadd.s32 @!p0 $0x100000, s1;
	[bflag:$0x2] =	sbarrier.arrive $0xFFFF  }
0xa5: {  	[sflag:s0] =	ssyncadd.tile.s32 @!p0 $0x1;
	_ =	shalt  }
.Lfunc_end2:
_tile_overlayer_lowered:
.L_overlay_start_2:
0xa6: {  	(tag) =	ssettag $0x2  }
0xa7: {  	s0 =	rddreg [dreg:$0x0];
	s2 =	stileid.u32  }
0xa8: {  	s1 =	rddreg [dreg:$0x1];
	p0 =	sne.s32 s2, $0x0  }
0xa9: {  	s3 =	rddreg [dreg:$0x2];
	[bflag:$0x3] =	sbarrier.arrive $0xFFFF;
	s2 =	simm.s32 @!p0 $0x1C03  }
0xaa: {  	[timem:s3], [sflag:s2] =	dma.local @!p0 [hbm:s0], s1  }
0xab: {  	s0 =	simm.s32 @!p0 $0x3  }
0xac: {  	_ =	swait.ge @!p0 [sflag:s0], s1  }
0xad: {  	s1 =	ssub.s32 @!p0 $0x0, s1;
	[sflag:s0] =	ssyncset.done @!p0 $0x0  }
0xae: {  	[sflag:s0] =	ssyncadd.s32 @!p0 s1  }
0xaf: {  	[bflag:$0x3] =	sbarrier.arrive $0xFFFF  }
0xb0: {  	_ =	shalt  }

// kernel: kernel.20.cloned.1.call-start
scs
__scs_entry_jumppad:
0x0: {  	(pc) =	sbr.rel $0x88, $3  }
0x1: {  	(tag) =	ssettag $0x0;
	lr =	simm.s32 $0x1  }
0x2: {  	[smem:$0x3F8F] =	sst lr;
	_ =	strace $0xD0000000  }
0x3: {  	_ = 	snop  }
0x4: {  	_ = 	snop  }
0x5: {  	_ = 	snop  }
0x6: {  	_ = 	snop  }
0x7: {  	_ = 	snop  }
__scs_overlays_trampoline_lowered:
0x8: {  	[smem:$0x3F9E] =	sst s0  }
0x9: {  	[smem:$0x3F9F] =	sst s1  }
0xa: {  	[smem:$0x3FA0] =	sst s2  }
0xb: {  	[smem:$0x3FA1] =	sst s3  }
0xc: {  	[smem:$0x3FA2] =	sst s4  }
0xd: {  	[smem:$0x3FA3] =	sst s5  }
0xe: {  	[smem:$0x3FA4] =	sst s6  }
0xf: {  	[smem:$0x3FA5] =	sst s7  }
0x10: {  	[smem:$0x3FA6] =	sst s8  }
0x11: {  	[smem:$0x3FA7] =	sst s9;
	s0 =	simm.s32 @!p0 $0x0  }
0x12: {  	s1 =	sld [smem:$0x3F8D];
	s0 =	simm.s32 @p0 $0x1  }
0x13: {  	[smem:$0x3FA8] =	sst s0;
	s0 =	simm.s32 @!p1 $0x0  }
0x14: {  	s2 =	sld [smem:$0x3F8C];
	s0 =	simm.s32 @p1 $0x1  }
0x15: {  	[smem:$0x3FA9] =	sst s0;
	s0 =	simm.s32 @!p2 $0x0  }
0x16: {  	s3 =	sld [smem:$0x3FDB];
	s0 =	simm.s32 @p2 $0x1  }
0x17: {  	s4 =	simm.s32 $0x1BF5;
	[smem:$0x3FAB] =	sst s0  }
0x18: {  	s0 =	sld [smem:$0x3F8E];
	_ =	swait.ge [sflag:s4], $0x0  }
0x19: {  	s7 =	sld [smem:$0x3F8F]  }
0x1a: {  	s8 =	sadd.s32 $0xFFFFE003, lr  }
0x1b: {  	s9 =	sadd.s32 $0xFFFFFEF7, lr;
	s5 =	simm.s32 $0xFFFFFFFF;
	p2 =	slt.u32 s8, $0xFFFFF086  }
0x1c: {  	p1 =	slt.u32 s9, $0xF7A;
	s5 =	simm.s32 @!p2 $0x0  }
0x1d: {  	s5 =	simm.s32 @p1 $0x1;
	p0 =	seq.s32 s7, s2  }
0x1e: {  	s7 =	smul.u32 @!p0 $0xF7A, s2;
	p2 =	seq.s32 @!p0 s5, $0x0  }
0x1f: {  	s9 =	smul.u32 $0xF7A, s1;
	s8 =	simm.s32 @!p0 $0x1BF5;
	p2 =	por !p2, p0  }
0x20: {  	[sflag:s8] =	ssyncset.s32 @!p0 $0xFFFFF086;
	s6 =	sadd.s32 @!p0 s3, s7;
	s7 =	simm.s32 @!p0 $0x108  }
0x21: {  	s3 =	sadd.s32 s3, s9;
	s6 =	sadd.s32 @!p0 $0x88, s6;
	s7 =	simm.s32 @p2 $0x1082  }
0x22: {  	[simem:s7], [sflag:s8] =	dma.local @!p0 [hbm:s6], $0xF7A  }
0x23: {  	s9 =	sor.u32 $0xD0000000, s2;
	s6 =	simm.s32 $0x108;
	_ =	swait.ge @!p0 [sflag:s8], $0x0  }
0x24: {  	s3 =	sadd.s32 $0x88, s3;
	s6 =	simm.s32 @!p1 $0x1082;
	[sflag:s4] =	ssyncset.s32 $0xFFFFF086  }
0x25: {  	[simem:s6], [sflag:s4] =	dma.local [hbm:s3], $0xF7A  }
0x26: {  	[smem:$0x3F8F] =	sst s1;
	(tag) =	ssettag s2;
	_ =	strace s9  }
0x27: {  	s1 =	sld [smem:$0x3F9F]  }
0x28: {  	s2 =	sld [smem:$0x3FA0]  }
0x29: {  	s4 =	sld [smem:$0x3FA2]  }
0x2a: {  	p0 =	seq.s32 s5, $0x0;
	s5 =	sld [smem:$0x3FA3]  }
0x2b: {  	s6 =	sld [smem:$0x3FA4]  }
0x2c: {  	s7 =	sld [smem:$0x3FA5]  }
0x2d: {  	s3 =	simm.s32 $0x108;
	s8 =	sld [smem:$0x3FA6]  }
0x2e: {  	s3 =	simm.s32 @!p0 $0x1082;
	s9 =	sld [smem:$0x3FA7]  }
0x2f: {  	lr =	sadd.s32 s0, s3;
	s0 =	sld [smem:$0x3F9E]  }
0x30: {  	s3 =	sld [smem:$0x3FA1]  }
0x31: {  	[smem:$0x3FAA] =	sst s10  }
0x32: {  	s10 =	sld [smem:$0x3FA8];
	_ =	sdelay $0x3  }
0x33: {  	p0 =	seq.s32 s10, $0x1;
	s10 =	sld [smem:$0x3FAA];
	_ =	sdelay $0x3  }
0x34: {  	[smem:$0x3FAA] =	sst s10  }
0x35: {  	s10 =	sld [smem:$0x3FA9];
	_ =	sdelay $0x3  }
0x36: {  	p1 =	seq.s32 s10, $0x1;
	s10 =	sld [smem:$0x3FAA];
	_ =	sdelay $0x3  }
0x37: {  	[smem:$0x3FAA] =	sst s10  }
0x38: {  	s10 =	sld [smem:$0x3FAB]  }
0x39: {  	_ = 	snop;
	(pc) =	sbr.ind lr, $3  }
0x3a: {  	_ = 	snop  }
0x3b: {  	_ = 	snop  }
0x3c: {  	p2 =	seq.s32 s10, $0x1;
	s10 =	sld [smem:$0x3FAA]  }
0x3d: {  	_ =	shalt  }
0x3e: {  	_ =	shalt  }
0x3f: {  	_ =	shalt  }
0x40: {  	_ =	shalt  }
0x41: {  	_ =	shalt  }
0x42: {  	_ =	shalt  }
0x43: {  	_ =	shalt  }
0x44: {  	_ =	shalt  }
0x45: {  	_ =	shalt  }
0x46: {  	_ =	shalt  }
0x47: {  	_ =	shalt  }
0x48: {  	_ =	shalt  }
0x49: {  	_ =	shalt  }
0x4a: {  	_ =	shalt  }
0x4b: {  	_ =	shalt  }
0x4c: {  	_ =	shalt  }
0x4d: {  	_ =	shalt  }
0x4e: {  	_ =	shalt  }
0x4f: {  	_ =	shalt  }
0x50: {  	_ =	shalt  }
0x51: {  	_ =	shalt  }
0x52: {  	_ =	shalt  }
0x53: {  	_ =	shalt  }
0x54: {  	_ =	shalt  }
0x55: {  	_ =	shalt  }
0x56: {  	_ =	shalt  }
0x57: {  	_ =	shalt  }
0x58: {  	_ =	shalt  }
0x59: {  	_ =	shalt  }
0x5a: {  	_ =	shalt  }
0x5b: {  	_ =	shalt  }
0x5c: {  	_ =	shalt  }
0x5d: {  	_ =	shalt  }
0x5e: {  	_ =	shalt  }
0x5f: {  	_ =	shalt  }
0x60: {  	_ =	shalt  }
0x61: {  	_ =	shalt  }
0x62: {  	_ =	shalt  }
0x63: {  	_ =	shalt  }
0x64: {  	_ =	shalt  }
0x65: {  	_ =	shalt  }
0x66: {  	_ =	shalt  }
0x67: {  	_ =	shalt  }
0x68: {  	_ =	shalt  }
0x69: {  	_ =	shalt  }
0x6a: {  	_ =	shalt  }
0x6b: {  	_ =	shalt  }
0x6c: {  	_ =	shalt  }
0x6d: {  	_ =	shalt  }
0x6e: {  	_ =	shalt  }
0x6f: {  	_ =	shalt  }
0x70: {  	_ =	shalt  }
0x71: {  	_ =	shalt  }
0x72: {  	_ =	shalt  }
0x73: {  	_ =	shalt  }
0x74: {  	_ =	shalt  }
0x75: {  	_ =	shalt  }
0x76: {  	_ =	shalt  }
0x77: {  	_ =	shalt  }
0x78: {  	_ =	shalt  }
0x79: {  	_ =	shalt  }
0x7a: {  	_ =	shalt  }
0x7b: {  	_ =	shalt  }
0x7c: {  	_ =	shalt  }
0x7d: {  	_ =	shalt  }
0x7e: {  	_ =	shalt  }
0x7f: {  	_ =	shalt  }
0x80: {  	_ =	shalt  }
0x81: {  	_ =	shalt  }
0x82: {  	_ =	shalt  }
0x83: {  	_ =	shalt  }
0x84: {  	_ =	shalt  }
0x85: {  	_ =	shalt  }
0x86: {  	_ =	shalt  }
0x87: {  	_ =	shalt  }
.Lfunc_end0:
.L_simem_size_0:
called_computation.3_lowered:
.L_overlay_start_0:
0x88: {  	s2 =	sld [smem:$0x3FD9]  }
0x89: {  	s3 =	sld [smem:$0x3FFE];
	_ =	sdelay $0x1  }
0x8a: {  	s1 =	srdreg.scid  }
0x8b: {  	s0 =	sand.u32 $0x1, s1  }
0x8c: {  	s16 =	sshll.u32 s0, $0xA;
	s2 =	sadd.s32 s3, s2  }
0x8d: {  	s2 =	sadd.s32 s2, s16  }
0x8e: {  	[smem:$0x3FB6] =	sst s2  }
0x8f: {  	_ = 	snop  }
0x90: {  	(tm) =	ssettm $0x1  }
0x91: {  	s17 =	sld [smem:$0x3FFB];
	_ =	sdelay $0x3  }
0x92: {  	_ =	strace s17  }
0x93: {  	s2 =	sld [smem:$0x3FFC];
	_ =	sdelay $0x3  }
0x94: {  	_ =	strace s2  }
0x95: {  	s2 =	sld [smem:$0x3FFD];
	_ =	sdelay $0x3  }
0x96: {  	_ =	strace s2  }
0x97: {  	_ =	strace $0x8FFFFFFF  }
0x98: {  	s18 =	sld [smem:$0x3FDB];
	_ =	sdelay $0x1  }
0x99: {  	s19 =	simm.s32 $_scs_section_size  }
0x9a: {  	s4 =	simm.s32 $_size__tile_overlayer_lowered;
	s5 =	simm.s32 $_tile_overlayer_lowered  }
0x9b: {  	s22 =	simm.s32 $0x1BFF;
	s21 =	sshll.u32 s5, $0x1;
	s2 =	sadd.s32 s19, s18  }
0x9c: {  	s6 =	simm.s32 $0x0;
	s20 =	sshll.u32 s4, $0x1;
	s4 =	sadd.s32 s21, s2  }
0x9d: {  	[timem:s6], [sflag:s22] =	dma.local [hbm:s4], s20  }
0x9e: {  	_ =	swait.ge [sflag:s22], s20  }
0x9f: {  	s3 =	ssub.s32 $0x0, s20;
	[sflag:s22] =	ssyncset.done $0x0  }
0xa0: {  	[sflag:s22] =	ssyncadd.s32 s3;
	_ =	sdelay $0x1  }
0xa1: {  	s23 =	simm.s32 $0x1B8B  }
0xa2: {  	_ =	swait.ge [sflag:s23], $0x1  }
0xa3: {  	[sflag:s23] =	ssyncset.done $0x0  }
0xa4: {  	s25 =	simm.s32 $0x1B8E;
	s24 =	sld [smem:$0x3FFE];
	[sflag:s23] =	ssyncadd.s32 $0xFFFFFFFF  }
0xa5: {  	s26 =	simm.s32 $execute0_lowered;
	[smem:$0x3FD2] =	sst s25  }
0xa6: {  	s4 =	sshll.u32 s26, $0x1;
	_ =	strace $0x8000004F;
	[dreg:$0x1] =	wrdreg $0xFFFFFFFF  }
0xa7: {  	s28 =	simm.s32 $_size_execute0_lowered;
	s2 =	sadd.s32 s2, s4;
	[dreg:$0x0] =	wrdreg $0x0  }
0xa8: {  	s4 =	sshll.u32 s28, $0x1;
	[dreg:$0x2] =	wrdreg s2  }
0xa9: {  	[dreg:$0x3] =	wrdreg s4  }
0xaa: {  	[dreg:$0x4] =	wrdreg $0xC0  }
0xab: {  	_ =	task [dreg:s6], $0x5FFFF  }
0xac: {  	[dreg:$0x1] =	wrdreg $0xFFFFFFFF  }
0xad: {  	[dreg:$0x0] =	wrdreg $0x60  }
0xae: {  	[dreg:$0x2] =	wrdreg s24  }
0xaf: {  	[dreg:$0x3] =	wrdreg $0x9  }
0xb0: {  	_ =	task.clear_ibuf [dreg:s6], $0x4FFFF;
	_ =	strace $0x9000004F  }
0xb1: {  	s29 =	simm.s32 $0x9;
	_ =	strace $0x80000051  }
0xb2: {  	_ =	swait.ge [sflag:s29], $0x1  }
0xb3: {  	[sflag:s29] =	ssyncadd.s32 $0xFFFFFFFF  }
0xb4: {  	_ =	strace $0x90000051  }
0xb5: {  	_ =	sfence  }
0xb6: {  	s30 =	sld [smem:$0x0];
	_ =	sdelay $0x2  }
0xb7: {  	s31 =	sshll.u32 s1, $0xD;
	s1 =	sshrl.u32 s1, $0x2  }
0xb8: {  	s3 =	sand.u32 $0x4000, s31;
	s1 =	sadd.s32 s1, s30  }
0xb9: {  	s0 =	sor.u32 s3, s0;
	s1 =	sshll.u32 s1, $0x11  }
0xba: {  	s0 =	sor.u32 s1, s0  }
0xbb: {  	s0 =	sadd.s32 $0x8F2B, s0  }
0xbc: {  	[sflag:s0] =	ssyncadd.remote.s32 $0x1  }
0xbd: {  	_ =	sfence.sel $0xFFFF  }
0xbe: {  	[dreg:$0x0] =	wrdreg $0xFFFFFFFF;
	(pc) =	sbr.abs _section_cstart, $3  }
0xbf: {  	[dreg:$0x1] =	wrdreg $0xFFFFFFFF  }
0xc0: {  	_ =	task.clear_ibuf [dreg:s6], $0x2FFFF;
	_ =	strace $0x9FFFFFFF  }
0xc1: {  	(tm) =	ssettm $0x7FFFFFFF  }
tec
execute0_lowered:
.L_overlay_start_1:
0x0: {  	(tag) =	ssettag $0x1  }
0x1: {  	s0 =	srdreg.scid  }
0x2: {  	s6 =	rddreg [dreg:$0x0];
	s1 =	stileid.u32  }
0x3: {  	s2 =	simm.s32 $0x0;
	s9 =	simm.s32 $0x7;
	s10 =	simm.s32 $0x2780  }
0x4: {  	s11 =	simm.s32 $0x50;
	s12 =	simm.s32 $0x4F00;
	s13 =	simm.s32 $0x9F00  }
0x5: {  	s14 =	simm.s32 $0x1;
	s15 =	simm.s32 $0x3;
	s5 =	sand.u32 $0x1, s0  }
0x6: {  	s16 =	simm.s32 $0xEF00;
	s17 =	simm.s32 $0x2;
	s3 =	sshll.u32 s5, $0x4  }
0x7: {  	s18 =	simm.s32 $0x4;
	s19 =	simm.s32 $0x11700;
	s3 =	sor.u32 s1, s3  }
0x8: {  	s20 =	simm.s32 $0x5;
	s21 =	simm.s32 $0x6;
	s3 =	smul.u32 $0x2710, s3  }
.Ltmp0:
0x9: {  	s22 =	simm.s32 $0x0;
	s0 =	rddreg [dreg:$0x1];
	(pc) =	sbr.rel .LBB2_1-.Ltmp0, $4  }
0xa: {  	[smem:$0x7FF] =	sst s2;
	s4 =	sadd.s32 $0x14A00, s6;
	s8 =	ssub.s32 $0x2, s5  }
0xb: {  	_ =	strace $0x80000050;
	s31 =	sshrl.u32 s8, $0x1;
	s7 =	sshrl.u32 s3, $0x3  }
0xc: {  	s5 =	sadd.s32 $0x3BC00, s6;
	s8 =	ssub.s32 s8, s31;
	s7 =	sadd.s32 s7, s6  }
0xd: {  	s8 =	smax.u32 s8, $0x1;
	s6 =	sadd.s32 $0xAC00, s7;
	s7 =	sadd.s32 $0xE00, s7  }
.LBB2_9:
0xe: {  	s22 =	sadd.s32 $0x1, s22  }
0xf: {  	_ =	swait.ge [sflag:s20], $0x2800;
	p0 =	sne.s32 s22, s8  }
.Ltmp1:
0x10: {  	[sflag:s20] =	ssyncset.done $0x0;
	(pc) =	sbr.rel @!p0 .LBB2_10-.Ltmp1, $4  }
0x11: {  	[sflag:s20] =	ssyncadd.s32 $0xFFFFD800  }
0x12: {  	_ =	swait.ge [sflag:s21], $0x2800  }
0x13: {  	[sflag:s21] =	ssyncset.done $0x0  }
0x14: {  	[sflag:s21] =	ssyncadd.s32 $0xFFFFD800  }
.LBB2_1:
0x15: {  	[tilespmem:s2], [sflag:$0x7] =	stream.linear.gather [hbm4b:s6+s2], $0x2710, $0x38;
	[tilespmem:$0x13F00] =	vst v63  }
0x16: {  	_ =	swait.ge [sflag:s9], $0x2710  }
0x17: {  	[sflag:s9] =	ssyncset.done $0x0  }
0x18: {  	[sflag:s9] =	ssyncadd.s32 $0xFFFFD8F0  }
0x19: {  	[tilespmem:s10], [sflag:$0x7] =	stream.linear.gather [hbm4b:s7+s2], $0x2710, $0x38;
	[tilespmem:$0x13F00] =	vst v63  }
0x1a: {  	_ =	swait.ge [sflag:s9], $0x2710  }
.Ltmp2:
0x1b: {  	[sflag:s9] =	ssyncset.done $0x0;
	(pc) =	sbr.rel .LBB2_2-.Ltmp2, $4  }
0x1c: {  	[sflag:s9] =	ssyncadd.s32 $0xFFFFD8F0  }
0x1d: {  	[tilespmem:s12], [sflag:$0x1] =	stream.indirect.gather [hbm4b:s4+s11], $0x80, s2, s11, $0xb8;
	[tilespmem:$0x13F00] =	vst v63  }
0x1e: {  	s23 =	simm.s32 $0x0  }
0x1f: {  	[tilespmem:s13], [sflag:$0x3] =	stream.indirect.gather [hbm4b:s4+s11], $0x80, s10, s11, $0xb8;
	[tilespmem:$0x13F00] =	vst v63  }
.LBB2_8:
0x20: {  	s23 =	sadd.s32 $0x1, s23  }
0x21: {  	p0 =	sne.s32 s23, $0x3F  }
.Ltmp3:
0x22: {  	_ = 	snop;
	(pc) =	sbr.rel @!p0 .LBB2_9-.Ltmp3, $1  }
0x23: {  	_ =	sdelay $0x3  }
.LBB2_2:
0x24: {  	s24 =	sshllo.u32 s23, $0x1  }
0x25: {  	p0 =	sgt.u32 s24, $0x7C  }
0x26: {  	s25 =	smul.u32 @!p0 $0x50, s24  }
0x27: {  	s26 =	simm.s32 @!p0 $0x50;
	s28 =	simm.s32 @!p0 $0x7700  }
0x28: {  	[tilespmem:s28], [sflag:$0x2] =	stream.indirect.gather @!p0 [hbm4b:s4+s26], $0x80, s25, s26, $0xb8;
	[tilespmem:$0x13F00] =	vst v63  }
0x29: {  	s25 =	sadd.s32 @!p0 $0x2780, s25;
	s28 =	simm.s32 @!p0 $0xC700  }
0x2a: {  	[tilespmem:s28], [sflag:$0x4] =	stream.indirect.gather @!p0 [hbm4b:s4+s26], $0x80, s25, s26, $0xb8;
	[tilespmem:$0x13F00] =	vst v63  }
0x2b: {  	_ =	swait.ge [sflag:s14], $0x2800  }
0x2c: {  	[sflag:s14] =	ssyncset.done $0x0  }
0x2d: {  	[sflag:s14] =	ssyncadd.s32 $0xFFFFD800  }
0x2e: {  	_ =	swait.ge [sflag:s15], $0x2800  }
0x2f: {  	p1 =	seq.s32 s23, $0x0;
	[sflag:s15] =	ssyncset.done $0x0  }
0x30: {  	s25 =	simm.s32 @!p1 $0x5;
	[sflag:s15] =	ssyncadd.s32 $0xFFFFD800  }
0x31: {  	_ =	swait.ge @!p1 [sflag:s25], $0x2800  }
0x32: {  	[sflag:s25] =	ssyncset.done @!p1 $0x0  }
0x33: {  	s26 =	simm.s32 $0x0;
	[sflag:s25] =	ssyncadd.s32 @!p1 $0xFFFFD800  }
0x34: {  	v2 =	vld [tilespmem:s26+$0x4F30]  }
0x35: {  	v3 =	vld [tilespmem:s26+$0x9F70]  }
0x36: {  	v5 =	vld [tilespmem:s26+$0x4F00]  }
0x37: {  	v6 =	vld [tilespmem:s26+$0x9F40]  }
0x38: {  	v1 =	vld [tilespmem:s26+$0x4F10]  }
0x39: {  	v4 =	vld [tilespmem:s26+$0x9F50]  }
0x3a: {  	v0 =	vld [tilespmem:s26+$0x4F20];
	v7 =	vadd.f32 v3, v2  }
0x3b: {  	s25 =	simm.s32 $0x80;
	v3 =	vld [tilespmem:s26+$0x9F60]  }
0x3c: {  	s28 =	simm.s32 $0x400;
	v2 =	vld [tilespmem:s25+$0x4F30];
	v5 =	vadd.f32 v6, v5;
	v6 =	vmax.f32 v7, $0.0e+00  }
.LBB2_3:
0x3d: {  	p2 =	sne.s32 s28, $0x9E00;
	v7 =	vld [tilespmem:s25+$0x9F70];
	[tilespmem:s26+$0xEF30] =	vst v6  }
0x3e: {  	v6 =	vld [tilespmem:s25+$0x4F00];
	v5 =	vmax.f32 v5, $0.0e+00;
	v4 =	vadd.f32 v4, v1  }
0x3f: {  	v8 =	vld [tilespmem:s25+$0x9F40];
	[tilespmem:s26+$0xEF00] =	vst v5  }
.Ltmp4:
0x40: {  	v1 =	vld [tilespmem:s25+$0x4F10];
	v5 =	vmax.f32 v4, $0.0e+00;
	v3 =	vadd.f32 v3, v0;
	(pc) =	sbr.rel @p2 .LBB2_3-.Ltmp4, $4  }
0x41: {  	v4 =	vld [tilespmem:s25+$0x9F50];
	[tilespmem:s26+$0xEF10] =	vst v5  }
0x42: {  	v0 =	vld [tilespmem:s25+$0x4F20];
	v7 =	vadd.f32 v7, v2;
	v2 =	vmax.f32 v3, $0.0e+00  }
0x43: {  	v3 =	vld [tilespmem:s25+$0x9F60];
	[tilespmem:s26+$0xEF20] =	vst v2;
	s26 =	smov.u32 s25;
	s25 =	sshra.s32 s28, $0x2  }
0x44: {  	s28 =	sadd.s32 $0x200, s28;
	v2 =	vld [tilespmem:s25+$0x4F30];
	v5 =	vadd.f32 v8, v6;
	v6 =	vmax.f32 v7, $0.0e+00  }
0x45: {  	v7 =	vld [tilespmem:s25+$0x9F70];
	[tilespmem:s26+$0xEF30] =	vst v6  }
0x46: {  	v6 =	vld [tilespmem:s25+$0x4F00];
	v5 =	vmax.f32 v5, $0.0e+00;
	v1 =	vadd.f32 v4, v1  }
0x47: {  	v8 =	vld [tilespmem:s25+$0x9F40];
	[tilespmem:s26+$0xEF00] =	vst v5  }
0x48: {  	v57 =	vld [tilespmem:s25+$0x4F10];
	v1 =	vmax.f32 v1, $0.0e+00  }
0x49: {  	v5 =	vld [tilespmem:s25+$0x9F50];
	[tilespmem:s26+$0xEF10] =	vst v1  }
0x4a: {  	v1 =	vld [tilespmem:s25+$0x4F20]  }
0x4b: {  	v9 =	vld [tilespmem:s25+$0x9F60]  }
0x4c: {  	v0 =	vadd.f32 v3, v0  }
0x4d: {  	v2 =	vadd.f32 v7, v2  }
0x4e: {  	v0 =	vmax.f32 v0, $0.0e+00;
	v58 =	vadd.f32 v8, v6  }
0x4f: {  	[tilespmem:s26+$0xEF20] =	vst v0;
	s26 =	smul.u32 $0xA0, s23;
	v59 =	vmax.f32 v2, $0.0e+00;
	v60 =	vadd.f32 v5, v57  }
0x50: {  	[tilespmem:s25+$0xEF30] =	vst v59;
	v61 =	vmax.f32 v58, $0.0e+00;
	v1 =	vadd.f32 v9, v1  }
0x51: {  	s28 =	sadd.s32 s3, s26;
	[tilespmem:s25+$0xEF00] =	vst v61;
	v62 =	vmax.f32 v60, $0.0e+00  }
0x52: {  	s28 =	sshll.u32 s28, $0x4;
	[tilespmem:s25+$0xEF10] =	vst v62;
	v63 =	vmax.f32 v1, $0.0e+00  }
0x53: {  	s31 =	sadd.s32 s5, s28;
	[tilespmem:s25+$0xEF20] =	vst v63  }
0x54: {  	[hbm4b:s31+s2] =	stream.linear.scatter [tilespmem:s16], [sflag:$0x5], $0x2800, $0x38;
	[tilespmem:$0x13F00] =	vst v63  }
.Ltmp5:
0x55: {  	p2 =	seq.s32 s23, $0x3E;
	(pc) =	sbr.rel @p0 .LBB2_8-.Ltmp5, $4  }
0x56: {  	s29 =	simm.s32 @!p2 $0x4F00;
	s28 =	simm.s32 @!p2 $0x50;
	s25 =	sadd.s32 @!p2 $0xA0, s26  }
0x57: {  	[tilespmem:s29], [sflag:$0x1] =	stream.indirect.gather @!p2 [hbm4b:s4+s28], $0x80, s25, s28, $0xb8;
	[tilespmem:$0x13F00] =	vst v63  }
0x58: {  	s25 =	sadd.s32 @!p2 $0x2820, s26;
	s26 =	simm.s32 @!p2 $0x9F00  }
0x59: {  	[tilespmem:s26], [sflag:$0x3] =	stream.indirect.gather @!p2 [hbm4b:s4+s28], $0x80, s25, s28, $0xb8;
	[tilespmem:$0x13F00] =	vst v63  }
0x5a: {  	_ =	swait.ge [sflag:s17], $0x2800  }
0x5b: {  	[sflag:s17] =	ssyncset.done $0x0  }
0x5c: {  	[sflag:s17] =	ssyncadd.s32 $0xFFFFD800  }
0x5d: {  	_ =	swait.ge [sflag:s18], $0x2800  }
0x5e: {  	[sflag:s18] =	ssyncset.done $0x0  }
0x5f: {  	s25 =	simm.s32 @!p1 $0x6;
	[sflag:s18] =	ssyncadd.s32 $0xFFFFD800  }
0x60: {  	_ =	swait.ge @!p1 [sflag:s25], $0x2800  }
0x61: {  	[sflag:s25] =	ssyncset.done @!p1 $0x0  }
0x62: {  	s26 =	simm.s32 $0x0;
	[sflag:s25] =	ssyncadd.s32 @!p1 $0xFFFFD800  }
0x63: {  	v2 =	vld [tilespmem:s26+$0x7730]  }
0x64: {  	v3 =	vld [tilespmem:s26+$0xC770]  }
0x65: {  	v5 =	vld [tilespmem:s26+$0x7700]  }
0x66: {  	v6 =	vld [tilespmem:s26+$0xC740]  }
0x67: {  	v1 =	vld [tilespmem:s26+$0x7710]  }
0x68: {  	v4 =	vld [tilespmem:s26+$0xC750]  }
0x69: {  	v0 =	vld [tilespmem:s26+$0x7720];
	v7 =	vadd.f32 v3, v2  }
0x6a: {  	s25 =	simm.s32 $0x80;
	v3 =	vld [tilespmem:s26+$0xC760]  }
0x6b: {  	s28 =	simm.s32 $0x400;
	v2 =	vld [tilespmem:s25+$0x7730];
	v5 =	vadd.f32 v6, v5;
	v6 =	vmax.f32 v7, $0.0e+00  }
.LBB2_6:
0x6c: {  	p0 =	sne.s32 s28, $0x9E00;
	v7 =	vld [tilespmem:s25+$0xC770];
	[tilespmem:s26+$0x11730] =	vst v6  }
0x6d: {  	v6 =	vld [tilespmem:s25+$0x7700];
	v5 =	vmax.f32 v5, $0.0e+00;
	v4 =	vadd.f32 v4, v1  }
0x6e: {  	v8 =	vld [tilespmem:s25+$0xC740];
	[tilespmem:s26+$0x11700] =	vst v5  }
.Ltmp6:
0x6f: {  	v1 =	vld [tilespmem:s25+$0x7710];
	v5 =	vmax.f32 v4, $0.0e+00;
	v3 =	vadd.f32 v3, v0;
	(pc) =	sbr.rel @p0 .LBB2_6-.Ltmp6, $4  }
0x70: {  	v4 =	vld [tilespmem:s25+$0xC750];
	[tilespmem:s26+$0x11710] =	vst v5  }
0x71: {  	v0 =	vld [tilespmem:s25+$0x7720];
	v7 =	vadd.f32 v7, v2;
	v2 =	vmax.f32 v3, $0.0e+00  }
0x72: {  	v3 =	vld [tilespmem:s25+$0xC760];
	[tilespmem:s26+$0x11720] =	vst v2;
	s26 =	smov.u32 s25;
	s25 =	sshra.s32 s28, $0x2  }
0x73: {  	s28 =	sadd.s32 $0x200, s28;
	v2 =	vld [tilespmem:s25+$0x7730];
	v5 =	vadd.f32 v8, v6;
	v6 =	vmax.f32 v7, $0.0e+00  }
0x74: {  	v7 =	vld [tilespmem:s25+$0xC770];
	[tilespmem:s26+$0x11730] =	vst v6  }
0x75: {  	v6 =	vld [tilespmem:s25+$0x7700];
	v5 =	vmax.f32 v5, $0.0e+00;
	v1 =	vadd.f32 v4, v1  }
0x76: {  	v8 =	vld [tilespmem:s25+$0xC740];
	[tilespmem:s26+$0x11700] =	vst v5  }
0x77: {  	v57 =	vld [tilespmem:s25+$0x7710];
	v1 =	vmax.f32 v1, $0.0e+00  }
0x78: {  	v5 =	vld [tilespmem:s25+$0xC750];
	[tilespmem:s26+$0x11710] =	vst v1  }
0x79: {  	v1 =	vld [tilespmem:s25+$0x7720]  }
0x7a: {  	v9 =	vld [tilespmem:s25+$0xC760]  }
0x7b: {  	v0 =	vadd.f32 v3, v0  }
0x7c: {  	v2 =	vadd.f32 v7, v2  }
0x7d: {  	v0 =	vmax.f32 v0, $0.0e+00;
	v58 =	vadd.f32 v8, v6  }
0x7e: {  	s24 =	smul.u32 $0x50, s24;
	[tilespmem:s26+$0x11720] =	vst v0;
	v59 =	vmax.f32 v2, $0.0e+00;
	v60 =	vadd.f32 v5, v57  }
.Ltmp7:
0x7f: {  	[tilespmem:s25+$0x11730] =	vst v59;
	v61 =	vmax.f32 v58, $0.0e+00;
	v1 =	vadd.f32 v9, v1;
	(pc) =	sbr.rel .LBB2_8-.Ltmp7, $4  }
0x80: {  	s24 =	sadd.s32 s3, s24;
	[tilespmem:s25+$0x11700] =	vst v61;
	v62 =	vmax.f32 v60, $0.0e+00  }
0x81: {  	s24 =	sshll.u32 s24, $0x4;
	[tilespmem:s25+$0x11710] =	vst v62;
	v63 =	vmax.f32 v1, $0.0e+00  }
0x82: {  	s24 =	sadd.s32 s5, s24;
	[tilespmem:s25+$0x11720] =	vst v63  }
0x83: {  	[hbm4b:s24+s2] =	stream.linear.scatter [tilespmem:s19], [sflag:$0x6], $0x2800, $0x38;
	[tilespmem:$0x13F00] =	vst v63  }
.LBB2_10:
0x84: {  	_ =	sfence.sel $0x180000  }
0x85: {  	[bflag:$0x0] =	sbarrier.arrive $0xFFFF  }
0x86: {  	p0 =	sne.s32 s1, $0x0;
	_ =	strace $0x90000050  }
0x87: {  	s0 =	sadd.s32 @!p0 $0x100000, s0;
	[bflag:$0x2] =	sbarrier.arrive $0xFFFF  }
0x88: {  	[sflag:s0] =	ssyncadd.tile.s32 @!p0 $0x1;
	_ =	shalt  }
.Lfunc_end2:
_tile_overlayer_lowered:
.L_overlay_start_2:
0x89: {  	(tag) =	ssettag $0x2  }
0x8a: {  	s0 =	rddreg [dreg:$0x0];
	s2 =	stileid.u32  }
0x8b: {  	s1 =	rddreg [dreg:$0x1];
	p0 =	sne.s32 s2, $0x0  }
0x8c: {  	s3 =	rddreg [dreg:$0x2];
	[bflag:$0x3] =	sbarrier.arrive $0xFFFF;
	s2 =	simm.s32 @!p0 $0x1C07  }
0x8d: {  	[timem:s3], [sflag:s2] =	dma.local @!p0 [hbm:s0], s1  }
0x8e: {  	s0 =	simm.s32 @!p0 $0x7  }
0x8f: {  	_ =	swait.ge @!p0 [sflag:s0], s1  }
0x90: {  	s1 =	ssub.s32 @!p0 $0x0, s1;
	[sflag:s0] =	ssyncset.done @!p0 $0x0  }
0x91: {  	[sflag:s0] =	ssyncadd.s32 @!p0 s1  }
0x92: {  	[bflag:$0x3] =	sbarrier.arrive $0xFFFF  }
0x93: {  	_ =	shalt  }

</sc_bundles>
